<compile_context>
chip_gen: v7x
topology: tpu7x:2x2x1
jax: 0.10.2.dev20260603
libtpu: 0.0.44.dev20260713+nightly
codegen_flags: <defaults>
</compile_context>

<pallas_src>
import functools

import jax
import jax.numpy as jnp
from jax import lax
from jax.experimental import pallas as pl
from jax.experimental.pallas import tpu as pltpu
from jax.experimental.pallas import tpu_sc as plsc

_VOCAB = 1000000
_DIM = 64
_B = 4096
_L = 200

_NC = 2
_NS = 16
_NW = _NC * _NS
_BBLK = _B // _NW

_GDN = lax.GatherDimensionNumbers(offset_dims=(), collapsed_slice_dims=(0,),
                                  start_index_map=(0,))


def _vperm(vec, idx16):
    return lax.gather(vec, idx16[:, None], _GDN, (1,),
                      mode=lax.GatherScatterMode.PROMISE_IN_BOUNDS)


def _bcast16(vec, i):
    return _vperm(vec, jnp.full((16,), i, jnp.int32))


def _transpose16(rows, masks, perms):
    r = list(rows)
    for si, s in enumerate((1, 2, 4, 8)):
        m, p = masks[si], perms[si]
        for i in range(16):
            if i & s:
                continue
            a, b = r[i], r[i + s]
            r[i] = jnp.where(m, _vperm(b, p), a)
            r[i + s] = jnp.where(m, b, _vperm(a, p))
    return r


def _body(wT_hbm, cT_hbm, noun_hbm, class_hbm, special_hbm, out_hbm,
          iw_v, ic_v, cls_v, sp_v, idxb0, idxb1, gbuf0, gbuf1, tbuf0, tbuf1,
          slab0, slab1, sem_g0, sem_g1, sem_w0, sem_w1):
    wid = lax.axis_index("s") * _NC + lax.axis_index("c")
    b0 = wid * _BBLK

    gbufs = (gbuf0, gbuf1)
    tbufs = (tbuf0, tbuf1)
    idxbs = (idxb0, idxb1)
    sem_g = (sem_g0, sem_g1)
    sem_w = (sem_w0, sem_w1)

    pltpu.sync_copy(wT_hbm.at[:, pl.ds(b0, _BBLK)], iw_v)
    pltpu.sync_copy(cT_hbm.at[:, pl.ds(b0, _BBLK)], ic_v)
    pltpu.sync_copy(class_hbm, cls_v)
    pltpu.sync_copy(special_hbm, sp_v)

    for cg in range(4):
        c0grp = cls_v[0, pl.ds(cg * 16, 16)]
        c1grp = cls_v[1, pl.ds(cg * 16, 16)]
        spgrp = sp_v[0, pl.ds(cg * 16, 16)]

        def slab_row(c2, carry, cg=cg, c0grp=c0grp, c1grp=c1grp, spgrp=spgrp):
            b0v = _bcast16(c0grp, c2)
            b1v = _bcast16(c1grp, c2)
            bsv = _bcast16(spgrp, c2)
            for bg in range(8):
                slab0[cg * 16 + c2, pl.ds(bg * 16, 16)] = b0v
                slab1[cg * 16 + c2, pl.ds(bg * 16, 16)] = b1v
                tbuf0[cg * 16 + c2, pl.ds(bg * 16, 16)] = bsv
            return carry

        lax.fori_loop(0, 16, slab_row, 0)
    pltpu.sync_copy(tbuf0, out_hbm.at[0, :, pl.ds(b0, _BBLK)])

    def prep_idx(l, p):
        for bg in range(8):
            idxbs[p][pl.ds(bg * 16, 16)] = (
                lax.shift_right_logical(iw_v[l, pl.ds(bg * 16, 16)], 1))

    def fire_gather(p):
        pltpu.async_copy(noun_hbm.at[idxbs[p]], gbufs[p], sem_g[p])

    def wait_gather(p):
        pltpu.make_async_copy(noun_hbm.at[idxbs[p]], gbufs[p],
                              sem_g[p]).wait()

    def fire_write(l, p):
        pltpu.async_copy(tbufs[p], out_hbm.at[l + 1, :, pl.ds(b0, _BBLK)],
                         sem_w[p])

    def wait_write(p):
        pltpu.make_async_copy(tbufs[p], out_hbm.at[0, :, pl.ds(b0, _BBLK)],
                              sem_w[p]).wait()

    prep_idx(0, 0)
    fire_gather(0)
    prep_idx(1, 1)
    fire_gather(1)

    iota16 = jnp.arange(16, dtype=jnp.int32)
    tmasks = [(iota16 & s) != 0 for s in (1, 2, 4, 8)]
    tperms = [iota16 ^ s for s in (1, 2, 4, 8)]

    def pos_body(l, carry):
        p = l % 2

        def slot_body(p):
            gbuf = gbufs[p]
            tbuf = tbufs[p]
            wait_gather(p)

            @pl.when(l >= 2)
            def _():
                wait_write(p)

            def bg_body(bg, carry):
                bb = bg * 16
                pv = iw_v[l, pl.ds(bb, 16)] & 1
                pm = [_bcast16(pv, i) != 0 for i in range(16)]
                clsm = ic_v[l, pl.ds(bb, 16)] != 0

                def cg_body(cg, carry):
                    cb = cg * 16
                    rows = []
                    for i in range(16):
                        lo = gbuf[bb + i, pl.ds(cb, 16)]
                        hi = gbuf[bb + i, pl.ds(_DIM + cb, 16)]
                        rows.append(jnp.where(pm[i], hi, lo))
                    t = _transpose16(rows, tmasks, tperms)
                    for j in range(16):
                        c = cb + j
                        v0 = slab0[c, pl.ds(bb, 16)]
                        v1 = slab1[c, pl.ds(bb, 16)]
                        tbuf[c, pl.ds(bb, 16)] = (
                            t[j] + jnp.where(clsm, v1, v0))
                    return carry

                lax.fori_loop(0, 4, cg_body, 0)
                return carry

            lax.fori_loop(0, 8, bg_body, 0)
            fire_write(l, p)

            @pl.when(l + 2 < _L)
            def _():
                prep_idx(l + 2, p)
                fire_gather(p)

        lax.cond(p == 0, lambda: slot_body(0), lambda: slot_body(1))
        return carry

    lax.fori_loop(0, _L, pos_body, 0)
    wait_write(0)
    wait_write(1)


@jax.jit
def _run(words, classes, noun_table, class_table, special_table):
    mesh = plsc.VectorSubcoreMesh(core_axis_name="c", subcore_axis_name="s")
    kern = pl.kernel(
        _body,
        out_type=jax.ShapeDtypeStruct((_L + 1, _DIM, _B), jnp.float32),
        mesh=mesh,
        compiler_params=pltpu.CompilerParams(needs_layout_passes=False,
                                             use_tc_tiling_on_sc=True),
        scratch_types=[
            pltpu.VMEM((_L, _BBLK), jnp.int32),
            pltpu.VMEM((_L, _BBLK), jnp.int32),
            pltpu.VMEM((2, _DIM), jnp.float32),
            pltpu.VMEM((1, _DIM), jnp.float32),
            pltpu.VMEM((_BBLK,), jnp.int32),
            pltpu.VMEM((_BBLK,), jnp.int32),
            pltpu.VMEM((_BBLK, 2 * _DIM), jnp.float32),
            pltpu.VMEM((_BBLK, 2 * _DIM), jnp.float32),
            pltpu.VMEM((_DIM, _BBLK), jnp.float32),
            pltpu.VMEM((_DIM, _BBLK), jnp.float32),
            pltpu.VMEM((_DIM, _BBLK), jnp.float32),
            pltpu.VMEM((_DIM, _BBLK), jnp.float32),
            pltpu.SemaphoreType.DMA,
            pltpu.SemaphoreType.DMA,
            pltpu.SemaphoreType.DMA,
            pltpu.SemaphoreType.DMA,
        ],
    )
    outT = kern(words.T, classes.T,
                noun_table.reshape(_VOCAB // 2, 2 * _DIM),
                class_table, special_table)
    return jnp.transpose(outT, (2, 0, 1))


def kernel(words, classes, noun_table, class_table, special_table):
    return _run(words.astype(jnp.int32), classes.astype(jnp.int32),
                noun_table, class_table, special_table)

# --- scband reference (transcript-rebuilt; emitter-appended) ---
"""Pipeline reference for scband-encoder-embedding-89189290868817 (READ-ONLY COPY).

The authoritative reference and input builder live on the scoring server;
editing this copy changes nothing except your own understanding.
"""

import jax, jax.numpy as jnp
import numpy as np

VOCAB = 1000000
DIM = 64
B = 4096
L = 200


def setup_inputs(seed: int = 0) -> dict:
    key = jax.random.key(seed)
    k1, k2, k3, k4, k5 = jax.random.split(key, 5)
    noun_table = jax.random.normal(k1, (VOCAB, DIM), dtype=jnp.float32) * 0.02
    class_table = jax.random.normal(k2, (2, DIM), dtype=jnp.float32) * 0.02
    special_table = jax.random.normal(k3, (1, DIM), dtype=jnp.float32) * 0.02
    words = jax.random.randint(k4, (B, L), 0, VOCAB, dtype=jnp.int64) if jax.config.jax_enable_x64 else jax.random.randint(k4, (B, L), 0, VOCAB).astype(jnp.int32)
    classes = jax.random.randint(k5, (B, L), 0, 2).astype(words.dtype)
    return {
        "words": words,
        "classes": classes,
        "noun_table": noun_table,
        "class_table": class_table,
        "special_table": special_table,
    }


def reference(words, classes, noun_table, class_table, special_table):
    # out[:, 0]  = special_embeddings.weight[0]
    # out[:, 1:] = noun_embedding(words) + class_embedding(classes)
    Bsz, Ln = words.shape
    body = jnp.take(noun_table, words, axis=0) + jnp.take(class_table, classes, axis=0)
    first = jnp.broadcast_to(special_table[0][None, None, :], (Bsz, 1, special_table.shape[1]))
    out = jnp.concatenate([first, body], axis=1)
    return out

if __name__ == "__main__":
    import jax
    _d = setup_inputs()
    print(jax.jit(kernel)(*tuple(_d.values())))

</pallas_src>

<mosaic_0001>
#map = affine_map<(d0, d1) -> (0, 0)>
#map1 = affine_map<(d0, d1) -> (0, 0, 0)>
module attributes {stable_mosaic.version = 14 : i64} {
  func.func @_body(%arg0: i32, %arg1: i32, %arg2: memref<200x4096xi32, #tpu.memory_space<hbm>>, %arg3: memref<200x4096xi32, #tpu.memory_space<hbm>>, %arg4: memref<500000x128xf32, #tpu.memory_space<hbm>>, %arg5: memref<2x64xf32, #tpu.memory_space<hbm>>, %arg6: memref<1x64xf32, #tpu.memory_space<hbm>>, %arg7: memref<201x64x4096xf32, #tpu.memory_space<hbm>>, %arg8: memref<200x128xi32, #tpu.memory_space<vmem>>, %arg9: memref<200x128xi32, #tpu.memory_space<vmem>>, %arg10: memref<2x64xf32, #tpu.memory_space<vmem>>, %arg11: memref<1x64xf32, #tpu.memory_space<vmem>>, %arg12: memref<128xi32, #tpu.memory_space<vmem>>, %arg13: memref<128xi32, #tpu.memory_space<vmem>>, %arg14: memref<128x128xf32, #tpu.memory_space<vmem>>, %arg15: memref<128x128xf32, #tpu.memory_space<vmem>>, %arg16: memref<64x128xf32, #tpu.memory_space<vmem>>, %arg17: memref<64x128xf32, #tpu.memory_space<vmem>>, %arg18: memref<64x128xf32, #tpu.memory_space<vmem>>, %arg19: memref<64x128xf32, #tpu.memory_space<vmem>>, %arg20: memref<!tpu.dma_semaphore, #tpu.memory_space<semaphore_mem>>, %arg21: memref<!tpu.dma_semaphore, #tpu.memory_space<semaphore_mem>>, %arg22: memref<!tpu.dma_semaphore, #tpu.memory_space<semaphore_mem>>, %arg23: memref<!tpu.dma_semaphore, #tpu.memory_space<semaphore_mem>>) attributes {dimension_semantics = [#tpu.dimension_semantics<core_parallel>, #tpu.dimension_semantics<subcore_parallel>], iteration_bounds = array<i64: 2, 16>, scalar_prefetch = 0 : i64, scratch_operands = 16 : i64, tpu.core_type = #tpu.core_type<sc_vector_subcore>, window_params = [{transform_indices = #map}, {transform_indices = #map}, {transform_indices = #map}, {transform_indices = #map}, {transform_indices = #map}, {transform_indices = #map1}]} {
    %mul3A = arith.constant 2 : i32
    %mul3A_0 = arith.muli %arg1, %mul3A : i32
    %add3A = arith.addi %mul3A_0, %arg0 : i32
    %mul3A_1 = arith.constant 128 : i32
    %mul3A_2 = arith.muli %add3A, %mul3A_1 : i32
    "tpu.region"() ({
      %run_scoped3A_272 = tpu.sem_alloc : memref<!tpu.dma_semaphore, #tpu.memory_space<semaphore_mem>>
      %dma_start3A_273 = arith.constant 0 : i32
      %dma_start3A_274 = tpu.memref_slice %arg2[%dma_start3A_273, %mul3A_2] : memref<200x4096xi32, #tpu.memory_space<hbm>> -> memref<200x128xi32, #tpu.memory_space<hbm>>
      %dma_start3A_275 = arith.constant 0 : i32
      %dma_start3A_276 = tpu.memref_slice %arg2[%dma_start3A_275, %mul3A_2] : memref<200x4096xi32, #tpu.memory_space<hbm>> -> memref<200x128xi32, #tpu.memory_space<hbm>>
      tpu.enqueue_dma source(%dma_start3A_276 : memref<200x128xi32, #tpu.memory_space<hbm>>) target(%arg8 : memref<200x128xi32, #tpu.memory_space<vmem>>) target_semaphore(%run_scoped3A_272 : memref<!tpu.dma_semaphore, #tpu.memory_space<semaphore_mem>>)
      %dma_wait3A_277 = arith.constant 0 : i32
      %dma_wait3A_278 = tpu.memref_slice %arg2[%dma_wait3A_277, %mul3A_2] : memref<200x4096xi32, #tpu.memory_space<hbm>> -> memref<200x128xi32, #tpu.memory_space<hbm>>
      %dma_wait3A_279 = arith.constant 0 : i32
      %dma_wait3A_280 = tpu.memref_slice %arg2[%dma_wait3A_279, %mul3A_2] : memref<200x4096xi32, #tpu.memory_space<hbm>> -> memref<200x128xi32, #tpu.memory_space<hbm>>
      tpu.wait_dma2 semaphore(%run_scoped3A_272 : memref<!tpu.dma_semaphore, #tpu.memory_space<semaphore_mem>>) src(%dma_wait3A_280 : memref<200x128xi32, #tpu.memory_space<hbm>>) dst(%arg8 : memref<200x128xi32, #tpu.memory_space<vmem>>)
      tpu.yield
    }) : () -> ()
    "tpu.region"() ({
      %run_scoped3A_272 = tpu.sem_alloc : memref<!tpu.dma_semaphore, #tpu.memory_space<semaphore_mem>>
      %dma_start3A_273 = arith.constant 0 : i32
      %dma_start3A_274 = tpu.memref_slice %arg3[%dma_start3A_273, %mul3A_2] : memref<200x4096xi32, #tpu.memory_space<hbm>> -> memref<200x128xi32, #tpu.memory_space<hbm>>
      %dma_start3A_275 = arith.constant 0 : i32
      %dma_start3A_276 = tpu.memref_slice %arg3[%dma_start3A_275, %mul3A_2] : memref<200x4096xi32, #tpu.memory_space<hbm>> -> memref<200x128xi32, #tpu.memory_space<hbm>>
      tpu.enqueue_dma source(%dma_start3A_276 : memref<200x128xi32, #tpu.memory_space<hbm>>) target(%arg9 : memref<200x128xi32, #tpu.memory_space<vmem>>) target_semaphore(%run_scoped3A_272 : memref<!tpu.dma_semaphore, #tpu.memory_space<semaphore_mem>>)
      %dma_wait3A_277 = arith.constant 0 : i32
      %dma_wait3A_278 = tpu.memref_slice %arg3[%dma_wait3A_277, %mul3A_2] : memref<200x4096xi32, #tpu.memory_space<hbm>> -> memref<200x128xi32, #tpu.memory_space<hbm>>
      %dma_wait3A_279 = arith.constant 0 : i32
      %dma_wait3A_280 = tpu.memref_slice %arg3[%dma_wait3A_279, %mul3A_2] : memref<200x4096xi32, #tpu.memory_space<hbm>> -> memref<200x128xi32, #tpu.memory_space<hbm>>
      tpu.wait_dma2 semaphore(%run_scoped3A_272 : memref<!tpu.dma_semaphore, #tpu.memory_space<semaphore_mem>>) src(%dma_wait3A_280 : memref<200x128xi32, #tpu.memory_space<hbm>>) dst(%arg9 : memref<200x128xi32, #tpu.memory_space<vmem>>)
      tpu.yield
    }) : () -> ()
    "tpu.region"() ({
      %run_scoped3A_272 = tpu.sem_alloc : memref<!tpu.dma_semaphore, #tpu.memory_space<semaphore_mem>>
      tpu.enqueue_dma source(%arg5 : memref<2x64xf32, #tpu.memory_space<hbm>>) target(%arg10 : memref<2x64xf32, #tpu.memory_space<vmem>>) target_semaphore(%run_scoped3A_272 : memref<!tpu.dma_semaphore, #tpu.memory_space<semaphore_mem>>)
      tpu.wait_dma2 semaphore(%run_scoped3A_272 : memref<!tpu.dma_semaphore, #tpu.memory_space<semaphore_mem>>) src(%arg5 : memref<2x64xf32, #tpu.memory_space<hbm>>) dst(%arg10 : memref<2x64xf32, #tpu.memory_space<vmem>>)
      tpu.yield
    }) : () -> ()
    "tpu.region"() ({
      %run_scoped3A_272 = tpu.sem_alloc : memref<!tpu.dma_semaphore, #tpu.memory_space<semaphore_mem>>
      tpu.enqueue_dma source(%arg6 : memref<1x64xf32, #tpu.memory_space<hbm>>) target(%arg11 : memref<1x64xf32, #tpu.memory_space<vmem>>) target_semaphore(%run_scoped3A_272 : memref<!tpu.dma_semaphore, #tpu.memory_space<semaphore_mem>>)
      tpu.wait_dma2 semaphore(%run_scoped3A_272 : memref<!tpu.dma_semaphore, #tpu.memory_space<semaphore_mem>>) src(%arg6 : memref<1x64xf32, #tpu.memory_space<hbm>>) dst(%arg11 : memref<1x64xf32, #tpu.memory_space<vmem>>)
      tpu.yield
    }) : () -> ()
    %get3A = arith.constant 0 : i32
    %get3A_3 = arith.index_cast %get3A : i32 to index
    %get3A_4 = arith.constant 0 : index
    %get3A_5 = tpu.vector_load %arg10[%get3A_3, %get3A_4] {strides = array<i32>} : memref<2x64xf32, #tpu.memory_space<vmem>>, vector<16xf32>,
    %get3A_6 = arith.constant 1 : i32
    %get3A_7 = arith.index_cast %get3A_6 : i32 to index
    %get3A_8 = arith.constant 0 : index
    %get3A_9 = tpu.vector_load %arg10[%get3A_7, %get3A_8] {strides = array<i32>} : memref<2x64xf32, #tpu.memory_space<vmem>>, vector<16xf32>,
    %get3A_10 = arith.constant 0 : i32
    %get3A_11 = arith.index_cast %get3A_10 : i32 to index
    %get3A_12 = arith.constant 0 : index
    %get3A_13 = tpu.vector_load %arg11[%get3A_11, %get3A_12] {strides = array<i32>} : memref<1x64xf32, #tpu.memory_space<vmem>>, vector<16xf32>,
    %scan3A = arith.constant 0 : i32
    %scan3A_14 = arith.constant 0 : i32
    %scan3A_15 = arith.constant 16 : i32
    %scan3A_16 = arith.addi %scan3A_14, %scan3A_15 : i32
    %scan3A_17 = arith.constant 1 : i32
    scf.for %scan3A_272 = %scan3A_14 to %scan3A_16 step %scan3A_17  : i32 {
      %broadcast_in_dim3A = vector.broadcast %scan3A_272 : i32 to vector<16xi32>
      %broadcast_in_dim3A_273 = vector.shape_cast %broadcast_in_dim3A : vector<16xi32> to vector<16x1xi32>
      %gather3A = vector.shape_cast %broadcast_in_dim3A_273 : vector<16x1xi32> to vector<16xi32>
      %gather3A_274 = tpu.dynamic_gather %get3A_5[%gather3A] in [0] : vector<16xf32>, vector<16xi32> -> vector<16xf32>
      %broadcast_in_dim3A_275 = vector.broadcast %scan3A_272 : i32 to vector<16xi32>
      %broadcast_in_dim3A_276 = vector.shape_cast %broadcast_in_dim3A_275 : vector<16xi32> to vector<16x1xi32>
      %gather3A_277 = vector.shape_cast %broadcast_in_dim3A_276 : vector<16x1xi32> to vector<16xi32>
      %gather3A_278 = tpu.dynamic_gather %get3A_9[%gather3A_277] in [0] : vector<16xf32>, vector<16xi32> -> vector<16xf32>
      %broadcast_in_dim3A_279 = vector.broadcast %scan3A_272 : i32 to vector<16xi32>
      %broadcast_in_dim3A_280 = vector.shape_cast %broadcast_in_dim3A_279 : vector<16xi32> to vector<16x1xi32>
      %gather3A_281 = vector.shape_cast %broadcast_in_dim3A_280 : vector<16x1xi32> to vector<16xi32>
      %gather3A_282 = tpu.dynamic_gather %get3A_13[%gather3A_281] in [0] : vector<16xf32>, vector<16xi32> -> vector<16xf32>
      %add3A_283 = arith.constant 0 : i32
      %add3A_284 = arith.addi %add3A_283, %scan3A_272 : i32
      %swap3A_285 = arith.index_cast %add3A_284 : i32 to index
      %swap3A_286 = arith.constant 0 : index
      %swap3A_287 = tpu.vector_load %arg18[%swap3A_285, %swap3A_286] {strides = array<i32>} : memref<64x128xf32, #tpu.memory_space<vmem>>, vector<16xf32>,
      tpu.vector_store %arg18[%swap3A_285, %swap3A_286], %gather3A_274 {strides = array<i32>} : memref<64x128xf32, #tpu.memory_space<vmem>>, vector<16xf32>,
      %add3A_288 = arith.constant 0 : i32
      %add3A_289 = arith.addi %add3A_288, %scan3A_272 : i32
      %swap3A_290 = arith.index_cast %add3A_289 : i32 to index
      %swap3A_291 = arith.constant 0 : index
      %swap3A_292 = tpu.vector_load %arg19[%swap3A_290, %swap3A_291] {strides = array<i32>} : memref<64x128xf32, #tpu.memory_space<vmem>>, vector<16xf32>,
      tpu.vector_store %arg19[%swap3A_290, %swap3A_291], %gather3A_278 {strides = array<i32>} : memref<64x128xf32, #tpu.memory_space<vmem>>, vector<16xf32>,
      %add3A_293 = arith.constant 0 : i32
      %add3A_294 = arith.addi %add3A_293, %scan3A_272 : i32
      %swap3A_295 = arith.index_cast %add3A_294 : i32 to index
      %swap3A_296 = arith.constant 0 : index
      %swap3A_297 = tpu.vector_load %arg16[%swap3A_295, %swap3A_296] {strides = array<i32>} : memref<64x128xf32, #tpu.memory_space<vmem>>, vector<16xf32>,
      tpu.vector_store %arg16[%swap3A_295, %swap3A_296], %gather3A_282 {strides = array<i32>} : memref<64x128xf32, #tpu.memory_space<vmem>>, vector<16xf32>,
      %add3A_298 = arith.constant 0 : i32
      %add3A_299 = arith.addi %add3A_298, %scan3A_272 : i32
      %swap3A_300 = arith.index_cast %add3A_299 : i32 to index
      %swap3A_301 = arith.constant 16 : index
      %swap3A_302 = tpu.vector_load %arg18[%swap3A_300, %swap3A_301] {strides = array<i32>} : memref<64x128xf32, #tpu.memory_space<vmem>>, vector<16xf32>,
      tpu.vector_store %arg18[%swap3A_300, %swap3A_301], %gather3A_274 {strides = array<i32>} : memref<64x128xf32, #tpu.memory_space<vmem>>, vector<16xf32>,
      %add3A_303 = arith.constant 0 : i32
      %add3A_304 = arith.addi %add3A_303, %scan3A_272 : i32
      %swap3A_305 = arith.index_cast %add3A_304 : i32 to index
      %swap3A_306 = arith.constant 16 : index
      %swap3A_307 = tpu.vector_load %arg19[%swap3A_305, %swap3A_306] {strides = array<i32>} : memref<64x128xf32, #tpu.memory_space<vmem>>, vector<16xf32>,
      tpu.vector_store %arg19[%swap3A_305, %swap3A_306], %gather3A_278 {strides = array<i32>} : memref<64x128xf32, #tpu.memory_space<vmem>>, vector<16xf32>,
      %add3A_308 = arith.constant 0 : i32
      %add3A_309 = arith.addi %add3A_308, %scan3A_272 : i32
      %swap3A_310 = arith.index_cast %add3A_309 : i32 to index
      %swap3A_311 = arith.constant 16 : index
      %swap3A_312 = tpu.vector_load %arg16[%swap3A_310, %swap3A_311] {strides = array<i32>} : memref<64x128xf32, #tpu.memory_space<vmem>>, vector<16xf32>,
      tpu.vector_store %arg16[%swap3A_310, %swap3A_311], %gather3A_282 {strides = array<i32>} : memref<64x128xf32, #tpu.memory_space<vmem>>, vector<16xf32>,
      %add3A_313 = arith.constant 0 : i32
      %add3A_314 = arith.addi %add3A_313, %scan3A_272 : i32
      %swap3A_315 = arith.index_cast %add3A_314 : i32 to index
      %swap3A_316 = arith.constant 32 : index
      %swap3A_317 = tpu.vector_load %arg18[%swap3A_315, %swap3A_316] {strides = array<i32>} : memref<64x128xf32, #tpu.memory_space<vmem>>, vector<16xf32>,
      tpu.vector_store %arg18[%swap3A_315, %swap3A_316], %gather3A_274 {strides = array<i32>} : memref<64x128xf32, #tpu.memory_space<vmem>>, vector<16xf32>,
      %add3A_318 = arith.constant 0 : i32
      %add3A_319 = arith.addi %add3A_318, %scan3A_272 : i32
      %swap3A_320 = arith.index_cast %add3A_319 : i32 to index
      %swap3A_321 = arith.constant 32 : index
      %swap3A_322 = tpu.vector_load %arg19[%swap3A_320, %swap3A_321] {strides = array<i32>} : memref<64x128xf32, #tpu.memory_space<vmem>>, vector<16xf32>,
      tpu.vector_store %arg19[%swap3A_320, %swap3A_321], %gather3A_278 {strides = array<i32>} : memref<64x128xf32, #tpu.memory_space<vmem>>, vector<16xf32>,
      %add3A_323 = arith.constant 0 : i32
      %add3A_324 = arith.addi %add3A_323, %scan3A_272 : i32
      %swap3A_325 = arith.index_cast %add3A_324 : i32 to index
      %swap3A_326 = arith.constant 32 : index
      %swap3A_327 = tpu.vector_load %arg16[%swap3A_325, %swap3A_326] {strides = array<i32>} : memref<64x128xf32, #tpu.memory_space<vmem>>, vector<16xf32>,
      tpu.vector_store %arg16[%swap3A_325, %swap3A_326], %gather3A_282 {strides = array<i32>} : memref<64x128xf32, #tpu.memory_space<vmem>>, vector<16xf32>,
      %add3A_328 = arith.constant 0 : i32
      %add3A_329 = arith.addi %add3A_328, %scan3A_272 : i32
      %swap3A_330 = arith.index_cast %add3A_329 : i32 to index
      %swap3A_331 = arith.constant 48 : index
      %swap3A_332 = tpu.vector_load %arg18[%swap3A_330, %swap3A_331] {strides = array<i32>} : memref<64x128xf32, #tpu.memory_space<vmem>>, vector<16xf32>,
      tpu.vector_store %arg18[%swap3A_330, %swap3A_331], %gather3A_274 {strides = array<i32>} : memref<64x128xf32, #tpu.memory_space<vmem>>, vector<16xf32>,
      %add3A_333 = arith.constant 0 : i32
      %add3A_334 = arith.addi %add3A_333, %scan3A_272 : i32
      %swap3A_335 = arith.index_cast %add3A_334 : i32 to index
      %swap3A_336 = arith.constant 48 : index
      %swap3A_337 = tpu.vector_load %arg19[%swap3A_335, %swap3A_336] {strides = array<i32>} : memref<64x128xf32, #tpu.memory_space<vmem>>, vector<16xf32>,
      tpu.vector_store %arg19[%swap3A_335, %swap3A_336], %gather3A_278 {strides = array<i32>} : memref<64x128xf32, #tpu.memory_space<vmem>>, vector<16xf32>,
      %add3A_338 = arith.constant 0 : i32
      %add3A_339 = arith.addi %add3A_338, %scan3A_272 : i32
      %swap3A_340 = arith.index_cast %add3A_339 : i32 to index
      %swap3A_341 = arith.constant 48 : index
      %swap3A_342 = tpu.vector_load %arg16[%swap3A_340, %swap3A_341] {strides = array<i32>} : memref<64x128xf32, #tpu.memory_space<vmem>>, vector<16xf32>,
      tpu.vector_store %arg16[%swap3A_340, %swap3A_341], %gather3A_282 {strides = array<i32>} : memref<64x128xf32, #tpu.memory_space<vmem>>, vector<16xf32>,
      %add3A_343 = arith.constant 0 : i32
      %add3A_344 = arith.addi %add3A_343, %scan3A_272 : i32
      %swap3A_345 = arith.index_cast %add3A_344 : i32 to index
      %swap3A_346 = arith.constant 64 : index
      %swap3A_347 = tpu.vector_load %arg18[%swap3A_345, %swap3A_346] {strides = array<i32>} : memref<64x128xf32, #tpu.memory_space<vmem>>, vector<16xf32>,
      tpu.vector_store %arg18[%swap3A_345, %swap3A_346], %gather3A_274 {strides = array<i32>} : memref<64x128xf32, #tpu.memory_space<vmem>>, vector<16xf32>,
      %add3A_348 = arith.constant 0 : i32
      %add3A_349 = arith.addi %add3A_348, %scan3A_272 : i32
      %swap3A_350 = arith.index_cast %add3A_349 : i32 to index
      %swap3A_351 = arith.constant 64 : index
      %swap3A_352 = tpu.vector_load %arg19[%swap3A_350, %swap3A_351] {strides = array<i32>} : memref<64x128xf32, #tpu.memory_space<vmem>>, vector<16xf32>,
      tpu.vector_store %arg19[%swap3A_350, %swap3A_351], %gather3A_278 {strides = array<i32>} : memref<64x128xf32, #tpu.memory_space<vmem>>, vector<16xf32>,
      %add3A_353 = arith.constant 0 : i32
      %add3A_354 = arith.addi %add3A_353, %scan3A_272 : i32
      %swap3A_355 = arith.index_cast %add3A_354 : i32 to index
      %swap3A_356 = arith.constant 64 : index
      %swap3A_357 = tpu.vector_load %arg16[%swap3A_355, %swap3A_356] {strides = array<i32>} : memref<64x128xf32, #tpu.memory_space<vmem>>, vector<16xf32>,
      tpu.vector_store %arg16[%swap3A_355, %swap3A_356], %gather3A_282 {strides = array<i32>} : memref<64x128xf32, #tpu.memory_space<vmem>>, vector<16xf32>,
      %add3A_358 = arith.constant 0 : i32
      %add3A_359 = arith.addi %add3A_358, %scan3A_272 : i32
      %swap3A_360 = arith.index_cast %add3A_359 : i32 to index
      %swap3A_361 = arith.constant 80 : index
      %swap3A_362 = tpu.vector_load %arg18[%swap3A_360, %swap3A_361] {strides = array<i32>} : memref<64x128xf32, #tpu.memory_space<vmem>>, vector<16xf32>,
      tpu.vector_store %arg18[%swap3A_360, %swap3A_361], %gather3A_274 {strides = array<i32>} : memref<64x128xf32, #tpu.memory_space<vmem>>, vector<16xf32>,
      %add3A_363 = arith.constant 0 : i32
      %add3A_364 = arith.addi %add3A_363, %scan3A_272 : i32
      %swap3A_365 = arith.index_cast %add3A_364 : i32 to index
      %swap3A_366 = arith.constant 80 : index
      %swap3A_367 = tpu.vector_load %arg19[%swap3A_365, %swap3A_366] {strides = array<i32>} : memref<64x128xf32, #tpu.memory_space<vmem>>, vector<16xf32>,
      tpu.vector_store %arg19[%swap3A_365, %swap3A_366], %gather3A_278 {strides = array<i32>} : memref<64x128xf32, #tpu.memory_space<vmem>>, vector<16xf32>,
      %add3A_368 = arith.constant 0 : i32
      %add3A_369 = arith.addi %add3A_368, %scan3A_272 : i32
      %swap3A_370 = arith.index_cast %add3A_369 : i32 to index
      %swap3A_371 = arith.constant 80 : index
      %swap3A_372 = tpu.vector_load %arg16[%swap3A_370, %swap3A_371] {strides = array<i32>} : memref<64x128xf32, #tpu.memory_space<vmem>>, vector<16xf32>,
      tpu.vector_store %arg16[%swap3A_370, %swap3A_371], %gather3A_282 {strides = array<i32>} : memref<64x128xf32, #tpu.memory_space<vmem>>, vector<16xf32>,
      %add3A_373 = arith.constant 0 : i32
      %add3A_374 = arith.addi %add3A_373, %scan3A_272 : i32
      %swap3A_375 = arith.index_cast %add3A_374 : i32 to index
      %swap3A_376 = arith.constant 96 : index
      %swap3A_377 = tpu.vector_load %arg18[%swap3A_375, %swap3A_376] {strides = array<i32>} : memref<64x128xf32, #tpu.memory_space<vmem>>, vector<16xf32>,
      tpu.vector_store %arg18[%swap3A_375, %swap3A_376], %gather3A_274 {strides = array<i32>} : memref<64x128xf32, #tpu.memory_space<vmem>>, vector<16xf32>,
      %add3A_378 = arith.constant 0 : i32
      %add3A_379 = arith.addi %add3A_378, %scan3A_272 : i32
      %swap3A_380 = arith.index_cast %add3A_379 : i32 to index
      %swap3A_381 = arith.constant 96 : index
      %swap3A_382 = tpu.vector_load %arg19[%swap3A_380, %swap3A_381] {strides = array<i32>} : memref<64x128xf32, #tpu.memory_space<vmem>>, vector<16xf32>,
      tpu.vector_store %arg19[%swap3A_380, %swap3A_381], %gather3A_278 {strides = array<i32>} : memref<64x128xf32, #tpu.memory_space<vmem>>, vector<16xf32>,
      %add3A_383 = arith.constant 0 : i32
      %add3A_384 = arith.addi %add3A_383, %scan3A_272 : i32
      %swap3A_385 = arith.index_cast %add3A_384 : i32 to index
      %swap3A_386 = arith.constant 96 : index
      %swap3A_387 = tpu.vector_load %arg16[%swap3A_385, %swap3A_386] {strides = array<i32>} : memref<64x128xf32, #tpu.memory_space<vmem>>, vector<16xf32>,
      tpu.vector_store %arg16[%swap3A_385, %swap3A_386], %gather3A_282 {strides = array<i32>} : memref<64x128xf32, #tpu.memory_space<vmem>>, vector<16xf32>,
      %add3A_388 = arith.constant 0 : i32
      %add3A_389 = arith.addi %add3A_388, %scan3A_272 : i32
      %swap3A_390 = arith.index_cast %add3A_389 : i32 to index
      %swap3A_391 = arith.constant 112 : index
      %swap3A_392 = tpu.vector_load %arg18[%swap3A_390, %swap3A_391] {strides = array<i32>} : memref<64x128xf32, #tpu.memory_space<vmem>>, vector<16xf32>,
      tpu.vector_store %arg18[%swap3A_390, %swap3A_391], %gather3A_274 {strides = array<i32>} : memref<64x128xf32, #tpu.memory_space<vmem>>, vector<16xf32>,
      %add3A_393 = arith.constant 0 : i32
      %add3A_394 = arith.addi %add3A_393, %scan3A_272 : i32
      %swap3A_395 = arith.index_cast %add3A_394 : i32 to index
      %swap3A_396 = arith.constant 112 : index
      %swap3A_397 = tpu.vector_load %arg19[%swap3A_395, %swap3A_396] {strides = array<i32>} : memref<64x128xf32, #tpu.memory_space<vmem>>, vector<16xf32>,
      tpu.vector_store %arg19[%swap3A_395, %swap3A_396], %gather3A_278 {strides = array<i32>} : memref<64x128xf32, #tpu.memory_space<vmem>>, vector<16xf32>,
      %add3A_398 = arith.constant 0 : i32
      %add3A_399 = arith.addi %add3A_398, %scan3A_272 : i32
      %swap3A_400 = arith.index_cast %add3A_399 : i32 to index
      %swap3A_401 = arith.constant 112 : index
      %swap3A_402 = tpu.vector_load %arg16[%swap3A_400, %swap3A_401] {strides = array<i32>} : memref<64x128xf32, #tpu.memory_space<vmem>>, vector<16xf32>,
      tpu.vector_store %arg16[%swap3A_400, %swap3A_401], %gather3A_282 {strides = array<i32>} : memref<64x128xf32, #tpu.memory_space<vmem>>, vector<16xf32>,
    }
    %scan3A_18 = arith.constant 16 : i32
    %get3A_19 = arith.constant 0 : i32
    %get3A_20 = arith.index_cast %get3A_19 : i32 to index
    %get3A_21 = arith.constant 16 : index
    %get3A_22 = tpu.vector_load %arg10[%get3A_20, %get3A_21] {strides = array<i32>} : memref<2x64xf32, #tpu.memory_space<vmem>>, vector<16xf32>,
    %get3A_23 = arith.constant 1 : i32
    %get3A_24 = arith.index_cast %get3A_23 : i32 to index
    %get3A_25 = arith.constant 16 : index
    %get3A_26 = tpu.vector_load %arg10[%get3A_24, %get3A_25] {strides = array<i32>} : memref<2x64xf32, #tpu.memory_space<vmem>>, vector<16xf32>,
    %get3A_27 = arith.constant 0 : i32
    %get3A_28 = arith.index_cast %get3A_27 : i32 to index
    %get3A_29 = arith.constant 16 : index
    %get3A_30 = tpu.vector_load %arg11[%get3A_28, %get3A_29] {strides = array<i32>} : memref<1x64xf32, #tpu.memory_space<vmem>>, vector<16xf32>,
    %scan3A_31 = arith.constant 0 : i32
    %scan3A_32 = arith.constant 0 : i32
    %scan3A_33 = arith.constant 16 : i32
    %scan3A_34 = arith.addi %scan3A_32, %scan3A_33 : i32
    %scan3A_35 = arith.constant 1 : i32
    scf.for %scan3A_272 = %scan3A_32 to %scan3A_34 step %scan3A_35  : i32 {
      %broadcast_in_dim3A = vector.broadcast %scan3A_272 : i32 to vector<16xi32>
      %broadcast_in_dim3A_273 = vector.shape_cast %broadcast_in_dim3A : vector<16xi32> to vector<16x1xi32>
      %gather3A = vector.shape_cast %broadcast_in_dim3A_273 : vector<16x1xi32> to vector<16xi32>
      %gather3A_274 = tpu.dynamic_gather %get3A_22[%gather3A] in [0] : vector<16xf32>, vector<16xi32> -> vector<16xf32>
      %broadcast_in_dim3A_275 = vector.broadcast %scan3A_272 : i32 to vector<16xi32>
      %broadcast_in_dim3A_276 = vector.shape_cast %broadcast_in_dim3A_275 : vector<16xi32> to vector<16x1xi32>
      %gather3A_277 = vector.shape_cast %broadcast_in_dim3A_276 : vector<16x1xi32> to vector<16xi32>
      %gather3A_278 = tpu.dynamic_gather %get3A_26[%gather3A_277] in [0] : vector<16xf32>, vector<16xi32> -> vector<16xf32>
      %broadcast_in_dim3A_279 = vector.broadcast %scan3A_272 : i32 to vector<16xi32>
      %broadcast_in_dim3A_280 = vector.shape_cast %broadcast_in_dim3A_279 : vector<16xi32> to vector<16x1xi32>
      %gather3A_281 = vector.shape_cast %broadcast_in_dim3A_280 : vector<16x1xi32> to vector<16xi32>
      %gather3A_282 = tpu.dynamic_gather %get3A_30[%gather3A_281] in [0] : vector<16xf32>, vector<16xi32> -> vector<16xf32>
      %add3A_283 = arith.constant 16 : i32
      %add3A_284 = arith.addi %add3A_283, %scan3A_272 : i32
      %swap3A_285 = arith.index_cast %add3A_284 : i32 to index
      %swap3A_286 = arith.constant 0 : index
      %swap3A_287 = tpu.vector_load %arg18[%swap3A_285, %swap3A_286] {strides = array<i32>} : memref<64x128xf32, #tpu.memory_space<vmem>>, vector<16xf32>,
      tpu.vector_store %arg18[%swap3A_285, %swap3A_286], %gather3A_274 {strides = array<i32>} : memref<64x128xf32, #tpu.memory_space<vmem>>, vector<16xf32>,
      %add3A_288 = arith.constant 16 : i32
      %add3A_289 = arith.addi %add3A_288, %scan3A_272 : i32
      %swap3A_290 = arith.index_cast %add3A_289 : i32 to index
      %swap3A_291 = arith.constant 0 : index
      %swap3A_292 = tpu.vector_load %arg19[%swap3A_290, %swap3A_291] {strides = array<i32>} : memref<64x128xf32, #tpu.memory_space<vmem>>, vector<16xf32>,
      tpu.vector_store %arg19[%swap3A_290, %swap3A_291], %gather3A_278 {strides = array<i32>} : memref<64x128xf32, #tpu.memory_space<vmem>>, vector<16xf32>,
      %add3A_293 = arith.constant 16 : i32
      %add3A_294 = arith.addi %add3A_293, %scan3A_272 : i32
      %swap3A_295 = arith.index_cast %add3A_294 : i32 to index
      %swap3A_296 = arith.constant 0 : index
      %swap3A_297 = tpu.vector_load %arg16[%swap3A_295, %swap3A_296] {strides = array<i32>} : memref<64x128xf32, #tpu.memory_space<vmem>>, vector<16xf32>,
      tpu.vector_store %arg16[%swap3A_295, %swap3A_296], %gather3A_282 {strides = array<i32>} : memref<64x128xf32, #tpu.memory_space<vmem>>, vector<16xf32>,
      %add3A_298 = arith.constant 16 : i32
      %add3A_299 = arith.addi %add3A_298, %scan3A_272 : i32
      %swap3A_300 = arith.index_cast %add3A_299 : i32 to index
      %swap3A_301 = arith.constant 16 : index
      %swap3A_302 = tpu.vector_load %arg18[%swap3A_300, %swap3A_301] {strides = array<i32>} : memref<64x128xf32, #tpu.memory_space<vmem>>, vector<16xf32>,
      tpu.vector_store %arg18[%swap3A_300, %swap3A_301], %gather3A_274 {strides = array<i32>} : memref<64x128xf32, #tpu.memory_space<vmem>>, vector<16xf32>,
      %add3A_303 = arith.constant 16 : i32
      %add3A_304 = arith.addi %add3A_303, %scan3A_272 : i32
      %swap3A_305 = arith.index_cast %add3A_304 : i32 to index
      %swap3A_306 = arith.constant 16 : index
      %swap3A_307 = tpu.vector_load %arg19[%swap3A_305, %swap3A_306] {strides = array<i32>} : memref<64x128xf32, #tpu.memory_space<vmem>>, vector<16xf32>,
      tpu.vector_store %arg19[%swap3A_305, %swap3A_306], %gather3A_278 {strides = array<i32>} : memref<64x128xf32, #tpu.memory_space<vmem>>, vector<16xf32>,
      %add3A_308 = arith.constant 16 : i32
      %add3A_309 = arith.addi %add3A_308, %scan3A_272 : i32
      %swap3A_310 = arith.index_cast %add3A_309 : i32 to index
      %swap3A_311 = arith.constant 16 : index
      %swap3A_312 = tpu.vector_load %arg16[%swap3A_310, %swap3A_311] {strides = array<i32>} : memref<64x128xf32, #tpu.memory_space<vmem>>, vector<16xf32>,
      tpu.vector_store %arg16[%swap3A_310, %swap3A_311], %gather3A_282 {strides = array<i32>} : memref<64x128xf32, #tpu.memory_space<vmem>>, vector<16xf32>,
      %add3A_313 = arith.constant 16 : i32
      %add3A_314 = arith.addi %add3A_313, %scan3A_272 : i32
      %swap3A_315 = arith.index_cast %add3A_314 : i32 to index
      %swap3A_316 = arith.constant 32 : index
      %swap3A_317 = tpu.vector_load %arg18[%swap3A_315, %swap3A_316] {strides = array<i32>} : memref<64x128xf32, #tpu.memory_space<vmem>>, vector<16xf32>,
      tpu.vector_store %arg18[%swap3A_315, %swap3A_316], %gather3A_274 {strides = array<i32>} : memref<64x128xf32, #tpu.memory_space<vmem>>, vector<16xf32>,
      %add3A_318 = arith.constant 16 : i32
      %add3A_319 = arith.addi %add3A_318, %scan3A_272 : i32
      %swap3A_320 = arith.index_cast %add3A_319 : i32 to index
      %swap3A_321 = arith.constant 32 : index
      %swap3A_322 = tpu.vector_load %arg19[%swap3A_320, %swap3A_321] {strides = array<i32>} : memref<64x128xf32, #tpu.memory_space<vmem>>, vector<16xf32>,
      tpu.vector_store %arg19[%swap3A_320, %swap3A_321], %gather3A_278 {strides = array<i32>} : memref<64x128xf32, #tpu.memory_space<vmem>>, vector<16xf32>,
      %add3A_323 = arith.constant 16 : i32
      %add3A_324 = arith.addi %add3A_323, %scan3A_272 : i32
      %swap3A_325 = arith.index_cast %add3A_324 : i32 to index
      %swap3A_326 = arith.constant 32 : index
      %swap3A_327 = tpu.vector_load %arg16[%swap3A_325, %swap3A_326] {strides = array<i32>} : memref<64x128xf32, #tpu.memory_space<vmem>>, vector<16xf32>,
      tpu.vector_store %arg16[%swap3A_325, %swap3A_326], %gather3A_282 {strides = array<i32>} : memref<64x128xf32, #tpu.memory_space<vmem>>, vector<16xf32>,
      %add3A_328 = arith.constant 16 : i32
      %add3A_329 = arith.addi %add3A_328, %scan3A_272 : i32
      %swap3A_330 = arith.index_cast %add3A_329 : i32 to index
      %swap3A_331 = arith.constant 48 : index
      %swap3A_332 = tpu.vector_load %arg18[%swap3A_330, %swap3A_331] {strides = array<i32>} : memref<64x128xf32, #tpu.memory_space<vmem>>, vector<16xf32>,
      tpu.vector_store %arg18[%swap3A_330, %swap3A_331], %gather3A_274 {strides = array<i32>} : memref<64x128xf32, #tpu.memory_space<vmem>>, vector<16xf32>,
      %add3A_333 = arith.constant 16 : i32
      %add3A_334 = arith.addi %add3A_333, %scan3A_272 : i32
      %swap3A_335 = arith.index_cast %add3A_334 : i32 to index
      %swap3A_336 = arith.constant 48 : index
      %swap3A_337 = tpu.vector_load %arg19[%swap3A_335, %swap3A_336] {strides = array<i32>} : memref<64x128xf32, #tpu.memory_space<vmem>>, vector<16xf32>,
      tpu.vector_store %arg19[%swap3A_335, %swap3A_336], %gather3A_278 {strides = array<i32>} : memref<64x128xf32, #tpu.memory_space<vmem>>, vector<16xf32>,
      %add3A_338 = arith.constant 16 : i32
      %add3A_339 = arith.addi %add3A_338, %scan3A_272 : i32
      %swap3A_340 = arith.index_cast %add3A_339 : i32 to index
      %swap3A_341 = arith.constant 48 : index
      %swap3A_342 = tpu.vector_load %arg16[%swap3A_340, %swap3A_341] {strides = array<i32>} : memref<64x128xf32, #tpu.memory_space<vmem>>, vector<16xf32>,
      tpu.vector_store %arg16[%swap3A_340, %swap3A_341], %gather3A_282 {strides = array<i32>} : memref<64x128xf32, #tpu.memory_space<vmem>>, vector<16xf32>,
      %add3A_343 = arith.constant 16 : i32
      %add3A_344 = arith.addi %add3A_343, %scan3A_272 : i32
      %swap3A_345 = arith.index_cast %add3A_344 : i32 to index
      %swap3A_346 = arith.constant 64 : index
      %swap3A_347 = tpu.vector_load %arg18[%swap3A_345, %swap3A_346] {strides = array<i32>} : memref<64x128xf32, #tpu.memory_space<vmem>>, vector<16xf32>,
      tpu.vector_store %arg18[%swap3A_345, %swap3A_346], %gather3A_274 {strides = array<i32>} : memref<64x128xf32, #tpu.memory_space<vmem>>, vector<16xf32>,
      %add3A_348 = arith.constant 16 : i32
      %add3A_349 = arith.addi %add3A_348, %scan3A_272 : i32
      %swap3A_350 = arith.index_cast %add3A_349 : i32 to index
      %swap3A_351 = arith.constant 64 : index
      %swap3A_352 = tpu.vector_load %arg19[%swap3A_350, %swap3A_351] {strides = array<i32>} : memref<64x128xf32, #tpu.memory_space<vmem>>, vector<16xf32>,
      tpu.vector_store %arg19[%swap3A_350, %swap3A_351], %gather3A_278 {strides = array<i32>} : memref<64x128xf32, #tpu.memory_space<vmem>>, vector<16xf32>,
      %add3A_353 = arith.constant 16 : i32
      %add3A_354 = arith.addi %add3A_353, %scan3A_272 : i32
      %swap3A_355 = arith.index_cast %add3A_354 : i32 to index
      %swap3A_356 = arith.constant 64 : index
      %swap3A_357 = tpu.vector_load %arg16[%swap3A_355, %swap3A_356] {strides = array<i32>} : memref<64x128xf32, #tpu.memory_space<vmem>>, vector<16xf32>,
      tpu.vector_store %arg16[%swap3A_355, %swap3A_356], %gather3A_282 {strides = array<i32>} : memref<64x128xf32, #tpu.memory_space<vmem>>, vector<16xf32>,
      %add3A_358 = arith.constant 16 : i32
      %add3A_359 = arith.addi %add3A_358, %scan3A_272 : i32
      %swap3A_360 = arith.index_cast %add3A_359 : i32 to index
      %swap3A_361 = arith.constant 80 : index
      %swap3A_362 = tpu.vector_load %arg18[%swap3A_360, %swap3A_361] {strides = array<i32>} : memref<64x128xf32, #tpu.memory_space<vmem>>, vector<16xf32>,
      tpu.vector_store %arg18[%swap3A_360, %swap3A_361], %gather3A_274 {strides = array<i32>} : memref<64x128xf32, #tpu.memory_space<vmem>>, vector<16xf32>,
      %add3A_363 = arith.constant 16 : i32
      %add3A_364 = arith.addi %add3A_363, %scan3A_272 : i32
      %swap3A_365 = arith.index_cast %add3A_364 : i32 to index
      %swap3A_366 = arith.constant 80 : index
      %swap3A_367 = tpu.vector_load %arg19[%swap3A_365, %swap3A_366] {strides = array<i32>} : memref<64x128xf32, #tpu.memory_space<vmem>>, vector<16xf32>,
      tpu.vector_store %arg19[%swap3A_365, %swap3A_366], %gather3A_278 {strides = array<i32>} : memref<64x128xf32, #tpu.memory_space<vmem>>, vector<16xf32>,
      %add3A_368 = arith.constant 16 : i32
      %add3A_369 = arith.addi %add3A_368, %scan3A_272 : i32
      %swap3A_370 = arith.index_cast %add3A_369 : i32 to index
      %swap3A_371 = arith.constant 80 : index
      %swap3A_372 = tpu.vector_load %arg16[%swap3A_370, %swap3A_371] {strides = array<i32>} : memref<64x128xf32, #tpu.memory_space<vmem>>, vector<16xf32>,
      tpu.vector_store %arg16[%swap3A_370, %swap3A_371], %gather3A_282 {strides = array<i32>} : memref<64x128xf32, #tpu.memory_space<vmem>>, vector<16xf32>,
      %add3A_373 = arith.constant 16 : i32
      %add3A_374 = arith.addi %add3A_373, %scan3A_272 : i32
      %swap3A_375 = arith.index_cast %add3A_374 : i32 to index
      %swap3A_376 = arith.constant 96 : index
      %swap3A_377 = tpu.vector_load %arg18[%swap3A_375, %swap3A_376] {strides = array<i32>} : memref<64x128xf32, #tpu.memory_space<vmem>>, vector<16xf32>,
      tpu.vector_store %arg18[%swap3A_375, %swap3A_376], %gather3A_274 {strides = array<i32>} : memref<64x128xf32, #tpu.memory_space<vmem>>, vector<16xf32>,
      %add3A_378 = arith.constant 16 : i32
      %add3A_379 = arith.addi %add3A_378, %scan3A_272 : i32
      %swap3A_380 = arith.index_cast %add3A_379 : i32 to index
      %swap3A_381 = arith.constant 96 : index
      %swap3A_382 = tpu.vector_load %arg19[%swap3A_380, %swap3A_381] {strides = array<i32>} : memref<64x128xf32, #tpu.memory_space<vmem>>, vector<16xf32>,
      tpu.vector_store %arg19[%swap3A_380, %swap3A_381], %gather3A_278 {strides = array<i32>} : memref<64x128xf32, #tpu.memory_space<vmem>>, vector<16xf32>,
      %add3A_383 = arith.constant 16 : i32
      %add3A_384 = arith.addi %add3A_383, %scan3A_272 : i32
      %swap3A_385 = arith.index_cast %add3A_384 : i32 to index
      %swap3A_386 = arith.constant 96 : index
      %swap3A_387 = tpu.vector_load %arg16[%swap3A_385, %swap3A_386] {strides = array<i32>} : memref<64x128xf32, #tpu.memory_space<vmem>>, vector<16xf32>,
      tpu.vector_store %arg16[%swap3A_385, %swap3A_386], %gather3A_282 {strides = array<i32>} : memref<64x128xf32, #tpu.memory_space<vmem>>, vector<16xf32>,
      %add3A_388 = arith.constant 16 : i32
      %add3A_389 = arith.addi %add3A_388, %scan3A_272 : i32
      %swap3A_390 = arith.index_cast %add3A_389 : i32 to index
      %swap3A_391 = arith.constant 112 : index
      %swap3A_392 = tpu.vector_load %arg18[%swap3A_390, %swap3A_391] {strides = array<i32>} : memref<64x128xf32, #tpu.memory_space<vmem>>, vector<16xf32>,
      tpu.vector_store %arg18[%swap3A_390, %swap3A_391], %gather3A_274 {strides = array<i32>} : memref<64x128xf32, #tpu.memory_space<vmem>>, vector<16xf32>,
      %add3A_393 = arith.constant 16 : i32
      %add3A_394 = arith.addi %add3A_393, %scan3A_272 : i32
      %swap3A_395 = arith.index_cast %add3A_394 : i32 to index
      %swap3A_396 = arith.constant 112 : index
      %swap3A_397 = tpu.vector_load %arg19[%swap3A_395, %swap3A_396] {strides = array<i32>} : memref<64x128xf32, #tpu.memory_space<vmem>>, vector<16xf32>,
      tpu.vector_store %arg19[%swap3A_395, %swap3A_396], %gather3A_278 {strides = array<i32>} : memref<64x128xf32, #tpu.memory_space<vmem>>, vector<16xf32>,
      %add3A_398 = arith.constant 16 : i32
      %add3A_399 = arith.addi %add3A_398, %scan3A_272 : i32
      %swap3A_400 = arith.index_cast %add3A_399 : i32 to index
      %swap3A_401 = arith.constant 112 : index
      %swap3A_402 = tpu.vector_load %arg16[%swap3A_400, %swap3A_401] {strides = array<i32>} : memref<64x128xf32, #tpu.memory_space<vmem>>, vector<16xf32>,
      tpu.vector_store %arg16[%swap3A_400, %swap3A_401], %gather3A_282 {strides = array<i32>} : memref<64x128xf32, #tpu.memory_space<vmem>>, vector<16xf32>,
    }
    %scan3A_36 = arith.constant 16 : i32
    %get3A_37 = arith.constant 0 : i32
    %get3A_38 = arith.index_cast %get3A_37 : i32 to index
    %get3A_39 = arith.constant 32 : index
    %get3A_40 = tpu.vector_load %arg10[%get3A_38, %get3A_39] {strides = array<i32>} : memref<2x64xf32, #tpu.memory_space<vmem>>, vector<16xf32>,
    %get3A_41 = arith.constant 1 : i32
    %get3A_42 = arith.index_cast %get3A_41 : i32 to index
    %get3A_43 = arith.constant 32 : index
    %get3A_44 = tpu.vector_load %arg10[%get3A_42, %get3A_43] {strides = array<i32>} : memref<2x64xf32, #tpu.memory_space<vmem>>, vector<16xf32>,
    %get3A_45 = arith.constant 0 : i32
    %get3A_46 = arith.index_cast %get3A_45 : i32 to index
    %get3A_47 = arith.constant 32 : index
    %get3A_48 = tpu.vector_load %arg11[%get3A_46, %get3A_47] {strides = array<i32>} : memref<1x64xf32, #tpu.memory_space<vmem>>, vector<16xf32>,
    %scan3A_49 = arith.constant 0 : i32
    %scan3A_50 = arith.constant 0 : i32
    %scan3A_51 = arith.constant 16 : i32
    %scan3A_52 = arith.addi %scan3A_50, %scan3A_51 : i32
    %scan3A_53 = arith.constant 1 : i32
    scf.for %scan3A_272 = %scan3A_50 to %scan3A_52 step %scan3A_53  : i32 {
      %broadcast_in_dim3A = vector.broadcast %scan3A_272 : i32 to vector<16xi32>
      %broadcast_in_dim3A_273 = vector.shape_cast %broadcast_in_dim3A : vector<16xi32> to vector<16x1xi32>
      %gather3A = vector.shape_cast %broadcast_in_dim3A_273 : vector<16x1xi32> to vector<16xi32>
      %gather3A_274 = tpu.dynamic_gather %get3A_40[%gather3A] in [0] : vector<16xf32>, vector<16xi32> -> vector<16xf32>
      %broadcast_in_dim3A_275 = vector.broadcast %scan3A_272 : i32 to vector<16xi32>
      %broadcast_in_dim3A_276 = vector.shape_cast %broadcast_in_dim3A_275 : vector<16xi32> to vector<16x1xi32>
      %gather3A_277 = vector.shape_cast %broadcast_in_dim3A_276 : vector<16x1xi32> to vector<16xi32>
      %gather3A_278 = tpu.dynamic_gather %get3A_44[%gather3A_277] in [0] : vector<16xf32>, vector<16xi32> -> vector<16xf32>
      %broadcast_in_dim3A_279 = vector.broadcast %scan3A_272 : i32 to vector<16xi32>
      %broadcast_in_dim3A_280 = vector.shape_cast %broadcast_in_dim3A_279 : vector<16xi32> to vector<16x1xi32>
      %gather3A_281 = vector.shape_cast %broadcast_in_dim3A_280 : vector<16x1xi32> to vector<16xi32>
      %gather3A_282 = tpu.dynamic_gather %get3A_48[%gather3A_281] in [0] : vector<16xf32>, vector<16xi32> -> vector<16xf32>
      %add3A_283 = arith.constant 32 : i32
      %add3A_284 = arith.addi %add3A_283, %scan3A_272 : i32
      %swap3A_285 = arith.index_cast %add3A_284 : i32 to index
      %swap3A_286 = arith.constant 0 : index
      %swap3A_287 = tpu.vector_load %arg18[%swap3A_285, %swap3A_286] {strides = array<i32>} : memref<64x128xf32, #tpu.memory_space<vmem>>, vector<16xf32>,
      tpu.vector_store %arg18[%swap3A_285, %swap3A_286], %gather3A_274 {strides = array<i32>} : memref<64x128xf32, #tpu.memory_space<vmem>>, vector<16xf32>,
      %add3A_288 = arith.constant 32 : i32
      %add3A_289 = arith.addi %add3A_288, %scan3A_272 : i32
      %swap3A_290 = arith.index_cast %add3A_289 : i32 to index
      %swap3A_291 = arith.constant 0 : index
      %swap3A_292 = tpu.vector_load %arg19[%swap3A_290, %swap3A_291] {strides = array<i32>} : memref<64x128xf32, #tpu.memory_space<vmem>>, vector<16xf32>,
      tpu.vector_store %arg19[%swap3A_290, %swap3A_291], %gather3A_278 {strides = array<i32>} : memref<64x128xf32, #tpu.memory_space<vmem>>, vector<16xf32>,
      %add3A_293 = arith.constant 32 : i32
      %add3A_294 = arith.addi %add3A_293, %scan3A_272 : i32
      %swap3A_295 = arith.index_cast %add3A_294 : i32 to index
      %swap3A_296 = arith.constant 0 : index
      %swap3A_297 = tpu.vector_load %arg16[%swap3A_295, %swap3A_296] {strides = array<i32>} : memref<64x128xf32, #tpu.memory_space<vmem>>, vector<16xf32>,
      tpu.vector_store %arg16[%swap3A_295, %swap3A_296], %gather3A_282 {strides = array<i32>} : memref<64x128xf32, #tpu.memory_space<vmem>>, vector<16xf32>,
      %add3A_298 = arith.constant 32 : i32
      %add3A_299 = arith.addi %add3A_298, %scan3A_272 : i32
      %swap3A_300 = arith.index_cast %add3A_299 : i32 to index
      %swap3A_301 = arith.constant 16 : index
      %swap3A_302 = tpu.vector_load %arg18[%swap3A_300, %swap3A_301] {strides = array<i32>} : memref<64x128xf32, #tpu.memory_space<vmem>>, vector<16xf32>,
      tpu.vector_store %arg18[%swap3A_300, %swap3A_301], %gather3A_274 {strides = array<i32>} : memref<64x128xf32, #tpu.memory_space<vmem>>, vector<16xf32>,
      %add3A_303 = arith.constant 32 : i32
      %add3A_304 = arith.addi %add3A_303, %scan3A_272 : i32
      %swap3A_305 = arith.index_cast %add3A_304 : i32 to index
      %swap3A_306 = arith.constant 16 : index
      %swap3A_307 = tpu.vector_load %arg19[%swap3A_305, %swap3A_306] {strides = array<i32>} : memref<64x128xf32, #tpu.memory_space<vmem>>, vector<16xf32>,
      tpu.vector_store %arg19[%swap3A_305, %swap3A_306], %gather3A_278 {strides = array<i32>} : memref<64x128xf32, #tpu.memory_space<vmem>>, vector<16xf32>,
      %add3A_308 = arith.constant 32 : i32
      %add3A_309 = arith.addi %add3A_308, %scan3A_272 : i32
      %swap3A_310 = arith.index_cast %add3A_309 : i32 to index
      %swap3A_311 = arith.constant 16 : index
      %swap3A_312 = tpu.vector_load %arg16[%swap3A_310, %swap3A_311] {strides = array<i32>} : memref<64x128xf32, #tpu.memory_space<vmem>>, vector<16xf32>,
      tpu.vector_store %arg16[%swap3A_310, %swap3A_311], %gather3A_282 {strides = array<i32>} : memref<64x128xf32, #tpu.memory_space<vmem>>, vector<16xf32>,
      %add3A_313 = arith.constant 32 : i32
      %add3A_314 = arith.addi %add3A_313, %scan3A_272 : i32
      %swap3A_315 = arith.index_cast %add3A_314 : i32 to index
      %swap3A_316 = arith.constant 32 : index
      %swap3A_317 = tpu.vector_load %arg18[%swap3A_315, %swap3A_316] {strides = array<i32>} : memref<64x128xf32, #tpu.memory_space<vmem>>, vector<16xf32>,
      tpu.vector_store %arg18[%swap3A_315, %swap3A_316], %gather3A_274 {strides = array<i32>} : memref<64x128xf32, #tpu.memory_space<vmem>>, vector<16xf32>,
      %add3A_318 = arith.constant 32 : i32
      %add3A_319 = arith.addi %add3A_318, %scan3A_272 : i32
      %swap3A_320 = arith.index_cast %add3A_319 : i32 to index
      %swap3A_321 = arith.constant 32 : index
      %swap3A_322 = tpu.vector_load %arg19[%swap3A_320, %swap3A_321] {strides = array<i32>} : memref<64x128xf32, #tpu.memory_space<vmem>>, vector<16xf32>,
      tpu.vector_store %arg19[%swap3A_320, %swap3A_321], %gather3A_278 {strides = array<i32>} : memref<64x128xf32, #tpu.memory_space<vmem>>, vector<16xf32>,
      %add3A_323 = arith.constant 32 : i32
      %add3A_324 = arith.addi %add3A_323, %scan3A_272 : i32
      %swap3A_325 = arith.index_cast %add3A_324 : i32 to index
      %swap3A_326 = arith.constant 32 : index
      %swap3A_327 = tpu.vector_load %arg16[%swap3A_325, %swap3A_326] {strides = array<i32>} : memref<64x128xf32, #tpu.memory_space<vmem>>, vector<16xf32>,
      tpu.vector_store %arg16[%swap3A_325, %swap3A_326], %gather3A_282 {strides = array<i32>} : memref<64x128xf32, #tpu.memory_space<vmem>>, vector<16xf32>,
      %add3A_328 = arith.constant 32 : i32
      %add3A_329 = arith.addi %add3A_328, %scan3A_272 : i32
      %swap3A_330 = arith.index_cast %add3A_329 : i32 to index
      %swap3A_331 = arith.constant 48 : index
      %swap3A_332 = tpu.vector_load %arg18[%swap3A_330, %swap3A_331] {strides = array<i32>} : memref<64x128xf32, #tpu.memory_space<vmem>>, vector<16xf32>,
      tpu.vector_store %arg18[%swap3A_330, %swap3A_331], %gather3A_274 {strides = array<i32>} : memref<64x128xf32, #tpu.memory_space<vmem>>, vector<16xf32>,
      %add3A_333 = arith.constant 32 : i32
      %add3A_334 = arith.addi %add3A_333, %scan3A_272 : i32
      %swap3A_335 = arith.index_cast %add3A_334 : i32 to index
      %swap3A_336 = arith.constant 48 : index
      %swap3A_337 = tpu.vector_load %arg19[%swap3A_335, %swap3A_336] {strides = array<i32>} : memref<64x128xf32, #tpu.memory_space<vmem>>, vector<16xf32>,
      tpu.vector_store %arg19[%swap3A_335, %swap3A_336], %gather3A_278 {strides = array<i32>} : memref<64x128xf32, #tpu.memory_space<vmem>>, vector<16xf32>,
      %add3A_338 = arith.constant 32 : i32
      %add3A_339 = arith.addi %add3A_338, %scan3A_272 : i32
      %swap3A_340 = arith.index_cast %add3A_339 : i32 to index
      %swap3A_341 = arith.constant 48 : index
      %swap3A_342 = tpu.vector_load %arg16[%swap3A_340, %swap3A_341] {strides = array<i32>} : memref<64x128xf32, #tpu.memory_space<vmem>>, vector<16xf32>,
      tpu.vector_store %arg16[%swap3A_340, %swap3A_341], %gather3A_282 {strides = array<i32>} : memref<64x128xf32, #tpu.memory_space<vmem>>, vector<16xf32>,
      %add3A_343 = arith.constant 32 : i32
      %add3A_344 = arith.addi %add3A_343, %scan3A_272 : i32
      %swap3A_345 = arith.index_cast %add3A_344 : i32 to index
      %swap3A_346 = arith.constant 64 : index
      %swap3A_347 = tpu.vector_load %arg18[%swap3A_345, %swap3A_346] {strides = array<i32>} : memref<64x128xf32, #tpu.memory_space<vmem>>, vector<16xf32>,
      tpu.vector_store %arg18[%swap3A_345, %swap3A_346], %gather3A_274 {strides = array<i32>} : memref<64x128xf32, #tpu.memory_space<vmem>>, vector<16xf32>,
      %add3A_348 = arith.constant 32 : i32
      %add3A_349 = arith.addi %add3A_348, %scan3A_272 : i32
      %swap3A_350 = arith.index_cast %add3A_349 : i32 to index
      %swap3A_351 = arith.constant 64 : index
      %swap3A_352 = tpu.vector_load %arg19[%swap3A_350, %swap3A_351] {strides = array<i32>} : memref<64x128xf32, #tpu.memory_space<vmem>>, vector<16xf32>,
      tpu.vector_store %arg19[%swap3A_350, %swap3A_351], %gather3A_278 {strides = array<i32>} : memref<64x128xf32, #tpu.memory_space<vmem>>, vector<16xf32>,
      %add3A_353 = arith.constant 32 : i32
      %add3A_354 = arith.addi %add3A_353, %scan3A_272 : i32
      %swap3A_355 = arith.index_cast %add3A_354 : i32 to index
      %swap3A_356 = arith.constant 64 : index
      %swap3A_357 = tpu.vector_load %arg16[%swap3A_355, %swap3A_356] {strides = array<i32>} : memref<64x128xf32, #tpu.memory_space<vmem>>, vector<16xf32>,
      tpu.vector_store %arg16[%swap3A_355, %swap3A_356], %gather3A_282 {strides = array<i32>} : memref<64x128xf32, #tpu.memory_space<vmem>>, vector<16xf32>,
      %add3A_358 = arith.constant 32 : i32
      %add3A_359 = arith.addi %add3A_358, %scan3A_272 : i32
      %swap3A_360 = arith.index_cast %add3A_359 : i32 to index
      %swap3A_361 = arith.constant 80 : index
      %swap3A_362 = tpu.vector_load %arg18[%swap3A_360, %swap3A_361] {strides = array<i32>} : memref<64x128xf32, #tpu.memory_space<vmem>>, vector<16xf32>,
      tpu.vector_store %arg18[%swap3A_360, %swap3A_361], %gather3A_274 {strides = array<i32>} : memref<64x128xf32, #tpu.memory_space<vmem>>, vector<16xf32>,
      %add3A_363 = arith.constant 32 : i32
      %add3A_364 = arith.addi %add3A_363, %scan3A_272 : i32
      %swap3A_365 = arith.index_cast %add3A_364 : i32 to index
      %swap3A_366 = arith.constant 80 : index
      %swap3A_367 = tpu.vector_load %arg19[%swap3A_365, %swap3A_366] {strides = array<i32>} : memref<64x128xf32, #tpu.memory_space<vmem>>, vector<16xf32>,
      tpu.vector_store %arg19[%swap3A_365, %swap3A_366], %gather3A_278 {strides = array<i32>} : memref<64x128xf32, #tpu.memory_space<vmem>>, vector<16xf32>,
      %add3A_368 = arith.constant 32 : i32
      %add3A_369 = arith.addi %add3A_368, %scan3A_272 : i32
      %swap3A_370 = arith.index_cast %add3A_369 : i32 to index
      %swap3A_371 = arith.constant 80 : index
      %swap3A_372 = tpu.vector_load %arg16[%swap3A_370, %swap3A_371] {strides = array<i32>} : memref<64x128xf32, #tpu.memory_space<vmem>>, vector<16xf32>,
      tpu.vector_store %arg16[%swap3A_370, %swap3A_371], %gather3A_282 {strides = array<i32>} : memref<64x128xf32, #tpu.memory_space<vmem>>, vector<16xf32>,
      %add3A_373 = arith.constant 32 : i32
      %add3A_374 = arith.addi %add3A_373, %scan3A_272 : i32
      %swap3A_375 = arith.index_cast %add3A_374 : i32 to index
      %swap3A_376 = arith.constant 96 : index
      %swap3A_377 = tpu.vector_load %arg18[%swap3A_375, %swap3A_376] {strides = array<i32>} : memref<64x128xf32, #tpu.memory_space<vmem>>, vector<16xf32>,
      tpu.vector_store %arg18[%swap3A_375, %swap3A_376], %gather3A_274 {strides = array<i32>} : memref<64x128xf32, #tpu.memory_space<vmem>>, vector<16xf32>,
      %add3A_378 = arith.constant 32 : i32
      %add3A_379 = arith.addi %add3A_378, %scan3A_272 : i32
      %swap3A_380 = arith.index_cast %add3A_379 : i32 to index
      %swap3A_381 = arith.constant 96 : index
      %swap3A_382 = tpu.vector_load %arg19[%swap3A_380, %swap3A_381] {strides = array<i32>} : memref<64x128xf32, #tpu.memory_space<vmem>>, vector<16xf32>,
      tpu.vector_store %arg19[%swap3A_380, %swap3A_381], %gather3A_278 {strides = array<i32>} : memref<64x128xf32, #tpu.memory_space<vmem>>, vector<16xf32>,
      %add3A_383 = arith.constant 32 : i32
      %add3A_384 = arith.addi %add3A_383, %scan3A_272 : i32
      %swap3A_385 = arith.index_cast %add3A_384 : i32 to index
      %swap3A_386 = arith.constant 96 : index
      %swap3A_387 = tpu.vector_load %arg16[%swap3A_385, %swap3A_386] {strides = array<i32>} : memref<64x128xf32, #tpu.memory_space<vmem>>, vector<16xf32>,
      tpu.vector_store %arg16[%swap3A_385, %swap3A_386], %gather3A_282 {strides = array<i32>} : memref<64x128xf32, #tpu.memory_space<vmem>>, vector<16xf32>,
      %add3A_388 = arith.constant 32 : i32
      %add3A_389 = arith.addi %add3A_388, %scan3A_272 : i32
      %swap3A_390 = arith.index_cast %add3A_389 : i32 to index
      %swap3A_391 = arith.constant 112 : index
      %swap3A_392 = tpu.vector_load %arg18[%swap3A_390, %swap3A_391] {strides = array<i32>} : memref<64x128xf32, #tpu.memory_space<vmem>>, vector<16xf32>,
      tpu.vector_store %arg18[%swap3A_390, %swap3A_391], %gather3A_274 {strides = array<i32>} : memref<64x128xf32, #tpu.memory_space<vmem>>, vector<16xf32>,
      %add3A_393 = arith.constant 32 : i32
      %add3A_394 = arith.addi %add3A_393, %scan3A_272 : i32
      %swap3A_395 = arith.index_cast %add3A_394 : i32 to index
      %swap3A_396 = arith.constant 112 : index
      %swap3A_397 = tpu.vector_load %arg19[%swap3A_395, %swap3A_396] {strides = array<i32>} : memref<64x128xf32, #tpu.memory_space<vmem>>, vector<16xf32>,
      tpu.vector_store %arg19[%swap3A_395, %swap3A_396], %gather3A_278 {strides = array<i32>} : memref<64x128xf32, #tpu.memory_space<vmem>>, vector<16xf32>,
      %add3A_398 = arith.constant 32 : i32
      %add3A_399 = arith.addi %add3A_398, %scan3A_272 : i32
      %swap3A_400 = arith.index_cast %add3A_399 : i32 to index
      %swap3A_401 = arith.constant 112 : index
      %swap3A_402 = tpu.vector_load %arg16[%swap3A_400, %swap3A_401] {strides = array<i32>} : memref<64x128xf32, #tpu.memory_space<vmem>>, vector<16xf32>,
      tpu.vector_store %arg16[%swap3A_400, %swap3A_401], %gather3A_282 {strides = array<i32>} : memref<64x128xf32, #tpu.memory_space<vmem>>, vector<16xf32>,
    }
    %scan3A_54 = arith.constant 16 : i32
    %get3A_55 = arith.constant 0 : i32
    %get3A_56 = arith.index_cast %get3A_55 : i32 to index
    %get3A_57 = arith.constant 48 : index
    %get3A_58 = tpu.vector_load %arg10[%get3A_56, %get3A_57] {strides = array<i32>} : memref<2x64xf32, #tpu.memory_space<vmem>>, vector<16xf32>,
    %get3A_59 = arith.constant 1 : i32
    %get3A_60 = arith.index_cast %get3A_59 : i32 to index
    %get3A_61 = arith.constant 48 : index
    %get3A_62 = tpu.vector_load %arg10[%get3A_60, %get3A_61] {strides = array<i32>} : memref<2x64xf32, #tpu.memory_space<vmem>>, vector<16xf32>,
    %get3A_63 = arith.constant 0 : i32
    %get3A_64 = arith.index_cast %get3A_63 : i32 to index
    %get3A_65 = arith.constant 48 : index
    %get3A_66 = tpu.vector_load %arg11[%get3A_64, %get3A_65] {strides = array<i32>} : memref<1x64xf32, #tpu.memory_space<vmem>>, vector<16xf32>,
    %scan3A_67 = arith.constant 0 : i32
    %scan3A_68 = arith.constant 0 : i32
    %scan3A_69 = arith.constant 16 : i32
    %scan3A_70 = arith.addi %scan3A_68, %scan3A_69 : i32
    %scan3A_71 = arith.constant 1 : i32
    scf.for %scan3A_272 = %scan3A_68 to %scan3A_70 step %scan3A_71  : i32 {
      %broadcast_in_dim3A = vector.broadcast %scan3A_272 : i32 to vector<16xi32>
      %broadcast_in_dim3A_273 = vector.shape_cast %broadcast_in_dim3A : vector<16xi32> to vector<16x1xi32>
      %gather3A = vector.shape_cast %broadcast_in_dim3A_273 : vector<16x1xi32> to vector<16xi32>
      %gather3A_274 = tpu.dynamic_gather %get3A_58[%gather3A] in [0] : vector<16xf32>, vector<16xi32> -> vector<16xf32>
      %broadcast_in_dim3A_275 = vector.broadcast %scan3A_272 : i32 to vector<16xi32>
      %broadcast_in_dim3A_276 = vector.shape_cast %broadcast_in_dim3A_275 : vector<16xi32> to vector<16x1xi32>
      %gather3A_277 = vector.shape_cast %broadcast_in_dim3A_276 : vector<16x1xi32> to vector<16xi32>
      %gather3A_278 = tpu.dynamic_gather %get3A_62[%gather3A_277] in [0] : vector<16xf32>, vector<16xi32> -> vector<16xf32>
      %broadcast_in_dim3A_279 = vector.broadcast %scan3A_272 : i32 to vector<16xi32>
      %broadcast_in_dim3A_280 = vector.shape_cast %broadcast_in_dim3A_279 : vector<16xi32> to vector<16x1xi32>
      %gather3A_281 = vector.shape_cast %broadcast_in_dim3A_280 : vector<16x1xi32> to vector<16xi32>
      %gather3A_282 = tpu.dynamic_gather %get3A_66[%gather3A_281] in [0] : vector<16xf32>, vector<16xi32> -> vector<16xf32>
      %add3A_283 = arith.constant 48 : i32
      %add3A_284 = arith.addi %add3A_283, %scan3A_272 : i32
      %swap3A_285 = arith.index_cast %add3A_284 : i32 to index
      %swap3A_286 = arith.constant 0 : index
      %swap3A_287 = tpu.vector_load %arg18[%swap3A_285, %swap3A_286] {strides = array<i32>} : memref<64x128xf32, #tpu.memory_space<vmem>>, vector<16xf32>,
      tpu.vector_store %arg18[%swap3A_285, %swap3A_286], %gather3A_274 {strides = array<i32>} : memref<64x128xf32, #tpu.memory_space<vmem>>, vector<16xf32>,
      %add3A_288 = arith.constant 48 : i32
      %add3A_289 = arith.addi %add3A_288, %scan3A_272 : i32
      %swap3A_290 = arith.index_cast %add3A_289 : i32 to index
      %swap3A_291 = arith.constant 0 : index
      %swap3A_292 = tpu.vector_load %arg19[%swap3A_290, %swap3A_291] {strides = array<i32>} : memref<64x128xf32, #tpu.memory_space<vmem>>, vector<16xf32>,
      tpu.vector_store %arg19[%swap3A_290, %swap3A_291], %gather3A_278 {strides = array<i32>} : memref<64x128xf32, #tpu.memory_space<vmem>>, vector<16xf32>,
      %add3A_293 = arith.constant 48 : i32
      %add3A_294 = arith.addi %add3A_293, %scan3A_272 : i32
      %swap3A_295 = arith.index_cast %add3A_294 : i32 to index
      %swap3A_296 = arith.constant 0 : index
      %swap3A_297 = tpu.vector_load %arg16[%swap3A_295, %swap3A_296] {strides = array<i32>} : memref<64x128xf32, #tpu.memory_space<vmem>>, vector<16xf32>,
      tpu.vector_store %arg16[%swap3A_295, %swap3A_296], %gather3A_282 {strides = array<i32>} : memref<64x128xf32, #tpu.memory_space<vmem>>, vector<16xf32>,
      %add3A_298 = arith.constant 48 : i32
      %add3A_299 = arith.addi %add3A_298, %scan3A_272 : i32
      %swap3A_300 = arith.index_cast %add3A_299 : i32 to index
      %swap3A_301 = arith.constant 16 : index
      %swap3A_302 = tpu.vector_load %arg18[%swap3A_300, %swap3A_301] {strides = array<i32>} : memref<64x128xf32, #tpu.memory_space<vmem>>, vector<16xf32>,
      tpu.vector_store %arg18[%swap3A_300, %swap3A_301], %gather3A_274 {strides = array<i32>} : memref<64x128xf32, #tpu.memory_space<vmem>>, vector<16xf32>,
      %add3A_303 = arith.constant 48 : i32
      %add3A_304 = arith.addi %add3A_303, %scan3A_272 : i32
      %swap3A_305 = arith.index_cast %add3A_304 : i32 to index
      %swap3A_306 = arith.constant 16 : index
      %swap3A_307 = tpu.vector_load %arg19[%swap3A_305, %swap3A_306] {strides = array<i32>} : memref<64x128xf32, #tpu.memory_space<vmem>>, vector<16xf32>,
      tpu.vector_store %arg19[%swap3A_305, %swap3A_306], %gather3A_278 {strides = array<i32>} : memref<64x128xf32, #tpu.memory_space<vmem>>, vector<16xf32>,
      %add3A_308 = arith.constant 48 : i32
      %add3A_309 = arith.addi %add3A_308, %scan3A_272 : i32
      %swap3A_310 = arith.index_cast %add3A_309 : i32 to index
      %swap3A_311 = arith.constant 16 : index
      %swap3A_312 = tpu.vector_load %arg16[%swap3A_310, %swap3A_311] {strides = array<i32>} : memref<64x128xf32, #tpu.memory_space<vmem>>, vector<16xf32>,
      tpu.vector_store %arg16[%swap3A_310, %swap3A_311], %gather3A_282 {strides = array<i32>} : memref<64x128xf32, #tpu.memory_space<vmem>>, vector<16xf32>,
      %add3A_313 = arith.constant 48 : i32
      %add3A_314 = arith.addi %add3A_313, %scan3A_272 : i32
      %swap3A_315 = arith.index_cast %add3A_314 : i32 to index
      %swap3A_316 = arith.constant 32 : index
      %swap3A_317 = tpu.vector_load %arg18[%swap3A_315, %swap3A_316] {strides = array<i32>} : memref<64x128xf32, #tpu.memory_space<vmem>>, vector<16xf32>,
      tpu.vector_store %arg18[%swap3A_315, %swap3A_316], %gather3A_274 {strides = array<i32>} : memref<64x128xf32, #tpu.memory_space<vmem>>, vector<16xf32>,
      %add3A_318 = arith.constant 48 : i32
      %add3A_319 = arith.addi %add3A_318, %scan3A_272 : i32
      %swap3A_320 = arith.index_cast %add3A_319 : i32 to index
      %swap3A_321 = arith.constant 32 : index
      %swap3A_322 = tpu.vector_load %arg19[%swap3A_320, %swap3A_321] {strides = array<i32>} : memref<64x128xf32, #tpu.memory_space<vmem>>, vector<16xf32>,
      tpu.vector_store %arg19[%swap3A_320, %swap3A_321], %gather3A_278 {strides = array<i32>} : memref<64x128xf32, #tpu.memory_space<vmem>>, vector<16xf32>,
      %add3A_323 = arith.constant 48 : i32
      %add3A_324 = arith.addi %add3A_323, %scan3A_272 : i32
      %swap3A_325 = arith.index_cast %add3A_324 : i32 to index
      %swap3A_326 = arith.constant 32 : index
      %swap3A_327 = tpu.vector_load %arg16[%swap3A_325, %swap3A_326] {strides = array<i32>} : memref<64x128xf32, #tpu.memory_space<vmem>>, vector<16xf32>,
      tpu.vector_store %arg16[%swap3A_325, %swap3A_326], %gather3A_282 {strides = array<i32>} : memref<64x128xf32, #tpu.memory_space<vmem>>, vector<16xf32>,
      %add3A_328 = arith.constant 48 : i32
      %add3A_329 = arith.addi %add3A_328, %scan3A_272 : i32
      %swap3A_330 = arith.index_cast %add3A_329 : i32 to index
      %swap3A_331 = arith.constant 48 : index
      %swap3A_332 = tpu.vector_load %arg18[%swap3A_330, %swap3A_331] {strides = array<i32>} : memref<64x128xf32, #tpu.memory_space<vmem>>, vector<16xf32>,
      tpu.vector_store %arg18[%swap3A_330, %swap3A_331], %gather3A_274 {strides = array<i32>} : memref<64x128xf32, #tpu.memory_space<vmem>>, vector<16xf32>,
      %add3A_333 = arith.constant 48 : i32
      %add3A_334 = arith.addi %add3A_333, %scan3A_272 : i32
      %swap3A_335 = arith.index_cast %add3A_334 : i32 to index
      %swap3A_336 = arith.constant 48 : index
      %swap3A_337 = tpu.vector_load %arg19[%swap3A_335, %swap3A_336] {strides = array<i32>} : memref<64x128xf32, #tpu.memory_space<vmem>>, vector<16xf32>,
      tpu.vector_store %arg19[%swap3A_335, %swap3A_336], %gather3A_278 {strides = array<i32>} : memref<64x128xf32, #tpu.memory_space<vmem>>, vector<16xf32>,
      %add3A_338 = arith.constant 48 : i32
      %add3A_339 = arith.addi %add3A_338, %scan3A_272 : i32
      %swap3A_340 = arith.index_cast %add3A_339 : i32 to index
      %swap3A_341 = arith.constant 48 : index
      %swap3A_342 = tpu.vector_load %arg16[%swap3A_340, %swap3A_341] {strides = array<i32>} : memref<64x128xf32, #tpu.memory_space<vmem>>, vector<16xf32>,
      tpu.vector_store %arg16[%swap3A_340, %swap3A_341], %gather3A_282 {strides = array<i32>} : memref<64x128xf32, #tpu.memory_space<vmem>>, vector<16xf32>,
      %add3A_343 = arith.constant 48 : i32
      %add3A_344 = arith.addi %add3A_343, %scan3A_272 : i32
      %swap3A_345 = arith.index_cast %add3A_344 : i32 to index
      %swap3A_346 = arith.constant 64 : index
      %swap3A_347 = tpu.vector_load %arg18[%swap3A_345, %swap3A_346] {strides = array<i32>} : memref<64x128xf32, #tpu.memory_space<vmem>>, vector<16xf32>,
      tpu.vector_store %arg18[%swap3A_345, %swap3A_346], %gather3A_274 {strides = array<i32>} : memref<64x128xf32, #tpu.memory_space<vmem>>, vector<16xf32>,
      %add3A_348 = arith.constant 48 : i32
      %add3A_349 = arith.addi %add3A_348, %scan3A_272 : i32
      %swap3A_350 = arith.index_cast %add3A_349 : i32 to index
      %swap3A_351 = arith.constant 64 : index
      %swap3A_352 = tpu.vector_load %arg19[%swap3A_350, %swap3A_351] {strides = array<i32>} : memref<64x128xf32, #tpu.memory_space<vmem>>, vector<16xf32>,
      tpu.vector_store %arg19[%swap3A_350, %swap3A_351], %gather3A_278 {strides = array<i32>} : memref<64x128xf32, #tpu.memory_space<vmem>>, vector<16xf32>,
      %add3A_353 = arith.constant 48 : i32
      %add3A_354 = arith.addi %add3A_353, %scan3A_272 : i32
      %swap3A_355 = arith.index_cast %add3A_354 : i32 to index
      %swap3A_356 = arith.constant 64 : index
      %swap3A_357 = tpu.vector_load %arg16[%swap3A_355, %swap3A_356] {strides = array<i32>} : memref<64x128xf32, #tpu.memory_space<vmem>>, vector<16xf32>,
      tpu.vector_store %arg16[%swap3A_355, %swap3A_356], %gather3A_282 {strides = array<i32>} : memref<64x128xf32, #tpu.memory_space<vmem>>, vector<16xf32>,
      %add3A_358 = arith.constant 48 : i32
      %add3A_359 = arith.addi %add3A_358, %scan3A_272 : i32
      %swap3A_360 = arith.index_cast %add3A_359 : i32 to index
      %swap3A_361 = arith.constant 80 : index
      %swap3A_362 = tpu.vector_load %arg18[%swap3A_360, %swap3A_361] {strides = array<i32>} : memref<64x128xf32, #tpu.memory_space<vmem>>, vector<16xf32>,
      tpu.vector_store %arg18[%swap3A_360, %swap3A_361], %gather3A_274 {strides = array<i32>} : memref<64x128xf32, #tpu.memory_space<vmem>>, vector<16xf32>,
      %add3A_363 = arith.constant 48 : i32
      %add3A_364 = arith.addi %add3A_363, %scan3A_272 : i32
      %swap3A_365 = arith.index_cast %add3A_364 : i32 to index
      %swap3A_366 = arith.constant 80 : index
      %swap3A_367 = tpu.vector_load %arg19[%swap3A_365, %swap3A_366] {strides = array<i32>} : memref<64x128xf32, #tpu.memory_space<vmem>>, vector<16xf32>,
      tpu.vector_store %arg19[%swap3A_365, %swap3A_366], %gather3A_278 {strides = array<i32>} : memref<64x128xf32, #tpu.memory_space<vmem>>, vector<16xf32>,
      %add3A_368 = arith.constant 48 : i32
      %add3A_369 = arith.addi %add3A_368, %scan3A_272 : i32
      %swap3A_370 = arith.index_cast %add3A_369 : i32 to index
      %swap3A_371 = arith.constant 80 : index
      %swap3A_372 = tpu.vector_load %arg16[%swap3A_370, %swap3A_371] {strides = array<i32>} : memref<64x128xf32, #tpu.memory_space<vmem>>, vector<16xf32>,
      tpu.vector_store %arg16[%swap3A_370, %swap3A_371], %gather3A_282 {strides = array<i32>} : memref<64x128xf32, #tpu.memory_space<vmem>>, vector<16xf32>,
      %add3A_373 = arith.constant 48 : i32
      %add3A_374 = arith.addi %add3A_373, %scan3A_272 : i32
      %swap3A_375 = arith.index_cast %add3A_374 : i32 to index
      %swap3A_376 = arith.constant 96 : index
      %swap3A_377 = tpu.vector_load %arg18[%swap3A_375, %swap3A_376] {strides = array<i32>} : memref<64x128xf32, #tpu.memory_space<vmem>>, vector<16xf32>,
      tpu.vector_store %arg18[%swap3A_375, %swap3A_376], %gather3A_274 {strides = array<i32>} : memref<64x128xf32, #tpu.memory_space<vmem>>, vector<16xf32>,
      %add3A_378 = arith.constant 48 : i32
      %add3A_379 = arith.addi %add3A_378, %scan3A_272 : i32
      %swap3A_380 = arith.index_cast %add3A_379 : i32 to index
      %swap3A_381 = arith.constant 96 : index
      %swap3A_382 = tpu.vector_load %arg19[%swap3A_380, %swap3A_381] {strides = array<i32>} : memref<64x128xf32, #tpu.memory_space<vmem>>, vector<16xf32>,
      tpu.vector_store %arg19[%swap3A_380, %swap3A_381], %gather3A_278 {strides = array<i32>} : memref<64x128xf32, #tpu.memory_space<vmem>>, vector<16xf32>,
      %add3A_383 = arith.constant 48 : i32
      %add3A_384 = arith.addi %add3A_383, %scan3A_272 : i32
      %swap3A_385 = arith.index_cast %add3A_384 : i32 to index
      %swap3A_386 = arith.constant 96 : index
      %swap3A_387 = tpu.vector_load %arg16[%swap3A_385, %swap3A_386] {strides = array<i32>} : memref<64x128xf32, #tpu.memory_space<vmem>>, vector<16xf32>,
      tpu.vector_store %arg16[%swap3A_385, %swap3A_386], %gather3A_282 {strides = array<i32>} : memref<64x128xf32, #tpu.memory_space<vmem>>, vector<16xf32>,
      %add3A_388 = arith.constant 48 : i32
      %add3A_389 = arith.addi %add3A_388, %scan3A_272 : i32
      %swap3A_390 = arith.index_cast %add3A_389 : i32 to index
      %swap3A_391 = arith.constant 112 : index
      %swap3A_392 = tpu.vector_load %arg18[%swap3A_390, %swap3A_391] {strides = array<i32>} : memref<64x128xf32, #tpu.memory_space<vmem>>, vector<16xf32>,
      tpu.vector_store %arg18[%swap3A_390, %swap3A_391], %gather3A_274 {strides = array<i32>} : memref<64x128xf32, #tpu.memory_space<vmem>>, vector<16xf32>,
      %add3A_393 = arith.constant 48 : i32
      %add3A_394 = arith.addi %add3A_393, %scan3A_272 : i32
      %swap3A_395 = arith.index_cast %add3A_394 : i32 to index
      %swap3A_396 = arith.constant 112 : index
      %swap3A_397 = tpu.vector_load %arg19[%swap3A_395, %swap3A_396] {strides = array<i32>} : memref<64x128xf32, #tpu.memory_space<vmem>>, vector<16xf32>,
      tpu.vector_store %arg19[%swap3A_395, %swap3A_396], %gather3A_278 {strides = array<i32>} : memref<64x128xf32, #tpu.memory_space<vmem>>, vector<16xf32>,
      %add3A_398 = arith.constant 48 : i32
      %add3A_399 = arith.addi %add3A_398, %scan3A_272 : i32
      %swap3A_400 = arith.index_cast %add3A_399 : i32 to index
      %swap3A_401 = arith.constant 112 : index
      %swap3A_402 = tpu.vector_load %arg16[%swap3A_400, %swap3A_401] {strides = array<i32>} : memref<64x128xf32, #tpu.memory_space<vmem>>, vector<16xf32>,
      tpu.vector_store %arg16[%swap3A_400, %swap3A_401], %gather3A_282 {strides = array<i32>} : memref<64x128xf32, #tpu.memory_space<vmem>>, vector<16xf32>,
    }
    %scan3A_72 = arith.constant 16 : i32
    %run_scoped3A = arith.constant 0 : i32
    "tpu.region"() ({
      %run_scoped3A_272 = tpu.sem_alloc : memref<!tpu.dma_semaphore, #tpu.memory_space<semaphore_mem>>
      %dma_start3A_273 = arith.constant 0 : i32
      %dma_start3A_274 = tpu.memref_slice %arg7[%run_scoped3A, %dma_start3A_273, %mul3A_2] : memref<201x64x4096xf32, #tpu.memory_space<hbm>> -> memref<1x64x128xf32, #tpu.memory_space<hbm>>
      %dma_start3A_275 = tpu.memref_squeeze %dma_start3A_274 : memref<1x64x128xf32, #tpu.memory_space<hbm>> -> memref<64x128xf32, #tpu.memory_space<hbm>>
      %dma_start3A_276 = arith.constant 0 : i32
      %dma_start3A_277 = tpu.memref_slice %arg7[%run_scoped3A, %dma_start3A_276, %mul3A_2] : memref<201x64x4096xf32, #tpu.memory_space<hbm>> -> memref<1x64x128xf32, #tpu.memory_space<hbm>>
      %dma_start3A_278 = tpu.memref_squeeze %dma_start3A_277 : memref<1x64x128xf32, #tpu.memory_space<hbm>> -> memref<64x128xf32, #tpu.memory_space<hbm>>
      tpu.enqueue_dma source(%arg16 : memref<64x128xf32, #tpu.memory_space<vmem>>) target(%dma_start3A_278 : memref<64x128xf32, #tpu.memory_space<hbm>>) target_semaphore(%run_scoped3A_272 : memref<!tpu.dma_semaphore, #tpu.memory_space<semaphore_mem>>)
      %dma_wait3A_279 = arith.constant 0 : i32
      %dma_wait3A_280 = tpu.memref_slice %arg7[%run_scoped3A, %dma_wait3A_279, %mul3A_2] : memref<201x64x4096xf32, #tpu.memory_space<hbm>> -> memref<1x64x128xf32, #tpu.memory_space<hbm>>
      %dma_wait3A_281 = tpu.memref_squeeze %dma_wait3A_280 : memref<1x64x128xf32, #tpu.memory_space<hbm>> -> memref<64x128xf32, #tpu.memory_space<hbm>>
      %dma_wait3A_282 = arith.constant 0 : i32
      %dma_wait3A_283 = tpu.memref_slice %arg7[%run_scoped3A, %dma_wait3A_282, %mul3A_2] : memref<201x64x4096xf32, #tpu.memory_space<hbm>> -> memref<1x64x128xf32, #tpu.memory_space<hbm>>
      %dma_wait3A_284 = tpu.memref_squeeze %dma_wait3A_283 : memref<1x64x128xf32, #tpu.memory_space<hbm>> -> memref<64x128xf32, #tpu.memory_space<hbm>>
      tpu.wait_dma2 semaphore(%run_scoped3A_272 : memref<!tpu.dma_semaphore, #tpu.memory_space<semaphore_mem>>) src(%arg16 : memref<64x128xf32, #tpu.memory_space<vmem>>) dst(%dma_wait3A_284 : memref<64x128xf32, #tpu.memory_space<hbm>>)
      tpu.yield
    }) : () -> ()
    %get3A_73 = arith.constant 0 : i32
    %get3A_74 = arith.index_cast %get3A_73 : i32 to index
    %get3A_75 = arith.constant 0 : index
    %get3A_76 = tpu.vector_load %arg8[%get3A_74, %get3A_75] {strides = array<i32>} : memref<200x128xi32, #tpu.memory_space<vmem>>, vector<16xi32>,
    %shift_right_logical3A = arith.constant 1 : i32
    %shift_right_logical3A_77 = vector.broadcast %shift_right_logical3A : i32 to vector<16xi32>
    %shift_right_logical3A_78 = arith.shrui %get3A_76, %shift_right_logical3A_77 : vector<16xi32>
    %swap3A = arith.constant 0 : index
    %swap3A_79 = tpu.vector_load %arg12[%swap3A] {strides = array<i32>} : memref<128xi32, #tpu.memory_space<vmem>>, vector<16xi32>,
    tpu.vector_store %arg12[%swap3A], %shift_right_logical3A_78 {strides = array<i32>} : memref<128xi32, #tpu.memory_space<vmem>>, vector<16xi32>,
    %get3A_80 = arith.constant 0 : i32
    %get3A_81 = arith.index_cast %get3A_80 : i32 to index
    %get3A_82 = arith.constant 16 : index
    %get3A_83 = tpu.vector_load %arg8[%get3A_81, %get3A_82] {strides = array<i32>} : memref<200x128xi32, #tpu.memory_space<vmem>>, vector<16xi32>,
    %shift_right_logical3A_84 = arith.constant 1 : i32
    %shift_right_logical3A_85 = vector.broadcast %shift_right_logical3A_84 : i32 to vector<16xi32>
    %shift_right_logical3A_86 = arith.shrui %get3A_83, %shift_right_logical3A_85 : vector<16xi32>
    %swap3A_87 = arith.constant 16 : index
    %swap3A_88 = tpu.vector_load %arg12[%swap3A_87] {strides = array<i32>} : memref<128xi32, #tpu.memory_space<vmem>>, vector<16xi32>,
    tpu.vector_store %arg12[%swap3A_87], %shift_right_logical3A_86 {strides = array<i32>} : memref<128xi32, #tpu.memory_space<vmem>>, vector<16xi32>,
    %get3A_89 = arith.constant 0 : i32
    %get3A_90 = arith.index_cast %get3A_89 : i32 to index
    %get3A_91 = arith.constant 32 : index
    %get3A_92 = tpu.vector_load %arg8[%get3A_90, %get3A_91] {strides = array<i32>} : memref<200x128xi32, #tpu.memory_space<vmem>>, vector<16xi32>,
    %shift_right_logical3A_93 = arith.constant 1 : i32
    %shift_right_logical3A_94 = vector.broadcast %shift_right_logical3A_93 : i32 to vector<16xi32>
    %shift_right_logical3A_95 = arith.shrui %get3A_92, %shift_right_logical3A_94 : vector<16xi32>
    %swap3A_96 = arith.constant 32 : index
    %swap3A_97 = tpu.vector_load %arg12[%swap3A_96] {strides = array<i32>} : memref<128xi32, #tpu.memory_space<vmem>>, vector<16xi32>,
    tpu.vector_store %arg12[%swap3A_96], %shift_right_logical3A_95 {strides = array<i32>} : memref<128xi32, #tpu.memory_space<vmem>>, vector<16xi32>,
    %get3A_98 = arith.constant 0 : i32
    %get3A_99 = arith.index_cast %get3A_98 : i32 to index
    %get3A_100 = arith.constant 48 : index
    %get3A_101 = tpu.vector_load %arg8[%get3A_99, %get3A_100] {strides = array<i32>} : memref<200x128xi32, #tpu.memory_space<vmem>>, vector<16xi32>,
    %shift_right_logical3A_102 = arith.constant 1 : i32
    %shift_right_logical3A_103 = vector.broadcast %shift_right_logical3A_102 : i32 to vector<16xi32>
    %shift_right_logical3A_104 = arith.shrui %get3A_101, %shift_right_logical3A_103 : vector<16xi32>
    %swap3A_105 = arith.constant 48 : index
    %swap3A_106 = tpu.vector_load %arg12[%swap3A_105] {strides = array<i32>} : memref<128xi32, #tpu.memory_space<vmem>>, vector<16xi32>,
    tpu.vector_store %arg12[%swap3A_105], %shift_right_logical3A_104 {strides = array<i32>} : memref<128xi32, #tpu.memory_space<vmem>>, vector<16xi32>,
    %get3A_107 = arith.constant 0 : i32
    %get3A_108 = arith.index_cast %get3A_107 : i32 to index
    %get3A_109 = arith.constant 64 : index
    %get3A_110 = tpu.vector_load %arg8[%get3A_108, %get3A_109] {strides = array<i32>} : memref<200x128xi32, #tpu.memory_space<vmem>>, vector<16xi32>,
    %shift_right_logical3A_111 = arith.constant 1 : i32
    %shift_right_logical3A_112 = vector.broadcast %shift_right_logical3A_111 : i32 to vector<16xi32>
    %shift_right_logical3A_113 = arith.shrui %get3A_110, %shift_right_logical3A_112 : vector<16xi32>
    %swap3A_114 = arith.constant 64 : index
    %swap3A_115 = tpu.vector_load %arg12[%swap3A_114] {strides = array<i32>} : memref<128xi32, #tpu.memory_space<vmem>>, vector<16xi32>,
    tpu.vector_store %arg12[%swap3A_114], %shift_right_logical3A_113 {strides = array<i32>} : memref<128xi32, #tpu.memory_space<vmem>>, vector<16xi32>,
    %get3A_116 = arith.constant 0 : i32
    %get3A_117 = arith.index_cast %get3A_116 : i32 to index
    %get3A_118 = arith.constant 80 : index
    %get3A_119 = tpu.vector_load %arg8[%get3A_117, %get3A_118] {strides = array<i32>} : memref<200x128xi32, #tpu.memory_space<vmem>>, vector<16xi32>,
    %shift_right_logical3A_120 = arith.constant 1 : i32
    %shift_right_logical3A_121 = vector.broadcast %shift_right_logical3A_120 : i32 to vector<16xi32>
    %shift_right_logical3A_122 = arith.shrui %get3A_119, %shift_right_logical3A_121 : vector<16xi32>
    %swap3A_123 = arith.constant 80 : index
    %swap3A_124 = tpu.vector_load %arg12[%swap3A_123] {strides = array<i32>} : memref<128xi32, #tpu.memory_space<vmem>>, vector<16xi32>,
    tpu.vector_store %arg12[%swap3A_123], %shift_right_logical3A_122 {strides = array<i32>} : memref<128xi32, #tpu.memory_space<vmem>>, vector<16xi32>,
    %get3A_125 = arith.constant 0 : i32
    %get3A_126 = arith.index_cast %get3A_125 : i32 to index
    %get3A_127 = arith.constant 96 : index
    %get3A_128 = tpu.vector_load %arg8[%get3A_126, %get3A_127] {strides = array<i32>} : memref<200x128xi32, #tpu.memory_space<vmem>>, vector<16xi32>,
    %shift_right_logical3A_129 = arith.constant 1 : i32
    %shift_right_logical3A_130 = vector.broadcast %shift_right_logical3A_129 : i32 to vector<16xi32>
    %shift_right_logical3A_131 = arith.shrui %get3A_128, %shift_right_logical3A_130 : vector<16xi32>
    %swap3A_132 = arith.constant 96 : index
    %swap3A_133 = tpu.vector_load %arg12[%swap3A_132] {strides = array<i32>} : memref<128xi32, #tpu.memory_space<vmem>>, vector<16xi32>,
    tpu.vector_store %arg12[%swap3A_132], %shift_right_logical3A_131 {strides = array<i32>} : memref<128xi32, #tpu.memory_space<vmem>>, vector<16xi32>,
    %get3A_134 = arith.constant 0 : i32
    %get3A_135 = arith.index_cast %get3A_134 : i32 to index
    %get3A_136 = arith.constant 112 : index
    %get3A_137 = tpu.vector_load %arg8[%get3A_135, %get3A_136] {strides = array<i32>} : memref<200x128xi32, #tpu.memory_space<vmem>>, vector<16xi32>,
    %shift_right_logical3A_138 = arith.constant 1 : i32
    %shift_right_logical3A_139 = vector.broadcast %shift_right_logical3A_138 : i32 to vector<16xi32>
    %shift_right_logical3A_140 = arith.shrui %get3A_137, %shift_right_logical3A_139 : vector<16xi32>
    %swap3A_141 = arith.constant 112 : index
    %swap3A_142 = tpu.vector_load %arg12[%swap3A_141] {strides = array<i32>} : memref<128xi32, #tpu.memory_space<vmem>>, vector<16xi32>,
    tpu.vector_store %arg12[%swap3A_141], %shift_right_logical3A_140 {strides = array<i32>} : memref<128xi32, #tpu.memory_space<vmem>>, vector<16xi32>,
    %dma_start3A = arith.constant 0 : i32
    %dma_start3A_143 = arith.constant 0 : i32
    %dma_start3A_144 = tpu.memref_slice %arg4[%dma_start3A, %dma_start3A_143] : memref<500000x128xf32, #tpu.memory_space<hbm>> -> memref<500000x128xf32, #tpu.memory_space<hbm>>
    tpu.enqueue_indirect_dma source(%dma_start3A_144 : memref<500000x128xf32, #tpu.memory_space<hbm>>) target(%arg14 : memref<128x128xf32, #tpu.memory_space<vmem>>) offsets(%arg12 : memref<128xi32, #tpu.memory_space<vmem>>) semaphore(%arg20 : memref<!tpu.dma_semaphore, #tpu.memory_space<semaphore_mem>>)
    %get3A_145 = arith.constant 1 : i32
    %get3A_146 = arith.index_cast %get3A_145 : i32 to index
    %get3A_147 = arith.constant 0 : index
    %get3A_148 = tpu.vector_load %arg8[%get3A_146, %get3A_147] {strides = array<i32>} : memref<200x128xi32, #tpu.memory_space<vmem>>, vector<16xi32>,
    %shift_right_logical3A_149 = arith.constant 1 : i32
    %shift_right_logical3A_150 = vector.broadcast %shift_right_logical3A_149 : i32 to vector<16xi32>
    %shift_right_logical3A_151 = arith.shrui %get3A_148, %shift_right_logical3A_150 : vector<16xi32>
    %swap3A_152 = arith.constant 0 : index
    %swap3A_153 = tpu.vector_load %arg13[%swap3A_152] {strides = array<i32>} : memref<128xi32, #tpu.memory_space<vmem>>, vector<16xi32>,
    tpu.vector_store %arg13[%swap3A_152], %shift_right_logical3A_151 {strides = array<i32>} : memref<128xi32, #tpu.memory_space<vmem>>, vector<16xi32>,
    %get3A_154 = arith.constant 1 : i32
    %get3A_155 = arith.index_cast %get3A_154 : i32 to index
    %get3A_156 = arith.constant 16 : index
    %get3A_157 = tpu.vector_load %arg8[%get3A_155, %get3A_156] {strides = array<i32>} : memref<200x128xi32, #tpu.memory_space<vmem>>, vector<16xi32>,
    %shift_right_logical3A_158 = arith.constant 1 : i32
    %shift_right_logical3A_159 = vector.broadcast %shift_right_logical3A_158 : i32 to vector<16xi32>
    %shift_right_logical3A_160 = arith.shrui %get3A_157, %shift_right_logical3A_159 : vector<16xi32>
    %swap3A_161 = arith.constant 16 : index
    %swap3A_162 = tpu.vector_load %arg13[%swap3A_161] {strides = array<i32>} : memref<128xi32, #tpu.memory_space<vmem>>, vector<16xi32>,
    tpu.vector_store %arg13[%swap3A_161], %shift_right_logical3A_160 {strides = array<i32>} : memref<128xi32, #tpu.memory_space<vmem>>, vector<16xi32>,
    %get3A_163 = arith.constant 1 : i32
    %get3A_164 = arith.index_cast %get3A_163 : i32 to index
    %get3A_165 = arith.constant 32 : index
    %get3A_166 = tpu.vector_load %arg8[%get3A_164, %get3A_165] {strides = array<i32>} : memref<200x128xi32, #tpu.memory_space<vmem>>, vector<16xi32>,
    %shift_right_logical3A_167 = arith.constant 1 : i32
    %shift_right_logical3A_168 = vector.broadcast %shift_right_logical3A_167 : i32 to vector<16xi32>
    %shift_right_logical3A_169 = arith.shrui %get3A_166, %shift_right_logical3A_168 : vector<16xi32>
    %swap3A_170 = arith.constant 32 : index
    %swap3A_171 = tpu.vector_load %arg13[%swap3A_170] {strides = array<i32>} : memref<128xi32, #tpu.memory_space<vmem>>, vector<16xi32>,
    tpu.vector_store %arg13[%swap3A_170], %shift_right_logical3A_169 {strides = array<i32>} : memref<128xi32, #tpu.memory_space<vmem>>, vector<16xi32>,
    %get3A_172 = arith.constant 1 : i32
    %get3A_173 = arith.index_cast %get3A_172 : i32 to index
    %get3A_174 = arith.constant 48 : index
    %get3A_175 = tpu.vector_load %arg8[%get3A_173, %get3A_174] {strides = array<i32>} : memref<200x128xi32, #tpu.memory_space<vmem>>, vector<16xi32>,
    %shift_right_logical3A_176 = arith.constant 1 : i32
    %shift_right_logical3A_177 = vector.broadcast %shift_right_logical3A_176 : i32 to vector<16xi32>
    %shift_right_logical3A_178 = arith.shrui %get3A_175, %shift_right_logical3A_177 : vector<16xi32>
    %swap3A_179 = arith.constant 48 : index
    %swap3A_180 = tpu.vector_load %arg13[%swap3A_179] {strides = array<i32>} : memref<128xi32, #tpu.memory_space<vmem>>, vector<16xi32>,
    tpu.vector_store %arg13[%swap3A_179], %shift_right_logical3A_178 {strides = array<i32>} : memref<128xi32, #tpu.memory_space<vmem>>, vector<16xi32>,
    %get3A_181 = arith.constant 1 : i32
    %get3A_182 = arith.index_cast %get3A_181 : i32 to index
    %get3A_183 = arith.constant 64 : index
    %get3A_184 = tpu.vector_load %arg8[%get3A_182, %get3A_183] {strides = array<i32>} : memref<200x128xi32, #tpu.memory_space<vmem>>, vector<16xi32>,
    %shift_right_logical3A_185 = arith.constant 1 : i32
    %shift_right_logical3A_186 = vector.broadcast %shift_right_logical3A_185 : i32 to vector<16xi32>
    %shift_right_logical3A_187 = arith.shrui %get3A_184, %shift_right_logical3A_186 : vector<16xi32>
    %swap3A_188 = arith.constant 64 : index
    %swap3A_189 = tpu.vector_load %arg13[%swap3A_188] {strides = array<i32>} : memref<128xi32, #tpu.memory_space<vmem>>, vector<16xi32>,
    tpu.vector_store %arg13[%swap3A_188], %shift_right_logical3A_187 {strides = array<i32>} : memref<128xi32, #tpu.memory_space<vmem>>, vector<16xi32>,
    %get3A_190 = arith.constant 1 : i32
    %get3A_191 = arith.index_cast %get3A_190 : i32 to index
    %get3A_192 = arith.constant 80 : index
    %get3A_193 = tpu.vector_load %arg8[%get3A_191, %get3A_192] {strides = array<i32>} : memref<200x128xi32, #tpu.memory_space<vmem>>, vector<16xi32>,
    %shift_right_logical3A_194 = arith.constant 1 : i32
    %shift_right_logical3A_195 = vector.broadcast %shift_right_logical3A_194 : i32 to vector<16xi32>
    %shift_right_logical3A_196 = arith.shrui %get3A_193, %shift_right_logical3A_195 : vector<16xi32>
    %swap3A_197 = arith.constant 80 : index
    %swap3A_198 = tpu.vector_load %arg13[%swap3A_197] {strides = array<i32>} : memref<128xi32, #tpu.memory_space<vmem>>, vector<16xi32>,
    tpu.vector_store %arg13[%swap3A_197], %shift_right_logical3A_196 {strides = array<i32>} : memref<128xi32, #tpu.memory_space<vmem>>, vector<16xi32>,
    %get3A_199 = arith.constant 1 : i32
    %get3A_200 = arith.index_cast %get3A_199 : i32 to index
    %get3A_201 = arith.constant 96 : index
    %get3A_202 = tpu.vector_load %arg8[%get3A_200, %get3A_201] {strides = array<i32>} : memref<200x128xi32, #tpu.memory_space<vmem>>, vector<16xi32>,
    %shift_right_logical3A_203 = arith.constant 1 : i32
    %shift_right_logical3A_204 = vector.broadcast %shift_right_logical3A_203 : i32 to vector<16xi32>
    %shift_right_logical3A_205 = arith.shrui %get3A_202, %shift_right_logical3A_204 : vector<16xi32>
    %swap3A_206 = arith.constant 96 : index
    %swap3A_207 = tpu.vector_load %arg13[%swap3A_206] {strides = array<i32>} : memref<128xi32, #tpu.memory_space<vmem>>, vector<16xi32>,
    tpu.vector_store %arg13[%swap3A_206], %shift_right_logical3A_205 {strides = array<i32>} : memref<128xi32, #tpu.memory_space<vmem>>, vector<16xi32>,
    %get3A_208 = arith.constant 1 : i32
    %get3A_209 = arith.index_cast %get3A_208 : i32 to index
    %get3A_210 = arith.constant 112 : index
    %get3A_211 = tpu.vector_load %arg8[%get3A_209, %get3A_210] {strides = array<i32>} : memref<200x128xi32, #tpu.memory_space<vmem>>, vector<16xi32>,
    %shift_right_logical3A_212 = arith.constant 1 : i32
    %shift_right_logical3A_213 = vector.broadcast %shift_right_logical3A_212 : i32 to vector<16xi32>
    %shift_right_logical3A_214 = arith.shrui %get3A_211, %shift_right_logical3A_213 : vector<16xi32>
    %swap3A_215 = arith.constant 112 : index
    %swap3A_216 = tpu.vector_load %arg13[%swap3A_215] {strides = array<i32>} : memref<128xi32, #tpu.memory_space<vmem>>, vector<16xi32>,
    tpu.vector_store %arg13[%swap3A_215], %shift_right_logical3A_214 {strides = array<i32>} : memref<128xi32, #tpu.memory_space<vmem>>, vector<16xi32>,
    %dma_start3A_217 = arith.constant 0 : i32
    %dma_start3A_218 = arith.constant 0 : i32
    %dma_start3A_219 = tpu.memref_slice %arg4[%dma_start3A_217, %dma_start3A_218] : memref<500000x128xf32, #tpu.memory_space<hbm>> -> memref<500000x128xf32, #tpu.memory_space<hbm>>
    tpu.enqueue_indirect_dma source(%dma_start3A_219 : memref<500000x128xf32, #tpu.memory_space<hbm>>) target(%arg15 : memref<128x128xf32, #tpu.memory_space<vmem>>) offsets(%arg13 : memref<128xi32, #tpu.memory_space<vmem>>) semaphore(%arg21 : memref<!tpu.dma_semaphore, #tpu.memory_space<semaphore_mem>>)
    %iota3A = tpu.iota {dimensions = array<i32: 0>} : vector<16xi32>
    %and3A = arith.constant 1 : i32
    %and3A_220 = vector.broadcast %and3A : i32 to vector<16xi32>
    %and3A_221 = arith.andi %iota3A, %and3A_220 : vector<16xi32>
    %ne3A = arith.constant 0 : i32
    %ne3A_222 = vector.broadcast %ne3A : i32 to vector<16xi32>
    %ne3A_223 = arith.cmpi ne, %and3A_221, %ne3A_222 : vector<16xi32>
    %and3A_224 = arith.constant 2 : i32
    %and3A_225 = vector.broadcast %and3A_224 : i32 to vector<16xi32>
    %and3A_226 = arith.andi %iota3A, %and3A_225 : vector<16xi32>
    %ne3A_227 = arith.constant 0 : i32
    %ne3A_228 = vector.broadcast %ne3A_227 : i32 to vector<16xi32>
    %ne3A_229 = arith.cmpi ne, %and3A_226, %ne3A_228 : vector<16xi32>
    %and3A_230 = arith.constant 4 : i32
    %and3A_231 = vector.broadcast %and3A_230 : i32 to vector<16xi32>
    %and3A_232 = arith.andi %iota3A, %and3A_231 : vector<16xi32>
    %ne3A_233 = arith.constant 0 : i32
    %ne3A_234 = vector.broadcast %ne3A_233 : i32 to vector<16xi32>
    %ne3A_235 = arith.cmpi ne, %and3A_232, %ne3A_234 : vector<16xi32>
    %and3A_236 = arith.constant 8 : i32
    %and3A_237 = vector.broadcast %and3A_236 : i32 to vector<16xi32>
    %and3A_238 = arith.andi %iota3A, %and3A_237 : vector<16xi32>
    %ne3A_239 = arith.constant 0 : i32
    %ne3A_240 = vector.broadcast %ne3A_239 : i32 to vector<16xi32>
    %ne3A_241 = arith.cmpi ne, %and3A_238, %ne3A_240 : vector<16xi32>
    %xor3A = arith.constant 1 : i32
    %xor3A_242 = vector.broadcast %xor3A : i32 to vector<16xi32>
    %xor3A_243 = arith.xori %iota3A, %xor3A_242 : vector<16xi32>
    %xor3A_244 = arith.constant 2 : i32
    %xor3A_245 = vector.broadcast %xor3A_244 : i32 to vector<16xi32>
    %xor3A_246 = arith.xori %iota3A, %xor3A_245 : vector<16xi32>
    %xor3A_247 = arith.constant 4 : i32
    %xor3A_248 = vector.broadcast %xor3A_247 : i32 to vector<16xi32>
    %xor3A_249 = arith.xori %iota3A, %xor3A_248 : vector<16xi32>
    %xor3A_250 = arith.constant 8 : i32
    %xor3A_251 = vector.broadcast %xor3A_250 : i32 to vector<16xi32>
    %xor3A_252 = arith.xori %iota3A, %xor3A_251 : vector<16xi32>
    %scan3A_253 = arith.constant 0 : i32
    %scan3A_254 = arith.constant 0 : i32
    %scan3A_255 = arith.constant 200 : i32
    %scan3A_256 = arith.addi %scan3A_254, %scan3A_255 : i32
    %scan3A_257 = arith.constant 1 : i32
    scf.for %scan3A_272 = %scan3A_254 to %scan3A_256 step %scan3A_257  : i32 {
      %jit3A = arith.constant 2 : i32
      %eq3A = arith.constant 0 : i32
      %eq3A_273 = arith.cmpi eq, %jit3A, %eq3A : i32
      %jit3A_274 = arith.constant 1 : i32
      %select_n3A = arith.select %eq3A_273, %jit3A_274, %jit3A : i32
      %rem3A = arith.remsi %scan3A_272, %select_n3A : i32
      %ne3A_275 = arith.constant 0 : i32
      %ne3A_276 = arith.cmpi ne, %rem3A, %ne3A_275 : i32
      %lt3A = arith.constant 0 : i32
      %lt3A_277 = arith.cmpi slt, %rem3A, %lt3A : i32
      %lt3A_278 = arith.constant 0 : i32
      %lt3A_279 = arith.cmpi slt, %select_n3A, %lt3A_278 : i32
      %ne3A_280 = arith.xori %lt3A_277, %lt3A_279 : i1
      %and3A_281 = arith.andi %ne3A_280, %ne3A_276 : i1
      %add3A_282 = arith.addi %rem3A, %select_n3A : i32
      %select_n3A_283 = arith.select %and3A_281, %add3A_282, %rem3A : i32
      %eq3A_284 = arith.constant 0 : i32
      %eq3A_285 = arith.cmpi eq, %select_n3A_283, %eq3A_284 : i32
      %convert_element_type3A = arith.extui %eq3A_285 : i1 to i32
      %cond3A = arith.constant 0 : i32
      %cond3A_286 = arith.cmpi ne, %convert_element_type3A, %cond3A : i32
      scf.if %cond3A_286 {
        %dma_wait3A_287 = arith.constant 0 : i32
        %dma_wait3A_288 = arith.constant 0 : i32
        %dma_wait3A_289 = tpu.memref_slice %arg4[%dma_wait3A_287, %dma_wait3A_288] : memref<500000x128xf32, #tpu.memory_space<hbm>> -> memref<500000x128xf32, #tpu.memory_space<hbm>>
        tpu.wait_indirect_dma semaphore(%arg20 : memref<!tpu.dma_semaphore, #tpu.memory_space<semaphore_mem>>) src(%dma_wait3A_289 : memref<500000x128xf32, #tpu.memory_space<hbm>>) dst(%arg14 : memref<128x128xf32, #tpu.memory_space<vmem>>)
        %ge3A = arith.constant 2 : i32
        %ge3A_290 = arith.cmpi sge, %scan3A_272, %ge3A : i32
        %convert_element_type3A_291 = arith.extui %ge3A_290 : i1 to i32
        %cond3A_292 = arith.constant 0 : i32
        %cond3A_293 = arith.cmpi ne, %convert_element_type3A_291, %cond3A_292 : i32
        scf.if %cond3A_293 {
          %dma_wait3A_315 = arith.constant 0 : i32
          %dma_wait3A_316 = arith.constant 0 : i32
          %dma_wait3A_317 = tpu.memref_slice %arg7[%dma_wait3A_315, %dma_wait3A_316, %mul3A_2] : memref<201x64x4096xf32, #tpu.memory_space<hbm>> -> memref<1x64x128xf32, #tpu.memory_space<hbm>>
          %dma_wait3A_318 = tpu.memref_squeeze %dma_wait3A_317 : memref<1x64x128xf32, #tpu.memory_space<hbm>> -> memref<64x128xf32, #tpu.memory_space<hbm>>
          %dma_wait3A_319 = arith.constant 0 : i32
          %dma_wait3A_320 = tpu.memref_slice %arg7[%dma_wait3A_315, %dma_wait3A_319, %mul3A_2] : memref<201x64x4096xf32, #tpu.memory_space<hbm>> -> memref<1x64x128xf32, #tpu.memory_space<hbm>>
          %dma_wait3A_321 = tpu.memref_squeeze %dma_wait3A_320 : memref<1x64x128xf32, #tpu.memory_space<hbm>> -> memref<64x128xf32, #tpu.memory_space<hbm>>
          tpu.wait_dma2 semaphore(%arg22 : memref<!tpu.dma_semaphore, #tpu.memory_space<semaphore_mem>>) src(%arg16 : memref<64x128xf32, #tpu.memory_space<vmem>>) dst(%dma_wait3A_321 : memref<64x128xf32, #tpu.memory_space<hbm>>)
        } else {
        }
        %scan3A_294 = arith.constant 0 : i32
        %scan3A_295 = arith.constant 0 : i32
        %scan3A_296 = arith.constant 8 : i32
        %scan3A_297 = arith.addi %scan3A_295, %scan3A_296 : i32
        %scan3A_298 = arith.constant 1 : i32
        scf.for %scan3A_315 = %scan3A_295 to %scan3A_297 step %scan3A_298  : i32 {
          %mul3A_316 = arith.constant 16 : i32
          %mul3A_317 = arith.muli %scan3A_315, %mul3A_316 : i32
          %get3A_318 = arith.index_cast %scan3A_272 : i32 to index
          %get3A_319 = arith.index_cast %mul3A_317 : i32 to index
          %get3A_320 = tpu.vector_load %arg8[%get3A_318, %get3A_319] {strides = array<i32>} : memref<200x128xi32, #tpu.memory_space<vmem>>, vector<16xi32>,
          %and3A_321 = arith.constant 1 : i32
          %and3A_322 = vector.broadcast %and3A_321 : i32 to vector<16xi32>
          %and3A_323 = arith.andi %get3A_320, %and3A_322 : vector<16xi32>
          %broadcast_in_dim3A = arith.constant 0 : i32
          %broadcast_in_dim3A_324 = vector.broadcast %broadcast_in_dim3A : i32 to vector<16xi32>
          %broadcast_in_dim3A_325 = vector.shape_cast %broadcast_in_dim3A_324 : vector<16xi32> to vector<16x1xi32>
          %gather3A = vector.shape_cast %broadcast_in_dim3A_325 : vector<16x1xi32> to vector<16xi32>
          %gather3A_326 = tpu.dynamic_gather %and3A_323[%gather3A] in [0] : vector<16xi32>, vector<16xi32> -> vector<16xi32>
          %ne3A_327 = arith.constant 0 : i32
          %ne3A_328 = vector.broadcast %ne3A_327 : i32 to vector<16xi32>
          %ne3A_329 = arith.cmpi ne, %gather3A_326, %ne3A_328 : vector<16xi32>
          %broadcast_in_dim3A_330 = arith.constant 1 : i32
          %broadcast_in_dim3A_331 = vector.broadcast %broadcast_in_dim3A_330 : i32 to vector<16xi32>
          %broadcast_in_dim3A_332 = vector.shape_cast %broadcast_in_dim3A_331 : vector<16xi32> to vector<16x1xi32>
          %gather3A_333 = vector.shape_cast %broadcast_in_dim3A_332 : vector<16x1xi32> to vector<16xi32>
          %gather3A_334 = tpu.dynamic_gather %and3A_323[%gather3A_333] in [0] : vector<16xi32>, vector<16xi32> -> vector<16xi32>
          %ne3A_335 = arith.constant 0 : i32
          %ne3A_336 = vector.broadcast %ne3A_335 : i32 to vector<16xi32>
          %ne3A_337 = arith.cmpi ne, %gather3A_334, %ne3A_336 : vector<16xi32>
          %broadcast_in_dim3A_338 = arith.constant 2 : i32
          %broadcast_in_dim3A_339 = vector.broadcast %broadcast_in_dim3A_338 : i32 to vector<16xi32>
          %broadcast_in_dim3A_340 = vector.shape_cast %broadcast_in_dim3A_339 : vector<16xi32> to vector<16x1xi32>
          %gather3A_341 = vector.shape_cast %broadcast_in_dim3A_340 : vector<16x1xi32> to vector<16xi32>
          %gather3A_342 = tpu.dynamic_gather %and3A_323[%gather3A_341] in [0] : vector<16xi32>, vector<16xi32> -> vector<16xi32>
          %ne3A_343 = arith.constant 0 : i32
          %ne3A_344 = vector.broadcast %ne3A_343 : i32 to vector<16xi32>
          %ne3A_345 = arith.cmpi ne, %gather3A_342, %ne3A_344 : vector<16xi32>
          %broadcast_in_dim3A_346 = arith.constant 3 : i32
          %broadcast_in_dim3A_347 = vector.broadcast %broadcast_in_dim3A_346 : i32 to vector<16xi32>
          %broadcast_in_dim3A_348 = vector.shape_cast %broadcast_in_dim3A_347 : vector<16xi32> to vector<16x1xi32>
          %gather3A_349 = vector.shape_cast %broadcast_in_dim3A_348 : vector<16x1xi32> to vector<16xi32>
          %gather3A_350 = tpu.dynamic_gather %and3A_323[%gather3A_349] in [0] : vector<16xi32>, vector<16xi32> -> vector<16xi32>
          %ne3A_351 = arith.constant 0 : i32
          %ne3A_352 = vector.broadcast %ne3A_351 : i32 to vector<16xi32>
          %ne3A_353 = arith.cmpi ne, %gather3A_350, %ne3A_352 : vector<16xi32>
          %broadcast_in_dim3A_354 = arith.constant 4 : i32
          %broadcast_in_dim3A_355 = vector.broadcast %broadcast_in_dim3A_354 : i32 to vector<16xi32>
          %broadcast_in_dim3A_356 = vector.shape_cast %broadcast_in_dim3A_355 : vector<16xi32> to vector<16x1xi32>
          %gather3A_357 = vector.shape_cast %broadcast_in_dim3A_356 : vector<16x1xi32> to vector<16xi32>
          %gather3A_358 = tpu.dynamic_gather %and3A_323[%gather3A_357] in [0] : vector<16xi32>, vector<16xi32> -> vector<16xi32>
          %ne3A_359 = arith.constant 0 : i32
          %ne3A_360 = vector.broadcast %ne3A_359 : i32 to vector<16xi32>
          %ne3A_361 = arith.cmpi ne, %gather3A_358, %ne3A_360 : vector<16xi32>
          %broadcast_in_dim3A_362 = arith.constant 5 : i32
          %broadcast_in_dim3A_363 = vector.broadcast %broadcast_in_dim3A_362 : i32 to vector<16xi32>
          %broadcast_in_dim3A_364 = vector.shape_cast %broadcast_in_dim3A_363 : vector<16xi32> to vector<16x1xi32>
          %gather3A_365 = vector.shape_cast %broadcast_in_dim3A_364 : vector<16x1xi32> to vector<16xi32>
          %gather3A_366 = tpu.dynamic_gather %and3A_323[%gather3A_365] in [0] : vector<16xi32>, vector<16xi32> -> vector<16xi32>
          %ne3A_367 = arith.constant 0 : i32
          %ne3A_368 = vector.broadcast %ne3A_367 : i32 to vector<16xi32>
          %ne3A_369 = arith.cmpi ne, %gather3A_366, %ne3A_368 : vector<16xi32>
          %broadcast_in_dim3A_370 = arith.constant 6 : i32
          %broadcast_in_dim3A_371 = vector.broadcast %broadcast_in_dim3A_370 : i32 to vector<16xi32>
          %broadcast_in_dim3A_372 = vector.shape_cast %broadcast_in_dim3A_371 : vector<16xi32> to vector<16x1xi32>
          %gather3A_373 = vector.shape_cast %broadcast_in_dim3A_372 : vector<16x1xi32> to vector<16xi32>
          %gather3A_374 = tpu.dynamic_gather %and3A_323[%gather3A_373] in [0] : vector<16xi32>, vector<16xi32> -> vector<16xi32>
          %ne3A_375 = arith.constant 0 : i32
          %ne3A_376 = vector.broadcast %ne3A_375 : i32 to vector<16xi32>
          %ne3A_377 = arith.cmpi ne, %gather3A_374, %ne3A_376 : vector<16xi32>
          %broadcast_in_dim3A_378 = arith.constant 7 : i32
          %broadcast_in_dim3A_379 = vector.broadcast %broadcast_in_dim3A_378 : i32 to vector<16xi32>
          %broadcast_in_dim3A_380 = vector.shape_cast %broadcast_in_dim3A_379 : vector<16xi32> to vector<16x1xi32>
          %gather3A_381 = vector.shape_cast %broadcast_in_dim3A_380 : vector<16x1xi32> to vector<16xi32>
          %gather3A_382 = tpu.dynamic_gather %and3A_323[%gather3A_381] in [0] : vector<16xi32>, vector<16xi32> -> vector<16xi32>
          %ne3A_383 = arith.constant 0 : i32
          %ne3A_384 = vector.broadcast %ne3A_383 : i32 to vector<16xi32>
          %ne3A_385 = arith.cmpi ne, %gather3A_382, %ne3A_384 : vector<16xi32>
          %broadcast_in_dim3A_386 = arith.constant 8 : i32
          %broadcast_in_dim3A_387 = vector.broadcast %broadcast_in_dim3A_386 : i32 to vector<16xi32>
          %broadcast_in_dim3A_388 = vector.shape_cast %broadcast_in_dim3A_387 : vector<16xi32> to vector<16x1xi32>
          %gather3A_389 = vector.shape_cast %broadcast_in_dim3A_388 : vector<16x1xi32> to vector<16xi32>
          %gather3A_390 = tpu.dynamic_gather %and3A_323[%gather3A_389] in [0] : vector<16xi32>, vector<16xi32> -> vector<16xi32>
          %ne3A_391 = arith.constant 0 : i32
          %ne3A_392 = vector.broadcast %ne3A_391 : i32 to vector<16xi32>
          %ne3A_393 = arith.cmpi ne, %gather3A_390, %ne3A_392 : vector<16xi32>
          %broadcast_in_dim3A_394 = arith.constant 9 : i32
          %broadcast_in_dim3A_395 = vector.broadcast %broadcast_in_dim3A_394 : i32 to vector<16xi32>
          %broadcast_in_dim3A_396 = vector.shape_cast %broadcast_in_dim3A_395 : vector<16xi32> to vector<16x1xi32>
          %gather3A_397 = vector.shape_cast %broadcast_in_dim3A_396 : vector<16x1xi32> to vector<16xi32>
          %gather3A_398 = tpu.dynamic_gather %and3A_323[%gather3A_397] in [0] : vector<16xi32>, vector<16xi32> -> vector<16xi32>
          %ne3A_399 = arith.constant 0 : i32
          %ne3A_400 = vector.broadcast %ne3A_399 : i32 to vector<16xi32>
          %ne3A_401 = arith.cmpi ne, %gather3A_398, %ne3A_400 : vector<16xi32>
          %broadcast_in_dim3A_402 = arith.constant 10 : i32
          %broadcast_in_dim3A_403 = vector.broadcast %broadcast_in_dim3A_402 : i32 to vector<16xi32>
          %broadcast_in_dim3A_404 = vector.shape_cast %broadcast_in_dim3A_403 : vector<16xi32> to vector<16x1xi32>
          %gather3A_405 = vector.shape_cast %broadcast_in_dim3A_404 : vector<16x1xi32> to vector<16xi32>
          %gather3A_406 = tpu.dynamic_gather %and3A_323[%gather3A_405] in [0] : vector<16xi32>, vector<16xi32> -> vector<16xi32>
          %ne3A_407 = arith.constant 0 : i32
          %ne3A_408 = vector.broadcast %ne3A_407 : i32 to vector<16xi32>
          %ne3A_409 = arith.cmpi ne, %gather3A_406, %ne3A_408 : vector<16xi32>
          %broadcast_in_dim3A_410 = arith.constant 11 : i32
          %broadcast_in_dim3A_411 = vector.broadcast %broadcast_in_dim3A_410 : i32 to vector<16xi32>
          %broadcast_in_dim3A_412 = vector.shape_cast %broadcast_in_dim3A_411 : vector<16xi32> to vector<16x1xi32>
          %gather3A_413 = vector.shape_cast %broadcast_in_dim3A_412 : vector<16x1xi32> to vector<16xi32>
          %gather3A_414 = tpu.dynamic_gather %and3A_323[%gather3A_413] in [0] : vector<16xi32>, vector<16xi32> -> vector<16xi32>
          %ne3A_415 = arith.constant 0 : i32
          %ne3A_416 = vector.broadcast %ne3A_415 : i32 to vector<16xi32>
          %ne3A_417 = arith.cmpi ne, %gather3A_414, %ne3A_416 : vector<16xi32>
          %broadcast_in_dim3A_418 = arith.constant 12 : i32
          %broadcast_in_dim3A_419 = vector.broadcast %broadcast_in_dim3A_418 : i32 to vector<16xi32>
          %broadcast_in_dim3A_420 = vector.shape_cast %broadcast_in_dim3A_419 : vector<16xi32> to vector<16x1xi32>
          %gather3A_421 = vector.shape_cast %broadcast_in_dim3A_420 : vector<16x1xi32> to vector<16xi32>
          %gather3A_422 = tpu.dynamic_gather %and3A_323[%gather3A_421] in [0] : vector<16xi32>, vector<16xi32> -> vector<16xi32>
          %ne3A_423 = arith.constant 0 : i32
          %ne3A_424 = vector.broadcast %ne3A_423 : i32 to vector<16xi32>
          %ne3A_425 = arith.cmpi ne, %gather3A_422, %ne3A_424 : vector<16xi32>
          %broadcast_in_dim3A_426 = arith.constant 13 : i32
          %broadcast_in_dim3A_427 = vector.broadcast %broadcast_in_dim3A_426 : i32 to vector<16xi32>
          %broadcast_in_dim3A_428 = vector.shape_cast %broadcast_in_dim3A_427 : vector<16xi32> to vector<16x1xi32>
          %gather3A_429 = vector.shape_cast %broadcast_in_dim3A_428 : vector<16x1xi32> to vector<16xi32>
          %gather3A_430 = tpu.dynamic_gather %and3A_323[%gather3A_429] in [0] : vector<16xi32>, vector<16xi32> -> vector<16xi32>
          %ne3A_431 = arith.constant 0 : i32
          %ne3A_432 = vector.broadcast %ne3A_431 : i32 to vector<16xi32>
          %ne3A_433 = arith.cmpi ne, %gather3A_430, %ne3A_432 : vector<16xi32>
          %broadcast_in_dim3A_434 = arith.constant 14 : i32
          %broadcast_in_dim3A_435 = vector.broadcast %broadcast_in_dim3A_434 : i32 to vector<16xi32>
          %broadcast_in_dim3A_436 = vector.shape_cast %broadcast_in_dim3A_435 : vector<16xi32> to vector<16x1xi32>
          %gather3A_437 = vector.shape_cast %broadcast_in_dim3A_436 : vector<16x1xi32> to vector<16xi32>
          %gather3A_438 = tpu.dynamic_gather %and3A_323[%gather3A_437] in [0] : vector<16xi32>, vector<16xi32> -> vector<16xi32>
          %ne3A_439 = arith.constant 0 : i32
          %ne3A_440 = vector.broadcast %ne3A_439 : i32 to vector<16xi32>
          %ne3A_441 = arith.cmpi ne, %gather3A_438, %ne3A_440 : vector<16xi32>
          %broadcast_in_dim3A_442 = arith.constant 15 : i32
          %broadcast_in_dim3A_443 = vector.broadcast %broadcast_in_dim3A_442 : i32 to vector<16xi32>
          %broadcast_in_dim3A_444 = vector.shape_cast %broadcast_in_dim3A_443 : vector<16xi32> to vector<16x1xi32>
          %gather3A_445 = vector.shape_cast %broadcast_in_dim3A_444 : vector<16x1xi32> to vector<16xi32>
          %gather3A_446 = tpu.dynamic_gather %and3A_323[%gather3A_445] in [0] : vector<16xi32>, vector<16xi32> -> vector<16xi32>
          %ne3A_447 = arith.constant 0 : i32
          %ne3A_448 = vector.broadcast %ne3A_447 : i32 to vector<16xi32>
          %ne3A_449 = arith.cmpi ne, %gather3A_446, %ne3A_448 : vector<16xi32>
          %get3A_450 = arith.index_cast %scan3A_272 : i32 to index
          %get3A_451 = arith.index_cast %mul3A_317 : i32 to index
          %get3A_452 = tpu.vector_load %arg9[%get3A_450, %get3A_451] {strides = array<i32>} : memref<200x128xi32, #tpu.memory_space<vmem>>, vector<16xi32>,
          %ne3A_453 = arith.constant 0 : i32
          %ne3A_454 = vector.broadcast %ne3A_453 : i32 to vector<16xi32>
          %ne3A_455 = arith.cmpi ne, %get3A_452, %ne3A_454 : vector<16xi32>
          %scan3A_456 = arith.constant 0 : i32
          %scan3A_457 = arith.constant 0 : i32
          %scan3A_458 = arith.constant 4 : i32
          %scan3A_459 = arith.addi %scan3A_457, %scan3A_458 : i32
          %scan3A_460 = arith.constant 1 : i32
          scf.for %scan3A_462 = %scan3A_457 to %scan3A_459 step %scan3A_460  : i32 {
            %mul3A_463 = arith.constant 16 : i32
            %mul3A_464 = arith.muli %scan3A_462, %mul3A_463 : i32
            %add3A_465 = arith.constant 0 : i32
            %add3A_466 = arith.addi %mul3A_317, %add3A_465 : i32
            %get3A_467 = arith.index_cast %add3A_466 : i32 to index
            %get3A_468 = arith.index_cast %mul3A_464 : i32 to index
            %get3A_469 = tpu.vector_load %arg14[%get3A_467, %get3A_468] {strides = array<i32>} : memref<128x128xf32, #tpu.memory_space<vmem>>, vector<16xf32>,
            %add3A_470 = arith.constant 0 : i32
            %add3A_471 = arith.addi %mul3A_317, %add3A_470 : i32
            %add3A_472 = arith.constant 64 : i32
            %add3A_473 = arith.addi %add3A_472, %mul3A_464 : i32
            %get3A_474 = arith.index_cast %add3A_471 : i32 to index
            %get3A_475 = arith.index_cast %add3A_473 : i32 to index
            %get3A_476 = tpu.vector_load %arg14[%get3A_474, %get3A_475] {strides = array<i32>} : memref<128x128xf32, #tpu.memory_space<vmem>>, vector<16xf32>,
            %select_n3A_477 = arith.select %ne3A_329, %get3A_476, %get3A_469 : vector<16xi1>, vector<16xf32>
            %add3A_478 = arith.constant 1 : i32
            %add3A_479 = arith.addi %mul3A_317, %add3A_478 : i32
            %get3A_480 = arith.index_cast %add3A_479 : i32 to index
            %get3A_481 = arith.index_cast %mul3A_464 : i32 to index
            %get3A_482 = tpu.vector_load %arg14[%get3A_480, %get3A_481] {strides = array<i32>} : memref<128x128xf32, #tpu.memory_space<vmem>>, vector<16xf32>,
            %add3A_483 = arith.constant 1 : i32
            %add3A_484 = arith.addi %mul3A_317, %add3A_483 : i32
            %add3A_485 = arith.constant 64 : i32
            %add3A_486 = arith.addi %add3A_485, %mul3A_464 : i32
            %get3A_487 = arith.index_cast %add3A_484 : i32 to index
            %get3A_488 = arith.index_cast %add3A_486 : i32 to index
            %get3A_489 = tpu.vector_load %arg14[%get3A_487, %get3A_488] {strides = array<i32>} : memref<128x128xf32, #tpu.memory_space<vmem>>, vector<16xf32>,
            %select_n3A_490 = arith.select %ne3A_337, %get3A_489, %get3A_482 : vector<16xi1>, vector<16xf32>
            %add3A_491 = arith.constant 2 : i32
            %add3A_492 = arith.addi %mul3A_317, %add3A_491 : i32
            %get3A_493 = arith.index_cast %add3A_492 : i32 to index
            %get3A_494 = arith.index_cast %mul3A_464 : i32 to index
            %get3A_495 = tpu.vector_load %arg14[%get3A_493, %get3A_494] {strides = array<i32>} : memref<128x128xf32, #tpu.memory_space<vmem>>, vector<16xf32>,
            %add3A_496 = arith.constant 2 : i32
            %add3A_497 = arith.addi %mul3A_317, %add3A_496 : i32
            %add3A_498 = arith.constant 64 : i32
            %add3A_499 = arith.addi %add3A_498, %mul3A_464 : i32
            %get3A_500 = arith.index_cast %add3A_497 : i32 to index
            %get3A_501 = arith.index_cast %add3A_499 : i32 to index
            %get3A_502 = tpu.vector_load %arg14[%get3A_500, %get3A_501] {strides = array<i32>} : memref<128x128xf32, #tpu.memory_space<vmem>>, vector<16xf32>,
            %select_n3A_503 = arith.select %ne3A_345, %get3A_502, %get3A_495 : vector<16xi1>, vector<16xf32>
            %add3A_504 = arith.constant 3 : i32
            %add3A_505 = arith.addi %mul3A_317, %add3A_504 : i32
            %get3A_506 = arith.index_cast %add3A_505 : i32 to index
            %get3A_507 = arith.index_cast %mul3A_464 : i32 to index
            %get3A_508 = tpu.vector_load %arg14[%get3A_506, %get3A_507] {strides = array<i32>} : memref<128x128xf32, #tpu.memory_space<vmem>>, vector<16xf32>,
            %add3A_509 = arith.constant 3 : i32
            %add3A_510 = arith.addi %mul3A_317, %add3A_509 : i32
            %add3A_511 = arith.constant 64 : i32
            %add3A_512 = arith.addi %add3A_511, %mul3A_464 : i32
            %get3A_513 = arith.index_cast %add3A_510 : i32 to index
            %get3A_514 = arith.index_cast %add3A_512 : i32 to index
            %get3A_515 = tpu.vector_load %arg14[%get3A_513, %get3A_514] {strides = array<i32>} : memref<128x128xf32, #tpu.memory_space<vmem>>, vector<16xf32>,
            %select_n3A_516 = arith.select %ne3A_353, %get3A_515, %get3A_508 : vector<16xi1>, vector<16xf32>
            %add3A_517 = arith.constant 4 : i32
            %add3A_518 = arith.addi %mul3A_317, %add3A_517 : i32
            %get3A_519 = arith.index_cast %add3A_518 : i32 to index
            %get3A_520 = arith.index_cast %mul3A_464 : i32 to index
            %get3A_521 = tpu.vector_load %arg14[%get3A_519, %get3A_520] {strides = array<i32>} : memref<128x128xf32, #tpu.memory_space<vmem>>, vector<16xf32>,
            %add3A_522 = arith.constant 4 : i32
            %add3A_523 = arith.addi %mul3A_317, %add3A_522 : i32
            %add3A_524 = arith.constant 64 : i32
            %add3A_525 = arith.addi %add3A_524, %mul3A_464 : i32
            %get3A_526 = arith.index_cast %add3A_523 : i32 to index
            %get3A_527 = arith.index_cast %add3A_525 : i32 to index
            %get3A_528 = tpu.vector_load %arg14[%get3A_526, %get3A_527] {strides = array<i32>} : memref<128x128xf32, #tpu.memory_space<vmem>>, vector<16xf32>,
            %select_n3A_529 = arith.select %ne3A_361, %get3A_528, %get3A_521 : vector<16xi1>, vector<16xf32>
            %add3A_530 = arith.constant 5 : i32
            %add3A_531 = arith.addi %mul3A_317, %add3A_530 : i32
            %get3A_532 = arith.index_cast %add3A_531 : i32 to index
            %get3A_533 = arith.index_cast %mul3A_464 : i32 to index
            %get3A_534 = tpu.vector_load %arg14[%get3A_532, %get3A_533] {strides = array<i32>} : memref<128x128xf32, #tpu.memory_space<vmem>>, vector<16xf32>,
            %add3A_535 = arith.constant 5 : i32
            %add3A_536 = arith.addi %mul3A_317, %add3A_535 : i32
            %add3A_537 = arith.constant 64 : i32
            %add3A_538 = arith.addi %add3A_537, %mul3A_464 : i32
            %get3A_539 = arith.index_cast %add3A_536 : i32 to index
            %get3A_540 = arith.index_cast %add3A_538 : i32 to index
            %get3A_541 = tpu.vector_load %arg14[%get3A_539, %get3A_540] {strides = array<i32>} : memref<128x128xf32, #tpu.memory_space<vmem>>, vector<16xf32>,
            %select_n3A_542 = arith.select %ne3A_369, %get3A_541, %get3A_534 : vector<16xi1>, vector<16xf32>
            %add3A_543 = arith.constant 6 : i32
            %add3A_544 = arith.addi %mul3A_317, %add3A_543 : i32
            %get3A_545 = arith.index_cast %add3A_544 : i32 to index
            %get3A_546 = arith.index_cast %mul3A_464 : i32 to index
            %get3A_547 = tpu.vector_load %arg14[%get3A_545, %get3A_546] {strides = array<i32>} : memref<128x128xf32, #tpu.memory_space<vmem>>, vector<16xf32>,
            %add3A_548 = arith.constant 6 : i32
            %add3A_549 = arith.addi %mul3A_317, %add3A_548 : i32
            %add3A_550 = arith.constant 64 : i32
            %add3A_551 = arith.addi %add3A_550, %mul3A_464 : i32
            %get3A_552 = arith.index_cast %add3A_549 : i32 to index
            %get3A_553 = arith.index_cast %add3A_551 : i32 to index
            %get3A_554 = tpu.vector_load %arg14[%get3A_552, %get3A_553] {strides = array<i32>} : memref<128x128xf32, #tpu.memory_space<vmem>>, vector<16xf32>,
            %select_n3A_555 = arith.select %ne3A_377, %get3A_554, %get3A_547 : vector<16xi1>, vector<16xf32>
            %add3A_556 = arith.constant 7 : i32
            %add3A_557 = arith.addi %mul3A_317, %add3A_556 : i32
            %get3A_558 = arith.index_cast %add3A_557 : i32 to index
            %get3A_559 = arith.index_cast %mul3A_464 : i32 to index
            %get3A_560 = tpu.vector_load %arg14[%get3A_558, %get3A_559] {strides = array<i32>} : memref<128x128xf32, #tpu.memory_space<vmem>>, vector<16xf32>,
            %add3A_561 = arith.constant 7 : i32
            %add3A_562 = arith.addi %mul3A_317, %add3A_561 : i32
            %add3A_563 = arith.constant 64 : i32
            %add3A_564 = arith.addi %add3A_563, %mul3A_464 : i32
            %get3A_565 = arith.index_cast %add3A_562 : i32 to index
            %get3A_566 = arith.index_cast %add3A_564 : i32 to index
            %get3A_567 = tpu.vector_load %arg14[%get3A_565, %get3A_566] {strides = array<i32>} : memref<128x128xf32, #tpu.memory_space<vmem>>, vector<16xf32>,
            %select_n3A_568 = arith.select %ne3A_385, %get3A_567, %get3A_560 : vector<16xi1>, vector<16xf32>
            %add3A_569 = arith.constant 8 : i32
            %add3A_570 = arith.addi %mul3A_317, %add3A_569 : i32
            %get3A_571 = arith.index_cast %add3A_570 : i32 to index
            %get3A_572 = arith.index_cast %mul3A_464 : i32 to index
            %get3A_573 = tpu.vector_load %arg14[%get3A_571, %get3A_572] {strides = array<i32>} : memref<128x128xf32, #tpu.memory_space<vmem>>, vector<16xf32>,
            %add3A_574 = arith.constant 8 : i32
            %add3A_575 = arith.addi %mul3A_317, %add3A_574 : i32
            %add3A_576 = arith.constant 64 : i32
            %add3A_577 = arith.addi %add3A_576, %mul3A_464 : i32
            %get3A_578 = arith.index_cast %add3A_575 : i32 to index
            %get3A_579 = arith.index_cast %add3A_577 : i32 to index
            %get3A_580 = tpu.vector_load %arg14[%get3A_578, %get3A_579] {strides = array<i32>} : memref<128x128xf32, #tpu.memory_space<vmem>>, vector<16xf32>,
            %select_n3A_581 = arith.select %ne3A_393, %get3A_580, %get3A_573 : vector<16xi1>, vector<16xf32>
            %add3A_582 = arith.constant 9 : i32
            %add3A_583 = arith.addi %mul3A_317, %add3A_582 : i32
            %get3A_584 = arith.index_cast %add3A_583 : i32 to index
            %get3A_585 = arith.index_cast %mul3A_464 : i32 to index
            %get3A_586 = tpu.vector_load %arg14[%get3A_584, %get3A_585] {strides = array<i32>} : memref<128x128xf32, #tpu.memory_space<vmem>>, vector<16xf32>,
            %add3A_587 = arith.constant 9 : i32
            %add3A_588 = arith.addi %mul3A_317, %add3A_587 : i32
            %add3A_589 = arith.constant 64 : i32
            %add3A_590 = arith.addi %add3A_589, %mul3A_464 : i32
            %get3A_591 = arith.index_cast %add3A_588 : i32 to index
            %get3A_592 = arith.index_cast %add3A_590 : i32 to index
            %get3A_593 = tpu.vector_load %arg14[%get3A_591, %get3A_592] {strides = array<i32>} : memref<128x128xf32, #tpu.memory_space<vmem>>, vector<16xf32>,
            %select_n3A_594 = arith.select %ne3A_401, %get3A_593, %get3A_586 : vector<16xi1>, vector<16xf32>
            %add3A_595 = arith.constant 10 : i32
            %add3A_596 = arith.addi %mul3A_317, %add3A_595 : i32
            %get3A_597 = arith.index_cast %add3A_596 : i32 to index
            %get3A_598 = arith.index_cast %mul3A_464 : i32 to index
            %get3A_599 = tpu.vector_load %arg14[%get3A_597, %get3A_598] {strides = array<i32>} : memref<128x128xf32, #tpu.memory_space<vmem>>, vector<16xf32>,
            %add3A_600 = arith.constant 10 : i32
            %add3A_601 = arith.addi %mul3A_317, %add3A_600 : i32
            %add3A_602 = arith.constant 64 : i32
            %add3A_603 = arith.addi %add3A_602, %mul3A_464 : i32
            %get3A_604 = arith.index_cast %add3A_601 : i32 to index
            %get3A_605 = arith.index_cast %add3A_603 : i32 to index
            %get3A_606 = tpu.vector_load %arg14[%get3A_604, %get3A_605] {strides = array<i32>} : memref<128x128xf32, #tpu.memory_space<vmem>>, vector<16xf32>,
            %select_n3A_607 = arith.select %ne3A_409, %get3A_606, %get3A_599 : vector<16xi1>, vector<16xf32>
            %add3A_608 = arith.constant 11 : i32
            %add3A_609 = arith.addi %mul3A_317, %add3A_608 : i32
            %get3A_610 = arith.index_cast %add3A_609 : i32 to index
            %get3A_611 = arith.index_cast %mul3A_464 : i32 to index
            %get3A_612 = tpu.vector_load %arg14[%get3A_610, %get3A_611] {strides = array<i32>} : memref<128x128xf32, #tpu.memory_space<vmem>>, vector<16xf32>,
            %add3A_613 = arith.constant 11 : i32
            %add3A_614 = arith.addi %mul3A_317, %add3A_613 : i32
            %add3A_615 = arith.constant 64 : i32
            %add3A_616 = arith.addi %add3A_615, %mul3A_464 : i32
            %get3A_617 = arith.index_cast %add3A_614 : i32 to index
            %get3A_618 = arith.index_cast %add3A_616 : i32 to index
            %get3A_619 = tpu.vector_load %arg14[%get3A_617, %get3A_618] {strides = array<i32>} : memref<128x128xf32, #tpu.memory_space<vmem>>, vector<16xf32>,
            %select_n3A_620 = arith.select %ne3A_417, %get3A_619, %get3A_612 : vector<16xi1>, vector<16xf32>
            %add3A_621 = arith.constant 12 : i32
            %add3A_622 = arith.addi %mul3A_317, %add3A_621 : i32
            %get3A_623 = arith.index_cast %add3A_622 : i32 to index
            %get3A_624 = arith.index_cast %mul3A_464 : i32 to index
            %get3A_625 = tpu.vector_load %arg14[%get3A_623, %get3A_624] {strides = array<i32>} : memref<128x128xf32, #tpu.memory_space<vmem>>, vector<16xf32>,
            %add3A_626 = arith.constant 12 : i32
            %add3A_627 = arith.addi %mul3A_317, %add3A_626 : i32
            %add3A_628 = arith.constant 64 : i32
            %add3A_629 = arith.addi %add3A_628, %mul3A_464 : i32
            %get3A_630 = arith.index_cast %add3A_627 : i32 to index
            %get3A_631 = arith.index_cast %add3A_629 : i32 to index
            %get3A_632 = tpu.vector_load %arg14[%get3A_630, %get3A_631] {strides = array<i32>} : memref<128x128xf32, #tpu.memory_space<vmem>>, vector<16xf32>,
            %select_n3A_633 = arith.select %ne3A_425, %get3A_632, %get3A_625 : vector<16xi1>, vector<16xf32>
            %add3A_634 = arith.constant 13 : i32
            %add3A_635 = arith.addi %mul3A_317, %add3A_634 : i32
            %get3A_636 = arith.index_cast %add3A_635 : i32 to index
            %get3A_637 = arith.index_cast %mul3A_464 : i32 to index
            %get3A_638 = tpu.vector_load %arg14[%get3A_636, %get3A_637] {strides = array<i32>} : memref<128x128xf32, #tpu.memory_space<vmem>>, vector<16xf32>,
            %add3A_639 = arith.constant 13 : i32
            %add3A_640 = arith.addi %mul3A_317, %add3A_639 : i32
            %add3A_641 = arith.constant 64 : i32
            %add3A_642 = arith.addi %add3A_641, %mul3A_464 : i32
            %get3A_643 = arith.index_cast %add3A_640 : i32 to index
            %get3A_644 = arith.index_cast %add3A_642 : i32 to index
            %get3A_645 = tpu.vector_load %arg14[%get3A_643, %get3A_644] {strides = array<i32>} : memref<128x128xf32, #tpu.memory_space<vmem>>, vector<16xf32>,
            %select_n3A_646 = arith.select %ne3A_433, %get3A_645, %get3A_638 : vector<16xi1>, vector<16xf32>
            %add3A_647 = arith.constant 14 : i32
            %add3A_648 = arith.addi %mul3A_317, %add3A_647 : i32
            %get3A_649 = arith.index_cast %add3A_648 : i32 to index
            %get3A_650 = arith.index_cast %mul3A_464 : i32 to index
            %get3A_651 = tpu.vector_load %arg14[%get3A_649, %get3A_650] {strides = array<i32>} : memref<128x128xf32, #tpu.memory_space<vmem>>, vector<16xf32>,
            %add3A_652 = arith.constant 14 : i32
            %add3A_653 = arith.addi %mul3A_317, %add3A_652 : i32
            %add3A_654 = arith.constant 64 : i32
            %add3A_655 = arith.addi %add3A_654, %mul3A_464 : i32
            %get3A_656 = arith.index_cast %add3A_653 : i32 to index
            %get3A_657 = arith.index_cast %add3A_655 : i32 to index
            %get3A_658 = tpu.vector_load %arg14[%get3A_656, %get3A_657] {strides = array<i32>} : memref<128x128xf32, #tpu.memory_space<vmem>>, vector<16xf32>,
            %select_n3A_659 = arith.select %ne3A_441, %get3A_658, %get3A_651 : vector<16xi1>, vector<16xf32>
            %add3A_660 = arith.constant 15 : i32
            %add3A_661 = arith.addi %mul3A_317, %add3A_660 : i32
            %get3A_662 = arith.index_cast %add3A_661 : i32 to index
            %get3A_663 = arith.index_cast %mul3A_464 : i32 to index
            %get3A_664 = tpu.vector_load %arg14[%get3A_662, %get3A_663] {strides = array<i32>} : memref<128x128xf32, #tpu.memory_space<vmem>>, vector<16xf32>,
            %add3A_665 = arith.constant 15 : i32
            %add3A_666 = arith.addi %mul3A_317, %add3A_665 : i32
            %add3A_667 = arith.constant 64 : i32
            %add3A_668 = arith.addi %add3A_667, %mul3A_464 : i32
            %get3A_669 = arith.index_cast %add3A_666 : i32 to index
            %get3A_670 = arith.index_cast %add3A_668 : i32 to index
            %get3A_671 = tpu.vector_load %arg14[%get3A_669, %get3A_670] {strides = array<i32>} : memref<128x128xf32, #tpu.memory_space<vmem>>, vector<16xf32>,
            %select_n3A_672 = arith.select %ne3A_449, %get3A_671, %get3A_664 : vector<16xi1>, vector<16xf32>
            %broadcast_in_dim3A_673 = vector.shape_cast %xor3A_243 : vector<16xi32> to vector<16x1xi32>
            %gather3A_674 = vector.shape_cast %broadcast_in_dim3A_673 : vector<16x1xi32> to vector<16xi32>
            %gather3A_675 = tpu.dynamic_gather %select_n3A_490[%gather3A_674] in [0] : vector<16xf32>, vector<16xi32> -> vector<16xf32>
            %select_n3A_676 = arith.select %ne3A_223, %gather3A_675, %select_n3A_477 : vector<16xi1>, vector<16xf32>
            %broadcast_in_dim3A_677 = vector.shape_cast %xor3A_243 : vector<16xi32> to vector<16x1xi32>
            %gather3A_678 = vector.shape_cast %broadcast_in_dim3A_677 : vector<16x1xi32> to vector<16xi32>
            %gather3A_679 = tpu.dynamic_gather %select_n3A_477[%gather3A_678] in [0] : vector<16xf32>, vector<16xi32> -> vector<16xf32>
            %select_n3A_680 = arith.select %ne3A_223, %select_n3A_490, %gather3A_679 : vector<16xi1>, vector<16xf32>
            %broadcast_in_dim3A_681 = vector.shape_cast %xor3A_243 : vector<16xi32> to vector<16x1xi32>
            %gather3A_682 = vector.shape_cast %broadcast_in_dim3A_681 : vector<16x1xi32> to vector<16xi32>
            %gather3A_683 = tpu.dynamic_gather %select_n3A_516[%gather3A_682] in [0] : vector<16xf32>, vector<16xi32> -> vector<16xf32>
            %select_n3A_684 = arith.select %ne3A_223, %gather3A_683, %select_n3A_503 : vector<16xi1>, vector<16xf32>
            %broadcast_in_dim3A_685 = vector.shape_cast %xor3A_243 : vector<16xi32> to vector<16x1xi32>
            %gather3A_686 = vector.shape_cast %broadcast_in_dim3A_685 : vector<16x1xi32> to vector<16xi32>
            %gather3A_687 = tpu.dynamic_gather %select_n3A_503[%gather3A_686] in [0] : vector<16xf32>, vector<16xi32> -> vector<16xf32>
            %select_n3A_688 = arith.select %ne3A_223, %select_n3A_516, %gather3A_687 : vector<16xi1>, vector<16xf32>
            %broadcast_in_dim3A_689 = vector.shape_cast %xor3A_243 : vector<16xi32> to vector<16x1xi32>
            %gather3A_690 = vector.shape_cast %broadcast_in_dim3A_689 : vector<16x1xi32> to vector<16xi32>
            %gather3A_691 = tpu.dynamic_gather %select_n3A_542[%gather3A_690] in [0] : vector<16xf32>, vector<16xi32> -> vector<16xf32>
            %select_n3A_692 = arith.select %ne3A_223, %gather3A_691, %select_n3A_529 : vector<16xi1>, vector<16xf32>
            %broadcast_in_dim3A_693 = vector.shape_cast %xor3A_243 : vector<16xi32> to vector<16x1xi32>
            %gather3A_694 = vector.shape_cast %broadcast_in_dim3A_693 : vector<16x1xi32> to vector<16xi32>
            %gather3A_695 = tpu.dynamic_gather %select_n3A_529[%gather3A_694] in [0] : vector<16xf32>, vector<16xi32> -> vector<16xf32>
            %select_n3A_696 = arith.select %ne3A_223, %select_n3A_542, %gather3A_695 : vector<16xi1>, vector<16xf32>
            %broadcast_in_dim3A_697 = vector.shape_cast %xor3A_243 : vector<16xi32> to vector<16x1xi32>
            %gather3A_698 = vector.shape_cast %broadcast_in_dim3A_697 : vector<16x1xi32> to vector<16xi32>
            %gather3A_699 = tpu.dynamic_gather %select_n3A_568[%gather3A_698] in [0] : vector<16xf32>, vector<16xi32> -> vector<16xf32>
            %select_n3A_700 = arith.select %ne3A_223, %gather3A_699, %select_n3A_555 : vector<16xi1>, vector<16xf32>
            %broadcast_in_dim3A_701 = vector.shape_cast %xor3A_243 : vector<16xi32> to vector<16x1xi32>
            %gather3A_702 = vector.shape_cast %broadcast_in_dim3A_701 : vector<16x1xi32> to vector<16xi32>
            %gather3A_703 = tpu.dynamic_gather %select_n3A_555[%gather3A_702] in [0] : vector<16xf32>, vector<16xi32> -> vector<16xf32>
            %select_n3A_704 = arith.select %ne3A_223, %select_n3A_568, %gather3A_703 : vector<16xi1>, vector<16xf32>
            %broadcast_in_dim3A_705 = vector.shape_cast %xor3A_243 : vector<16xi32> to vector<16x1xi32>
            %gather3A_706 = vector.shape_cast %broadcast_in_dim3A_705 : vector<16x1xi32> to vector<16xi32>
            %gather3A_707 = tpu.dynamic_gather %select_n3A_594[%gather3A_706] in [0] : vector<16xf32>, vector<16xi32> -> vector<16xf32>
            %select_n3A_708 = arith.select %ne3A_223, %gather3A_707, %select_n3A_581 : vector<16xi1>, vector<16xf32>
            %broadcast_in_dim3A_709 = vector.shape_cast %xor3A_243 : vector<16xi32> to vector<16x1xi32>
            %gather3A_710 = vector.shape_cast %broadcast_in_dim3A_709 : vector<16x1xi32> to vector<16xi32>
            %gather3A_711 = tpu.dynamic_gather %select_n3A_581[%gather3A_710] in [0] : vector<16xf32>, vector<16xi32> -> vector<16xf32>
            %select_n3A_712 = arith.select %ne3A_223, %select_n3A_594, %gather3A_711 : vector<16xi1>, vector<16xf32>
            %broadcast_in_dim3A_713 = vector.shape_cast %xor3A_243 : vector<16xi32> to vector<16x1xi32>
            %gather3A_714 = vector.shape_cast %broadcast_in_dim3A_713 : vector<16x1xi32> to vector<16xi32>
            %gather3A_715 = tpu.dynamic_gather %select_n3A_620[%gather3A_714] in [0] : vector<16xf32>, vector<16xi32> -> vector<16xf32>
            %select_n3A_716 = arith.select %ne3A_223, %gather3A_715, %select_n3A_607 : vector<16xi1>, vector<16xf32>
            %broadcast_in_dim3A_717 = vector.shape_cast %xor3A_243 : vector<16xi32> to vector<16x1xi32>
            %gather3A_718 = vector.shape_cast %broadcast_in_dim3A_717 : vector<16x1xi32> to vector<16xi32>
            %gather3A_719 = tpu.dynamic_gather %select_n3A_607[%gather3A_718] in [0] : vector<16xf32>, vector<16xi32> -> vector<16xf32>
            %select_n3A_720 = arith.select %ne3A_223, %select_n3A_620, %gather3A_719 : vector<16xi1>, vector<16xf32>
            %broadcast_in_dim3A_721 = vector.shape_cast %xor3A_243 : vector<16xi32> to vector<16x1xi32>
            %gather3A_722 = vector.shape_cast %broadcast_in_dim3A_721 : vector<16x1xi32> to vector<16xi32>
            %gather3A_723 = tpu.dynamic_gather %select_n3A_646[%gather3A_722] in [0] : vector<16xf32>, vector<16xi32> -> vector<16xf32>
            %select_n3A_724 = arith.select %ne3A_223, %gather3A_723, %select_n3A_633 : vector<16xi1>, vector<16xf32>
            %broadcast_in_dim3A_725 = vector.shape_cast %xor3A_243 : vector<16xi32> to vector<16x1xi32>
            %gather3A_726 = vector.shape_cast %broadcast_in_dim3A_725 : vector<16x1xi32> to vector<16xi32>
            %gather3A_727 = tpu.dynamic_gather %select_n3A_633[%gather3A_726] in [0] : vector<16xf32>, vector<16xi32> -> vector<16xf32>
            %select_n3A_728 = arith.select %ne3A_223, %select_n3A_646, %gather3A_727 : vector<16xi1>, vector<16xf32>
            %broadcast_in_dim3A_729 = vector.shape_cast %xor3A_243 : vector<16xi32> to vector<16x1xi32>
            %gather3A_730 = vector.shape_cast %broadcast_in_dim3A_729 : vector<16x1xi32> to vector<16xi32>
            %gather3A_731 = tpu.dynamic_gather %select_n3A_672[%gather3A_730] in [0] : vector<16xf32>, vector<16xi32> -> vector<16xf32>
            %select_n3A_732 = arith.select %ne3A_223, %gather3A_731, %select_n3A_659 : vector<16xi1>, vector<16xf32>
            %broadcast_in_dim3A_733 = vector.shape_cast %xor3A_243 : vector<16xi32> to vector<16x1xi32>
            %gather3A_734 = vector.shape_cast %broadcast_in_dim3A_733 : vector<16x1xi32> to vector<16xi32>
            %gather3A_735 = tpu.dynamic_gather %select_n3A_659[%gather3A_734] in [0] : vector<16xf32>, vector<16xi32> -> vector<16xf32>
            %select_n3A_736 = arith.select %ne3A_223, %select_n3A_672, %gather3A_735 : vector<16xi1>, vector<16xf32>
            %broadcast_in_dim3A_737 = vector.shape_cast %xor3A_246 : vector<16xi32> to vector<16x1xi32>
            %gather3A_738 = vector.shape_cast %broadcast_in_dim3A_737 : vector<16x1xi32> to vector<16xi32>
            %gather3A_739 = tpu.dynamic_gather %select_n3A_684[%gather3A_738] in [0] : vector<16xf32>, vector<16xi32> -> vector<16xf32>
            %select_n3A_740 = arith.select %ne3A_229, %gather3A_739, %select_n3A_676 : vector<16xi1>, vector<16xf32>
            %broadcast_in_dim3A_741 = vector.shape_cast %xor3A_246 : vector<16xi32> to vector<16x1xi32>
            %gather3A_742 = vector.shape_cast %broadcast_in_dim3A_741 : vector<16x1xi32> to vector<16xi32>
            %gather3A_743 = tpu.dynamic_gather %select_n3A_676[%gather3A_742] in [0] : vector<16xf32>, vector<16xi32> -> vector<16xf32>
            %select_n3A_744 = arith.select %ne3A_229, %select_n3A_684, %gather3A_743 : vector<16xi1>, vector<16xf32>
            %broadcast_in_dim3A_745 = vector.shape_cast %xor3A_246 : vector<16xi32> to vector<16x1xi32>
            %gather3A_746 = vector.shape_cast %broadcast_in_dim3A_745 : vector<16x1xi32> to vector<16xi32>
            %gather3A_747 = tpu.dynamic_gather %select_n3A_688[%gather3A_746] in [0] : vector<16xf32>, vector<16xi32> -> vector<16xf32>
            %select_n3A_748 = arith.select %ne3A_229, %gather3A_747, %select_n3A_680 : vector<16xi1>, vector<16xf32>
            %broadcast_in_dim3A_749 = vector.shape_cast %xor3A_246 : vector<16xi32> to vector<16x1xi32>
            %gather3A_750 = vector.shape_cast %broadcast_in_dim3A_749 : vector<16x1xi32> to vector<16xi32>
            %gather3A_751 = tpu.dynamic_gather %select_n3A_680[%gather3A_750] in [0] : vector<16xf32>, vector<16xi32> -> vector<16xf32>
            %select_n3A_752 = arith.select %ne3A_229, %select_n3A_688, %gather3A_751 : vector<16xi1>, vector<16xf32>
            %broadcast_in_dim3A_753 = vector.shape_cast %xor3A_246 : vector<16xi32> to vector<16x1xi32>
            %gather3A_754 = vector.shape_cast %broadcast_in_dim3A_753 : vector<16x1xi32> to vector<16xi32>
            %gather3A_755 = tpu.dynamic_gather %select_n3A_700[%gather3A_754] in [0] : vector<16xf32>, vector<16xi32> -> vector<16xf32>
            %select_n3A_756 = arith.select %ne3A_229, %gather3A_755, %select_n3A_692 : vector<16xi1>, vector<16xf32>
            %broadcast_in_dim3A_757 = vector.shape_cast %xor3A_246 : vector<16xi32> to vector<16x1xi32>
            %gather3A_758 = vector.shape_cast %broadcast_in_dim3A_757 : vector<16x1xi32> to vector<16xi32>
            %gather3A_759 = tpu.dynamic_gather %select_n3A_692[%gather3A_758] in [0] : vector<16xf32>, vector<16xi32> -> vector<16xf32>
            %select_n3A_760 = arith.select %ne3A_229, %select_n3A_700, %gather3A_759 : vector<16xi1>, vector<16xf32>
            %broadcast_in_dim3A_761 = vector.shape_cast %xor3A_246 : vector<16xi32> to vector<16x1xi32>
            %gather3A_762 = vector.shape_cast %broadcast_in_dim3A_761 : vector<16x1xi32> to vector<16xi32>
            %gather3A_763 = tpu.dynamic_gather %select_n3A_704[%gather3A_762] in [0] : vector<16xf32>, vector<16xi32> -> vector<16xf32>
            %select_n3A_764 = arith.select %ne3A_229, %gather3A_763, %select_n3A_696 : vector<16xi1>, vector<16xf32>
            %broadcast_in_dim3A_765 = vector.shape_cast %xor3A_246 : vector<16xi32> to vector<16x1xi32>
            %gather3A_766 = vector.shape_cast %broadcast_in_dim3A_765 : vector<16x1xi32> to vector<16xi32>
            %gather3A_767 = tpu.dynamic_gather %select_n3A_696[%gather3A_766] in [0] : vector<16xf32>, vector<16xi32> -> vector<16xf32>
            %select_n3A_768 = arith.select %ne3A_229, %select_n3A_704, %gather3A_767 : vector<16xi1>, vector<16xf32>
            %broadcast_in_dim3A_769 = vector.shape_cast %xor3A_246 : vector<16xi32> to vector<16x1xi32>
            %gather3A_770 = vector.shape_cast %broadcast_in_dim3A_769 : vector<16x1xi32> to vector<16xi32>
            %gather3A_771 = tpu.dynamic_gather %select_n3A_716[%gather3A_770] in [0] : vector<16xf32>, vector<16xi32> -> vector<16xf32>
            %select_n3A_772 = arith.select %ne3A_229, %gather3A_771, %select_n3A_708 : vector<16xi1>, vector<16xf32>
            %broadcast_in_dim3A_773 = vector.shape_cast %xor3A_246 : vector<16xi32> to vector<16x1xi32>
            %gather3A_774 = vector.shape_cast %broadcast_in_dim3A_773 : vector<16x1xi32> to vector<16xi32>
            %gather3A_775 = tpu.dynamic_gather %select_n3A_708[%gather3A_774] in [0] : vector<16xf32>, vector<16xi32> -> vector<16xf32>
            %select_n3A_776 = arith.select %ne3A_229, %select_n3A_716, %gather3A_775 : vector<16xi1>, vector<16xf32>
            %broadcast_in_dim3A_777 = vector.shape_cast %xor3A_246 : vector<16xi32> to vector<16x1xi32>
            %gather3A_778 = vector.shape_cast %broadcast_in_dim3A_777 : vector<16x1xi32> to vector<16xi32>
            %gather3A_779 = tpu.dynamic_gather %select_n3A_720[%gather3A_778] in [0] : vector<16xf32>, vector<16xi32> -> vector<16xf32>
            %select_n3A_780 = arith.select %ne3A_229, %gather3A_779, %select_n3A_712 : vector<16xi1>, vector<16xf32>
            %broadcast_in_dim3A_781 = vector.shape_cast %xor3A_246 : vector<16xi32> to vector<16x1xi32>
            %gather3A_782 = vector.shape_cast %broadcast_in_dim3A_781 : vector<16x1xi32> to vector<16xi32>
            %gather3A_783 = tpu.dynamic_gather %select_n3A_712[%gather3A_782] in [0] : vector<16xf32>, vector<16xi32> -> vector<16xf32>
            %select_n3A_784 = arith.select %ne3A_229, %select_n3A_720, %gather3A_783 : vector<16xi1>, vector<16xf32>
            %broadcast_in_dim3A_785 = vector.shape_cast %xor3A_246 : vector<16xi32> to vector<16x1xi32>
            %gather3A_786 = vector.shape_cast %broadcast_in_dim3A_785 : vector<16x1xi32> to vector<16xi32>
            %gather3A_787 = tpu.dynamic_gather %select_n3A_732[%gather3A_786] in [0] : vector<16xf32>, vector<16xi32> -> vector<16xf32>
            %select_n3A_788 = arith.select %ne3A_229, %gather3A_787, %select_n3A_724 : vector<16xi1>, vector<16xf32>
            %broadcast_in_dim3A_789 = vector.shape_cast %xor3A_246 : vector<16xi32> to vector<16x1xi32>
            %gather3A_790 = vector.shape_cast %broadcast_in_dim3A_789 : vector<16x1xi32> to vector<16xi32>
            %gather3A_791 = tpu.dynamic_gather %select_n3A_724[%gather3A_790] in [0] : vector<16xf32>, vector<16xi32> -> vector<16xf32>
            %select_n3A_792 = arith.select %ne3A_229, %select_n3A_732, %gather3A_791 : vector<16xi1>, vector<16xf32>
            %broadcast_in_dim3A_793 = vector.shape_cast %xor3A_246 : vector<16xi32> to vector<16x1xi32>
            %gather3A_794 = vector.shape_cast %broadcast_in_dim3A_793 : vector<16x1xi32> to vector<16xi32>
            %gather3A_795 = tpu.dynamic_gather %select_n3A_736[%gather3A_794] in [0] : vector<16xf32>, vector<16xi32> -> vector<16xf32>
            %select_n3A_796 = arith.select %ne3A_229, %gather3A_795, %select_n3A_728 : vector<16xi1>, vector<16xf32>
            %broadcast_in_dim3A_797 = vector.shape_cast %xor3A_246 : vector<16xi32> to vector<16x1xi32>
            %gather3A_798 = vector.shape_cast %broadcast_in_dim3A_797 : vector<16x1xi32> to vector<16xi32>
            %gather3A_799 = tpu.dynamic_gather %select_n3A_728[%gather3A_798] in [0] : vector<16xf32>, vector<16xi32> -> vector<16xf32>
            %select_n3A_800 = arith.select %ne3A_229, %select_n3A_736, %gather3A_799 : vector<16xi1>, vector<16xf32>
            %broadcast_in_dim3A_801 = vector.shape_cast %xor3A_249 : vector<16xi32> to vector<16x1xi32>
            %gather3A_802 = vector.shape_cast %broadcast_in_dim3A_801 : vector<16x1xi32> to vector<16xi32>
            %gather3A_803 = tpu.dynamic_gather %select_n3A_756[%gather3A_802] in [0] : vector<16xf32>, vector<16xi32> -> vector<16xf32>
            %select_n3A_804 = arith.select %ne3A_235, %gather3A_803, %select_n3A_740 : vector<16xi1>, vector<16xf32>
            %broadcast_in_dim3A_805 = vector.shape_cast %xor3A_249 : vector<16xi32> to vector<16x1xi32>
            %gather3A_806 = vector.shape_cast %broadcast_in_dim3A_805 : vector<16x1xi32> to vector<16xi32>
            %gather3A_807 = tpu.dynamic_gather %select_n3A_740[%gather3A_806] in [0] : vector<16xf32>, vector<16xi32> -> vector<16xf32>
            %select_n3A_808 = arith.select %ne3A_235, %select_n3A_756, %gather3A_807 : vector<16xi1>, vector<16xf32>
            %broadcast_in_dim3A_809 = vector.shape_cast %xor3A_249 : vector<16xi32> to vector<16x1xi32>
            %gather3A_810 = vector.shape_cast %broadcast_in_dim3A_809 : vector<16x1xi32> to vector<16xi32>
            %gather3A_811 = tpu.dynamic_gather %select_n3A_764[%gather3A_810] in [0] : vector<16xf32>, vector<16xi32> -> vector<16xf32>
            %select_n3A_812 = arith.select %ne3A_235, %gather3A_811, %select_n3A_748 : vector<16xi1>, vector<16xf32>
            %broadcast_in_dim3A_813 = vector.shape_cast %xor3A_249 : vector<16xi32> to vector<16x1xi32>
            %gather3A_814 = vector.shape_cast %broadcast_in_dim3A_813 : vector<16x1xi32> to vector<16xi32>
            %gather3A_815 = tpu.dynamic_gather %select_n3A_748[%gather3A_814] in [0] : vector<16xf32>, vector<16xi32> -> vector<16xf32>
            %select_n3A_816 = arith.select %ne3A_235, %select_n3A_764, %gather3A_815 : vector<16xi1>, vector<16xf32>
            %broadcast_in_dim3A_817 = vector.shape_cast %xor3A_249 : vector<16xi32> to vector<16x1xi32>
            %gather3A_818 = vector.shape_cast %broadcast_in_dim3A_817 : vector<16x1xi32> to vector<16xi32>
            %gather3A_819 = tpu.dynamic_gather %select_n3A_760[%gather3A_818] in [0] : vector<16xf32>, vector<16xi32> -> vector<16xf32>
            %select_n3A_820 = arith.select %ne3A_235, %gather3A_819, %select_n3A_744 : vector<16xi1>, vector<16xf32>
            %broadcast_in_dim3A_821 = vector.shape_cast %xor3A_249 : vector<16xi32> to vector<16x1xi32>
            %gather3A_822 = vector.shape_cast %broadcast_in_dim3A_821 : vector<16x1xi32> to vector<16xi32>
            %gather3A_823 = tpu.dynamic_gather %select_n3A_744[%gather3A_822] in [0] : vector<16xf32>, vector<16xi32> -> vector<16xf32>
            %select_n3A_824 = arith.select %ne3A_235, %select_n3A_760, %gather3A_823 : vector<16xi1>, vector<16xf32>
            %broadcast_in_dim3A_825 = vector.shape_cast %xor3A_249 : vector<16xi32> to vector<16x1xi32>
            %gather3A_826 = vector.shape_cast %broadcast_in_dim3A_825 : vector<16x1xi32> to vector<16xi32>
            %gather3A_827 = tpu.dynamic_gather %select_n3A_768[%gather3A_826] in [0] : vector<16xf32>, vector<16xi32> -> vector<16xf32>
            %select_n3A_828 = arith.select %ne3A_235, %gather3A_827, %select_n3A_752 : vector<16xi1>, vector<16xf32>
            %broadcast_in_dim3A_829 = vector.shape_cast %xor3A_249 : vector<16xi32> to vector<16x1xi32>
            %gather3A_830 = vector.shape_cast %broadcast_in_dim3A_829 : vector<16x1xi32> to vector<16xi32>
            %gather3A_831 = tpu.dynamic_gather %select_n3A_752[%gather3A_830] in [0] : vector<16xf32>, vector<16xi32> -> vector<16xf32>
            %select_n3A_832 = arith.select %ne3A_235, %select_n3A_768, %gather3A_831 : vector<16xi1>, vector<16xf32>
            %broadcast_in_dim3A_833 = vector.shape_cast %xor3A_249 : vector<16xi32> to vector<16x1xi32>
            %gather3A_834 = vector.shape_cast %broadcast_in_dim3A_833 : vector<16x1xi32> to vector<16xi32>
            %gather3A_835 = tpu.dynamic_gather %select_n3A_788[%gather3A_834] in [0] : vector<16xf32>, vector<16xi32> -> vector<16xf32>
            %select_n3A_836 = arith.select %ne3A_235, %gather3A_835, %select_n3A_772 : vector<16xi1>, vector<16xf32>
            %broadcast_in_dim3A_837 = vector.shape_cast %xor3A_249 : vector<16xi32> to vector<16x1xi32>
            %gather3A_838 = vector.shape_cast %broadcast_in_dim3A_837 : vector<16x1xi32> to vector<16xi32>
            %gather3A_839 = tpu.dynamic_gather %select_n3A_772[%gather3A_838] in [0] : vector<16xf32>, vector<16xi32> -> vector<16xf32>
            %select_n3A_840 = arith.select %ne3A_235, %select_n3A_788, %gather3A_839 : vector<16xi1>, vector<16xf32>
            %broadcast_in_dim3A_841 = vector.shape_cast %xor3A_249 : vector<16xi32> to vector<16x1xi32>
            %gather3A_842 = vector.shape_cast %broadcast_in_dim3A_841 : vector<16x1xi32> to vector<16xi32>
            %gather3A_843 = tpu.dynamic_gather %select_n3A_796[%gather3A_842] in [0] : vector<16xf32>, vector<16xi32> -> vector<16xf32>
            %select_n3A_844 = arith.select %ne3A_235, %gather3A_843, %select_n3A_780 : vector<16xi1>, vector<16xf32>
            %broadcast_in_dim3A_845 = vector.shape_cast %xor3A_249 : vector<16xi32> to vector<16x1xi32>
            %gather3A_846 = vector.shape_cast %broadcast_in_dim3A_845 : vector<16x1xi32> to vector<16xi32>
            %gather3A_847 = tpu.dynamic_gather %select_n3A_780[%gather3A_846] in [0] : vector<16xf32>, vector<16xi32> -> vector<16xf32>
            %select_n3A_848 = arith.select %ne3A_235, %select_n3A_796, %gather3A_847 : vector<16xi1>, vector<16xf32>
            %broadcast_in_dim3A_849 = vector.shape_cast %xor3A_249 : vector<16xi32> to vector<16x1xi32>
            %gather3A_850 = vector.shape_cast %broadcast_in_dim3A_849 : vector<16x1xi32> to vector<16xi32>
            %gather3A_851 = tpu.dynamic_gather %select_n3A_792[%gather3A_850] in [0] : vector<16xf32>, vector<16xi32> -> vector<16xf32>
            %select_n3A_852 = arith.select %ne3A_235, %gather3A_851, %select_n3A_776 : vector<16xi1>, vector<16xf32>
            %broadcast_in_dim3A_853 = vector.shape_cast %xor3A_249 : vector<16xi32> to vector<16x1xi32>
            %gather3A_854 = vector.shape_cast %broadcast_in_dim3A_853 : vector<16x1xi32> to vector<16xi32>
            %gather3A_855 = tpu.dynamic_gather %select_n3A_776[%gather3A_854] in [0] : vector<16xf32>, vector<16xi32> -> vector<16xf32>
            %select_n3A_856 = arith.select %ne3A_235, %select_n3A_792, %gather3A_855 : vector<16xi1>, vector<16xf32>
            %broadcast_in_dim3A_857 = vector.shape_cast %xor3A_249 : vector<16xi32> to vector<16x1xi32>
            %gather3A_858 = vector.shape_cast %broadcast_in_dim3A_857 : vector<16x1xi32> to vector<16xi32>
            %gather3A_859 = tpu.dynamic_gather %select_n3A_800[%gather3A_858] in [0] : vector<16xf32>, vector<16xi32> -> vector<16xf32>
            %select_n3A_860 = arith.select %ne3A_235, %gather3A_859, %select_n3A_784 : vector<16xi1>, vector<16xf32>
            %broadcast_in_dim3A_861 = vector.shape_cast %xor3A_249 : vector<16xi32> to vector<16x1xi32>
            %gather3A_862 = vector.shape_cast %broadcast_in_dim3A_861 : vector<16x1xi32> to vector<16xi32>
            %gather3A_863 = tpu.dynamic_gather %select_n3A_784[%gather3A_862] in [0] : vector<16xf32>, vector<16xi32> -> vector<16xf32>
            %select_n3A_864 = arith.select %ne3A_235, %select_n3A_800, %gather3A_863 : vector<16xi1>, vector<16xf32>
            %broadcast_in_dim3A_865 = vector.shape_cast %xor3A_252 : vector<16xi32> to vector<16x1xi32>
            %gather3A_866 = vector.shape_cast %broadcast_in_dim3A_865 : vector<16x1xi32> to vector<16xi32>
            %gather3A_867 = tpu.dynamic_gather %select_n3A_836[%gather3A_866] in [0] : vector<16xf32>, vector<16xi32> -> vector<16xf32>
            %select_n3A_868 = arith.select %ne3A_241, %gather3A_867, %select_n3A_804 : vector<16xi1>, vector<16xf32>
            %broadcast_in_dim3A_869 = vector.shape_cast %xor3A_252 : vector<16xi32> to vector<16x1xi32>
            %gather3A_870 = vector.shape_cast %broadcast_in_dim3A_869 : vector<16x1xi32> to vector<16xi32>
            %gather3A_871 = tpu.dynamic_gather %select_n3A_804[%gather3A_870] in [0] : vector<16xf32>, vector<16xi32> -> vector<16xf32>
            %select_n3A_872 = arith.select %ne3A_241, %select_n3A_836, %gather3A_871 : vector<16xi1>, vector<16xf32>
            %broadcast_in_dim3A_873 = vector.shape_cast %xor3A_252 : vector<16xi32> to vector<16x1xi32>
            %gather3A_874 = vector.shape_cast %broadcast_in_dim3A_873 : vector<16x1xi32> to vector<16xi32>
            %gather3A_875 = tpu.dynamic_gather %select_n3A_844[%gather3A_874] in [0] : vector<16xf32>, vector<16xi32> -> vector<16xf32>
            %select_n3A_876 = arith.select %ne3A_241, %gather3A_875, %select_n3A_812 : vector<16xi1>, vector<16xf32>
            %broadcast_in_dim3A_877 = vector.shape_cast %xor3A_252 : vector<16xi32> to vector<16x1xi32>
            %gather3A_878 = vector.shape_cast %broadcast_in_dim3A_877 : vector<16x1xi32> to vector<16xi32>
            %gather3A_879 = tpu.dynamic_gather %select_n3A_812[%gather3A_878] in [0] : vector<16xf32>, vector<16xi32> -> vector<16xf32>
            %select_n3A_880 = arith.select %ne3A_241, %select_n3A_844, %gather3A_879 : vector<16xi1>, vector<16xf32>
            %broadcast_in_dim3A_881 = vector.shape_cast %xor3A_252 : vector<16xi32> to vector<16x1xi32>
            %gather3A_882 = vector.shape_cast %broadcast_in_dim3A_881 : vector<16x1xi32> to vector<16xi32>
            %gather3A_883 = tpu.dynamic_gather %select_n3A_852[%gather3A_882] in [0] : vector<16xf32>, vector<16xi32> -> vector<16xf32>
            %select_n3A_884 = arith.select %ne3A_241, %gather3A_883, %select_n3A_820 : vector<16xi1>, vector<16xf32>
            %broadcast_in_dim3A_885 = vector.shape_cast %xor3A_252 : vector<16xi32> to vector<16x1xi32>
            %gather3A_886 = vector.shape_cast %broadcast_in_dim3A_885 : vector<16x1xi32> to vector<16xi32>
            %gather3A_887 = tpu.dynamic_gather %select_n3A_820[%gather3A_886] in [0] : vector<16xf32>, vector<16xi32> -> vector<16xf32>
            %select_n3A_888 = arith.select %ne3A_241, %select_n3A_852, %gather3A_887 : vector<16xi1>, vector<16xf32>
            %broadcast_in_dim3A_889 = vector.shape_cast %xor3A_252 : vector<16xi32> to vector<16x1xi32>
            %gather3A_890 = vector.shape_cast %broadcast_in_dim3A_889 : vector<16x1xi32> to vector<16xi32>
            %gather3A_891 = tpu.dynamic_gather %select_n3A_860[%gather3A_890] in [0] : vector<16xf32>, vector<16xi32> -> vector<16xf32>
            %select_n3A_892 = arith.select %ne3A_241, %gather3A_891, %select_n3A_828 : vector<16xi1>, vector<16xf32>
            %broadcast_in_dim3A_893 = vector.shape_cast %xor3A_252 : vector<16xi32> to vector<16x1xi32>
            %gather3A_894 = vector.shape_cast %broadcast_in_dim3A_893 : vector<16x1xi32> to vector<16xi32>
            %gather3A_895 = tpu.dynamic_gather %select_n3A_828[%gather3A_894] in [0] : vector<16xf32>, vector<16xi32> -> vector<16xf32>
            %select_n3A_896 = arith.select %ne3A_241, %select_n3A_860, %gather3A_895 : vector<16xi1>, vector<16xf32>
            %broadcast_in_dim3A_897 = vector.shape_cast %xor3A_252 : vector<16xi32> to vector<16x1xi32>
            %gather3A_898 = vector.shape_cast %broadcast_in_dim3A_897 : vector<16x1xi32> to vector<16xi32>
            %gather3A_899 = tpu.dynamic_gather %select_n3A_840[%gather3A_898] in [0] : vector<16xf32>, vector<16xi32> -> vector<16xf32>
            %select_n3A_900 = arith.select %ne3A_241, %gather3A_899, %select_n3A_808 : vector<16xi1>, vector<16xf32>
            %broadcast_in_dim3A_901 = vector.shape_cast %xor3A_252 : vector<16xi32> to vector<16x1xi32>
            %gather3A_902 = vector.shape_cast %broadcast_in_dim3A_901 : vector<16x1xi32> to vector<16xi32>
            %gather3A_903 = tpu.dynamic_gather %select_n3A_808[%gather3A_902] in [0] : vector<16xf32>, vector<16xi32> -> vector<16xf32>
            %select_n3A_904 = arith.select %ne3A_241, %select_n3A_840, %gather3A_903 : vector<16xi1>, vector<16xf32>
            %broadcast_in_dim3A_905 = vector.shape_cast %xor3A_252 : vector<16xi32> to vector<16x1xi32>
            %gather3A_906 = vector.shape_cast %broadcast_in_dim3A_905 : vector<16x1xi32> to vector<16xi32>
            %gather3A_907 = tpu.dynamic_gather %select_n3A_848[%gather3A_906] in [0] : vector<16xf32>, vector<16xi32> -> vector<16xf32>
            %select_n3A_908 = arith.select %ne3A_241, %gather3A_907, %select_n3A_816 : vector<16xi1>, vector<16xf32>
            %broadcast_in_dim3A_909 = vector.shape_cast %xor3A_252 : vector<16xi32> to vector<16x1xi32>
            %gather3A_910 = vector.shape_cast %broadcast_in_dim3A_909 : vector<16x1xi32> to vector<16xi32>
            %gather3A_911 = tpu.dynamic_gather %select_n3A_816[%gather3A_910] in [0] : vector<16xf32>, vector<16xi32> -> vector<16xf32>
            %select_n3A_912 = arith.select %ne3A_241, %select_n3A_848, %gather3A_911 : vector<16xi1>, vector<16xf32>
            %broadcast_in_dim3A_913 = vector.shape_cast %xor3A_252 : vector<16xi32> to vector<16x1xi32>
            %gather3A_914 = vector.shape_cast %broadcast_in_dim3A_913 : vector<16x1xi32> to vector<16xi32>
            %gather3A_915 = tpu.dynamic_gather %select_n3A_856[%gather3A_914] in [0] : vector<16xf32>, vector<16xi32> -> vector<16xf32>
            %select_n3A_916 = arith.select %ne3A_241, %gather3A_915, %select_n3A_824 : vector<16xi1>, vector<16xf32>
            %broadcast_in_dim3A_917 = vector.shape_cast %xor3A_252 : vector<16xi32> to vector<16x1xi32>
            %gather3A_918 = vector.shape_cast %broadcast_in_dim3A_917 : vector<16x1xi32> to vector<16xi32>
            %gather3A_919 = tpu.dynamic_gather %select_n3A_824[%gather3A_918] in [0] : vector<16xf32>, vector<16xi32> -> vector<16xf32>
            %select_n3A_920 = arith.select %ne3A_241, %select_n3A_856, %gather3A_919 : vector<16xi1>, vector<16xf32>
            %broadcast_in_dim3A_921 = vector.shape_cast %xor3A_252 : vector<16xi32> to vector<16x1xi32>
            %gather3A_922 = vector.shape_cast %broadcast_in_dim3A_921 : vector<16x1xi32> to vector<16xi32>
            %gather3A_923 = tpu.dynamic_gather %select_n3A_864[%gather3A_922] in [0] : vector<16xf32>, vector<16xi32> -> vector<16xf32>
            %select_n3A_924 = arith.select %ne3A_241, %gather3A_923, %select_n3A_832 : vector<16xi1>, vector<16xf32>
            %broadcast_in_dim3A_925 = vector.shape_cast %xor3A_252 : vector<16xi32> to vector<16x1xi32>
            %gather3A_926 = vector.shape_cast %broadcast_in_dim3A_925 : vector<16x1xi32> to vector<16xi32>
            %gather3A_927 = tpu.dynamic_gather %select_n3A_832[%gather3A_926] in [0] : vector<16xf32>, vector<16xi32> -> vector<16xf32>
            %select_n3A_928 = arith.select %ne3A_241, %select_n3A_864, %gather3A_927 : vector<16xi1>, vector<16xf32>
            %add3A_929 = arith.constant 0 : i32
            %add3A_930 = arith.addi %mul3A_464, %add3A_929 : i32
            %get3A_931 = arith.index_cast %add3A_930 : i32 to index
            %get3A_932 = arith.index_cast %mul3A_317 : i32 to index
            %get3A_933 = tpu.vector_load %arg18[%get3A_931, %get3A_932] {strides = array<i32>} : memref<64x128xf32, #tpu.memory_space<vmem>>, vector<16xf32>,
            %get3A_934 = arith.index_cast %add3A_930 : i32 to index
            %get3A_935 = arith.index_cast %mul3A_317 : i32 to index
            %get3A_936 = tpu.vector_load %arg19[%get3A_934, %get3A_935] {strides = array<i32>} : memref<64x128xf32, #tpu.memory_space<vmem>>, vector<16xf32>,
            %select_n3A_937 = arith.select %ne3A_455, %get3A_936, %get3A_933 : vector<16xi1>, vector<16xf32>
            %add3A_938 = arith.addf %select_n3A_868, %select_n3A_937 : vector<16xf32>
            %swap3A_939 = arith.index_cast %add3A_930 : i32 to index
            %swap3A_940 = arith.index_cast %mul3A_317 : i32 to index
            %swap3A_941 = tpu.vector_load %arg16[%swap3A_939, %swap3A_940] {strides = array<i32>} : memref<64x128xf32, #tpu.memory_space<vmem>>, vector<16xf32>,
            tpu.vector_store %arg16[%swap3A_939, %swap3A_940], %add3A_938 {strides = array<i32>} : memref<64x128xf32, #tpu.memory_space<vmem>>, vector<16xf32>,
            %add3A_942 = arith.constant 1 : i32
            %add3A_943 = arith.addi %mul3A_464, %add3A_942 : i32
            %get3A_944 = arith.index_cast %add3A_943 : i32 to index
            %get3A_945 = arith.index_cast %mul3A_317 : i32 to index
            %get3A_946 = tpu.vector_load %arg18[%get3A_944, %get3A_945] {strides = array<i32>} : memref<64x128xf32, #tpu.memory_space<vmem>>, vector<16xf32>,
            %get3A_947 = arith.index_cast %add3A_943 : i32 to index
            %get3A_948 = arith.index_cast %mul3A_317 : i32 to index
            %get3A_949 = tpu.vector_load %arg19[%get3A_947, %get3A_948] {strides = array<i32>} : memref<64x128xf32, #tpu.memory_space<vmem>>, vector<16xf32>,
            %select_n3A_950 = arith.select %ne3A_455, %get3A_949, %get3A_946 : vector<16xi1>, vector<16xf32>
            %add3A_951 = arith.addf %select_n3A_876, %select_n3A_950 : vector<16xf32>
            %swap3A_952 = arith.index_cast %add3A_943 : i32 to index
            %swap3A_953 = arith.index_cast %mul3A_317 : i32 to index
            %swap3A_954 = tpu.vector_load %arg16[%swap3A_952, %swap3A_953] {strides = array<i32>} : memref<64x128xf32, #tpu.memory_space<vmem>>, vector<16xf32>,
            tpu.vector_store %arg16[%swap3A_952, %swap3A_953], %add3A_951 {strides = array<i32>} : memref<64x128xf32, #tpu.memory_space<vmem>>, vector<16xf32>,
            %add3A_955 = arith.constant 2 : i32
            %add3A_956 = arith.addi %mul3A_464, %add3A_955 : i32
            %get3A_957 = arith.index_cast %add3A_956 : i32 to index
            %get3A_958 = arith.index_cast %mul3A_317 : i32 to index
            %get3A_959 = tpu.vector_load %arg18[%get3A_957, %get3A_958] {strides = array<i32>} : memref<64x128xf32, #tpu.memory_space<vmem>>, vector<16xf32>,
            %get3A_960 = arith.index_cast %add3A_956 : i32 to index
            %get3A_961 = arith.index_cast %mul3A_317 : i32 to index
            %get3A_962 = tpu.vector_load %arg19[%get3A_960, %get3A_961] {strides = array<i32>} : memref<64x128xf32, #tpu.memory_space<vmem>>, vector<16xf32>,
            %select_n3A_963 = arith.select %ne3A_455, %get3A_962, %get3A_959 : vector<16xi1>, vector<16xf32>
            %add3A_964 = arith.addf %select_n3A_884, %select_n3A_963 : vector<16xf32>
            %swap3A_965 = arith.index_cast %add3A_956 : i32 to index
            %swap3A_966 = arith.index_cast %mul3A_317 : i32 to index
            %swap3A_967 = tpu.vector_load %arg16[%swap3A_965, %swap3A_966] {strides = array<i32>} : memref<64x128xf32, #tpu.memory_space<vmem>>, vector<16xf32>,
            tpu.vector_store %arg16[%swap3A_965, %swap3A_966], %add3A_964 {strides = array<i32>} : memref<64x128xf32, #tpu.memory_space<vmem>>, vector<16xf32>,
            %add3A_968 = arith.constant 3 : i32
            %add3A_969 = arith.addi %mul3A_464, %add3A_968 : i32
            %get3A_970 = arith.index_cast %add3A_969 : i32 to index
            %get3A_971 = arith.index_cast %mul3A_317 : i32 to index
            %get3A_972 = tpu.vector_load %arg18[%get3A_970, %get3A_971] {strides = array<i32>} : memref<64x128xf32, #tpu.memory_space<vmem>>, vector<16xf32>,
            %get3A_973 = arith.index_cast %add3A_969 : i32 to index
            %get3A_974 = arith.index_cast %mul3A_317 : i32 to index
            %get3A_975 = tpu.vector_load %arg19[%get3A_973, %get3A_974] {strides = array<i32>} : memref<64x128xf32, #tpu.memory_space<vmem>>, vector<16xf32>,
            %select_n3A_976 = arith.select %ne3A_455, %get3A_975, %get3A_972 : vector<16xi1>, vector<16xf32>
            %add3A_977 = arith.addf %select_n3A_892, %select_n3A_976 : vector<16xf32>
            %swap3A_978 = arith.index_cast %add3A_969 : i32 to index
            %swap3A_979 = arith.index_cast %mul3A_317 : i32 to index
            %swap3A_980 = tpu.vector_load %arg16[%swap3A_978, %swap3A_979] {strides = array<i32>} : memref<64x128xf32, #tpu.memory_space<vmem>>, vector<16xf32>,
            tpu.vector_store %arg16[%swap3A_978, %swap3A_979], %add3A_977 {strides = array<i32>} : memref<64x128xf32, #tpu.memory_space<vmem>>, vector<16xf32>,
            %add3A_981 = arith.constant 4 : i32
            %add3A_982 = arith.addi %mul3A_464, %add3A_981 : i32
            %get3A_983 = arith.index_cast %add3A_982 : i32 to index
            %get3A_984 = arith.index_cast %mul3A_317 : i32 to index
            %get3A_985 = tpu.vector_load %arg18[%get3A_983, %get3A_984] {strides = array<i32>} : memref<64x128xf32, #tpu.memory_space<vmem>>, vector<16xf32>,
            %get3A_986 = arith.index_cast %add3A_982 : i32 to index
            %get3A_987 = arith.index_cast %mul3A_317 : i32 to index
            %get3A_988 = tpu.vector_load %arg19[%get3A_986, %get3A_987] {strides = array<i32>} : memref<64x128xf32, #tpu.memory_space<vmem>>, vector<16xf32>,
            %select_n3A_989 = arith.select %ne3A_455, %get3A_988, %get3A_985 : vector<16xi1>, vector<16xf32>
            %add3A_990 = arith.addf %select_n3A_900, %select_n3A_989 : vector<16xf32>
            %swap3A_991 = arith.index_cast %add3A_982 : i32 to index
            %swap3A_992 = arith.index_cast %mul3A_317 : i32 to index
            %swap3A_993 = tpu.vector_load %arg16[%swap3A_991, %swap3A_992] {strides = array<i32>} : memref<64x128xf32, #tpu.memory_space<vmem>>, vector<16xf32>,
            tpu.vector_store %arg16[%swap3A_991, %swap3A_992], %add3A_990 {strides = array<i32>} : memref<64x128xf32, #tpu.memory_space<vmem>>, vector<16xf32>,
            %add3A_994 = arith.constant 5 : i32
            %add3A_995 = arith.addi %mul3A_464, %add3A_994 : i32
            %get3A_996 = arith.index_cast %add3A_995 : i32 to index
            %get3A_997 = arith.index_cast %mul3A_317 : i32 to index
            %get3A_998 = tpu.vector_load %arg18[%get3A_996, %get3A_997] {strides = array<i32>} : memref<64x128xf32, #tpu.memory_space<vmem>>, vector<16xf32>,
            %get3A_999 = arith.index_cast %add3A_995 : i32 to index
            %get3A_1000 = arith.index_cast %mul3A_317 : i32 to index
            %get3A_1001 = tpu.vector_load %arg19[%get3A_999, %get3A_1000] {strides = array<i32>} : memref<64x128xf32, #tpu.memory_space<vmem>>, vector<16xf32>,
            %select_n3A_1002 = arith.select %ne3A_455, %get3A_1001, %get3A_998 : vector<16xi1>, vector<16xf32>
            %add3A_1003 = arith.addf %select_n3A_908, %select_n3A_1002 : vector<16xf32>
            %swap3A_1004 = arith.index_cast %add3A_995 : i32 to index
            %swap3A_1005 = arith.index_cast %mul3A_317 : i32 to index
            %swap3A_1006 = tpu.vector_load %arg16[%swap3A_1004, %swap3A_1005] {strides = array<i32>} : memref<64x128xf32, #tpu.memory_space<vmem>>, vector<16xf32>,
            tpu.vector_store %arg16[%swap3A_1004, %swap3A_1005], %add3A_1003 {strides = array<i32>} : memref<64x128xf32, #tpu.memory_space<vmem>>, vector<16xf32>,
            %add3A_1007 = arith.constant 6 : i32
            %add3A_1008 = arith.addi %mul3A_464, %add3A_1007 : i32
            %get3A_1009 = arith.index_cast %add3A_1008 : i32 to index
            %get3A_1010 = arith.index_cast %mul3A_317 : i32 to index
            %get3A_1011 = tpu.vector_load %arg18[%get3A_1009, %get3A_1010] {strides = array<i32>} : memref<64x128xf32, #tpu.memory_space<vmem>>, vector<16xf32>,
            %get3A_1012 = arith.index_cast %add3A_1008 : i32 to index
            %get3A_1013 = arith.index_cast %mul3A_317 : i32 to index
            %get3A_1014 = tpu.vector_load %arg19[%get3A_1012, %get3A_1013] {strides = array<i32>} : memref<64x128xf32, #tpu.memory_space<vmem>>, vector<16xf32>,
            %select_n3A_1015 = arith.select %ne3A_455, %get3A_1014, %get3A_1011 : vector<16xi1>, vector<16xf32>
            %add3A_1016 = arith.addf %select_n3A_916, %select_n3A_1015 : vector<16xf32>
            %swap3A_1017 = arith.index_cast %add3A_1008 : i32 to index
            %swap3A_1018 = arith.index_cast %mul3A_317 : i32 to index
            %swap3A_1019 = tpu.vector_load %arg16[%swap3A_1017, %swap3A_1018] {strides = array<i32>} : memref<64x128xf32, #tpu.memory_space<vmem>>, vector<16xf32>,
            tpu.vector_store %arg16[%swap3A_1017, %swap3A_1018], %add3A_1016 {strides = array<i32>} : memref<64x128xf32, #tpu.memory_space<vmem>>, vector<16xf32>,
            %add3A_1020 = arith.constant 7 : i32
            %add3A_1021 = arith.addi %mul3A_464, %add3A_1020 : i32
            %get3A_1022 = arith.index_cast %add3A_1021 : i32 to index
            %get3A_1023 = arith.index_cast %mul3A_317 : i32 to index
            %get3A_1024 = tpu.vector_load %arg18[%get3A_1022, %get3A_1023] {strides = array<i32>} : memref<64x128xf32, #tpu.memory_space<vmem>>, vector<16xf32>,
            %get3A_1025 = arith.index_cast %add3A_1021 : i32 to index
            %get3A_1026 = arith.index_cast %mul3A_317 : i32 to index
            %get3A_1027 = tpu.vector_load %arg19[%get3A_1025, %get3A_1026] {strides = array<i32>} : memref<64x128xf32, #tpu.memory_space<vmem>>, vector<16xf32>,
            %select_n3A_1028 = arith.select %ne3A_455, %get3A_1027, %get3A_1024 : vector<16xi1>, vector<16xf32>
            %add3A_1029 = arith.addf %select_n3A_924, %select_n3A_1028 : vector<16xf32>
            %swap3A_1030 = arith.index_cast %add3A_1021 : i32 to index
            %swap3A_1031 = arith.index_cast %mul3A_317 : i32 to index
            %swap3A_1032 = tpu.vector_load %arg16[%swap3A_1030, %swap3A_1031] {strides = array<i32>} : memref<64x128xf32, #tpu.memory_space<vmem>>, vector<16xf32>,
            tpu.vector_store %arg16[%swap3A_1030, %swap3A_1031], %add3A_1029 {strides = array<i32>} : memref<64x128xf32, #tpu.memory_space<vmem>>, vector<16xf32>,
            %add3A_1033 = arith.constant 8 : i32
            %add3A_1034 = arith.addi %mul3A_464, %add3A_1033 : i32
            %get3A_1035 = arith.index_cast %add3A_1034 : i32 to index
            %get3A_1036 = arith.index_cast %mul3A_317 : i32 to index
            %get3A_1037 = tpu.vector_load %arg18[%get3A_1035, %get3A_1036] {strides = array<i32>} : memref<64x128xf32, #tpu.memory_space<vmem>>, vector<16xf32>,
            %get3A_1038 = arith.index_cast %add3A_1034 : i32 to index
            %get3A_1039 = arith.index_cast %mul3A_317 : i32 to index
            %get3A_1040 = tpu.vector_load %arg19[%get3A_1038, %get3A_1039] {strides = array<i32>} : memref<64x128xf32, #tpu.memory_space<vmem>>, vector<16xf32>,
            %select_n3A_1041 = arith.select %ne3A_455, %get3A_1040, %get3A_1037 : vector<16xi1>, vector<16xf32>
            %add3A_1042 = arith.addf %select_n3A_872, %select_n3A_1041 : vector<16xf32>
            %swap3A_1043 = arith.index_cast %add3A_1034 : i32 to index
            %swap3A_1044 = arith.index_cast %mul3A_317 : i32 to index
            %swap3A_1045 = tpu.vector_load %arg16[%swap3A_1043, %swap3A_1044] {strides = array<i32>} : memref<64x128xf32, #tpu.memory_space<vmem>>, vector<16xf32>,
            tpu.vector_store %arg16[%swap3A_1043, %swap3A_1044], %add3A_1042 {strides = array<i32>} : memref<64x128xf32, #tpu.memory_space<vmem>>, vector<16xf32>,
            %add3A_1046 = arith.constant 9 : i32
            %add3A_1047 = arith.addi %mul3A_464, %add3A_1046 : i32
            %get3A_1048 = arith.index_cast %add3A_1047 : i32 to index
            %get3A_1049 = arith.index_cast %mul3A_317 : i32 to index
            %get3A_1050 = tpu.vector_load %arg18[%get3A_1048, %get3A_1049] {strides = array<i32>} : memref<64x128xf32, #tpu.memory_space<vmem>>, vector<16xf32>,
            %get3A_1051 = arith.index_cast %add3A_1047 : i32 to index
            %get3A_1052 = arith.index_cast %mul3A_317 : i32 to index
            %get3A_1053 = tpu.vector_load %arg19[%get3A_1051, %get3A_1052] {strides = array<i32>} : memref<64x128xf32, #tpu.memory_space<vmem>>, vector<16xf32>,
            %select_n3A_1054 = arith.select %ne3A_455, %get3A_1053, %get3A_1050 : vector<16xi1>, vector<16xf32>
            %add3A_1055 = arith.addf %select_n3A_880, %select_n3A_1054 : vector<16xf32>
            %swap3A_1056 = arith.index_cast %add3A_1047 : i32 to index
            %swap3A_1057 = arith.index_cast %mul3A_317 : i32 to index
            %swap3A_1058 = tpu.vector_load %arg16[%swap3A_1056, %swap3A_1057] {strides = array<i32>} : memref<64x128xf32, #tpu.memory_space<vmem>>, vector<16xf32>,
            tpu.vector_store %arg16[%swap3A_1056, %swap3A_1057], %add3A_1055 {strides = array<i32>} : memref<64x128xf32, #tpu.memory_space<vmem>>, vector<16xf32>,
            %add3A_1059 = arith.constant 10 : i32
            %add3A_1060 = arith.addi %mul3A_464, %add3A_1059 : i32
            %get3A_1061 = arith.index_cast %add3A_1060 : i32 to index
            %get3A_1062 = arith.index_cast %mul3A_317 : i32 to index
            %get3A_1063 = tpu.vector_load %arg18[%get3A_1061, %get3A_1062] {strides = array<i32>} : memref<64x128xf32, #tpu.memory_space<vmem>>, vector<16xf32>,
            %get3A_1064 = arith.index_cast %add3A_1060 : i32 to index
            %get3A_1065 = arith.index_cast %mul3A_317 : i32 to index
            %get3A_1066 = tpu.vector_load %arg19[%get3A_1064, %get3A_1065] {strides = array<i32>} : memref<64x128xf32, #tpu.memory_space<vmem>>, vector<16xf32>,
            %select_n3A_1067 = arith.select %ne3A_455, %get3A_1066, %get3A_1063 : vector<16xi1>, vector<16xf32>
            %add3A_1068 = arith.addf %select_n3A_888, %select_n3A_1067 : vector<16xf32>
            %swap3A_1069 = arith.index_cast %add3A_1060 : i32 to index
            %swap3A_1070 = arith.index_cast %mul3A_317 : i32 to index
            %swap3A_1071 = tpu.vector_load %arg16[%swap3A_1069, %swap3A_1070] {strides = array<i32>} : memref<64x128xf32, #tpu.memory_space<vmem>>, vector<16xf32>,
            tpu.vector_store %arg16[%swap3A_1069, %swap3A_1070], %add3A_1068 {strides = array<i32>} : memref<64x128xf32, #tpu.memory_space<vmem>>, vector<16xf32>,
            %add3A_1072 = arith.constant 11 : i32
            %add3A_1073 = arith.addi %mul3A_464, %add3A_1072 : i32
            %get3A_1074 = arith.index_cast %add3A_1073 : i32 to index
            %get3A_1075 = arith.index_cast %mul3A_317 : i32 to index
            %get3A_1076 = tpu.vector_load %arg18[%get3A_1074, %get3A_1075] {strides = array<i32>} : memref<64x128xf32, #tpu.memory_space<vmem>>, vector<16xf32>,
            %get3A_1077 = arith.index_cast %add3A_1073 : i32 to index
            %get3A_1078 = arith.index_cast %mul3A_317 : i32 to index
            %get3A_1079 = tpu.vector_load %arg19[%get3A_1077, %get3A_1078] {strides = array<i32>} : memref<64x128xf32, #tpu.memory_space<vmem>>, vector<16xf32>,
            %select_n3A_1080 = arith.select %ne3A_455, %get3A_1079, %get3A_1076 : vector<16xi1>, vector<16xf32>
            %add3A_1081 = arith.addf %select_n3A_896, %select_n3A_1080 : vector<16xf32>
            %swap3A_1082 = arith.index_cast %add3A_1073 : i32 to index
            %swap3A_1083 = arith.index_cast %mul3A_317 : i32 to index
            %swap3A_1084 = tpu.vector_load %arg16[%swap3A_1082, %swap3A_1083] {strides = array<i32>} : memref<64x128xf32, #tpu.memory_space<vmem>>, vector<16xf32>,
            tpu.vector_store %arg16[%swap3A_1082, %swap3A_1083], %add3A_1081 {strides = array<i32>} : memref<64x128xf32, #tpu.memory_space<vmem>>, vector<16xf32>,
            %add3A_1085 = arith.constant 12 : i32
            %add3A_1086 = arith.addi %mul3A_464, %add3A_1085 : i32
            %get3A_1087 = arith.index_cast %add3A_1086 : i32 to index
            %get3A_1088 = arith.index_cast %mul3A_317 : i32 to index
            %get3A_1089 = tpu.vector_load %arg18[%get3A_1087, %get3A_1088] {strides = array<i32>} : memref<64x128xf32, #tpu.memory_space<vmem>>, vector<16xf32>,
            %get3A_1090 = arith.index_cast %add3A_1086 : i32 to index
            %get3A_1091 = arith.index_cast %mul3A_317 : i32 to index
            %get3A_1092 = tpu.vector_load %arg19[%get3A_1090, %get3A_1091] {strides = array<i32>} : memref<64x128xf32, #tpu.memory_space<vmem>>, vector<16xf32>,
            %select_n3A_1093 = arith.select %ne3A_455, %get3A_1092, %get3A_1089 : vector<16xi1>, vector<16xf32>
            %add3A_1094 = arith.addf %select_n3A_904, %select_n3A_1093 : vector<16xf32>
            %swap3A_1095 = arith.index_cast %add3A_1086 : i32 to index
            %swap3A_1096 = arith.index_cast %mul3A_317 : i32 to index
            %swap3A_1097 = tpu.vector_load %arg16[%swap3A_1095, %swap3A_1096] {strides = array<i32>} : memref<64x128xf32, #tpu.memory_space<vmem>>, vector<16xf32>,
            tpu.vector_store %arg16[%swap3A_1095, %swap3A_1096], %add3A_1094 {strides = array<i32>} : memref<64x128xf32, #tpu.memory_space<vmem>>, vector<16xf32>,
            %add3A_1098 = arith.constant 13 : i32
            %add3A_1099 = arith.addi %mul3A_464, %add3A_1098 : i32
            %get3A_1100 = arith.index_cast %add3A_1099 : i32 to index
            %get3A_1101 = arith.index_cast %mul3A_317 : i32 to index
            %get3A_1102 = tpu.vector_load %arg18[%get3A_1100, %get3A_1101] {strides = array<i32>} : memref<64x128xf32, #tpu.memory_space<vmem>>, vector<16xf32>,
            %get3A_1103 = arith.index_cast %add3A_1099 : i32 to index
            %get3A_1104 = arith.index_cast %mul3A_317 : i32 to index
            %get3A_1105 = tpu.vector_load %arg19[%get3A_1103, %get3A_1104] {strides = array<i32>} : memref<64x128xf32, #tpu.memory_space<vmem>>, vector<16xf32>,
            %select_n3A_1106 = arith.select %ne3A_455, %get3A_1105, %get3A_1102 : vector<16xi1>, vector<16xf32>
            %add3A_1107 = arith.addf %select_n3A_912, %select_n3A_1106 : vector<16xf32>
            %swap3A_1108 = arith.index_cast %add3A_1099 : i32 to index
            %swap3A_1109 = arith.index_cast %mul3A_317 : i32 to index
            %swap3A_1110 = tpu.vector_load %arg16[%swap3A_1108, %swap3A_1109] {strides = array<i32>} : memref<64x128xf32, #tpu.memory_space<vmem>>, vector<16xf32>,
            tpu.vector_store %arg16[%swap3A_1108, %swap3A_1109], %add3A_1107 {strides = array<i32>} : memref<64x128xf32, #tpu.memory_space<vmem>>, vector<16xf32>,
            %add3A_1111 = arith.constant 14 : i32
            %add3A_1112 = arith.addi %mul3A_464, %add3A_1111 : i32
            %get3A_1113 = arith.index_cast %add3A_1112 : i32 to index
            %get3A_1114 = arith.index_cast %mul3A_317 : i32 to index
            %get3A_1115 = tpu.vector_load %arg18[%get3A_1113, %get3A_1114] {strides = array<i32>} : memref<64x128xf32, #tpu.memory_space<vmem>>, vector<16xf32>,
            %get3A_1116 = arith.index_cast %add3A_1112 : i32 to index
            %get3A_1117 = arith.index_cast %mul3A_317 : i32 to index
            %get3A_1118 = tpu.vector_load %arg19[%get3A_1116, %get3A_1117] {strides = array<i32>} : memref<64x128xf32, #tpu.memory_space<vmem>>, vector<16xf32>,
            %select_n3A_1119 = arith.select %ne3A_455, %get3A_1118, %get3A_1115 : vector<16xi1>, vector<16xf32>
            %add3A_1120 = arith.addf %select_n3A_920, %select_n3A_1119 : vector<16xf32>
            %swap3A_1121 = arith.index_cast %add3A_1112 : i32 to index
            %swap3A_1122 = arith.index_cast %mul3A_317 : i32 to index
            %swap3A_1123 = tpu.vector_load %arg16[%swap3A_1121, %swap3A_1122] {strides = array<i32>} : memref<64x128xf32, #tpu.memory_space<vmem>>, vector<16xf32>,
            tpu.vector_store %arg16[%swap3A_1121, %swap3A_1122], %add3A_1120 {strides = array<i32>} : memref<64x128xf32, #tpu.memory_space<vmem>>, vector<16xf32>,
            %add3A_1124 = arith.constant 15 : i32
            %add3A_1125 = arith.addi %mul3A_464, %add3A_1124 : i32
            %get3A_1126 = arith.index_cast %add3A_1125 : i32 to index
            %get3A_1127 = arith.index_cast %mul3A_317 : i32 to index
            %get3A_1128 = tpu.vector_load %arg18[%get3A_1126, %get3A_1127] {strides = array<i32>} : memref<64x128xf32, #tpu.memory_space<vmem>>, vector<16xf32>,
            %get3A_1129 = arith.index_cast %add3A_1125 : i32 to index
            %get3A_1130 = arith.index_cast %mul3A_317 : i32 to index
            %get3A_1131 = tpu.vector_load %arg19[%get3A_1129, %get3A_1130] {strides = array<i32>} : memref<64x128xf32, #tpu.memory_space<vmem>>, vector<16xf32>,
            %select_n3A_1132 = arith.select %ne3A_455, %get3A_1131, %get3A_1128 : vector<16xi1>, vector<16xf32>
            %add3A_1133 = arith.addf %select_n3A_928, %select_n3A_1132 : vector<16xf32>
            %swap3A_1134 = arith.index_cast %add3A_1125 : i32 to index
            %swap3A_1135 = arith.index_cast %mul3A_317 : i32 to index
            %swap3A_1136 = tpu.vector_load %arg16[%swap3A_1134, %swap3A_1135] {strides = array<i32>} : memref<64x128xf32, #tpu.memory_space<vmem>>, vector<16xf32>,
            tpu.vector_store %arg16[%swap3A_1134, %swap3A_1135], %add3A_1133 {strides = array<i32>} : memref<64x128xf32, #tpu.memory_space<vmem>>, vector<16xf32>,
          }
          %scan3A_461 = arith.constant 4 : i32
        }
        %scan3A_299 = arith.constant 8 : i32
        %add3A_300 = arith.constant 1 : i32
        %add3A_301 = arith.addi %scan3A_272, %add3A_300 : i32
        %dma_start3A_302 = arith.constant 0 : i32
        %dma_start3A_303 = tpu.memref_slice %arg7[%add3A_301, %dma_start3A_302, %mul3A_2] : memref<201x64x4096xf32, #tpu.memory_space<hbm>> -> memref<1x64x128xf32, #tpu.memory_space<hbm>>
        %dma_start3A_304 = tpu.memref_squeeze %dma_start3A_303 : memref<1x64x128xf32, #tpu.memory_space<hbm>> -> memref<64x128xf32, #tpu.memory_space<hbm>>
        %dma_start3A_305 = arith.constant 0 : i32
        %dma_start3A_306 = tpu.memref_slice %arg7[%add3A_301, %dma_start3A_305, %mul3A_2] : memref<201x64x4096xf32, #tpu.memory_space<hbm>> -> memref<1x64x128xf32, #tpu.memory_space<hbm>>
        %dma_start3A_307 = tpu.memref_squeeze %dma_start3A_306 : memref<1x64x128xf32, #tpu.memory_space<hbm>> -> memref<64x128xf32, #tpu.memory_space<hbm>>
        tpu.enqueue_dma source(%arg16 : memref<64x128xf32, #tpu.memory_space<vmem>>) target(%dma_start3A_307 : memref<64x128xf32, #tpu.memory_space<hbm>>) target_semaphore(%arg22 : memref<!tpu.dma_semaphore, #tpu.memory_space<semaphore_mem>>)
        %add3A_308 = arith.constant 2 : i32
        %add3A_309 = arith.addi %scan3A_272, %add3A_308 : i32
        %lt3A_310 = arith.constant 200 : i32
        %lt3A_311 = arith.cmpi slt, %add3A_309, %lt3A_310 : i32
        %convert_element_type3A_312 = arith.extui %lt3A_311 : i1 to i32
        %cond3A_313 = arith.constant 0 : i32
        %cond3A_314 = arith.cmpi ne, %convert_element_type3A_312, %cond3A_313 : i32
        scf.if %cond3A_314 {
          %add3A_315 = arith.constant 2 : i32
          %add3A_316 = arith.addi %scan3A_272, %add3A_315 : i32
          %get3A_317 = arith.index_cast %add3A_316 : i32 to index
          %get3A_318 = arith.constant 0 : index
          %get3A_319 = tpu.vector_load %arg8[%get3A_317, %get3A_318] {strides = array<i32>} : memref<200x128xi32, #tpu.memory_space<vmem>>, vector<16xi32>,
          %shift_right_logical3A_320 = arith.constant 1 : i32
          %shift_right_logical3A_321 = vector.broadcast %shift_right_logical3A_320 : i32 to vector<16xi32>
          %shift_right_logical3A_322 = arith.shrui %get3A_319, %shift_right_logical3A_321 : vector<16xi32>
          %swap3A_323 = arith.constant 0 : index
          %swap3A_324 = tpu.vector_load %arg12[%swap3A_323] {strides = array<i32>} : memref<128xi32, #tpu.memory_space<vmem>>, vector<16xi32>,
          tpu.vector_store %arg12[%swap3A_323], %shift_right_logical3A_322 {strides = array<i32>} : memref<128xi32, #tpu.memory_space<vmem>>, vector<16xi32>,
          %get3A_325 = arith.index_cast %add3A_316 : i32 to index
          %get3A_326 = arith.constant 16 : index
          %get3A_327 = tpu.vector_load %arg8[%get3A_325, %get3A_326] {strides = array<i32>} : memref<200x128xi32, #tpu.memory_space<vmem>>, vector<16xi32>,
          %shift_right_logical3A_328 = arith.constant 1 : i32
          %shift_right_logical3A_329 = vector.broadcast %shift_right_logical3A_328 : i32 to vector<16xi32>
          %shift_right_logical3A_330 = arith.shrui %get3A_327, %shift_right_logical3A_329 : vector<16xi32>
          %swap3A_331 = arith.constant 16 : index
          %swap3A_332 = tpu.vector_load %arg12[%swap3A_331] {strides = array<i32>} : memref<128xi32, #tpu.memory_space<vmem>>, vector<16xi32>,
          tpu.vector_store %arg12[%swap3A_331], %shift_right_logical3A_330 {strides = array<i32>} : memref<128xi32, #tpu.memory_space<vmem>>, vector<16xi32>,
          %get3A_333 = arith.index_cast %add3A_316 : i32 to index
          %get3A_334 = arith.constant 32 : index
          %get3A_335 = tpu.vector_load %arg8[%get3A_333, %get3A_334] {strides = array<i32>} : memref<200x128xi32, #tpu.memory_space<vmem>>, vector<16xi32>,
          %shift_right_logical3A_336 = arith.constant 1 : i32
          %shift_right_logical3A_337 = vector.broadcast %shift_right_logical3A_336 : i32 to vector<16xi32>
          %shift_right_logical3A_338 = arith.shrui %get3A_335, %shift_right_logical3A_337 : vector<16xi32>
          %swap3A_339 = arith.constant 32 : index
          %swap3A_340 = tpu.vector_load %arg12[%swap3A_339] {strides = array<i32>} : memref<128xi32, #tpu.memory_space<vmem>>, vector<16xi32>,
          tpu.vector_store %arg12[%swap3A_339], %shift_right_logical3A_338 {strides = array<i32>} : memref<128xi32, #tpu.memory_space<vmem>>, vector<16xi32>,
          %get3A_341 = arith.index_cast %add3A_316 : i32 to index
          %get3A_342 = arith.constant 48 : index
          %get3A_343 = tpu.vector_load %arg8[%get3A_341, %get3A_342] {strides = array<i32>} : memref<200x128xi32, #tpu.memory_space<vmem>>, vector<16xi32>,
          %shift_right_logical3A_344 = arith.constant 1 : i32
          %shift_right_logical3A_345 = vector.broadcast %shift_right_logical3A_344 : i32 to vector<16xi32>
          %shift_right_logical3A_346 = arith.shrui %get3A_343, %shift_right_logical3A_345 : vector<16xi32>
          %swap3A_347 = arith.constant 48 : index
          %swap3A_348 = tpu.vector_load %arg12[%swap3A_347] {strides = array<i32>} : memref<128xi32, #tpu.memory_space<vmem>>, vector<16xi32>,
          tpu.vector_store %arg12[%swap3A_347], %shift_right_logical3A_346 {strides = array<i32>} : memref<128xi32, #tpu.memory_space<vmem>>, vector<16xi32>,
          %get3A_349 = arith.index_cast %add3A_316 : i32 to index
          %get3A_350 = arith.constant 64 : index
          %get3A_351 = tpu.vector_load %arg8[%get3A_349, %get3A_350] {strides = array<i32>} : memref<200x128xi32, #tpu.memory_space<vmem>>, vector<16xi32>,
          %shift_right_logical3A_352 = arith.constant 1 : i32
          %shift_right_logical3A_353 = vector.broadcast %shift_right_logical3A_352 : i32 to vector<16xi32>
          %shift_right_logical3A_354 = arith.shrui %get3A_351, %shift_right_logical3A_353 : vector<16xi32>
          %swap3A_355 = arith.constant 64 : index
          %swap3A_356 = tpu.vector_load %arg12[%swap3A_355] {strides = array<i32>} : memref<128xi32, #tpu.memory_space<vmem>>, vector<16xi32>,
          tpu.vector_store %arg12[%swap3A_355], %shift_right_logical3A_354 {strides = array<i32>} : memref<128xi32, #tpu.memory_space<vmem>>, vector<16xi32>,
          %get3A_357 = arith.index_cast %add3A_316 : i32 to index
          %get3A_358 = arith.constant 80 : index
          %get3A_359 = tpu.vector_load %arg8[%get3A_357, %get3A_358] {strides = array<i32>} : memref<200x128xi32, #tpu.memory_space<vmem>>, vector<16xi32>,
          %shift_right_logical3A_360 = arith.constant 1 : i32
          %shift_right_logical3A_361 = vector.broadcast %shift_right_logical3A_360 : i32 to vector<16xi32>
          %shift_right_logical3A_362 = arith.shrui %get3A_359, %shift_right_logical3A_361 : vector<16xi32>
          %swap3A_363 = arith.constant 80 : index
          %swap3A_364 = tpu.vector_load %arg12[%swap3A_363] {strides = array<i32>} : memref<128xi32, #tpu.memory_space<vmem>>, vector<16xi32>,
          tpu.vector_store %arg12[%swap3A_363], %shift_right_logical3A_362 {strides = array<i32>} : memref<128xi32, #tpu.memory_space<vmem>>, vector<16xi32>,
          %get3A_365 = arith.index_cast %add3A_316 : i32 to index
          %get3A_366 = arith.constant 96 : index
          %get3A_367 = tpu.vector_load %arg8[%get3A_365, %get3A_366] {strides = array<i32>} : memref<200x128xi32, #tpu.memory_space<vmem>>, vector<16xi32>,
          %shift_right_logical3A_368 = arith.constant 1 : i32
          %shift_right_logical3A_369 = vector.broadcast %shift_right_logical3A_368 : i32 to vector<16xi32>
          %shift_right_logical3A_370 = arith.shrui %get3A_367, %shift_right_logical3A_369 : vector<16xi32>
          %swap3A_371 = arith.constant 96 : index
          %swap3A_372 = tpu.vector_load %arg12[%swap3A_371] {strides = array<i32>} : memref<128xi32, #tpu.memory_space<vmem>>, vector<16xi32>,
          tpu.vector_store %arg12[%swap3A_371], %shift_right_logical3A_370 {strides = array<i32>} : memref<128xi32, #tpu.memory_space<vmem>>, vector<16xi32>,
          %get3A_373 = arith.index_cast %add3A_316 : i32 to index
          %get3A_374 = arith.constant 112 : index
          %get3A_375 = tpu.vector_load %arg8[%get3A_373, %get3A_374] {strides = array<i32>} : memref<200x128xi32, #tpu.memory_space<vmem>>, vector<16xi32>,
          %shift_right_logical3A_376 = arith.constant 1 : i32
          %shift_right_logical3A_377 = vector.broadcast %shift_right_logical3A_376 : i32 to vector<16xi32>
          %shift_right_logical3A_378 = arith.shrui %get3A_375, %shift_right_logical3A_377 : vector<16xi32>
          %swap3A_379 = arith.constant 112 : index
          %swap3A_380 = tpu.vector_load %arg12[%swap3A_379] {strides = array<i32>} : memref<128xi32, #tpu.memory_space<vmem>>, vector<16xi32>,
          tpu.vector_store %arg12[%swap3A_379], %shift_right_logical3A_378 {strides = array<i32>} : memref<128xi32, #tpu.memory_space<vmem>>, vector<16xi32>,
          %dma_start3A_381 = arith.constant 0 : i32
          %dma_start3A_382 = arith.constant 0 : i32
          %dma_start3A_383 = tpu.memref_slice %arg4[%dma_start3A_381, %dma_start3A_382] : memref<500000x128xf32, #tpu.memory_space<hbm>> -> memref<500000x128xf32, #tpu.memory_space<hbm>>
          tpu.enqueue_indirect_dma source(%dma_start3A_383 : memref<500000x128xf32, #tpu.memory_space<hbm>>) target(%arg14 : memref<128x128xf32, #tpu.memory_space<vmem>>) offsets(%arg12 : memref<128xi32, #tpu.memory_space<vmem>>) semaphore(%arg20 : memref<!tpu.dma_semaphore, #tpu.memory_space<semaphore_mem>>)
        } else {
        }
      } else {
        %dma_wait3A_287 = arith.constant 0 : i32
        %dma_wait3A_288 = arith.constant 0 : i32
        %dma_wait3A_289 = tpu.memref_slice %arg4[%dma_wait3A_287, %dma_wait3A_288] : memref<500000x128xf32, #tpu.memory_space<hbm>> -> memref<500000x128xf32, #tpu.memory_space<hbm>>
        tpu.wait_indirect_dma semaphore(%arg21 : memref<!tpu.dma_semaphore, #tpu.memory_space<semaphore_mem>>) src(%dma_wait3A_289 : memref<500000x128xf32, #tpu.memory_space<hbm>>) dst(%arg15 : memref<128x128xf32, #tpu.memory_space<vmem>>)
        %ge3A = arith.constant 2 : i32
        %ge3A_290 = arith.cmpi sge, %scan3A_272, %ge3A : i32
        %convert_element_type3A_291 = arith.extui %ge3A_290 : i1 to i32
        %cond3A_292 = arith.constant 0 : i32
        %cond3A_293 = arith.cmpi ne, %convert_element_type3A_291, %cond3A_292 : i32
        scf.if %cond3A_293 {
          %dma_wait3A_315 = arith.constant 0 : i32
          %dma_wait3A_316 = arith.constant 0 : i32
          %dma_wait3A_317 = tpu.memref_slice %arg7[%dma_wait3A_315, %dma_wait3A_316, %mul3A_2] : memref<201x64x4096xf32, #tpu.memory_space<hbm>> -> memref<1x64x128xf32, #tpu.memory_space<hbm>>
          %dma_wait3A_318 = tpu.memref_squeeze %dma_wait3A_317 : memref<1x64x128xf32, #tpu.memory_space<hbm>> -> memref<64x128xf32, #tpu.memory_space<hbm>>
          %dma_wait3A_319 = arith.constant 0 : i32
          %dma_wait3A_320 = tpu.memref_slice %arg7[%dma_wait3A_315, %dma_wait3A_319, %mul3A_2] : memref<201x64x4096xf32, #tpu.memory_space<hbm>> -> memref<1x64x128xf32, #tpu.memory_space<hbm>>
          %dma_wait3A_321 = tpu.memref_squeeze %dma_wait3A_320 : memref<1x64x128xf32, #tpu.memory_space<hbm>> -> memref<64x128xf32, #tpu.memory_space<hbm>>
          tpu.wait_dma2 semaphore(%arg23 : memref<!tpu.dma_semaphore, #tpu.memory_space<semaphore_mem>>) src(%arg17 : memref<64x128xf32, #tpu.memory_space<vmem>>) dst(%dma_wait3A_321 : memref<64x128xf32, #tpu.memory_space<hbm>>)
        } else {
        }
        %scan3A_294 = arith.constant 0 : i32
        %scan3A_295 = arith.constant 0 : i32
        %scan3A_296 = arith.constant 8 : i32
        %scan3A_297 = arith.addi %scan3A_295, %scan3A_296 : i32
        %scan3A_298 = arith.constant 1 : i32
        scf.for %scan3A_315 = %scan3A_295 to %scan3A_297 step %scan3A_298  : i32 {
          %mul3A_316 = arith.constant 16 : i32
          %mul3A_317 = arith.muli %scan3A_315, %mul3A_316 : i32
          %get3A_318 = arith.index_cast %scan3A_272 : i32 to index
          %get3A_319 = arith.index_cast %mul3A_317 : i32 to index
          %get3A_320 = tpu.vector_load %arg8[%get3A_318, %get3A_319] {strides = array<i32>} : memref<200x128xi32, #tpu.memory_space<vmem>>, vector<16xi32>,
          %and3A_321 = arith.constant 1 : i32
          %and3A_322 = vector.broadcast %and3A_321 : i32 to vector<16xi32>
          %and3A_323 = arith.andi %get3A_320, %and3A_322 : vector<16xi32>
          %broadcast_in_dim3A = arith.constant 0 : i32
          %broadcast_in_dim3A_324 = vector.broadcast %broadcast_in_dim3A : i32 to vector<16xi32>
          %broadcast_in_dim3A_325 = vector.shape_cast %broadcast_in_dim3A_324 : vector<16xi32> to vector<16x1xi32>
          %gather3A = vector.shape_cast %broadcast_in_dim3A_325 : vector<16x1xi32> to vector<16xi32>
          %gather3A_326 = tpu.dynamic_gather %and3A_323[%gather3A] in [0] : vector<16xi32>, vector<16xi32> -> vector<16xi32>
          %ne3A_327 = arith.constant 0 : i32
          %ne3A_328 = vector.broadcast %ne3A_327 : i32 to vector<16xi32>
          %ne3A_329 = arith.cmpi ne, %gather3A_326, %ne3A_328 : vector<16xi32>
          %broadcast_in_dim3A_330 = arith.constant 1 : i32
          %broadcast_in_dim3A_331 = vector.broadcast %broadcast_in_dim3A_330 : i32 to vector<16xi32>
          %broadcast_in_dim3A_332 = vector.shape_cast %broadcast_in_dim3A_331 : vector<16xi32> to vector<16x1xi32>
          %gather3A_333 = vector.shape_cast %broadcast_in_dim3A_332 : vector<16x1xi32> to vector<16xi32>
          %gather3A_334 = tpu.dynamic_gather %and3A_323[%gather3A_333] in [0] : vector<16xi32>, vector<16xi32> -> vector<16xi32>
          %ne3A_335 = arith.constant 0 : i32
          %ne3A_336 = vector.broadcast %ne3A_335 : i32 to vector<16xi32>
          %ne3A_337 = arith.cmpi ne, %gather3A_334, %ne3A_336 : vector<16xi32>
          %broadcast_in_dim3A_338 = arith.constant 2 : i32
          %broadcast_in_dim3A_339 = vector.broadcast %broadcast_in_dim3A_338 : i32 to vector<16xi32>
          %broadcast_in_dim3A_340 = vector.shape_cast %broadcast_in_dim3A_339 : vector<16xi32> to vector<16x1xi32>
          %gather3A_341 = vector.shape_cast %broadcast_in_dim3A_340 : vector<16x1xi32> to vector<16xi32>
          %gather3A_342 = tpu.dynamic_gather %and3A_323[%gather3A_341] in [0] : vector<16xi32>, vector<16xi32> -> vector<16xi32>
          %ne3A_343 = arith.constant 0 : i32
          %ne3A_344 = vector.broadcast %ne3A_343 : i32 to vector<16xi32>
          %ne3A_345 = arith.cmpi ne, %gather3A_342, %ne3A_344 : vector<16xi32>
          %broadcast_in_dim3A_346 = arith.constant 3 : i32
          %broadcast_in_dim3A_347 = vector.broadcast %broadcast_in_dim3A_346 : i32 to vector<16xi32>
          %broadcast_in_dim3A_348 = vector.shape_cast %broadcast_in_dim3A_347 : vector<16xi32> to vector<16x1xi32>
          %gather3A_349 = vector.shape_cast %broadcast_in_dim3A_348 : vector<16x1xi32> to vector<16xi32>
          %gather3A_350 = tpu.dynamic_gather %and3A_323[%gather3A_349] in [0] : vector<16xi32>, vector<16xi32> -> vector<16xi32>
          %ne3A_351 = arith.constant 0 : i32
          %ne3A_352 = vector.broadcast %ne3A_351 : i32 to vector<16xi32>
          %ne3A_353 = arith.cmpi ne, %gather3A_350, %ne3A_352 : vector<16xi32>
          %broadcast_in_dim3A_354 = arith.constant 4 : i32
          %broadcast_in_dim3A_355 = vector.broadcast %broadcast_in_dim3A_354 : i32 to vector<16xi32>
          %broadcast_in_dim3A_356 = vector.shape_cast %broadcast_in_dim3A_355 : vector<16xi32> to vector<16x1xi32>
          %gather3A_357 = vector.shape_cast %broadcast_in_dim3A_356 : vector<16x1xi32> to vector<16xi32>
          %gather3A_358 = tpu.dynamic_gather %and3A_323[%gather3A_357] in [0] : vector<16xi32>, vector<16xi32> -> vector<16xi32>
          %ne3A_359 = arith.constant 0 : i32
          %ne3A_360 = vector.broadcast %ne3A_359 : i32 to vector<16xi32>
          %ne3A_361 = arith.cmpi ne, %gather3A_358, %ne3A_360 : vector<16xi32>
          %broadcast_in_dim3A_362 = arith.constant 5 : i32
          %broadcast_in_dim3A_363 = vector.broadcast %broadcast_in_dim3A_362 : i32 to vector<16xi32>
          %broadcast_in_dim3A_364 = vector.shape_cast %broadcast_in_dim3A_363 : vector<16xi32> to vector<16x1xi32>
          %gather3A_365 = vector.shape_cast %broadcast_in_dim3A_364 : vector<16x1xi32> to vector<16xi32>
          %gather3A_366 = tpu.dynamic_gather %and3A_323[%gather3A_365] in [0] : vector<16xi32>, vector<16xi32> -> vector<16xi32>
          %ne3A_367 = arith.constant 0 : i32
          %ne3A_368 = vector.broadcast %ne3A_367 : i32 to vector<16xi32>
          %ne3A_369 = arith.cmpi ne, %gather3A_366, %ne3A_368 : vector<16xi32>
          %broadcast_in_dim3A_370 = arith.constant 6 : i32
          %broadcast_in_dim3A_371 = vector.broadcast %broadcast_in_dim3A_370 : i32 to vector<16xi32>
          %broadcast_in_dim3A_372 = vector.shape_cast %broadcast_in_dim3A_371 : vector<16xi32> to vector<16x1xi32>
          %gather3A_373 = vector.shape_cast %broadcast_in_dim3A_372 : vector<16x1xi32> to vector<16xi32>
          %gather3A_374 = tpu.dynamic_gather %and3A_323[%gather3A_373] in [0] : vector<16xi32>, vector<16xi32> -> vector<16xi32>
          %ne3A_375 = arith.constant 0 : i32
          %ne3A_376 = vector.broadcast %ne3A_375 : i32 to vector<16xi32>
          %ne3A_377 = arith.cmpi ne, %gather3A_374, %ne3A_376 : vector<16xi32>
          %broadcast_in_dim3A_378 = arith.constant 7 : i32
          %broadcast_in_dim3A_379 = vector.broadcast %broadcast_in_dim3A_378 : i32 to vector<16xi32>
          %broadcast_in_dim3A_380 = vector.shape_cast %broadcast_in_dim3A_379 : vector<16xi32> to vector<16x1xi32>
          %gather3A_381 = vector.shape_cast %broadcast_in_dim3A_380 : vector<16x1xi32> to vector<16xi32>
          %gather3A_382 = tpu.dynamic_gather %and3A_323[%gather3A_381] in [0] : vector<16xi32>, vector<16xi32> -> vector<16xi32>
          %ne3A_383 = arith.constant 0 : i32
          %ne3A_384 = vector.broadcast %ne3A_383 : i32 to vector<16xi32>
          %ne3A_385 = arith.cmpi ne, %gather3A_382, %ne3A_384 : vector<16xi32>
          %broadcast_in_dim3A_386 = arith.constant 8 : i32
          %broadcast_in_dim3A_387 = vector.broadcast %broadcast_in_dim3A_386 : i32 to vector<16xi32>
          %broadcast_in_dim3A_388 = vector.shape_cast %broadcast_in_dim3A_387 : vector<16xi32> to vector<16x1xi32>
          %gather3A_389 = vector.shape_cast %broadcast_in_dim3A_388 : vector<16x1xi32> to vector<16xi32>
          %gather3A_390 = tpu.dynamic_gather %and3A_323[%gather3A_389] in [0] : vector<16xi32>, vector<16xi32> -> vector<16xi32>
          %ne3A_391 = arith.constant 0 : i32
          %ne3A_392 = vector.broadcast %ne3A_391 : i32 to vector<16xi32>
          %ne3A_393 = arith.cmpi ne, %gather3A_390, %ne3A_392 : vector<16xi32>
          %broadcast_in_dim3A_394 = arith.constant 9 : i32
          %broadcast_in_dim3A_395 = vector.broadcast %broadcast_in_dim3A_394 : i32 to vector<16xi32>
          %broadcast_in_dim3A_396 = vector.shape_cast %broadcast_in_dim3A_395 : vector<16xi32> to vector<16x1xi32>
          %gather3A_397 = vector.shape_cast %broadcast_in_dim3A_396 : vector<16x1xi32> to vector<16xi32>
          %gather3A_398 = tpu.dynamic_gather %and3A_323[%gather3A_397] in [0] : vector<16xi32>, vector<16xi32> -> vector<16xi32>
          %ne3A_399 = arith.constant 0 : i32
          %ne3A_400 = vector.broadcast %ne3A_399 : i32 to vector<16xi32>
          %ne3A_401 = arith.cmpi ne, %gather3A_398, %ne3A_400 : vector<16xi32>
          %broadcast_in_dim3A_402 = arith.constant 10 : i32
          %broadcast_in_dim3A_403 = vector.broadcast %broadcast_in_dim3A_402 : i32 to vector<16xi32>
          %broadcast_in_dim3A_404 = vector.shape_cast %broadcast_in_dim3A_403 : vector<16xi32> to vector<16x1xi32>
          %gather3A_405 = vector.shape_cast %broadcast_in_dim3A_404 : vector<16x1xi32> to vector<16xi32>
          %gather3A_406 = tpu.dynamic_gather %and3A_323[%gather3A_405] in [0] : vector<16xi32>, vector<16xi32> -> vector<16xi32>
          %ne3A_407 = arith.constant 0 : i32
          %ne3A_408 = vector.broadcast %ne3A_407 : i32 to vector<16xi32>
          %ne3A_409 = arith.cmpi ne, %gather3A_406, %ne3A_408 : vector<16xi32>
          %broadcast_in_dim3A_410 = arith.constant 11 : i32
          %broadcast_in_dim3A_411 = vector.broadcast %broadcast_in_dim3A_410 : i32 to vector<16xi32>
          %broadcast_in_dim3A_412 = vector.shape_cast %broadcast_in_dim3A_411 : vector<16xi32> to vector<16x1xi32>
          %gather3A_413 = vector.shape_cast %broadcast_in_dim3A_412 : vector<16x1xi32> to vector<16xi32>
          %gather3A_414 = tpu.dynamic_gather %and3A_323[%gather3A_413] in [0] : vector<16xi32>, vector<16xi32> -> vector<16xi32>
          %ne3A_415 = arith.constant 0 : i32
          %ne3A_416 = vector.broadcast %ne3A_415 : i32 to vector<16xi32>
          %ne3A_417 = arith.cmpi ne, %gather3A_414, %ne3A_416 : vector<16xi32>
          %broadcast_in_dim3A_418 = arith.constant 12 : i32
          %broadcast_in_dim3A_419 = vector.broadcast %broadcast_in_dim3A_418 : i32 to vector<16xi32>
          %broadcast_in_dim3A_420 = vector.shape_cast %broadcast_in_dim3A_419 : vector<16xi32> to vector<16x1xi32>
          %gather3A_421 = vector.shape_cast %broadcast_in_dim3A_420 : vector<16x1xi32> to vector<16xi32>
          %gather3A_422 = tpu.dynamic_gather %and3A_323[%gather3A_421] in [0] : vector<16xi32>, vector<16xi32> -> vector<16xi32>
          %ne3A_423 = arith.constant 0 : i32
          %ne3A_424 = vector.broadcast %ne3A_423 : i32 to vector<16xi32>
          %ne3A_425 = arith.cmpi ne, %gather3A_422, %ne3A_424 : vector<16xi32>
          %broadcast_in_dim3A_426 = arith.constant 13 : i32
          %broadcast_in_dim3A_427 = vector.broadcast %broadcast_in_dim3A_426 : i32 to vector<16xi32>
          %broadcast_in_dim3A_428 = vector.shape_cast %broadcast_in_dim3A_427 : vector<16xi32> to vector<16x1xi32>
          %gather3A_429 = vector.shape_cast %broadcast_in_dim3A_428 : vector<16x1xi32> to vector<16xi32>
          %gather3A_430 = tpu.dynamic_gather %and3A_323[%gather3A_429] in [0] : vector<16xi32>, vector<16xi32> -> vector<16xi32>
          %ne3A_431 = arith.constant 0 : i32
          %ne3A_432 = vector.broadcast %ne3A_431 : i32 to vector<16xi32>
          %ne3A_433 = arith.cmpi ne, %gather3A_430, %ne3A_432 : vector<16xi32>
          %broadcast_in_dim3A_434 = arith.constant 14 : i32
          %broadcast_in_dim3A_435 = vector.broadcast %broadcast_in_dim3A_434 : i32 to vector<16xi32>
          %broadcast_in_dim3A_436 = vector.shape_cast %broadcast_in_dim3A_435 : vector<16xi32> to vector<16x1xi32>
          %gather3A_437 = vector.shape_cast %broadcast_in_dim3A_436 : vector<16x1xi32> to vector<16xi32>
          %gather3A_438 = tpu.dynamic_gather %and3A_323[%gather3A_437] in [0] : vector<16xi32>, vector<16xi32> -> vector<16xi32>
          %ne3A_439 = arith.constant 0 : i32
          %ne3A_440 = vector.broadcast %ne3A_439 : i32 to vector<16xi32>
          %ne3A_441 = arith.cmpi ne, %gather3A_438, %ne3A_440 : vector<16xi32>
          %broadcast_in_dim3A_442 = arith.constant 15 : i32
          %broadcast_in_dim3A_443 = vector.broadcast %broadcast_in_dim3A_442 : i32 to vector<16xi32>
          %broadcast_in_dim3A_444 = vector.shape_cast %broadcast_in_dim3A_443 : vector<16xi32> to vector<16x1xi32>
          %gather3A_445 = vector.shape_cast %broadcast_in_dim3A_444 : vector<16x1xi32> to vector<16xi32>
          %gather3A_446 = tpu.dynamic_gather %and3A_323[%gather3A_445] in [0] : vector<16xi32>, vector<16xi32> -> vector<16xi32>
          %ne3A_447 = arith.constant 0 : i32
          %ne3A_448 = vector.broadcast %ne3A_447 : i32 to vector<16xi32>
          %ne3A_449 = arith.cmpi ne, %gather3A_446, %ne3A_448 : vector<16xi32>
          %get3A_450 = arith.index_cast %scan3A_272 : i32 to index
          %get3A_451 = arith.index_cast %mul3A_317 : i32 to index
          %get3A_452 = tpu.vector_load %arg9[%get3A_450, %get3A_451] {strides = array<i32>} : memref<200x128xi32, #tpu.memory_space<vmem>>, vector<16xi32>,
          %ne3A_453 = arith.constant 0 : i32
          %ne3A_454 = vector.broadcast %ne3A_453 : i32 to vector<16xi32>
          %ne3A_455 = arith.cmpi ne, %get3A_452, %ne3A_454 : vector<16xi32>
          %scan3A_456 = arith.constant 0 : i32
          %scan3A_457 = arith.constant 0 : i32
          %scan3A_458 = arith.constant 4 : i32
          %scan3A_459 = arith.addi %scan3A_457, %scan3A_458 : i32
          %scan3A_460 = arith.constant 1 : i32
          scf.for %scan3A_462 = %scan3A_457 to %scan3A_459 step %scan3A_460  : i32 {
            %mul3A_463 = arith.constant 16 : i32
            %mul3A_464 = arith.muli %scan3A_462, %mul3A_463 : i32
            %add3A_465 = arith.constant 0 : i32
            %add3A_466 = arith.addi %mul3A_317, %add3A_465 : i32
            %get3A_467 = arith.index_cast %add3A_466 : i32 to index
            %get3A_468 = arith.index_cast %mul3A_464 : i32 to index
            %get3A_469 = tpu.vector_load %arg15[%get3A_467, %get3A_468] {strides = array<i32>} : memref<128x128xf32, #tpu.memory_space<vmem>>, vector<16xf32>,
            %add3A_470 = arith.constant 0 : i32
            %add3A_471 = arith.addi %mul3A_317, %add3A_470 : i32
            %add3A_472 = arith.constant 64 : i32
            %add3A_473 = arith.addi %add3A_472, %mul3A_464 : i32
            %get3A_474 = arith.index_cast %add3A_471 : i32 to index
            %get3A_475 = arith.index_cast %add3A_473 : i32 to index
            %get3A_476 = tpu.vector_load %arg15[%get3A_474, %get3A_475] {strides = array<i32>} : memref<128x128xf32, #tpu.memory_space<vmem>>, vector<16xf32>,
            %select_n3A_477 = arith.select %ne3A_329, %get3A_476, %get3A_469 : vector<16xi1>, vector<16xf32>
            %add3A_478 = arith.constant 1 : i32
            %add3A_479 = arith.addi %mul3A_317, %add3A_478 : i32
            %get3A_480 = arith.index_cast %add3A_479 : i32 to index
            %get3A_481 = arith.index_cast %mul3A_464 : i32 to index
            %get3A_482 = tpu.vector_load %arg15[%get3A_480, %get3A_481] {strides = array<i32>} : memref<128x128xf32, #tpu.memory_space<vmem>>, vector<16xf32>,
            %add3A_483 = arith.constant 1 : i32
            %add3A_484 = arith.addi %mul3A_317, %add3A_483 : i32
            %add3A_485 = arith.constant 64 : i32
            %add3A_486 = arith.addi %add3A_485, %mul3A_464 : i32
            %get3A_487 = arith.index_cast %add3A_484 : i32 to index
            %get3A_488 = arith.index_cast %add3A_486 : i32 to index
            %get3A_489 = tpu.vector_load %arg15[%get3A_487, %get3A_488] {strides = array<i32>} : memref<128x128xf32, #tpu.memory_space<vmem>>, vector<16xf32>,
            %select_n3A_490 = arith.select %ne3A_337, %get3A_489, %get3A_482 : vector<16xi1>, vector<16xf32>
            %add3A_491 = arith.constant 2 : i32
            %add3A_492 = arith.addi %mul3A_317, %add3A_491 : i32
            %get3A_493 = arith.index_cast %add3A_492 : i32 to index
            %get3A_494 = arith.index_cast %mul3A_464 : i32 to index
            %get3A_495 = tpu.vector_load %arg15[%get3A_493, %get3A_494] {strides = array<i32>} : memref<128x128xf32, #tpu.memory_space<vmem>>, vector<16xf32>,
            %add3A_496 = arith.constant 2 : i32
            %add3A_497 = arith.addi %mul3A_317, %add3A_496 : i32
            %add3A_498 = arith.constant 64 : i32
            %add3A_499 = arith.addi %add3A_498, %mul3A_464 : i32
            %get3A_500 = arith.index_cast %add3A_497 : i32 to index
            %get3A_501 = arith.index_cast %add3A_499 : i32 to index
            %get3A_502 = tpu.vector_load %arg15[%get3A_500, %get3A_501] {strides = array<i32>} : memref<128x128xf32, #tpu.memory_space<vmem>>, vector<16xf32>,
            %select_n3A_503 = arith.select %ne3A_345, %get3A_502, %get3A_495 : vector<16xi1>, vector<16xf32>
            %add3A_504 = arith.constant 3 : i32
            %add3A_505 = arith.addi %mul3A_317, %add3A_504 : i32
            %get3A_506 = arith.index_cast %add3A_505 : i32 to index
            %get3A_507 = arith.index_cast %mul3A_464 : i32 to index
            %get3A_508 = tpu.vector_load %arg15[%get3A_506, %get3A_507] {strides = array<i32>} : memref<128x128xf32, #tpu.memory_space<vmem>>, vector<16xf32>,
            %add3A_509 = arith.constant 3 : i32
            %add3A_510 = arith.addi %mul3A_317, %add3A_509 : i32
            %add3A_511 = arith.constant 64 : i32
            %add3A_512 = arith.addi %add3A_511, %mul3A_464 : i32
            %get3A_513 = arith.index_cast %add3A_510 : i32 to index
            %get3A_514 = arith.index_cast %add3A_512 : i32 to index
            %get3A_515 = tpu.vector_load %arg15[%get3A_513, %get3A_514] {strides = array<i32>} : memref<128x128xf32, #tpu.memory_space<vmem>>, vector<16xf32>,
            %select_n3A_516 = arith.select %ne3A_353, %get3A_515, %get3A_508 : vector<16xi1>, vector<16xf32>
            %add3A_517 = arith.constant 4 : i32
            %add3A_518 = arith.addi %mul3A_317, %add3A_517 : i32
            %get3A_519 = arith.index_cast %add3A_518 : i32 to index
            %get3A_520 = arith.index_cast %mul3A_464 : i32 to index
            %get3A_521 = tpu.vector_load %arg15[%get3A_519, %get3A_520] {strides = array<i32>} : memref<128x128xf32, #tpu.memory_space<vmem>>, vector<16xf32>,
            %add3A_522 = arith.constant 4 : i32
            %add3A_523 = arith.addi %mul3A_317, %add3A_522 : i32
            %add3A_524 = arith.constant 64 : i32
            %add3A_525 = arith.addi %add3A_524, %mul3A_464 : i32
            %get3A_526 = arith.index_cast %add3A_523 : i32 to index
            %get3A_527 = arith.index_cast %add3A_525 : i32 to index
            %get3A_528 = tpu.vector_load %arg15[%get3A_526, %get3A_527] {strides = array<i32>} : memref<128x128xf32, #tpu.memory_space<vmem>>, vector<16xf32>,
            %select_n3A_529 = arith.select %ne3A_361, %get3A_528, %get3A_521 : vector<16xi1>, vector<16xf32>
            %add3A_530 = arith.constant 5 : i32
            %add3A_531 = arith.addi %mul3A_317, %add3A_530 : i32
            %get3A_532 = arith.index_cast %add3A_531 : i32 to index
            %get3A_533 = arith.index_cast %mul3A_464 : i32 to index
            %get3A_534 = tpu.vector_load %arg15[%get3A_532, %get3A_533] {strides = array<i32>} : memref<128x128xf32, #tpu.memory_space<vmem>>, vector<16xf32>,
            %add3A_535 = arith.constant 5 : i32
            %add3A_536 = arith.addi %mul3A_317, %add3A_535 : i32
            %add3A_537 = arith.constant 64 : i32
            %add3A_538 = arith.addi %add3A_537, %mul3A_464 : i32
            %get3A_539 = arith.index_cast %add3A_536 : i32 to index
            %get3A_540 = arith.index_cast %add3A_538 : i32 to index
            %get3A_541 = tpu.vector_load %arg15[%get3A_539, %get3A_540] {strides = array<i32>} : memref<128x128xf32, #tpu.memory_space<vmem>>, vector<16xf32>,
            %select_n3A_542 = arith.select %ne3A_369, %get3A_541, %get3A_534 : vector<16xi1>, vector<16xf32>
            %add3A_543 = arith.constant 6 : i32
            %add3A_544 = arith.addi %mul3A_317, %add3A_543 : i32
            %get3A_545 = arith.index_cast %add3A_544 : i32 to index
            %get3A_546 = arith.index_cast %mul3A_464 : i32 to index
            %get3A_547 = tpu.vector_load %arg15[%get3A_545, %get3A_546] {strides = array<i32>} : memref<128x128xf32, #tpu.memory_space<vmem>>, vector<16xf32>,
            %add3A_548 = arith.constant 6 : i32
            %add3A_549 = arith.addi %mul3A_317, %add3A_548 : i32
            %add3A_550 = arith.constant 64 : i32
            %add3A_551 = arith.addi %add3A_550, %mul3A_464 : i32
            %get3A_552 = arith.index_cast %add3A_549 : i32 to index
            %get3A_553 = arith.index_cast %add3A_551 : i32 to index
            %get3A_554 = tpu.vector_load %arg15[%get3A_552, %get3A_553] {strides = array<i32>} : memref<128x128xf32, #tpu.memory_space<vmem>>, vector<16xf32>,
            %select_n3A_555 = arith.select %ne3A_377, %get3A_554, %get3A_547 : vector<16xi1>, vector<16xf32>
            %add3A_556 = arith.constant 7 : i32
            %add3A_557 = arith.addi %mul3A_317, %add3A_556 : i32
            %get3A_558 = arith.index_cast %add3A_557 : i32 to index
            %get3A_559 = arith.index_cast %mul3A_464 : i32 to index
            %get3A_560 = tpu.vector_load %arg15[%get3A_558, %get3A_559] {strides = array<i32>} : memref<128x128xf32, #tpu.memory_space<vmem>>, vector<16xf32>,
            %add3A_561 = arith.constant 7 : i32
            %add3A_562 = arith.addi %mul3A_317, %add3A_561 : i32
            %add3A_563 = arith.constant 64 : i32
            %add3A_564 = arith.addi %add3A_563, %mul3A_464 : i32
            %get3A_565 = arith.index_cast %add3A_562 : i32 to index
            %get3A_566 = arith.index_cast %add3A_564 : i32 to index
            %get3A_567 = tpu.vector_load %arg15[%get3A_565, %get3A_566] {strides = array<i32>} : memref<128x128xf32, #tpu.memory_space<vmem>>, vector<16xf32>,
            %select_n3A_568 = arith.select %ne3A_385, %get3A_567, %get3A_560 : vector<16xi1>, vector<16xf32>
            %add3A_569 = arith.constant 8 : i32
            %add3A_570 = arith.addi %mul3A_317, %add3A_569 : i32
            %get3A_571 = arith.index_cast %add3A_570 : i32 to index
            %get3A_572 = arith.index_cast %mul3A_464 : i32 to index
            %get3A_573 = tpu.vector_load %arg15[%get3A_571, %get3A_572] {strides = array<i32>} : memref<128x128xf32, #tpu.memory_space<vmem>>, vector<16xf32>,
            %add3A_574 = arith.constant 8 : i32
            %add3A_575 = arith.addi %mul3A_317, %add3A_574 : i32
            %add3A_576 = arith.constant 64 : i32
            %add3A_577 = arith.addi %add3A_576, %mul3A_464 : i32
            %get3A_578 = arith.index_cast %add3A_575 : i32 to index
            %get3A_579 = arith.index_cast %add3A_577 : i32 to index
            %get3A_580 = tpu.vector_load %arg15[%get3A_578, %get3A_579] {strides = array<i32>} : memref<128x128xf32, #tpu.memory_space<vmem>>, vector<16xf32>,
            %select_n3A_581 = arith.select %ne3A_393, %get3A_580, %get3A_573 : vector<16xi1>, vector<16xf32>
            %add3A_582 = arith.constant 9 : i32
            %add3A_583 = arith.addi %mul3A_317, %add3A_582 : i32
            %get3A_584 = arith.index_cast %add3A_583 : i32 to index
            %get3A_585 = arith.index_cast %mul3A_464 : i32 to index
            %get3A_586 = tpu.vector_load %arg15[%get3A_584, %get3A_585] {strides = array<i32>} : memref<128x128xf32, #tpu.memory_space<vmem>>, vector<16xf32>,
            %add3A_587 = arith.constant 9 : i32
            %add3A_588 = arith.addi %mul3A_317, %add3A_587 : i32
            %add3A_589 = arith.constant 64 : i32
            %add3A_590 = arith.addi %add3A_589, %mul3A_464 : i32
            %get3A_591 = arith.index_cast %add3A_588 : i32 to index
            %get3A_592 = arith.index_cast %add3A_590 : i32 to index
            %get3A_593 = tpu.vector_load %arg15[%get3A_591, %get3A_592] {strides = array<i32>} : memref<128x128xf32, #tpu.memory_space<vmem>>, vector<16xf32>,
            %select_n3A_594 = arith.select %ne3A_401, %get3A_593, %get3A_586 : vector<16xi1>, vector<16xf32>
            %add3A_595 = arith.constant 10 : i32
            %add3A_596 = arith.addi %mul3A_317, %add3A_595 : i32
            %get3A_597 = arith.index_cast %add3A_596 : i32 to index
            %get3A_598 = arith.index_cast %mul3A_464 : i32 to index
            %get3A_599 = tpu.vector_load %arg15[%get3A_597, %get3A_598] {strides = array<i32>} : memref<128x128xf32, #tpu.memory_space<vmem>>, vector<16xf32>,
            %add3A_600 = arith.constant 10 : i32
            %add3A_601 = arith.addi %mul3A_317, %add3A_600 : i32
            %add3A_602 = arith.constant 64 : i32
            %add3A_603 = arith.addi %add3A_602, %mul3A_464 : i32
            %get3A_604 = arith.index_cast %add3A_601 : i32 to index
            %get3A_605 = arith.index_cast %add3A_603 : i32 to index
            %get3A_606 = tpu.vector_load %arg15[%get3A_604, %get3A_605] {strides = array<i32>} : memref<128x128xf32, #tpu.memory_space<vmem>>, vector<16xf32>,
            %select_n3A_607 = arith.select %ne3A_409, %get3A_606, %get3A_599 : vector<16xi1>, vector<16xf32>
            %add3A_608 = arith.constant 11 : i32
            %add3A_609 = arith.addi %mul3A_317, %add3A_608 : i32
            %get3A_610 = arith.index_cast %add3A_609 : i32 to index
            %get3A_611 = arith.index_cast %mul3A_464 : i32 to index
            %get3A_612 = tpu.vector_load %arg15[%get3A_610, %get3A_611] {strides = array<i32>} : memref<128x128xf32, #tpu.memory_space<vmem>>, vector<16xf32>,
            %add3A_613 = arith.constant 11 : i32
            %add3A_614 = arith.addi %mul3A_317, %add3A_613 : i32
            %add3A_615 = arith.constant 64 : i32
            %add3A_616 = arith.addi %add3A_615, %mul3A_464 : i32
            %get3A_617 = arith.index_cast %add3A_614 : i32 to index
            %get3A_618 = arith.index_cast %add3A_616 : i32 to index
            %get3A_619 = tpu.vector_load %arg15[%get3A_617, %get3A_618] {strides = array<i32>} : memref<128x128xf32, #tpu.memory_space<vmem>>, vector<16xf32>,
            %select_n3A_620 = arith.select %ne3A_417, %get3A_619, %get3A_612 : vector<16xi1>, vector<16xf32>
            %add3A_621 = arith.constant 12 : i32
            %add3A_622 = arith.addi %mul3A_317, %add3A_621 : i32
            %get3A_623 = arith.index_cast %add3A_622 : i32 to index
            %get3A_624 = arith.index_cast %mul3A_464 : i32 to index
            %get3A_625 = tpu.vector_load %arg15[%get3A_623, %get3A_624] {strides = array<i32>} : memref<128x128xf32, #tpu.memory_space<vmem>>, vector<16xf32>,
            %add3A_626 = arith.constant 12 : i32
            %add3A_627 = arith.addi %mul3A_317, %add3A_626 : i32
            %add3A_628 = arith.constant 64 : i32
            %add3A_629 = arith.addi %add3A_628, %mul3A_464 : i32
            %get3A_630 = arith.index_cast %add3A_627 : i32 to index
            %get3A_631 = arith.index_cast %add3A_629 : i32 to index
            %get3A_632 = tpu.vector_load %arg15[%get3A_630, %get3A_631] {strides = array<i32>} : memref<128x128xf32, #tpu.memory_space<vmem>>, vector<16xf32>,
            %select_n3A_633 = arith.select %ne3A_425, %get3A_632, %get3A_625 : vector<16xi1>, vector<16xf32>
            %add3A_634 = arith.constant 13 : i32
            %add3A_635 = arith.addi %mul3A_317, %add3A_634 : i32
            %get3A_636 = arith.index_cast %add3A_635 : i32 to index
            %get3A_637 = arith.index_cast %mul3A_464 : i32 to index
            %get3A_638 = tpu.vector_load %arg15[%get3A_636, %get3A_637] {strides = array<i32>} : memref<128x128xf32, #tpu.memory_space<vmem>>, vector<16xf32>,
            %add3A_639 = arith.constant 13 : i32
            %add3A_640 = arith.addi %mul3A_317, %add3A_639 : i32
            %add3A_641 = arith.constant 64 : i32
            %add3A_642 = arith.addi %add3A_641, %mul3A_464 : i32
            %get3A_643 = arith.index_cast %add3A_640 : i32 to index
            %get3A_644 = arith.index_cast %add3A_642 : i32 to index
            %get3A_645 = tpu.vector_load %arg15[%get3A_643, %get3A_644] {strides = array<i32>} : memref<128x128xf32, #tpu.memory_space<vmem>>, vector<16xf32>,
            %select_n3A_646 = arith.select %ne3A_433, %get3A_645, %get3A_638 : vector<16xi1>, vector<16xf32>
            %add3A_647 = arith.constant 14 : i32
            %add3A_648 = arith.addi %mul3A_317, %add3A_647 : i32
            %get3A_649 = arith.index_cast %add3A_648 : i32 to index
            %get3A_650 = arith.index_cast %mul3A_464 : i32 to index
            %get3A_651 = tpu.vector_load %arg15[%get3A_649, %get3A_650] {strides = array<i32>} : memref<128x128xf32, #tpu.memory_space<vmem>>, vector<16xf32>,
            %add3A_652 = arith.constant 14 : i32
            %add3A_653 = arith.addi %mul3A_317, %add3A_652 : i32
            %add3A_654 = arith.constant 64 : i32
            %add3A_655 = arith.addi %add3A_654, %mul3A_464 : i32
            %get3A_656 = arith.index_cast %add3A_653 : i32 to index
            %get3A_657 = arith.index_cast %add3A_655 : i32 to index
            %get3A_658 = tpu.vector_load %arg15[%get3A_656, %get3A_657] {strides = array<i32>} : memref<128x128xf32, #tpu.memory_space<vmem>>, vector<16xf32>,
            %select_n3A_659 = arith.select %ne3A_441, %get3A_658, %get3A_651 : vector<16xi1>, vector<16xf32>
            %add3A_660 = arith.constant 15 : i32
            %add3A_661 = arith.addi %mul3A_317, %add3A_660 : i32
            %get3A_662 = arith.index_cast %add3A_661 : i32 to index
            %get3A_663 = arith.index_cast %mul3A_464 : i32 to index
            %get3A_664 = tpu.vector_load %arg15[%get3A_662, %get3A_663] {strides = array<i32>} : memref<128x128xf32, #tpu.memory_space<vmem>>, vector<16xf32>,
            %add3A_665 = arith.constant 15 : i32
            %add3A_666 = arith.addi %mul3A_317, %add3A_665 : i32
            %add3A_667 = arith.constant 64 : i32
            %add3A_668 = arith.addi %add3A_667, %mul3A_464 : i32
            %get3A_669 = arith.index_cast %add3A_666 : i32 to index
            %get3A_670 = arith.index_cast %add3A_668 : i32 to index
            %get3A_671 = tpu.vector_load %arg15[%get3A_669, %get3A_670] {strides = array<i32>} : memref<128x128xf32, #tpu.memory_space<vmem>>, vector<16xf32>,
            %select_n3A_672 = arith.select %ne3A_449, %get3A_671, %get3A_664 : vector<16xi1>, vector<16xf32>
            %broadcast_in_dim3A_673 = vector.shape_cast %xor3A_243 : vector<16xi32> to vector<16x1xi32>
            %gather3A_674 = vector.shape_cast %broadcast_in_dim3A_673 : vector<16x1xi32> to vector<16xi32>
            %gather3A_675 = tpu.dynamic_gather %select_n3A_490[%gather3A_674] in [0] : vector<16xf32>, vector<16xi32> -> vector<16xf32>
            %select_n3A_676 = arith.select %ne3A_223, %gather3A_675, %select_n3A_477 : vector<16xi1>, vector<16xf32>
            %broadcast_in_dim3A_677 = vector.shape_cast %xor3A_243 : vector<16xi32> to vector<16x1xi32>
            %gather3A_678 = vector.shape_cast %broadcast_in_dim3A_677 : vector<16x1xi32> to vector<16xi32>
            %gather3A_679 = tpu.dynamic_gather %select_n3A_477[%gather3A_678] in [0] : vector<16xf32>, vector<16xi32> -> vector<16xf32>
            %select_n3A_680 = arith.select %ne3A_223, %select_n3A_490, %gather3A_679 : vector<16xi1>, vector<16xf32>
            %broadcast_in_dim3A_681 = vector.shape_cast %xor3A_243 : vector<16xi32> to vector<16x1xi32>
            %gather3A_682 = vector.shape_cast %broadcast_in_dim3A_681 : vector<16x1xi32> to vector<16xi32>
            %gather3A_683 = tpu.dynamic_gather %select_n3A_516[%gather3A_682] in [0] : vector<16xf32>, vector<16xi32> -> vector<16xf32>
            %select_n3A_684 = arith.select %ne3A_223, %gather3A_683, %select_n3A_503 : vector<16xi1>, vector<16xf32>
            %broadcast_in_dim3A_685 = vector.shape_cast %xor3A_243 : vector<16xi32> to vector<16x1xi32>
            %gather3A_686 = vector.shape_cast %broadcast_in_dim3A_685 : vector<16x1xi32> to vector<16xi32>
            %gather3A_687 = tpu.dynamic_gather %select_n3A_503[%gather3A_686] in [0] : vector<16xf32>, vector<16xi32> -> vector<16xf32>
            %select_n3A_688 = arith.select %ne3A_223, %select_n3A_516, %gather3A_687 : vector<16xi1>, vector<16xf32>
            %broadcast_in_dim3A_689 = vector.shape_cast %xor3A_243 : vector<16xi32> to vector<16x1xi32>
            %gather3A_690 = vector.shape_cast %broadcast_in_dim3A_689 : vector<16x1xi32> to vector<16xi32>
            %gather3A_691 = tpu.dynamic_gather %select_n3A_542[%gather3A_690] in [0] : vector<16xf32>, vector<16xi32> -> vector<16xf32>
            %select_n3A_692 = arith.select %ne3A_223, %gather3A_691, %select_n3A_529 : vector<16xi1>, vector<16xf32>
            %broadcast_in_dim3A_693 = vector.shape_cast %xor3A_243 : vector<16xi32> to vector<16x1xi32>
            %gather3A_694 = vector.shape_cast %broadcast_in_dim3A_693 : vector<16x1xi32> to vector<16xi32>
            %gather3A_695 = tpu.dynamic_gather %select_n3A_529[%gather3A_694] in [0] : vector<16xf32>, vector<16xi32> -> vector<16xf32>
            %select_n3A_696 = arith.select %ne3A_223, %select_n3A_542, %gather3A_695 : vector<16xi1>, vector<16xf32>
            %broadcast_in_dim3A_697 = vector.shape_cast %xor3A_243 : vector<16xi32> to vector<16x1xi32>
            %gather3A_698 = vector.shape_cast %broadcast_in_dim3A_697 : vector<16x1xi32> to vector<16xi32>
            %gather3A_699 = tpu.dynamic_gather %select_n3A_568[%gather3A_698] in [0] : vector<16xf32>, vector<16xi32> -> vector<16xf32>
            %select_n3A_700 = arith.select %ne3A_223, %gather3A_699, %select_n3A_555 : vector<16xi1>, vector<16xf32>
            %broadcast_in_dim3A_701 = vector.shape_cast %xor3A_243 : vector<16xi32> to vector<16x1xi32>
            %gather3A_702 = vector.shape_cast %broadcast_in_dim3A_701 : vector<16x1xi32> to vector<16xi32>
            %gather3A_703 = tpu.dynamic_gather %select_n3A_555[%gather3A_702] in [0] : vector<16xf32>, vector<16xi32> -> vector<16xf32>
            %select_n3A_704 = arith.select %ne3A_223, %select_n3A_568, %gather3A_703 : vector<16xi1>, vector<16xf32>
            %broadcast_in_dim3A_705 = vector.shape_cast %xor3A_243 : vector<16xi32> to vector<16x1xi32>
            %gather3A_706 = vector.shape_cast %broadcast_in_dim3A_705 : vector<16x1xi32> to vector<16xi32>
            %gather3A_707 = tpu.dynamic_gather %select_n3A_594[%gather3A_706] in [0] : vector<16xf32>, vector<16xi32> -> vector<16xf32>
            %select_n3A_708 = arith.select %ne3A_223, %gather3A_707, %select_n3A_581 : vector<16xi1>, vector<16xf32>
            %broadcast_in_dim3A_709 = vector.shape_cast %xor3A_243 : vector<16xi32> to vector<16x1xi32>
            %gather3A_710 = vector.shape_cast %broadcast_in_dim3A_709 : vector<16x1xi32> to vector<16xi32>
            %gather3A_711 = tpu.dynamic_gather %select_n3A_581[%gather3A_710] in [0] : vector<16xf32>, vector<16xi32> -> vector<16xf32>
            %select_n3A_712 = arith.select %ne3A_223, %select_n3A_594, %gather3A_711 : vector<16xi1>, vector<16xf32>
            %broadcast_in_dim3A_713 = vector.shape_cast %xor3A_243 : vector<16xi32> to vector<16x1xi32>
            %gather3A_714 = vector.shape_cast %broadcast_in_dim3A_713 : vector<16x1xi32> to vector<16xi32>
            %gather3A_715 = tpu.dynamic_gather %select_n3A_620[%gather3A_714] in [0] : vector<16xf32>, vector<16xi32> -> vector<16xf32>
            %select_n3A_716 = arith.select %ne3A_223, %gather3A_715, %select_n3A_607 : vector<16xi1>, vector<16xf32>
            %broadcast_in_dim3A_717 = vector.shape_cast %xor3A_243 : vector<16xi32> to vector<16x1xi32>
            %gather3A_718 = vector.shape_cast %broadcast_in_dim3A_717 : vector<16x1xi32> to vector<16xi32>
            %gather3A_719 = tpu.dynamic_gather %select_n3A_607[%gather3A_718] in [0] : vector<16xf32>, vector<16xi32> -> vector<16xf32>
            %select_n3A_720 = arith.select %ne3A_223, %select_n3A_620, %gather3A_719 : vector<16xi1>, vector<16xf32>
            %broadcast_in_dim3A_721 = vector.shape_cast %xor3A_243 : vector<16xi32> to vector<16x1xi32>
            %gather3A_722 = vector.shape_cast %broadcast_in_dim3A_721 : vector<16x1xi32> to vector<16xi32>
            %gather3A_723 = tpu.dynamic_gather %select_n3A_646[%gather3A_722] in [0] : vector<16xf32>, vector<16xi32> -> vector<16xf32>
            %select_n3A_724 = arith.select %ne3A_223, %gather3A_723, %select_n3A_633 : vector<16xi1>, vector<16xf32>
            %broadcast_in_dim3A_725 = vector.shape_cast %xor3A_243 : vector<16xi32> to vector<16x1xi32>
            %gather3A_726 = vector.shape_cast %broadcast_in_dim3A_725 : vector<16x1xi32> to vector<16xi32>
            %gather3A_727 = tpu.dynamic_gather %select_n3A_633[%gather3A_726] in [0] : vector<16xf32>, vector<16xi32> -> vector<16xf32>
            %select_n3A_728 = arith.select %ne3A_223, %select_n3A_646, %gather3A_727 : vector<16xi1>, vector<16xf32>
            %broadcast_in_dim3A_729 = vector.shape_cast %xor3A_243 : vector<16xi32> to vector<16x1xi32>
            %gather3A_730 = vector.shape_cast %broadcast_in_dim3A_729 : vector<16x1xi32> to vector<16xi32>
            %gather3A_731 = tpu.dynamic_gather %select_n3A_672[%gather3A_730] in [0] : vector<16xf32>, vector<16xi32> -> vector<16xf32>
            %select_n3A_732 = arith.select %ne3A_223, %gather3A_731, %select_n3A_659 : vector<16xi1>, vector<16xf32>
            %broadcast_in_dim3A_733 = vector.shape_cast %xor3A_243 : vector<16xi32> to vector<16x1xi32>
            %gather3A_734 = vector.shape_cast %broadcast_in_dim3A_733 : vector<16x1xi32> to vector<16xi32>
            %gather3A_735 = tpu.dynamic_gather %select_n3A_659[%gather3A_734] in [0] : vector<16xf32>, vector<16xi32> -> vector<16xf32>
            %select_n3A_736 = arith.select %ne3A_223, %select_n3A_672, %gather3A_735 : vector<16xi1>, vector<16xf32>
            %broadcast_in_dim3A_737 = vector.shape_cast %xor3A_246 : vector<16xi32> to vector<16x1xi32>
            %gather3A_738 = vector.shape_cast %broadcast_in_dim3A_737 : vector<16x1xi32> to vector<16xi32>
            %gather3A_739 = tpu.dynamic_gather %select_n3A_684[%gather3A_738] in [0] : vector<16xf32>, vector<16xi32> -> vector<16xf32>
            %select_n3A_740 = arith.select %ne3A_229, %gather3A_739, %select_n3A_676 : vector<16xi1>, vector<16xf32>
            %broadcast_in_dim3A_741 = vector.shape_cast %xor3A_246 : vector<16xi32> to vector<16x1xi32>
            %gather3A_742 = vector.shape_cast %broadcast_in_dim3A_741 : vector<16x1xi32> to vector<16xi32>
            %gather3A_743 = tpu.dynamic_gather %select_n3A_676[%gather3A_742] in [0] : vector<16xf32>, vector<16xi32> -> vector<16xf32>
            %select_n3A_744 = arith.select %ne3A_229, %select_n3A_684, %gather3A_743 : vector<16xi1>, vector<16xf32>
            %broadcast_in_dim3A_745 = vector.shape_cast %xor3A_246 : vector<16xi32> to vector<16x1xi32>
            %gather3A_746 = vector.shape_cast %broadcast_in_dim3A_745 : vector<16x1xi32> to vector<16xi32>
            %gather3A_747 = tpu.dynamic_gather %select_n3A_688[%gather3A_746] in [0] : vector<16xf32>, vector<16xi32> -> vector<16xf32>
            %select_n3A_748 = arith.select %ne3A_229, %gather3A_747, %select_n3A_680 : vector<16xi1>, vector<16xf32>
            %broadcast_in_dim3A_749 = vector.shape_cast %xor3A_246 : vector<16xi32> to vector<16x1xi32>
            %gather3A_750 = vector.shape_cast %broadcast_in_dim3A_749 : vector<16x1xi32> to vector<16xi32>
            %gather3A_751 = tpu.dynamic_gather %select_n3A_680[%gather3A_750] in [0] : vector<16xf32>, vector<16xi32> -> vector<16xf32>
            %select_n3A_752 = arith.select %ne3A_229, %select_n3A_688, %gather3A_751 : vector<16xi1>, vector<16xf32>
            %broadcast_in_dim3A_753 = vector.shape_cast %xor3A_246 : vector<16xi32> to vector<16x1xi32>
            %gather3A_754 = vector.shape_cast %broadcast_in_dim3A_753 : vector<16x1xi32> to vector<16xi32>
            %gather3A_755 = tpu.dynamic_gather %select_n3A_700[%gather3A_754] in [0] : vector<16xf32>, vector<16xi32> -> vector<16xf32>
            %select_n3A_756 = arith.select %ne3A_229, %gather3A_755, %select_n3A_692 : vector<16xi1>, vector<16xf32>
            %broadcast_in_dim3A_757 = vector.shape_cast %xor3A_246 : vector<16xi32> to vector<16x1xi32>
            %gather3A_758 = vector.shape_cast %broadcast_in_dim3A_757 : vector<16x1xi32> to vector<16xi32>
            %gather3A_759 = tpu.dynamic_gather %select_n3A_692[%gather3A_758] in [0] : vector<16xf32>, vector<16xi32> -> vector<16xf32>
            %select_n3A_760 = arith.select %ne3A_229, %select_n3A_700, %gather3A_759 : vector<16xi1>, vector<16xf32>
            %broadcast_in_dim3A_761 = vector.shape_cast %xor3A_246 : vector<16xi32> to vector<16x1xi32>
            %gather3A_762 = vector.shape_cast %broadcast_in_dim3A_761 : vector<16x1xi32> to vector<16xi32>
            %gather3A_763 = tpu.dynamic_gather %select_n3A_704[%gather3A_762] in [0] : vector<16xf32>, vector<16xi32> -> vector<16xf32>
            %select_n3A_764 = arith.select %ne3A_229, %gather3A_763, %select_n3A_696 : vector<16xi1>, vector<16xf32>
            %broadcast_in_dim3A_765 = vector.shape_cast %xor3A_246 : vector<16xi32> to vector<16x1xi32>
            %gather3A_766 = vector.shape_cast %broadcast_in_dim3A_765 : vector<16x1xi32> to vector<16xi32>
            %gather3A_767 = tpu.dynamic_gather %select_n3A_696[%gather3A_766] in [0] : vector<16xf32>, vector<16xi32> -> vector<16xf32>
            %select_n3A_768 = arith.select %ne3A_229, %select_n3A_704, %gather3A_767 : vector<16xi1>, vector<16xf32>
            %broadcast_in_dim3A_769 = vector.shape_cast %xor3A_246 : vector<16xi32> to vector<16x1xi32>
            %gather3A_770 = vector.shape_cast %broadcast_in_dim3A_769 : vector<16x1xi32> to vector<16xi32>
            %gather3A_771 = tpu.dynamic_gather %select_n3A_716[%gather3A_770] in [0] : vector<16xf32>, vector<16xi32> -> vector<16xf32>
            %select_n3A_772 = arith.select %ne3A_229, %gather3A_771, %select_n3A_708 : vector<16xi1>, vector<16xf32>
            %broadcast_in_dim3A_773 = vector.shape_cast %xor3A_246 : vector<16xi32> to vector<16x1xi32>
            %gather3A_774 = vector.shape_cast %broadcast_in_dim3A_773 : vector<16x1xi32> to vector<16xi32>
            %gather3A_775 = tpu.dynamic_gather %select_n3A_708[%gather3A_774] in [0] : vector<16xf32>, vector<16xi32> -> vector<16xf32>
            %select_n3A_776 = arith.select %ne3A_229, %select_n3A_716, %gather3A_775 : vector<16xi1>, vector<16xf32>
            %broadcast_in_dim3A_777 = vector.shape_cast %xor3A_246 : vector<16xi32> to vector<16x1xi32>
            %gather3A_778 = vector.shape_cast %broadcast_in_dim3A_777 : vector<16x1xi32> to vector<16xi32>
            %gather3A_779 = tpu.dynamic_gather %select_n3A_720[%gather3A_778] in [0] : vector<16xf32>, vector<16xi32> -> vector<16xf32>
            %select_n3A_780 = arith.select %ne3A_229, %gather3A_779, %select_n3A_712 : vector<16xi1>, vector<16xf32>
            %broadcast_in_dim3A_781 = vector.shape_cast %xor3A_246 : vector<16xi32> to vector<16x1xi32>
            %gather3A_782 = vector.shape_cast %broadcast_in_dim3A_781 : vector<16x1xi32> to vector<16xi32>
            %gather3A_783 = tpu.dynamic_gather %select_n3A_712[%gather3A_782] in [0] : vector<16xf32>, vector<16xi32> -> vector<16xf32>
            %select_n3A_784 = arith.select %ne3A_229, %select_n3A_720, %gather3A_783 : vector<16xi1>, vector<16xf32>
            %broadcast_in_dim3A_785 = vector.shape_cast %xor3A_246 : vector<16xi32> to vector<16x1xi32>
            %gather3A_786 = vector.shape_cast %broadcast_in_dim3A_785 : vector<16x1xi32> to vector<16xi32>
            %gather3A_787 = tpu.dynamic_gather %select_n3A_732[%gather3A_786] in [0] : vector<16xf32>, vector<16xi32> -> vector<16xf32>
            %select_n3A_788 = arith.select %ne3A_229, %gather3A_787, %select_n3A_724 : vector<16xi1>, vector<16xf32>
            %broadcast_in_dim3A_789 = vector.shape_cast %xor3A_246 : vector<16xi32> to vector<16x1xi32>
            %gather3A_790 = vector.shape_cast %broadcast_in_dim3A_789 : vector<16x1xi32> to vector<16xi32>
            %gather3A_791 = tpu.dynamic_gather %select_n3A_724[%gather3A_790] in [0] : vector<16xf32>, vector<16xi32> -> vector<16xf32>
            %select_n3A_792 = arith.select %ne3A_229, %select_n3A_732, %gather3A_791 : vector<16xi1>, vector<16xf32>
            %broadcast_in_dim3A_793 = vector.shape_cast %xor3A_246 : vector<16xi32> to vector<16x1xi32>
            %gather3A_794 = vector.shape_cast %broadcast_in_dim3A_793 : vector<16x1xi32> to vector<16xi32>
            %gather3A_795 = tpu.dynamic_gather %select_n3A_736[%gather3A_794] in [0] : vector<16xf32>, vector<16xi32> -> vector<16xf32>
            %select_n3A_796 = arith.select %ne3A_229, %gather3A_795, %select_n3A_728 : vector<16xi1>, vector<16xf32>
            %broadcast_in_dim3A_797 = vector.shape_cast %xor3A_246 : vector<16xi32> to vector<16x1xi32>
            %gather3A_798 = vector.shape_cast %broadcast_in_dim3A_797 : vector<16x1xi32> to vector<16xi32>
            %gather3A_799 = tpu.dynamic_gather %select_n3A_728[%gather3A_798] in [0] : vector<16xf32>, vector<16xi32> -> vector<16xf32>
            %select_n3A_800 = arith.select %ne3A_229, %select_n3A_736, %gather3A_799 : vector<16xi1>, vector<16xf32>
            %broadcast_in_dim3A_801 = vector.shape_cast %xor3A_249 : vector<16xi32> to vector<16x1xi32>
            %gather3A_802 = vector.shape_cast %broadcast_in_dim3A_801 : vector<16x1xi32> to vector<16xi32>
            %gather3A_803 = tpu.dynamic_gather %select_n3A_756[%gather3A_802] in [0] : vector<16xf32>, vector<16xi32> -> vector<16xf32>
            %select_n3A_804 = arith.select %ne3A_235, %gather3A_803, %select_n3A_740 : vector<16xi1>, vector<16xf32>
            %broadcast_in_dim3A_805 = vector.shape_cast %xor3A_249 : vector<16xi32> to vector<16x1xi32>
            %gather3A_806 = vector.shape_cast %broadcast_in_dim3A_805 : vector<16x1xi32> to vector<16xi32>
            %gather3A_807 = tpu.dynamic_gather %select_n3A_740[%gather3A_806] in [0] : vector<16xf32>, vector<16xi32> -> vector<16xf32>
            %select_n3A_808 = arith.select %ne3A_235, %select_n3A_756, %gather3A_807 : vector<16xi1>, vector<16xf32>
            %broadcast_in_dim3A_809 = vector.shape_cast %xor3A_249 : vector<16xi32> to vector<16x1xi32>
            %gather3A_810 = vector.shape_cast %broadcast_in_dim3A_809 : vector<16x1xi32> to vector<16xi32>
            %gather3A_811 = tpu.dynamic_gather %select_n3A_764[%gather3A_810] in [0] : vector<16xf32>, vector<16xi32> -> vector<16xf32>
            %select_n3A_812 = arith.select %ne3A_235, %gather3A_811, %select_n3A_748 : vector<16xi1>, vector<16xf32>
            %broadcast_in_dim3A_813 = vector.shape_cast %xor3A_249 : vector<16xi32> to vector<16x1xi32>
            %gather3A_814 = vector.shape_cast %broadcast_in_dim3A_813 : vector<16x1xi32> to vector<16xi32>
            %gather3A_815 = tpu.dynamic_gather %select_n3A_748[%gather3A_814] in [0] : vector<16xf32>, vector<16xi32> -> vector<16xf32>
            %select_n3A_816 = arith.select %ne3A_235, %select_n3A_764, %gather3A_815 : vector<16xi1>, vector<16xf32>
            %broadcast_in_dim3A_817 = vector.shape_cast %xor3A_249 : vector<16xi32> to vector<16x1xi32>
            %gather3A_818 = vector.shape_cast %broadcast_in_dim3A_817 : vector<16x1xi32> to vector<16xi32>
            %gather3A_819 = tpu.dynamic_gather %select_n3A_760[%gather3A_818] in [0] : vector<16xf32>, vector<16xi32> -> vector<16xf32>
            %select_n3A_820 = arith.select %ne3A_235, %gather3A_819, %select_n3A_744 : vector<16xi1>, vector<16xf32>
            %broadcast_in_dim3A_821 = vector.shape_cast %xor3A_249 : vector<16xi32> to vector<16x1xi32>
            %gather3A_822 = vector.shape_cast %broadcast_in_dim3A_821 : vector<16x1xi32> to vector<16xi32>
            %gather3A_823 = tpu.dynamic_gather %select_n3A_744[%gather3A_822] in [0] : vector<16xf32>, vector<16xi32> -> vector<16xf32>
            %select_n3A_824 = arith.select %ne3A_235, %select_n3A_760, %gather3A_823 : vector<16xi1>, vector<16xf32>
            %broadcast_in_dim3A_825 = vector.shape_cast %xor3A_249 : vector<16xi32> to vector<16x1xi32>
            %gather3A_826 = vector.shape_cast %broadcast_in_dim3A_825 : vector<16x1xi32> to vector<16xi32>
            %gather3A_827 = tpu.dynamic_gather %select_n3A_768[%gather3A_826] in [0] : vector<16xf32>, vector<16xi32> -> vector<16xf32>
            %select_n3A_828 = arith.select %ne3A_235, %gather3A_827, %select_n3A_752 : vector<16xi1>, vector<16xf32>
            %broadcast_in_dim3A_829 = vector.shape_cast %xor3A_249 : vector<16xi32> to vector<16x1xi32>
            %gather3A_830 = vector.shape_cast %broadcast_in_dim3A_829 : vector<16x1xi32> to vector<16xi32>
            %gather3A_831 = tpu.dynamic_gather %select_n3A_752[%gather3A_830] in [0] : vector<16xf32>, vector<16xi32> -> vector<16xf32>
            %select_n3A_832 = arith.select %ne3A_235, %select_n3A_768, %gather3A_831 : vector<16xi1>, vector<16xf32>
            %broadcast_in_dim3A_833 = vector.shape_cast %xor3A_249 : vector<16xi32> to vector<16x1xi32>
            %gather3A_834 = vector.shape_cast %broadcast_in_dim3A_833 : vector<16x1xi32> to vector<16xi32>
            %gather3A_835 = tpu.dynamic_gather %select_n3A_788[%gather3A_834] in [0] : vector<16xf32>, vector<16xi32> -> vector<16xf32>
            %select_n3A_836 = arith.select %ne3A_235, %gather3A_835, %select_n3A_772 : vector<16xi1>, vector<16xf32>
            %broadcast_in_dim3A_837 = vector.shape_cast %xor3A_249 : vector<16xi32> to vector<16x1xi32>
            %gather3A_838 = vector.shape_cast %broadcast_in_dim3A_837 : vector<16x1xi32> to vector<16xi32>
            %gather3A_839 = tpu.dynamic_gather %select_n3A_772[%gather3A_838] in [0] : vector<16xf32>, vector<16xi32> -> vector<16xf32>
            %select_n3A_840 = arith.select %ne3A_235, %select_n3A_788, %gather3A_839 : vector<16xi1>, vector<16xf32>
            %broadcast_in_dim3A_841 = vector.shape_cast %xor3A_249 : vector<16xi32> to vector<16x1xi32>
            %gather3A_842 = vector.shape_cast %broadcast_in_dim3A_841 : vector<16x1xi32> to vector<16xi32>
            %gather3A_843 = tpu.dynamic_gather %select_n3A_796[%gather3A_842] in [0] : vector<16xf32>, vector<16xi32> -> vector<16xf32>
            %select_n3A_844 = arith.select %ne3A_235, %gather3A_843, %select_n3A_780 : vector<16xi1>, vector<16xf32>
            %broadcast_in_dim3A_845 = vector.shape_cast %xor3A_249 : vector<16xi32> to vector<16x1xi32>
            %gather3A_846 = vector.shape_cast %broadcast_in_dim3A_845 : vector<16x1xi32> to vector<16xi32>
            %gather3A_847 = tpu.dynamic_gather %select_n3A_780[%gather3A_846] in [0] : vector<16xf32>, vector<16xi32> -> vector<16xf32>
            %select_n3A_848 = arith.select %ne3A_235, %select_n3A_796, %gather3A_847 : vector<16xi1>, vector<16xf32>
            %broadcast_in_dim3A_849 = vector.shape_cast %xor3A_249 : vector<16xi32> to vector<16x1xi32>
            %gather3A_850 = vector.shape_cast %broadcast_in_dim3A_849 : vector<16x1xi32> to vector<16xi32>
            %gather3A_851 = tpu.dynamic_gather %select_n3A_792[%gather3A_850] in [0] : vector<16xf32>, vector<16xi32> -> vector<16xf32>
            %select_n3A_852 = arith.select %ne3A_235, %gather3A_851, %select_n3A_776 : vector<16xi1>, vector<16xf32>
            %broadcast_in_dim3A_853 = vector.shape_cast %xor3A_249 : vector<16xi32> to vector<16x1xi32>
            %gather3A_854 = vector.shape_cast %broadcast_in_dim3A_853 : vector<16x1xi32> to vector<16xi32>
            %gather3A_855 = tpu.dynamic_gather %select_n3A_776[%gather3A_854] in [0] : vector<16xf32>, vector<16xi32> -> vector<16xf32>
            %select_n3A_856 = arith.select %ne3A_235, %select_n3A_792, %gather3A_855 : vector<16xi1>, vector<16xf32>
            %broadcast_in_dim3A_857 = vector.shape_cast %xor3A_249 : vector<16xi32> to vector<16x1xi32>
            %gather3A_858 = vector.shape_cast %broadcast_in_dim3A_857 : vector<16x1xi32> to vector<16xi32>
            %gather3A_859 = tpu.dynamic_gather %select_n3A_800[%gather3A_858] in [0] : vector<16xf32>, vector<16xi32> -> vector<16xf32>
            %select_n3A_860 = arith.select %ne3A_235, %gather3A_859, %select_n3A_784 : vector<16xi1>, vector<16xf32>
            %broadcast_in_dim3A_861 = vector.shape_cast %xor3A_249 : vector<16xi32> to vector<16x1xi32>
            %gather3A_862 = vector.shape_cast %broadcast_in_dim3A_861 : vector<16x1xi32> to vector<16xi32>
            %gather3A_863 = tpu.dynamic_gather %select_n3A_784[%gather3A_862] in [0] : vector<16xf32>, vector<16xi32> -> vector<16xf32>
            %select_n3A_864 = arith.select %ne3A_235, %select_n3A_800, %gather3A_863 : vector<16xi1>, vector<16xf32>
            %broadcast_in_dim3A_865 = vector.shape_cast %xor3A_252 : vector<16xi32> to vector<16x1xi32>
            %gather3A_866 = vector.shape_cast %broadcast_in_dim3A_865 : vector<16x1xi32> to vector<16xi32>
            %gather3A_867 = tpu.dynamic_gather %select_n3A_836[%gather3A_866] in [0] : vector<16xf32>, vector<16xi32> -> vector<16xf32>
            %select_n3A_868 = arith.select %ne3A_241, %gather3A_867, %select_n3A_804 : vector<16xi1>, vector<16xf32>
            %broadcast_in_dim3A_869 = vector.shape_cast %xor3A_252 : vector<16xi32> to vector<16x1xi32>
            %gather3A_870 = vector.shape_cast %broadcast_in_dim3A_869 : vector<16x1xi32> to vector<16xi32>
            %gather3A_871 = tpu.dynamic_gather %select_n3A_804[%gather3A_870] in [0] : vector<16xf32>, vector<16xi32> -> vector<16xf32>
            %select_n3A_872 = arith.select %ne3A_241, %select_n3A_836, %gather3A_871 : vector<16xi1>, vector<16xf32>
            %broadcast_in_dim3A_873 = vector.shape_cast %xor3A_252 : vector<16xi32> to vector<16x1xi32>
            %gather3A_874 = vector.shape_cast %broadcast_in_dim3A_873 : vector<16x1xi32> to vector<16xi32>
            %gather3A_875 = tpu.dynamic_gather %select_n3A_844[%gather3A_874] in [0] : vector<16xf32>, vector<16xi32> -> vector<16xf32>
            %select_n3A_876 = arith.select %ne3A_241, %gather3A_875, %select_n3A_812 : vector<16xi1>, vector<16xf32>
            %broadcast_in_dim3A_877 = vector.shape_cast %xor3A_252 : vector<16xi32> to vector<16x1xi32>
            %gather3A_878 = vector.shape_cast %broadcast_in_dim3A_877 : vector<16x1xi32> to vector<16xi32>
            %gather3A_879 = tpu.dynamic_gather %select_n3A_812[%gather3A_878] in [0] : vector<16xf32>, vector<16xi32> -> vector<16xf32>
            %select_n3A_880 = arith.select %ne3A_241, %select_n3A_844, %gather3A_879 : vector<16xi1>, vector<16xf32>
            %broadcast_in_dim3A_881 = vector.shape_cast %xor3A_252 : vector<16xi32> to vector<16x1xi32>
            %gather3A_882 = vector.shape_cast %broadcast_in_dim3A_881 : vector<16x1xi32> to vector<16xi32>
            %gather3A_883 = tpu.dynamic_gather %select_n3A_852[%gather3A_882] in [0] : vector<16xf32>, vector<16xi32> -> vector<16xf32>
            %select_n3A_884 = arith.select %ne3A_241, %gather3A_883, %select_n3A_820 : vector<16xi1>, vector<16xf32>
            %broadcast_in_dim3A_885 = vector.shape_cast %xor3A_252 : vector<16xi32> to vector<16x1xi32>
            %gather3A_886 = vector.shape_cast %broadcast_in_dim3A_885 : vector<16x1xi32> to vector<16xi32>
            %gather3A_887 = tpu.dynamic_gather %select_n3A_820[%gather3A_886] in [0] : vector<16xf32>, vector<16xi32> -> vector<16xf32>
            %select_n3A_888 = arith.select %ne3A_241, %select_n3A_852, %gather3A_887 : vector<16xi1>, vector<16xf32>
            %broadcast_in_dim3A_889 = vector.shape_cast %xor3A_252 : vector<16xi32> to vector<16x1xi32>
            %gather3A_890 = vector.shape_cast %broadcast_in_dim3A_889 : vector<16x1xi32> to vector<16xi32>
            %gather3A_891 = tpu.dynamic_gather %select_n3A_860[%gather3A_890] in [0] : vector<16xf32>, vector<16xi32> -> vector<16xf32>
            %select_n3A_892 = arith.select %ne3A_241, %gather3A_891, %select_n3A_828 : vector<16xi1>, vector<16xf32>
            %broadcast_in_dim3A_893 = vector.shape_cast %xor3A_252 : vector<16xi32> to vector<16x1xi32>
            %gather3A_894 = vector.shape_cast %broadcast_in_dim3A_893 : vector<16x1xi32> to vector<16xi32>
            %gather3A_895 = tpu.dynamic_gather %select_n3A_828[%gather3A_894] in [0] : vector<16xf32>, vector<16xi32> -> vector<16xf32>
            %select_n3A_896 = arith.select %ne3A_241, %select_n3A_860, %gather3A_895 : vector<16xi1>, vector<16xf32>
            %broadcast_in_dim3A_897 = vector.shape_cast %xor3A_252 : vector<16xi32> to vector<16x1xi32>
            %gather3A_898 = vector.shape_cast %broadcast_in_dim3A_897 : vector<16x1xi32> to vector<16xi32>
            %gather3A_899 = tpu.dynamic_gather %select_n3A_840[%gather3A_898] in [0] : vector<16xf32>, vector<16xi32> -> vector<16xf32>
            %select_n3A_900 = arith.select %ne3A_241, %gather3A_899, %select_n3A_808 : vector<16xi1>, vector<16xf32>
            %broadcast_in_dim3A_901 = vector.shape_cast %xor3A_252 : vector<16xi32> to vector<16x1xi32>
            %gather3A_902 = vector.shape_cast %broadcast_in_dim3A_901 : vector<16x1xi32> to vector<16xi32>
            %gather3A_903 = tpu.dynamic_gather %select_n3A_808[%gather3A_902] in [0] : vector<16xf32>, vector<16xi32> -> vector<16xf32>
            %select_n3A_904 = arith.select %ne3A_241, %select_n3A_840, %gather3A_903 : vector<16xi1>, vector<16xf32>
            %broadcast_in_dim3A_905 = vector.shape_cast %xor3A_252 : vector<16xi32> to vector<16x1xi32>
            %gather3A_906 = vector.shape_cast %broadcast_in_dim3A_905 : vector<16x1xi32> to vector<16xi32>
            %gather3A_907 = tpu.dynamic_gather %select_n3A_848[%gather3A_906] in [0] : vector<16xf32>, vector<16xi32> -> vector<16xf32>
            %select_n3A_908 = arith.select %ne3A_241, %gather3A_907, %select_n3A_816 : vector<16xi1>, vector<16xf32>
            %broadcast_in_dim3A_909 = vector.shape_cast %xor3A_252 : vector<16xi32> to vector<16x1xi32>
            %gather3A_910 = vector.shape_cast %broadcast_in_dim3A_909 : vector<16x1xi32> to vector<16xi32>
            %gather3A_911 = tpu.dynamic_gather %select_n3A_816[%gather3A_910] in [0] : vector<16xf32>, vector<16xi32> -> vector<16xf32>
            %select_n3A_912 = arith.select %ne3A_241, %select_n3A_848, %gather3A_911 : vector<16xi1>, vector<16xf32>
            %broadcast_in_dim3A_913 = vector.shape_cast %xor3A_252 : vector<16xi32> to vector<16x1xi32>
            %gather3A_914 = vector.shape_cast %broadcast_in_dim3A_913 : vector<16x1xi32> to vector<16xi32>
            %gather3A_915 = tpu.dynamic_gather %select_n3A_856[%gather3A_914] in [0] : vector<16xf32>, vector<16xi32> -> vector<16xf32>
            %select_n3A_916 = arith.select %ne3A_241, %gather3A_915, %select_n3A_824 : vector<16xi1>, vector<16xf32>
            %broadcast_in_dim3A_917 = vector.shape_cast %xor3A_252 : vector<16xi32> to vector<16x1xi32>
            %gather3A_918 = vector.shape_cast %broadcast_in_dim3A_917 : vector<16x1xi32> to vector<16xi32>
            %gather3A_919 = tpu.dynamic_gather %select_n3A_824[%gather3A_918] in [0] : vector<16xf32>, vector<16xi32> -> vector<16xf32>
            %select_n3A_920 = arith.select %ne3A_241, %select_n3A_856, %gather3A_919 : vector<16xi1>, vector<16xf32>
            %broadcast_in_dim3A_921 = vector.shape_cast %xor3A_252 : vector<16xi32> to vector<16x1xi32>
            %gather3A_922 = vector.shape_cast %broadcast_in_dim3A_921 : vector<16x1xi32> to vector<16xi32>
            %gather3A_923 = tpu.dynamic_gather %select_n3A_864[%gather3A_922] in [0] : vector<16xf32>, vector<16xi32> -> vector<16xf32>
            %select_n3A_924 = arith.select %ne3A_241, %gather3A_923, %select_n3A_832 : vector<16xi1>, vector<16xf32>
            %broadcast_in_dim3A_925 = vector.shape_cast %xor3A_252 : vector<16xi32> to vector<16x1xi32>
            %gather3A_926 = vector.shape_cast %broadcast_in_dim3A_925 : vector<16x1xi32> to vector<16xi32>
            %gather3A_927 = tpu.dynamic_gather %select_n3A_832[%gather3A_926] in [0] : vector<16xf32>, vector<16xi32> -> vector<16xf32>
            %select_n3A_928 = arith.select %ne3A_241, %select_n3A_864, %gather3A_927 : vector<16xi1>, vector<16xf32>
            %add3A_929 = arith.constant 0 : i32
            %add3A_930 = arith.addi %mul3A_464, %add3A_929 : i32
            %get3A_931 = arith.index_cast %add3A_930 : i32 to index
            %get3A_932 = arith.index_cast %mul3A_317 : i32 to index
            %get3A_933 = tpu.vector_load %arg18[%get3A_931, %get3A_932] {strides = array<i32>} : memref<64x128xf32, #tpu.memory_space<vmem>>, vector<16xf32>,
            %get3A_934 = arith.index_cast %add3A_930 : i32 to index
            %get3A_935 = arith.index_cast %mul3A_317 : i32 to index
            %get3A_936 = tpu.vector_load %arg19[%get3A_934, %get3A_935] {strides = array<i32>} : memref<64x128xf32, #tpu.memory_space<vmem>>, vector<16xf32>,
            %select_n3A_937 = arith.select %ne3A_455, %get3A_936, %get3A_933 : vector<16xi1>, vector<16xf32>
            %add3A_938 = arith.addf %select_n3A_868, %select_n3A_937 : vector<16xf32>
            %swap3A_939 = arith.index_cast %add3A_930 : i32 to index
            %swap3A_940 = arith.index_cast %mul3A_317 : i32 to index
            %swap3A_941 = tpu.vector_load %arg17[%swap3A_939, %swap3A_940] {strides = array<i32>} : memref<64x128xf32, #tpu.memory_space<vmem>>, vector<16xf32>,
            tpu.vector_store %arg17[%swap3A_939, %swap3A_940], %add3A_938 {strides = array<i32>} : memref<64x128xf32, #tpu.memory_space<vmem>>, vector<16xf32>,
            %add3A_942 = arith.constant 1 : i32
            %add3A_943 = arith.addi %mul3A_464, %add3A_942 : i32
            %get3A_944 = arith.index_cast %add3A_943 : i32 to index
            %get3A_945 = arith.index_cast %mul3A_317 : i32 to index
            %get3A_946 = tpu.vector_load %arg18[%get3A_944, %get3A_945] {strides = array<i32>} : memref<64x128xf32, #tpu.memory_space<vmem>>, vector<16xf32>,
            %get3A_947 = arith.index_cast %add3A_943 : i32 to index
            %get3A_948 = arith.index_cast %mul3A_317 : i32 to index
            %get3A_949 = tpu.vector_load %arg19[%get3A_947, %get3A_948] {strides = array<i32>} : memref<64x128xf32, #tpu.memory_space<vmem>>, vector<16xf32>,
            %select_n3A_950 = arith.select %ne3A_455, %get3A_949, %get3A_946 : vector<16xi1>, vector<16xf32>
            %add3A_951 = arith.addf %select_n3A_876, %select_n3A_950 : vector<16xf32>
            %swap3A_952 = arith.index_cast %add3A_943 : i32 to index
            %swap3A_953 = arith.index_cast %mul3A_317 : i32 to index
            %swap3A_954 = tpu.vector_load %arg17[%swap3A_952, %swap3A_953] {strides = array<i32>} : memref<64x128xf32, #tpu.memory_space<vmem>>, vector<16xf32>,
            tpu.vector_store %arg17[%swap3A_952, %swap3A_953], %add3A_951 {strides = array<i32>} : memref<64x128xf32, #tpu.memory_space<vmem>>, vector<16xf32>,
            %add3A_955 = arith.constant 2 : i32
            %add3A_956 = arith.addi %mul3A_464, %add3A_955 : i32
            %get3A_957 = arith.index_cast %add3A_956 : i32 to index
            %get3A_958 = arith.index_cast %mul3A_317 : i32 to index
            %get3A_959 = tpu.vector_load %arg18[%get3A_957, %get3A_958] {strides = array<i32>} : memref<64x128xf32, #tpu.memory_space<vmem>>, vector<16xf32>,
            %get3A_960 = arith.index_cast %add3A_956 : i32 to index
            %get3A_961 = arith.index_cast %mul3A_317 : i32 to index
            %get3A_962 = tpu.vector_load %arg19[%get3A_960, %get3A_961] {strides = array<i32>} : memref<64x128xf32, #tpu.memory_space<vmem>>, vector<16xf32>,
            %select_n3A_963 = arith.select %ne3A_455, %get3A_962, %get3A_959 : vector<16xi1>, vector<16xf32>
            %add3A_964 = arith.addf %select_n3A_884, %select_n3A_963 : vector<16xf32>
            %swap3A_965 = arith.index_cast %add3A_956 : i32 to index
            %swap3A_966 = arith.index_cast %mul3A_317 : i32 to index
            %swap3A_967 = tpu.vector_load %arg17[%swap3A_965, %swap3A_966] {strides = array<i32>} : memref<64x128xf32, #tpu.memory_space<vmem>>, vector<16xf32>,
            tpu.vector_store %arg17[%swap3A_965, %swap3A_966], %add3A_964 {strides = array<i32>} : memref<64x128xf32, #tpu.memory_space<vmem>>, vector<16xf32>,
            %add3A_968 = arith.constant 3 : i32
            %add3A_969 = arith.addi %mul3A_464, %add3A_968 : i32
            %get3A_970 = arith.index_cast %add3A_969 : i32 to index
            %get3A_971 = arith.index_cast %mul3A_317 : i32 to index
            %get3A_972 = tpu.vector_load %arg18[%get3A_970, %get3A_971] {strides = array<i32>} : memref<64x128xf32, #tpu.memory_space<vmem>>, vector<16xf32>,
            %get3A_973 = arith.index_cast %add3A_969 : i32 to index
            %get3A_974 = arith.index_cast %mul3A_317 : i32 to index
            %get3A_975 = tpu.vector_load %arg19[%get3A_973, %get3A_974] {strides = array<i32>} : memref<64x128xf32, #tpu.memory_space<vmem>>, vector<16xf32>,
            %select_n3A_976 = arith.select %ne3A_455, %get3A_975, %get3A_972 : vector<16xi1>, vector<16xf32>
            %add3A_977 = arith.addf %select_n3A_892, %select_n3A_976 : vector<16xf32>
            %swap3A_978 = arith.index_cast %add3A_969 : i32 to index
            %swap3A_979 = arith.index_cast %mul3A_317 : i32 to index
            %swap3A_980 = tpu.vector_load %arg17[%swap3A_978, %swap3A_979] {strides = array<i32>} : memref<64x128xf32, #tpu.memory_space<vmem>>, vector<16xf32>,
            tpu.vector_store %arg17[%swap3A_978, %swap3A_979], %add3A_977 {strides = array<i32>} : memref<64x128xf32, #tpu.memory_space<vmem>>, vector<16xf32>,
            %add3A_981 = arith.constant 4 : i32
            %add3A_982 = arith.addi %mul3A_464, %add3A_981 : i32
            %get3A_983 = arith.index_cast %add3A_982 : i32 to index
            %get3A_984 = arith.index_cast %mul3A_317 : i32 to index
            %get3A_985 = tpu.vector_load %arg18[%get3A_983, %get3A_984] {strides = array<i32>} : memref<64x128xf32, #tpu.memory_space<vmem>>, vector<16xf32>,
            %get3A_986 = arith.index_cast %add3A_982 : i32 to index
            %get3A_987 = arith.index_cast %mul3A_317 : i32 to index
            %get3A_988 = tpu.vector_load %arg19[%get3A_986, %get3A_987] {strides = array<i32>} : memref<64x128xf32, #tpu.memory_space<vmem>>, vector<16xf32>,
            %select_n3A_989 = arith.select %ne3A_455, %get3A_988, %get3A_985 : vector<16xi1>, vector<16xf32>
            %add3A_990 = arith.addf %select_n3A_900, %select_n3A_989 : vector<16xf32>
            %swap3A_991 = arith.index_cast %add3A_982 : i32 to index
            %swap3A_992 = arith.index_cast %mul3A_317 : i32 to index
            %swap3A_993 = tpu.vector_load %arg17[%swap3A_991, %swap3A_992] {strides = array<i32>} : memref<64x128xf32, #tpu.memory_space<vmem>>, vector<16xf32>,
            tpu.vector_store %arg17[%swap3A_991, %swap3A_992], %add3A_990 {strides = array<i32>} : memref<64x128xf32, #tpu.memory_space<vmem>>, vector<16xf32>,
            %add3A_994 = arith.constant 5 : i32
            %add3A_995 = arith.addi %mul3A_464, %add3A_994 : i32
            %get3A_996 = arith.index_cast %add3A_995 : i32 to index
            %get3A_997 = arith.index_cast %mul3A_317 : i32 to index
            %get3A_998 = tpu.vector_load %arg18[%get3A_996, %get3A_997] {strides = array<i32>} : memref<64x128xf32, #tpu.memory_space<vmem>>, vector<16xf32>,
            %get3A_999 = arith.index_cast %add3A_995 : i32 to index
            %get3A_1000 = arith.index_cast %mul3A_317 : i32 to index
            %get3A_1001 = tpu.vector_load %arg19[%get3A_999, %get3A_1000] {strides = array<i32>} : memref<64x128xf32, #tpu.memory_space<vmem>>, vector<16xf32>,
            %select_n3A_1002 = arith.select %ne3A_455, %get3A_1001, %get3A_998 : vector<16xi1>, vector<16xf32>
            %add3A_1003 = arith.addf %select_n3A_908, %select_n3A_1002 : vector<16xf32>
            %swap3A_1004 = arith.index_cast %add3A_995 : i32 to index
            %swap3A_1005 = arith.index_cast %mul3A_317 : i32 to index
            %swap3A_1006 = tpu.vector_load %arg17[%swap3A_1004, %swap3A_1005] {strides = array<i32>} : memref<64x128xf32, #tpu.memory_space<vmem>>, vector<16xf32>,
            tpu.vector_store %arg17[%swap3A_1004, %swap3A_1005], %add3A_1003 {strides = array<i32>} : memref<64x128xf32, #tpu.memory_space<vmem>>, vector<16xf32>,
            %add3A_1007 = arith.constant 6 : i32
            %add3A_1008 = arith.addi %mul3A_464, %add3A_1007 : i32
            %get3A_1009 = arith.index_cast %add3A_1008 : i32 to index
            %get3A_1010 = arith.index_cast %mul3A_317 : i32 to index
            %get3A_1011 = tpu.vector_load %arg18[%get3A_1009, %get3A_1010] {strides = array<i32>} : memref<64x128xf32, #tpu.memory_space<vmem>>, vector<16xf32>,
            %get3A_1012 = arith.index_cast %add3A_1008 : i32 to index
            %get3A_1013 = arith.index_cast %mul3A_317 : i32 to index
            %get3A_1014 = tpu.vector_load %arg19[%get3A_1012, %get3A_1013] {strides = array<i32>} : memref<64x128xf32, #tpu.memory_space<vmem>>, vector<16xf32>,
            %select_n3A_1015 = arith.select %ne3A_455, %get3A_1014, %get3A_1011 : vector<16xi1>, vector<16xf32>
            %add3A_1016 = arith.addf %select_n3A_916, %select_n3A_1015 : vector<16xf32>
            %swap3A_1017 = arith.index_cast %add3A_1008 : i32 to index
            %swap3A_1018 = arith.index_cast %mul3A_317 : i32 to index
            %swap3A_1019 = tpu.vector_load %arg17[%swap3A_1017, %swap3A_1018] {strides = array<i32>} : memref<64x128xf32, #tpu.memory_space<vmem>>, vector<16xf32>,
            tpu.vector_store %arg17[%swap3A_1017, %swap3A_1018], %add3A_1016 {strides = array<i32>} : memref<64x128xf32, #tpu.memory_space<vmem>>, vector<16xf32>,
            %add3A_1020 = arith.constant 7 : i32
            %add3A_1021 = arith.addi %mul3A_464, %add3A_1020 : i32
            %get3A_1022 = arith.index_cast %add3A_1021 : i32 to index
            %get3A_1023 = arith.index_cast %mul3A_317 : i32 to index
            %get3A_1024 = tpu.vector_load %arg18[%get3A_1022, %get3A_1023] {strides = array<i32>} : memref<64x128xf32, #tpu.memory_space<vmem>>, vector<16xf32>,
            %get3A_1025 = arith.index_cast %add3A_1021 : i32 to index
            %get3A_1026 = arith.index_cast %mul3A_317 : i32 to index
            %get3A_1027 = tpu.vector_load %arg19[%get3A_1025, %get3A_1026] {strides = array<i32>} : memref<64x128xf32, #tpu.memory_space<vmem>>, vector<16xf32>,
            %select_n3A_1028 = arith.select %ne3A_455, %get3A_1027, %get3A_1024 : vector<16xi1>, vector<16xf32>
            %add3A_1029 = arith.addf %select_n3A_924, %select_n3A_1028 : vector<16xf32>
            %swap3A_1030 = arith.index_cast %add3A_1021 : i32 to index
            %swap3A_1031 = arith.index_cast %mul3A_317 : i32 to index
            %swap3A_1032 = tpu.vector_load %arg17[%swap3A_1030, %swap3A_1031] {strides = array<i32>} : memref<64x128xf32, #tpu.memory_space<vmem>>, vector<16xf32>,
            tpu.vector_store %arg17[%swap3A_1030, %swap3A_1031], %add3A_1029 {strides = array<i32>} : memref<64x128xf32, #tpu.memory_space<vmem>>, vector<16xf32>,
            %add3A_1033 = arith.constant 8 : i32
            %add3A_1034 = arith.addi %mul3A_464, %add3A_1033 : i32
            %get3A_1035 = arith.index_cast %add3A_1034 : i32 to index
            %get3A_1036 = arith.index_cast %mul3A_317 : i32 to index
            %get3A_1037 = tpu.vector_load %arg18[%get3A_1035, %get3A_1036] {strides = array<i32>} : memref<64x128xf32, #tpu.memory_space<vmem>>, vector<16xf32>,
            %get3A_1038 = arith.index_cast %add3A_1034 : i32 to index
            %get3A_1039 = arith.index_cast %mul3A_317 : i32 to index
            %get3A_1040 = tpu.vector_load %arg19[%get3A_1038, %get3A_1039] {strides = array<i32>} : memref<64x128xf32, #tpu.memory_space<vmem>>, vector<16xf32>,
            %select_n3A_1041 = arith.select %ne3A_455, %get3A_1040, %get3A_1037 : vector<16xi1>, vector<16xf32>
            %add3A_1042 = arith.addf %select_n3A_872, %select_n3A_1041 : vector<16xf32>
            %swap3A_1043 = arith.index_cast %add3A_1034 : i32 to index
            %swap3A_1044 = arith.index_cast %mul3A_317 : i32 to index
            %swap3A_1045 = tpu.vector_load %arg17[%swap3A_1043, %swap3A_1044] {strides = array<i32>} : memref<64x128xf32, #tpu.memory_space<vmem>>, vector<16xf32>,
            tpu.vector_store %arg17[%swap3A_1043, %swap3A_1044], %add3A_1042 {strides = array<i32>} : memref<64x128xf32, #tpu.memory_space<vmem>>, vector<16xf32>,
            %add3A_1046 = arith.constant 9 : i32
            %add3A_1047 = arith.addi %mul3A_464, %add3A_1046 : i32
            %get3A_1048 = arith.index_cast %add3A_1047 : i32 to index
            %get3A_1049 = arith.index_cast %mul3A_317 : i32 to index
            %get3A_1050 = tpu.vector_load %arg18[%get3A_1048, %get3A_1049] {strides = array<i32>} : memref<64x128xf32, #tpu.memory_space<vmem>>, vector<16xf32>,
            %get3A_1051 = arith.index_cast %add3A_1047 : i32 to index
            %get3A_1052 = arith.index_cast %mul3A_317 : i32 to index
            %get3A_1053 = tpu.vector_load %arg19[%get3A_1051, %get3A_1052] {strides = array<i32>} : memref<64x128xf32, #tpu.memory_space<vmem>>, vector<16xf32>,
            %select_n3A_1054 = arith.select %ne3A_455, %get3A_1053, %get3A_1050 : vector<16xi1>, vector<16xf32>
            %add3A_1055 = arith.addf %select_n3A_880, %select_n3A_1054 : vector<16xf32>
            %swap3A_1056 = arith.index_cast %add3A_1047 : i32 to index
            %swap3A_1057 = arith.index_cast %mul3A_317 : i32 to index
            %swap3A_1058 = tpu.vector_load %arg17[%swap3A_1056, %swap3A_1057] {strides = array<i32>} : memref<64x128xf32, #tpu.memory_space<vmem>>, vector<16xf32>,
            tpu.vector_store %arg17[%swap3A_1056, %swap3A_1057], %add3A_1055 {strides = array<i32>} : memref<64x128xf32, #tpu.memory_space<vmem>>, vector<16xf32>,
            %add3A_1059 = arith.constant 10 : i32
            %add3A_1060 = arith.addi %mul3A_464, %add3A_1059 : i32
            %get3A_1061 = arith.index_cast %add3A_1060 : i32 to index
            %get3A_1062 = arith.index_cast %mul3A_317 : i32 to index
            %get3A_1063 = tpu.vector_load %arg18[%get3A_1061, %get3A_1062] {strides = array<i32>} : memref<64x128xf32, #tpu.memory_space<vmem>>, vector<16xf32>,
            %get3A_1064 = arith.index_cast %add3A_1060 : i32 to index
            %get3A_1065 = arith.index_cast %mul3A_317 : i32 to index
            %get3A_1066 = tpu.vector_load %arg19[%get3A_1064, %get3A_1065] {strides = array<i32>} : memref<64x128xf32, #tpu.memory_space<vmem>>, vector<16xf32>,
            %select_n3A_1067 = arith.select %ne3A_455, %get3A_1066, %get3A_1063 : vector<16xi1>, vector<16xf32>
            %add3A_1068 = arith.addf %select_n3A_888, %select_n3A_1067 : vector<16xf32>
            %swap3A_1069 = arith.index_cast %add3A_1060 : i32 to index
            %swap3A_1070 = arith.index_cast %mul3A_317 : i32 to index
            %swap3A_1071 = tpu.vector_load %arg17[%swap3A_1069, %swap3A_1070] {strides = array<i32>} : memref<64x128xf32, #tpu.memory_space<vmem>>, vector<16xf32>,
            tpu.vector_store %arg17[%swap3A_1069, %swap3A_1070], %add3A_1068 {strides = array<i32>} : memref<64x128xf32, #tpu.memory_space<vmem>>, vector<16xf32>,
            %add3A_1072 = arith.constant 11 : i32
            %add3A_1073 = arith.addi %mul3A_464, %add3A_1072 : i32
            %get3A_1074 = arith.index_cast %add3A_1073 : i32 to index
            %get3A_1075 = arith.index_cast %mul3A_317 : i32 to index
            %get3A_1076 = tpu.vector_load %arg18[%get3A_1074, %get3A_1075] {strides = array<i32>} : memref<64x128xf32, #tpu.memory_space<vmem>>, vector<16xf32>,
            %get3A_1077 = arith.index_cast %add3A_1073 : i32 to index
            %get3A_1078 = arith.index_cast %mul3A_317 : i32 to index
            %get3A_1079 = tpu.vector_load %arg19[%get3A_1077, %get3A_1078] {strides = array<i32>} : memref<64x128xf32, #tpu.memory_space<vmem>>, vector<16xf32>,
            %select_n3A_1080 = arith.select %ne3A_455, %get3A_1079, %get3A_1076 : vector<16xi1>, vector<16xf32>
            %add3A_1081 = arith.addf %select_n3A_896, %select_n3A_1080 : vector<16xf32>
            %swap3A_1082 = arith.index_cast %add3A_1073 : i32 to index
            %swap3A_1083 = arith.index_cast %mul3A_317 : i32 to index
            %swap3A_1084 = tpu.vector_load %arg17[%swap3A_1082, %swap3A_1083] {strides = array<i32>} : memref<64x128xf32, #tpu.memory_space<vmem>>, vector<16xf32>,
            tpu.vector_store %arg17[%swap3A_1082, %swap3A_1083], %add3A_1081 {strides = array<i32>} : memref<64x128xf32, #tpu.memory_space<vmem>>, vector<16xf32>,
            %add3A_1085 = arith.constant 12 : i32
            %add3A_1086 = arith.addi %mul3A_464, %add3A_1085 : i32
            %get3A_1087 = arith.index_cast %add3A_1086 : i32 to index
            %get3A_1088 = arith.index_cast %mul3A_317 : i32 to index
            %get3A_1089 = tpu.vector_load %arg18[%get3A_1087, %get3A_1088] {strides = array<i32>} : memref<64x128xf32, #tpu.memory_space<vmem>>, vector<16xf32>,
            %get3A_1090 = arith.index_cast %add3A_1086 : i32 to index
            %get3A_1091 = arith.index_cast %mul3A_317 : i32 to index
            %get3A_1092 = tpu.vector_load %arg19[%get3A_1090, %get3A_1091] {strides = array<i32>} : memref<64x128xf32, #tpu.memory_space<vmem>>, vector<16xf32>,
            %select_n3A_1093 = arith.select %ne3A_455, %get3A_1092, %get3A_1089 : vector<16xi1>, vector<16xf32>
            %add3A_1094 = arith.addf %select_n3A_904, %select_n3A_1093 : vector<16xf32>
            %swap3A_1095 = arith.index_cast %add3A_1086 : i32 to index
            %swap3A_1096 = arith.index_cast %mul3A_317 : i32 to index
            %swap3A_1097 = tpu.vector_load %arg17[%swap3A_1095, %swap3A_1096] {strides = array<i32>} : memref<64x128xf32, #tpu.memory_space<vmem>>, vector<16xf32>,
            tpu.vector_store %arg17[%swap3A_1095, %swap3A_1096], %add3A_1094 {strides = array<i32>} : memref<64x128xf32, #tpu.memory_space<vmem>>, vector<16xf32>,
            %add3A_1098 = arith.constant 13 : i32
            %add3A_1099 = arith.addi %mul3A_464, %add3A_1098 : i32
            %get3A_1100 = arith.index_cast %add3A_1099 : i32 to index
            %get3A_1101 = arith.index_cast %mul3A_317 : i32 to index
            %get3A_1102 = tpu.vector_load %arg18[%get3A_1100, %get3A_1101] {strides = array<i32>} : memref<64x128xf32, #tpu.memory_space<vmem>>, vector<16xf32>,
            %get3A_1103 = arith.index_cast %add3A_1099 : i32 to index
            %get3A_1104 = arith.index_cast %mul3A_317 : i32 to index
            %get3A_1105 = tpu.vector_load %arg19[%get3A_1103, %get3A_1104] {strides = array<i32>} : memref<64x128xf32, #tpu.memory_space<vmem>>, vector<16xf32>,
            %select_n3A_1106 = arith.select %ne3A_455, %get3A_1105, %get3A_1102 : vector<16xi1>, vector<16xf32>
            %add3A_1107 = arith.addf %select_n3A_912, %select_n3A_1106 : vector<16xf32>
            %swap3A_1108 = arith.index_cast %add3A_1099 : i32 to index
            %swap3A_1109 = arith.index_cast %mul3A_317 : i32 to index
            %swap3A_1110 = tpu.vector_load %arg17[%swap3A_1108, %swap3A_1109] {strides = array<i32>} : memref<64x128xf32, #tpu.memory_space<vmem>>, vector<16xf32>,
            tpu.vector_store %arg17[%swap3A_1108, %swap3A_1109], %add3A_1107 {strides = array<i32>} : memref<64x128xf32, #tpu.memory_space<vmem>>, vector<16xf32>,
            %add3A_1111 = arith.constant 14 : i32
            %add3A_1112 = arith.addi %mul3A_464, %add3A_1111 : i32
            %get3A_1113 = arith.index_cast %add3A_1112 : i32 to index
            %get3A_1114 = arith.index_cast %mul3A_317 : i32 to index
            %get3A_1115 = tpu.vector_load %arg18[%get3A_1113, %get3A_1114] {strides = array<i32>} : memref<64x128xf32, #tpu.memory_space<vmem>>, vector<16xf32>,
            %get3A_1116 = arith.index_cast %add3A_1112 : i32 to index
            %get3A_1117 = arith.index_cast %mul3A_317 : i32 to index
            %get3A_1118 = tpu.vector_load %arg19[%get3A_1116, %get3A_1117] {strides = array<i32>} : memref<64x128xf32, #tpu.memory_space<vmem>>, vector<16xf32>,
            %select_n3A_1119 = arith.select %ne3A_455, %get3A_1118, %get3A_1115 : vector<16xi1>, vector<16xf32>
            %add3A_1120 = arith.addf %select_n3A_920, %select_n3A_1119 : vector<16xf32>
            %swap3A_1121 = arith.index_cast %add3A_1112 : i32 to index
            %swap3A_1122 = arith.index_cast %mul3A_317 : i32 to index
            %swap3A_1123 = tpu.vector_load %arg17[%swap3A_1121, %swap3A_1122] {strides = array<i32>} : memref<64x128xf32, #tpu.memory_space<vmem>>, vector<16xf32>,
            tpu.vector_store %arg17[%swap3A_1121, %swap3A_1122], %add3A_1120 {strides = array<i32>} : memref<64x128xf32, #tpu.memory_space<vmem>>, vector<16xf32>,
            %add3A_1124 = arith.constant 15 : i32
            %add3A_1125 = arith.addi %mul3A_464, %add3A_1124 : i32
            %get3A_1126 = arith.index_cast %add3A_1125 : i32 to index
            %get3A_1127 = arith.index_cast %mul3A_317 : i32 to index
            %get3A_1128 = tpu.vector_load %arg18[%get3A_1126, %get3A_1127] {strides = array<i32>} : memref<64x128xf32, #tpu.memory_space<vmem>>, vector<16xf32>,
            %get3A_1129 = arith.index_cast %add3A_1125 : i32 to index
            %get3A_1130 = arith.index_cast %mul3A_317 : i32 to index
            %get3A_1131 = tpu.vector_load %arg19[%get3A_1129, %get3A_1130] {strides = array<i32>} : memref<64x128xf32, #tpu.memory_space<vmem>>, vector<16xf32>,
            %select_n3A_1132 = arith.select %ne3A_455, %get3A_1131, %get3A_1128 : vector<16xi1>, vector<16xf32>
            %add3A_1133 = arith.addf %select_n3A_928, %select_n3A_1132 : vector<16xf32>
            %swap3A_1134 = arith.index_cast %add3A_1125 : i32 to index
            %swap3A_1135 = arith.index_cast %mul3A_317 : i32 to index
            %swap3A_1136 = tpu.vector_load %arg17[%swap3A_1134, %swap3A_1135] {strides = array<i32>} : memref<64x128xf32, #tpu.memory_space<vmem>>, vector<16xf32>,
            tpu.vector_store %arg17[%swap3A_1134, %swap3A_1135], %add3A_1133 {strides = array<i32>} : memref<64x128xf32, #tpu.memory_space<vmem>>, vector<16xf32>,
          }
          %scan3A_461 = arith.constant 4 : i32
        }
        %scan3A_299 = arith.constant 8 : i32
        %add3A_300 = arith.constant 1 : i32
        %add3A_301 = arith.addi %scan3A_272, %add3A_300 : i32
        %dma_start3A_302 = arith.constant 0 : i32
        %dma_start3A_303 = tpu.memref_slice %arg7[%add3A_301, %dma_start3A_302, %mul3A_2] : memref<201x64x4096xf32, #tpu.memory_space<hbm>> -> memref<1x64x128xf32, #tpu.memory_space<hbm>>
        %dma_start3A_304 = tpu.memref_squeeze %dma_start3A_303 : memref<1x64x128xf32, #tpu.memory_space<hbm>> -> memref<64x128xf32, #tpu.memory_space<hbm>>
        %dma_start3A_305 = arith.constant 0 : i32
        %dma_start3A_306 = tpu.memref_slice %arg7[%add3A_301, %dma_start3A_305, %mul3A_2] : memref<201x64x4096xf32, #tpu.memory_space<hbm>> -> memref<1x64x128xf32, #tpu.memory_space<hbm>>
        %dma_start3A_307 = tpu.memref_squeeze %dma_start3A_306 : memref<1x64x128xf32, #tpu.memory_space<hbm>> -> memref<64x128xf32, #tpu.memory_space<hbm>>
        tpu.enqueue_dma source(%arg17 : memref<64x128xf32, #tpu.memory_space<vmem>>) target(%dma_start3A_307 : memref<64x128xf32, #tpu.memory_space<hbm>>) target_semaphore(%arg23 : memref<!tpu.dma_semaphore, #tpu.memory_space<semaphore_mem>>)
        %add3A_308 = arith.constant 2 : i32
        %add3A_309 = arith.addi %scan3A_272, %add3A_308 : i32
        %lt3A_310 = arith.constant 200 : i32
        %lt3A_311 = arith.cmpi slt, %add3A_309, %lt3A_310 : i32
        %convert_element_type3A_312 = arith.extui %lt3A_311 : i1 to i32
        %cond3A_313 = arith.constant 0 : i32
        %cond3A_314 = arith.cmpi ne, %convert_element_type3A_312, %cond3A_313 : i32
        scf.if %cond3A_314 {
          %add3A_315 = arith.constant 2 : i32
          %add3A_316 = arith.addi %scan3A_272, %add3A_315 : i32
          %get3A_317 = arith.index_cast %add3A_316 : i32 to index
          %get3A_318 = arith.constant 0 : index
          %get3A_319 = tpu.vector_load %arg8[%get3A_317, %get3A_318] {strides = array<i32>} : memref<200x128xi32, #tpu.memory_space<vmem>>, vector<16xi32>,
          %shift_right_logical3A_320 = arith.constant 1 : i32
          %shift_right_logical3A_321 = vector.broadcast %shift_right_logical3A_320 : i32 to vector<16xi32>
          %shift_right_logical3A_322 = arith.shrui %get3A_319, %shift_right_logical3A_321 : vector<16xi32>
          %swap3A_323 = arith.constant 0 : index
          %swap3A_324 = tpu.vector_load %arg13[%swap3A_323] {strides = array<i32>} : memref<128xi32, #tpu.memory_space<vmem>>, vector<16xi32>,
          tpu.vector_store %arg13[%swap3A_323], %shift_right_logical3A_322 {strides = array<i32>} : memref<128xi32, #tpu.memory_space<vmem>>, vector<16xi32>,
          %get3A_325 = arith.index_cast %add3A_316 : i32 to index
          %get3A_326 = arith.constant 16 : index
          %get3A_327 = tpu.vector_load %arg8[%get3A_325, %get3A_326] {strides = array<i32>} : memref<200x128xi32, #tpu.memory_space<vmem>>, vector<16xi32>,
          %shift_right_logical3A_328 = arith.constant 1 : i32
          %shift_right_logical3A_329 = vector.broadcast %shift_right_logical3A_328 : i32 to vector<16xi32>
          %shift_right_logical3A_330 = arith.shrui %get3A_327, %shift_right_logical3A_329 : vector<16xi32>
          %swap3A_331 = arith.constant 16 : index
          %swap3A_332 = tpu.vector_load %arg13[%swap3A_331] {strides = array<i32>} : memref<128xi32, #tpu.memory_space<vmem>>, vector<16xi32>,
          tpu.vector_store %arg13[%swap3A_331], %shift_right_logical3A_330 {strides = array<i32>} : memref<128xi32, #tpu.memory_space<vmem>>, vector<16xi32>,
          %get3A_333 = arith.index_cast %add3A_316 : i32 to index
          %get3A_334 = arith.constant 32 : index
          %get3A_335 = tpu.vector_load %arg8[%get3A_333, %get3A_334] {strides = array<i32>} : memref<200x128xi32, #tpu.memory_space<vmem>>, vector<16xi32>,
          %shift_right_logical3A_336 = arith.constant 1 : i32
          %shift_right_logical3A_337 = vector.broadcast %shift_right_logical3A_336 : i32 to vector<16xi32>
          %shift_right_logical3A_338 = arith.shrui %get3A_335, %shift_right_logical3A_337 : vector<16xi32>
          %swap3A_339 = arith.constant 32 : index
          %swap3A_340 = tpu.vector_load %arg13[%swap3A_339] {strides = array<i32>} : memref<128xi32, #tpu.memory_space<vmem>>, vector<16xi32>,
          tpu.vector_store %arg13[%swap3A_339], %shift_right_logical3A_338 {strides = array<i32>} : memref<128xi32, #tpu.memory_space<vmem>>, vector<16xi32>,
          %get3A_341 = arith.index_cast %add3A_316 : i32 to index
          %get3A_342 = arith.constant 48 : index
          %get3A_343 = tpu.vector_load %arg8[%get3A_341, %get3A_342] {strides = array<i32>} : memref<200x128xi32, #tpu.memory_space<vmem>>, vector<16xi32>,
          %shift_right_logical3A_344 = arith.constant 1 : i32
          %shift_right_logical3A_345 = vector.broadcast %shift_right_logical3A_344 : i32 to vector<16xi32>
          %shift_right_logical3A_346 = arith.shrui %get3A_343, %shift_right_logical3A_345 : vector<16xi32>
          %swap3A_347 = arith.constant 48 : index
          %swap3A_348 = tpu.vector_load %arg13[%swap3A_347] {strides = array<i32>} : memref<128xi32, #tpu.memory_space<vmem>>, vector<16xi32>,
          tpu.vector_store %arg13[%swap3A_347], %shift_right_logical3A_346 {strides = array<i32>} : memref<128xi32, #tpu.memory_space<vmem>>, vector<16xi32>,
          %get3A_349 = arith.index_cast %add3A_316 : i32 to index
          %get3A_350 = arith.constant 64 : index
          %get3A_351 = tpu.vector_load %arg8[%get3A_349, %get3A_350] {strides = array<i32>} : memref<200x128xi32, #tpu.memory_space<vmem>>, vector<16xi32>,
          %shift_right_logical3A_352 = arith.constant 1 : i32
          %shift_right_logical3A_353 = vector.broadcast %shift_right_logical3A_352 : i32 to vector<16xi32>
          %shift_right_logical3A_354 = arith.shrui %get3A_351, %shift_right_logical3A_353 : vector<16xi32>
          %swap3A_355 = arith.constant 64 : index
          %swap3A_356 = tpu.vector_load %arg13[%swap3A_355] {strides = array<i32>} : memref<128xi32, #tpu.memory_space<vmem>>, vector<16xi32>,
          tpu.vector_store %arg13[%swap3A_355], %shift_right_logical3A_354 {strides = array<i32>} : memref<128xi32, #tpu.memory_space<vmem>>, vector<16xi32>,
          %get3A_357 = arith.index_cast %add3A_316 : i32 to index
          %get3A_358 = arith.constant 80 : index
          %get3A_359 = tpu.vector_load %arg8[%get3A_357, %get3A_358] {strides = array<i32>} : memref<200x128xi32, #tpu.memory_space<vmem>>, vector<16xi32>,
          %shift_right_logical3A_360 = arith.constant 1 : i32
          %shift_right_logical3A_361 = vector.broadcast %shift_right_logical3A_360 : i32 to vector<16xi32>
          %shift_right_logical3A_362 = arith.shrui %get3A_359, %shift_right_logical3A_361 : vector<16xi32>
          %swap3A_363 = arith.constant 80 : index
          %swap3A_364 = tpu.vector_load %arg13[%swap3A_363] {strides = array<i32>} : memref<128xi32, #tpu.memory_space<vmem>>, vector<16xi32>,
          tpu.vector_store %arg13[%swap3A_363], %shift_right_logical3A_362 {strides = array<i32>} : memref<128xi32, #tpu.memory_space<vmem>>, vector<16xi32>,
          %get3A_365 = arith.index_cast %add3A_316 : i32 to index
          %get3A_366 = arith.constant 96 : index
          %get3A_367 = tpu.vector_load %arg8[%get3A_365, %get3A_366] {strides = array<i32>} : memref<200x128xi32, #tpu.memory_space<vmem>>, vector<16xi32>,
          %shift_right_logical3A_368 = arith.constant 1 : i32
          %shift_right_logical3A_369 = vector.broadcast %shift_right_logical3A_368 : i32 to vector<16xi32>
          %shift_right_logical3A_370 = arith.shrui %get3A_367, %shift_right_logical3A_369 : vector<16xi32>
          %swap3A_371 = arith.constant 96 : index
          %swap3A_372 = tpu.vector_load %arg13[%swap3A_371] {strides = array<i32>} : memref<128xi32, #tpu.memory_space<vmem>>, vector<16xi32>,
          tpu.vector_store %arg13[%swap3A_371], %shift_right_logical3A_370 {strides = array<i32>} : memref<128xi32, #tpu.memory_space<vmem>>, vector<16xi32>,
          %get3A_373 = arith.index_cast %add3A_316 : i32 to index
          %get3A_374 = arith.constant 112 : index
          %get3A_375 = tpu.vector_load %arg8[%get3A_373, %get3A_374] {strides = array<i32>} : memref<200x128xi32, #tpu.memory_space<vmem>>, vector<16xi32>,
          %shift_right_logical3A_376 = arith.constant 1 : i32
          %shift_right_logical3A_377 = vector.broadcast %shift_right_logical3A_376 : i32 to vector<16xi32>
          %shift_right_logical3A_378 = arith.shrui %get3A_375, %shift_right_logical3A_377 : vector<16xi32>
          %swap3A_379 = arith.constant 112 : index
          %swap3A_380 = tpu.vector_load %arg13[%swap3A_379] {strides = array<i32>} : memref<128xi32, #tpu.memory_space<vmem>>, vector<16xi32>,
          tpu.vector_store %arg13[%swap3A_379], %shift_right_logical3A_378 {strides = array<i32>} : memref<128xi32, #tpu.memory_space<vmem>>, vector<16xi32>,
          %dma_start3A_381 = arith.constant 0 : i32
          %dma_start3A_382 = arith.constant 0 : i32
          %dma_start3A_383 = tpu.memref_slice %arg4[%dma_start3A_381, %dma_start3A_382] : memref<500000x128xf32, #tpu.memory_space<hbm>> -> memref<500000x128xf32, #tpu.memory_space<hbm>>
          tpu.enqueue_indirect_dma source(%dma_start3A_383 : memref<500000x128xf32, #tpu.memory_space<hbm>>) target(%arg15 : memref<128x128xf32, #tpu.memory_space<vmem>>) offsets(%arg13 : memref<128xi32, #tpu.memory_space<vmem>>) semaphore(%arg21 : memref<!tpu.dma_semaphore, #tpu.memory_space<semaphore_mem>>)
        } else {
        }
      }
    }
    %scan3A_258 = arith.constant 200 : i32
    %dma_wait3A = arith.constant 0 : i32
    %dma_wait3A_259 = arith.constant 0 : i32
    %dma_wait3A_260 = tpu.memref_slice %arg7[%dma_wait3A, %dma_wait3A_259, %mul3A_2] : memref<201x64x4096xf32, #tpu.memory_space<hbm>> -> memref<1x64x128xf32, #tpu.memory_space<hbm>>
    %dma_wait3A_261 = tpu.memref_squeeze %dma_wait3A_260 : memref<1x64x128xf32, #tpu.memory_space<hbm>> -> memref<64x128xf32, #tpu.memory_space<hbm>>
    %dma_wait3A_262 = arith.constant 0 : i32
    %dma_wait3A_263 = tpu.memref_slice %arg7[%dma_wait3A, %dma_wait3A_262, %mul3A_2] : memref<201x64x4096xf32, #tpu.memory_space<hbm>> -> memref<1x64x128xf32, #tpu.memory_space<hbm>>
    %dma_wait3A_264 = tpu.memref_squeeze %dma_wait3A_263 : memref<1x64x128xf32, #tpu.memory_space<hbm>> -> memref<64x128xf32, #tpu.memory_space<hbm>>
    tpu.wait_dma2 semaphore(%arg22 : memref<!tpu.dma_semaphore, #tpu.memory_space<semaphore_mem>>) src(%arg16 : memref<64x128xf32, #tpu.memory_space<vmem>>) dst(%dma_wait3A_264 : memref<64x128xf32, #tpu.memory_space<hbm>>)
    %dma_wait3A_265 = arith.constant 0 : i32
    %dma_wait3A_266 = arith.constant 0 : i32
    %dma_wait3A_267 = tpu.memref_slice %arg7[%dma_wait3A_265, %dma_wait3A_266, %mul3A_2] : memref<201x64x4096xf32, #tpu.memory_space<hbm>> -> memref<1x64x128xf32, #tpu.memory_space<hbm>>
    %dma_wait3A_268 = tpu.memref_squeeze %dma_wait3A_267 : memref<1x64x128xf32, #tpu.memory_space<hbm>> -> memref<64x128xf32, #tpu.memory_space<hbm>>
    %dma_wait3A_269 = arith.constant 0 : i32
    %dma_wait3A_270 = tpu.memref_slice %arg7[%dma_wait3A_265, %dma_wait3A_269, %mul3A_2] : memref<201x64x4096xf32, #tpu.memory_space<hbm>> -> memref<1x64x128xf32, #tpu.memory_space<hbm>>
    %dma_wait3A_271 = tpu.memref_squeeze %dma_wait3A_270 : memref<1x64x128xf32, #tpu.memory_space<hbm>> -> memref<64x128xf32, #tpu.memory_space<hbm>>
    tpu.wait_dma2 semaphore(%arg23 : memref<!tpu.dma_semaphore, #tpu.memory_space<semaphore_mem>>) src(%arg17 : memref<64x128xf32, #tpu.memory_space<vmem>>) dst(%dma_wait3A_271 : memref<64x128xf32, #tpu.memory_space<hbm>>)
    return
  }
}

</mosaic_0001>

<sc_bundles>
// kernel: _run.3.cloned.1.call-start
scs
__scs_entry_jumppad:
0x0: {  	(pc) =	sbr.rel $0x88, $3  }
0x1: {  	(tag) =	ssettag $0x0;
	lr =	simm.s32 $0x1  }
0x2: {  	[smem:$0x3F9C] =	sst lr;
	_ =	strace $0xD0000000  }
0x3: {  	_ = 	snop  }
0x4: {  	_ = 	snop  }
0x5: {  	_ = 	snop  }
0x6: {  	_ = 	snop  }
0x7: {  	_ = 	snop  }
__scs_overlays_trampoline_lowered:
0x8: {  	[smem:$0x3FAB] =	sst s0  }
0x9: {  	[smem:$0x3FAC] =	sst s1  }
0xa: {  	[smem:$0x3FAD] =	sst s2  }
0xb: {  	[smem:$0x3FAE] =	sst s3  }
0xc: {  	[smem:$0x3FAF] =	sst s4  }
0xd: {  	[smem:$0x3FB0] =	sst s5  }
0xe: {  	[smem:$0x3FB1] =	sst s6  }
0xf: {  	[smem:$0x3FB2] =	sst s7  }
0x10: {  	[smem:$0x3FB3] =	sst s8  }
0x11: {  	[smem:$0x3FB4] =	sst s9;
	s0 =	simm.s32 @!p0 $0x0  }
0x12: {  	s1 =	sld [smem:$0x3F9A];
	s0 =	simm.s32 @p0 $0x1  }
0x13: {  	[smem:$0x3FB5] =	sst s0;
	s0 =	simm.s32 @!p1 $0x0  }
0x14: {  	s2 =	sld [smem:$0x3F99];
	s0 =	simm.s32 @p1 $0x1  }
0x15: {  	[smem:$0x3FB6] =	sst s0;
	s0 =	simm.s32 @!p2 $0x0  }
0x16: {  	s3 =	sld [smem:$0x3FDB];
	s0 =	simm.s32 @p2 $0x1  }
0x17: {  	s4 =	simm.s32 $0x1BF5;
	[smem:$0x3FB8] =	sst s0  }
0x18: {  	s0 =	sld [smem:$0x3F9B];
	_ =	swait.ge [sflag:s4], $0x0  }
0x19: {  	s7 =	sld [smem:$0x3F9C]  }
0x1a: {  	s8 =	sadd.s32 $0xFFFFE003, lr  }
0x1b: {  	s9 =	sadd.s32 $0xFFFFFEF7, lr;
	s5 =	simm.s32 $0xFFFFFFFF;
	p2 =	slt.u32 s8, $0xFFFFF086  }
0x1c: {  	p1 =	slt.u32 s9, $0xF7A;
	s5 =	simm.s32 @!p2 $0x0  }
0x1d: {  	s5 =	simm.s32 @p1 $0x1;
	p0 =	seq.s32 s7, s2  }
0x1e: {  	s7 =	smul.u32 @!p0 $0xF7A, s2;
	p2 =	seq.s32 @!p0 s5, $0x0  }
0x1f: {  	s9 =	smul.u32 $0xF7A, s1;
	s8 =	simm.s32 @!p0 $0x1BF5;
	p2 =	por !p2, p0  }
0x20: {  	[sflag:s8] =	ssyncset.s32 @!p0 $0xFFFFF086;
	s6 =	sadd.s32 @!p0 s3, s7;
	s7 =	simm.s32 @!p0 $0x108  }
0x21: {  	s3 =	sadd.s32 s3, s9;
	s6 =	sadd.s32 @!p0 $0x88, s6;
	s7 =	simm.s32 @p2 $0x1082  }
0x22: {  	[simem:s7], [sflag:s8] =	dma.local @!p0 [hbm:s6], $0xF7A  }
0x23: {  	s9 =	sor.u32 $0xD0000000, s2;
	s6 =	simm.s32 $0x108;
	_ =	swait.ge @!p0 [sflag:s8], $0x0  }
0x24: {  	s3 =	sadd.s32 $0x88, s3;
	s6 =	simm.s32 @!p1 $0x1082;
	[sflag:s4] =	ssyncset.s32 $0xFFFFF086  }
0x25: {  	[simem:s6], [sflag:s4] =	dma.local [hbm:s3], $0xF7A  }
0x26: {  	[smem:$0x3F9C] =	sst s1;
	(tag) =	ssettag s2;
	_ =	strace s9  }
0x27: {  	s1 =	sld [smem:$0x3FAC]  }
0x28: {  	s2 =	sld [smem:$0x3FAD]  }
0x29: {  	s4 =	sld [smem:$0x3FAF]  }
0x2a: {  	p0 =	seq.s32 s5, $0x0;
	s5 =	sld [smem:$0x3FB0]  }
0x2b: {  	s6 =	sld [smem:$0x3FB1]  }
0x2c: {  	s7 =	sld [smem:$0x3FB2]  }
0x2d: {  	s3 =	simm.s32 $0x108;
	s8 =	sld [smem:$0x3FB3]  }
0x2e: {  	s3 =	simm.s32 @!p0 $0x1082;
	s9 =	sld [smem:$0x3FB4]  }
0x2f: {  	lr =	sadd.s32 s0, s3;
	s0 =	sld [smem:$0x3FAB]  }
0x30: {  	s3 =	sld [smem:$0x3FAE]  }
0x31: {  	[smem:$0x3FB7] =	sst s10  }
0x32: {  	s10 =	sld [smem:$0x3FB5];
	_ =	sdelay $0x3  }
0x33: {  	p0 =	seq.s32 s10, $0x1;
	s10 =	sld [smem:$0x3FB7];
	_ =	sdelay $0x3  }
0x34: {  	[smem:$0x3FB7] =	sst s10  }
0x35: {  	s10 =	sld [smem:$0x3FB6];
	_ =	sdelay $0x3  }
0x36: {  	p1 =	seq.s32 s10, $0x1;
	s10 =	sld [smem:$0x3FB7];
	_ =	sdelay $0x3  }
0x37: {  	[smem:$0x3FB7] =	sst s10  }
0x38: {  	s10 =	sld [smem:$0x3FB8]  }
0x39: {  	_ = 	snop;
	(pc) =	sbr.ind lr, $3  }
0x3a: {  	_ = 	snop  }
0x3b: {  	_ = 	snop  }
0x3c: {  	p2 =	seq.s32 s10, $0x1;
	s10 =	sld [smem:$0x3FB7]  }
0x3d: {  	_ =	shalt  }
0x3e: {  	_ =	shalt  }
0x3f: {  	_ =	shalt  }
0x40: {  	_ =	shalt  }
0x41: {  	_ =	shalt  }
0x42: {  	_ =	shalt  }
0x43: {  	_ =	shalt  }
0x44: {  	_ =	shalt  }
0x45: {  	_ =	shalt  }
0x46: {  	_ =	shalt  }
0x47: {  	_ =	shalt  }
0x48: {  	_ =	shalt  }
0x49: {  	_ =	shalt  }
0x4a: {  	_ =	shalt  }
0x4b: {  	_ =	shalt  }
0x4c: {  	_ =	shalt  }
0x4d: {  	_ =	shalt  }
0x4e: {  	_ =	shalt  }
0x4f: {  	_ =	shalt  }
0x50: {  	_ =	shalt  }
0x51: {  	_ =	shalt  }
0x52: {  	_ =	shalt  }
0x53: {  	_ =	shalt  }
0x54: {  	_ =	shalt  }
0x55: {  	_ =	shalt  }
0x56: {  	_ =	shalt  }
0x57: {  	_ =	shalt  }
0x58: {  	_ =	shalt  }
0x59: {  	_ =	shalt  }
0x5a: {  	_ =	shalt  }
0x5b: {  	_ =	shalt  }
0x5c: {  	_ =	shalt  }
0x5d: {  	_ =	shalt  }
0x5e: {  	_ =	shalt  }
0x5f: {  	_ =	shalt  }
0x60: {  	_ =	shalt  }
0x61: {  	_ =	shalt  }
0x62: {  	_ =	shalt  }
0x63: {  	_ =	shalt  }
0x64: {  	_ =	shalt  }
0x65: {  	_ =	shalt  }
0x66: {  	_ =	shalt  }
0x67: {  	_ =	shalt  }
0x68: {  	_ =	shalt  }
0x69: {  	_ =	shalt  }
0x6a: {  	_ =	shalt  }
0x6b: {  	_ =	shalt  }
0x6c: {  	_ =	shalt  }
0x6d: {  	_ =	shalt  }
0x6e: {  	_ =	shalt  }
0x6f: {  	_ =	shalt  }
0x70: {  	_ =	shalt  }
0x71: {  	_ =	shalt  }
0x72: {  	_ =	shalt  }
0x73: {  	_ =	shalt  }
0x74: {  	_ =	shalt  }
0x75: {  	_ =	shalt  }
0x76: {  	_ =	shalt  }
0x77: {  	_ =	shalt  }
0x78: {  	_ =	shalt  }
0x79: {  	_ =	shalt  }
0x7a: {  	_ =	shalt  }
0x7b: {  	_ =	shalt  }
0x7c: {  	_ =	shalt  }
0x7d: {  	_ =	shalt  }
0x7e: {  	_ =	shalt  }
0x7f: {  	_ =	shalt  }
0x80: {  	_ =	shalt  }
0x81: {  	_ =	shalt  }
0x82: {  	_ =	shalt  }
0x83: {  	_ =	shalt  }
0x84: {  	_ =	shalt  }
0x85: {  	_ =	shalt  }
0x86: {  	_ =	shalt  }
0x87: {  	_ =	shalt  }
.Lfunc_end0:
.L_simem_size_0:
called_computation_lowered:
.L_overlay_start_0:
0x88: {  	s2 =	sld [smem:$0x3FD9]  }
0x89: {  	s3 =	sld [smem:$0x3FFE];
	_ =	sdelay $0x1  }
0x8a: {  	s1 =	srdreg.scid  }
0x8b: {  	s0 =	sand.u32 $0x1, s1  }
0x8c: {  	s17 =	sshll.u32 s0, $0xA;
	s2 =	sadd.s32 s3, s2  }
0x8d: {  	s2 =	sadd.s32 s2, s17  }
0x8e: {  	[smem:$0x3FC3] =	sst s2  }
0x8f: {  	_ = 	snop  }
0x90: {  	s2 =	sld [smem:$0x3FC9]  }
0x91: {  	s18 =	sld [smem:$0x3FC8]  }
0x92: {  	s4 =	sld [smem:$0x3FC6]  }
0x93: {  	s5 =	sld [smem:$0x3FC5]  }
0x94: {  	s6 =	sld [smem:$0x3FD0];
	(tm) =	ssettm $0x1  }
0x95: {  	s7 =	sld [smem:$0x3FFB];
	_ =	sdelay $0x3  }
0x96: {  	_ =	strace s7  }
0x97: {  	s7 =	sld [smem:$0x3FFC];
	_ =	sdelay $0x3  }
0x98: {  	_ =	strace s7  }
0x99: {  	s7 =	sld [smem:$0x3FFD];
	_ =	sdelay $0x3  }
0x9a: {  	_ =	strace s7  }
0x9b: {  	_ =	strace $0x8FFFFFFF  }
0x9c: {  	s19 =	sld [smem:$0x3FDB];
	_ =	sdelay $0x1  }
0x9d: {  	s8 =	simm.s32 $_scs_section_size  }
0x9e: {  	s9 =	simm.s32 $_size__tile_overlayer_lowered;
	s10 =	simm.s32 $_tile_overlayer_lowered  }
0x9f: {  	s22 =	simm.s32 $0x1BFF;
	s21 =	sshll.u32 s10, $0x1;
	s7 =	sadd.s32 s8, s19  }
0xa0: {  	s11 =	simm.s32 $0x0;
	s20 =	sshll.u32 s9, $0x1;
	s9 =	sadd.s32 s21, s7  }
0xa1: {  	[timem:s11], [sflag:s22] =	dma.local [hbm:s9], s20  }
0xa2: {  	_ =	swait.ge [sflag:s22], s20  }
0xa3: {  	s8 =	ssub.s32 $0x0, s20;
	[sflag:s22] =	ssyncset.done $0x0  }
0xa4: {  	[sflag:s22] =	ssyncadd.s32 s8;
	_ =	sdelay $0x1  }
0xa5: {  	s23 =	simm.s32 $0x1B8B  }
0xa6: {  	_ =	swait.ge [sflag:s23], $0x1  }
0xa7: {  	[sflag:s23] =	ssyncset.done $0x0  }
0xa8: {  	s25 =	simm.s32 $0x1B8E;
	s24 =	sld [smem:$0x3FFE];
	[sflag:s23] =	ssyncadd.s32 $0xFFFFFFFF  }
0xa9: {  	s26 =	simm.s32 $execute0_lowered;
	[smem:$0x3FD2] =	sst s25  }
0xaa: {  	s9 =	sshll.u32 s26, $0x1;
	_ =	strace $0x80000046;
	[dreg:$0x1] =	wrdreg $0xFFFFFFFF  }
0xab: {  	s28 =	simm.s32 $_size_execute0_lowered;
	s7 =	sadd.s32 s7, s9;
	[dreg:$0x0] =	wrdreg $0x0  }
0xac: {  	s9 =	sshll.u32 s28, $0x1;
	[dreg:$0x2] =	wrdreg s7  }
0xad: {  	[dreg:$0x3] =	wrdreg s9  }
0xae: {  	[dreg:$0x4] =	wrdreg $0xC0  }
0xaf: {  	_ =	task [dreg:s11], $0x5FFFF  }
0xb0: {  	[dreg:$0x1] =	wrdreg $0xFFFFFFFF  }
0xb1: {  	[dreg:$0x0] =	wrdreg $0x60  }
0xb2: {  	[dreg:$0x2] =	wrdreg s2  }
0xb3: {  	[dreg:$0x3] =	wrdreg s18  }
0xb4: {  	[dreg:$0x4] =	wrdreg s24  }
0xb5: {  	[dreg:$0x5] =	wrdreg s4  }
0xb6: {  	[dreg:$0x6] =	wrdreg s5  }
0xb7: {  	[dreg:$0x7] =	wrdreg s6  }
0xb8: {  	[dreg:$0x8] =	wrdreg $0x9  }
0xb9: {  	_ =	task.clear_ibuf [dreg:s11], $0x9FFFF;
	_ =	strace $0x90000046  }
0xba: {  	s29 =	simm.s32 $0x9;
	_ =	strace $0x80000048  }
0xbb: {  	_ =	swait.ge [sflag:s29], $0x1  }
0xbc: {  	[sflag:s29] =	ssyncadd.s32 $0xFFFFFFFF  }
0xbd: {  	_ =	strace $0x90000048  }
0xbe: {  	_ =	sfence  }
0xbf: {  	s30 =	sld [smem:$0x0];
	_ =	sdelay $0x2  }
0xc0: {  	s31 =	sshll.u32 s1, $0xD;
	s1 =	sshrl.u32 s1, $0x2  }
0xc1: {  	s3 =	sand.u32 $0x4000, s31;
	s1 =	sadd.s32 s1, s30  }
0xc2: {  	s0 =	sor.u32 s3, s0;
	s1 =	sshll.u32 s1, $0x11  }
0xc3: {  	s0 =	sor.u32 s1, s0  }
0xc4: {  	s0 =	sadd.s32 $0x8F2B, s0  }
0xc5: {  	[sflag:s0] =	ssyncadd.remote.s32 $0x1  }
0xc6: {  	_ =	sfence.sel $0xFFFF  }
0xc7: {  	[dreg:$0x0] =	wrdreg $0xFFFFFFFF;
	(pc) =	sbr.abs _section_cstart, $3  }
0xc8: {  	[dreg:$0x1] =	wrdreg $0xFFFFFFFF  }
0xc9: {  	_ =	task.clear_ibuf [dreg:s11], $0x2FFFF;
	_ =	strace $0x9FFFFFFF  }
0xca: {  	(tm) =	ssettm $0x7FFFFFFF  }
0xcb: {  	_ =	shalt  }
tec
execute0_lowered:
.L_overlay_start_1:
0x0: {  	(tag) =	ssettag $0x1  }
0x1: {  	v0 =	vimm.s32 $0x1;
	v1 =	vimm.s32 $0x0  }
0x2: {  	v2 =	vimm.s32 $0x2;
	v3 =	vimm.s32 $0x3;
	v4 =	vimm.s32 $0x4  }
0x3: {  	v5 =	vimm.s32 $0x5;
	v6 =	vimm.s32 $0x6;
	v7 =	vimm.s32 $0x7  }
0x4: {  	v8 =	vimm.s32 $0x8;
	v9 =	vimm.s32 $0x9;
	v10 =	vimm.s32 $0xA  }
0x5: {  	v11 =	vimm.s32 $0xB;
	v12 =	vimm.s32 $0xC;
	v14 =	vimm.s32 $0xEFCDAB89  }
0x6: {  	v13 =	vimm.s32 $0xD;
	v15 =	vimm.s32 $0x67452301;
	vm0 =	vcmask $0xB08  }
0x7: {  	vm1 =	vcmask $0x300;
	v17 =	vimm.s32 $0x54761032;
	vm2 =	vcmask $0x1710  }
0x8: {  	vm3 =	vcmask $0x700;
	v18 =	vimm.s32 $0xBA98FEDC;
	v19 =	vimm.s32 $0x32107654  }
0x9: {  	v20 =	vimm.s32 $0x76543210;
	v14 =	vunpack.c.l.s4.s8 v14;
	v15 =	vunpack.c.l.s4.s8 v15  }
0xa: {  	vm0 =	vmor vm1, vm0;
	vm1 =	vcmask $0x1310;
	v17 =	vunpack.c.l.s4.s8 v17  }
0xb: {  	vm2 =	vmor vm3, vm2;
	v16 =	vunpack.c.0.s8.s32 v14;
	v15 =	vunpack.c.0.s8.s32 v15  }
0xc: {  	s0 =	rddreg [dreg:$0x0];
	vm3 =	vcmask $0x2720;
	v18 =	vunpack.c.l.s4.s8 v18;
	v19 =	vunpack.c.l.s4.s8 v19  }
0xd: {  	s1 =	rddreg [dreg:$0x1];
	v20 =	vunpack.c.l.s4.s8 v20;
	v16 =	vcombine.low v15, v16;
	v15 =	vimm.s32 $0xDCFE98BA  }
0xe: {  	s2 =	rddreg [dreg:$0x2];
	vm0 =	vmor vm0, vm1;
	vm1 =	vcmask $0x1B18;
	v15 =	vunpack.c.l.s4.s8 v15  }
0xf: {  	s3 =	rddreg [dreg:$0x5];
	s4 =	simm.s32 $0x0;
	s5 =	srdreg.scid;
	vm0 =	vmor vm0, vm1;
	vm1 =	vcmask $0x2320;
	v17 =	vunpack.c.0.s8.s32 v17  }
0x10: {  	s6 =	stileid.u32;
	s14 =	simm.s32 $0x400;
	s15 =	simm.s32 $0x8000;
	vm0 =	vmor vm0, vm1;
	vm1 =	vcmask $0x2B28;
	v15 =	vunpack.c.0.s8.s32 v15  }
0x11: {  	s16 =	simm.s32 $0x5;
	s20 =	simm.s32 $0x14A80;
	s21 =	simm.s32 $0x80;
	v14 =	vimm.s32 $0xE;
	vm0 =	vmor vm0, vm1;
	vm1 =	vcmask $0x3330  }
0x12: {  	s28 =	simm.s32 $0x3;
	s29 =	simm.s32 $0x4;
	s30 =	simm.s32 $0x2;
	vm0 =	vmor vm0, vm1;
	vm1 =	vcmask $0x3B38;
	v17 =	vcombine.low v17, v15  }
0x13: {  	s31 =	simm.s32 $0x16A80;
	[smem:$0x7FF] =	sst s4;
	s5 =	sand.u32 $0x1, s5;
	v15 =	vunpack.c.0.s8.s32 v18;
	v18 =	vunpack.c.0.s8.s32 v19;
	v19 =	vimm.s32 $0xFEDCBA98  }
0x14: {  	s6 =	sshll.u32 s6, $0xB;
	s7 =	sadd.s32 $0xF42800, s2;
	s12 =	sadd.s32 $0x8000, s3;
	v20 =	vunpack.c.0.s8.s32 v20;
	vm0 =	vmor vm0, vm1;
	v19 =	vunpack.c.l.s4.s8 v19  }
.Ltmp0:
0x15: {  	s8 =	ssub.s32 $0x2, s5;
	s5 =	sshll.u32 s5, $0xA;
	vm1 =	vmor vm2, vm3;
	vm2 =	vcmask $0x3730;
	vm3 =	vcmask $0xF00;
	(pc) =	sbr.rel .LBB2_1-.Ltmp0, $4  }
0x16: {  	s2 =	simm.s32 $0x0;
	s9 =	sshrl.u32 s8, $0x1;
	s6 =	sor.u32 s5, s6;
	vm1 =	vmor vm1, vm2;
	vm2 =	vcmask $0x2F20;
	v19 =	vunpack.c.0.s8.s32 v19  }
0x17: {  	_ =	strace $0x80000047;
	s26 =	ssub.s32 s8, s9;
	s5 =	sshrl.u32 s6, $0x3;
	v16 =	vand.u32 $0xF, v16;
	vm2 =	vmor vm3, vm2;
	v18 =	vcombine.low v18, v15  }
0x18: {  	s11 =	sor.u32 $0x40000, s6;
	s8 =	sadd.s32 s0, s5;
	s9 =	sadd.s32 s1, s5;
	vm3 =	vmmov $0xff;
	v15 =	vimm.s32 $0xF;
	v19 =	vand.u32 $0xF, v19  }
0x19: {  	s10 =	sadd.s32 s3, s5;
	s13 =	smax.u32 s26, $0x1;
	s26 =	simm.s32 $0x1;
	v17 =	vand.u32 $0xF, v17;
	v18 =	vand.u32 $0xF, v18;
	v19 =	vcombine.low v19, v20  }
.LBB2_22:
0x1a: {  	s2 =	sadd.s32 $0x1, s2  }
0x1b: {  	_ =	swait.ge [sflag:s28], $0x2000;
	p0 =	sne.s32 s2, s13  }
.Ltmp1:
0x1c: {  	[sflag:s28] =	ssyncset.done $0x0;
	(pc) =	sbr.rel @!p0 .LBB2_23-.Ltmp1, $4  }
0x1d: {  	[sflag:s28] =	ssyncadd.s32 $0xFFFFE000  }
0x1e: {  	_ =	swait.ge [sflag:s29], $0x2000  }
0x1f: {  	[sflag:s29] =	ssyncset.done $0x0  }
0x20: {  	[sflag:s29] =	ssyncadd.s32 $0xFFFFE000  }
.LBB2_1:
0x21: {  	[tilespmem:s4], [sflag:$0x5] =	stream.strided.gather [hbm4b:s8+s14], $0x6400, s15, s14, $0x38;
	[tilespmem:$0x1CA80] =	vst v63  }
0x22: {  	_ =	swait.ge [sflag:s16], $0x6400  }
0x23: {  	[sflag:s16] =	ssyncset.done $0x0  }
0x24: {  	s0 =	simm.s32 $0x6400;
	[sflag:s16] =	ssyncadd.s32 $0xFFFF9C00  }
0x25: {  	[tilespmem:s0], [sflag:$0x5] =	stream.strided.gather [hbm4b:s9+s14], $0x6400, s15, s14, $0x38;
	[tilespmem:$0x1CA80] =	vst v63  }
0x26: {  	_ =	swait.ge [sflag:s16], $0x6400  }
0x27: {  	[sflag:s16] =	ssyncset.done $0x0  }
0x28: {  	[sflag:s16] =	ssyncadd.s32 $0xFFFF9C00  }
0x29: {  	s1 =	simm.s32 $0xC800;
	s23 =	rddreg [dreg:$0x3]  }
0x2a: {  	[tilespmem:s1], [sflag:$0x5] =	stream.linear.gather [hbm4b:s23+s4], $0x100, $0x38;
	[tilespmem:$0x1CA80] =	vst v63  }
0x2b: {  	_ =	swait.ge [sflag:s16], $0x100  }
0x2c: {  	[sflag:s16] =	ssyncset.done $0x0  }
0x2d: {  	[sflag:s16] =	ssyncadd.s32 $0xFFFFFF00  }
0x2e: {  	s25 =	simm.s32 $0xC900;
	s24 =	rddreg [dreg:$0x4]  }
0x2f: {  	[tilespmem:s25], [sflag:$0x5] =	stream.linear.gather [hbm4b:s24+s4], $0x80, $0x38;
	[tilespmem:$0x1CA80] =	vst v63  }
0x30: {  	_ =	swait.ge [sflag:s16], $0x80  }
0x31: {  	[sflag:s16] =	ssyncset.done $0x0  }
0x32: {  	[sflag:s16] =	ssyncadd.s32 $0xFFFFFF80  }
0x33: {  	v20 =	vld [tilespmem:$0xC800]  }
0x34: {  	v21 =	vld [tilespmem:$0xC880]  }
0x35: {  	v22 =	vld [tilespmem:$0xC900];
	_ =	sdelay $0x1  }
0x36: {  	v25 =	vmov s4  }
0x37: {  	v23 =	vperm.xlane v20, v25  }
0x38: {  	s0 =	simm.s32 $0x18AC0;
	v24 =	vperm.xlane v21, v25  }
0x39: {  	s1 =	simm.s32 $0x1AAC0;
	v25 =	vperm.xlane v22, v25;
	[tilespmem:s0+$0xFFFFFFC0] =	vst v23  }
0x3a: {  	s5 =	simm.s32 $0x14AC0;
	[tilespmem:s1+$0xFFFFFFC0] =	vst v24  }
0x3b: {  	[tilespmem:s5+$0xFFFFFFC0] =	vst v25  }
0x3c: {  	[tilespmem:s0+$0xFFFFFFD0] =	vst v23  }
0x3d: {  	[tilespmem:s1+$0xFFFFFFD0] =	vst v24  }
0x3e: {  	[tilespmem:s5+$0xFFFFFFD0] =	vst v25  }
0x3f: {  	[tilespmem:s0+$0xFFFFFFE0] =	vst v23  }
0x40: {  	[tilespmem:s1+$0xFFFFFFE0] =	vst v24  }
0x41: {  	[tilespmem:s5+$0xFFFFFFE0] =	vst v25  }
0x42: {  	[tilespmem:s0+$0xFFFFFFF0] =	vst v23  }
0x43: {  	[tilespmem:s1+$0xFFFFFFF0] =	vst v24  }
0x44: {  	[tilespmem:s5+$0xFFFFFFF0] =	vst v25  }
0x45: {  	[tilespmem:s0+$0x0] =	vst v23  }
0x46: {  	[tilespmem:s1+$0x0] =	vst v24  }
0x47: {  	[tilespmem:s5+$0x0] =	vst v25  }
0x48: {  	[tilespmem:s0+$0x10] =	vst v23  }
0x49: {  	[tilespmem:s1+$0x10] =	vst v24  }
0x4a: {  	[tilespmem:s5+$0x10] =	vst v25  }
0x4b: {  	[tilespmem:s0+$0x20] =	vst v23  }
0x4c: {  	[tilespmem:s1+$0x20] =	vst v24  }
0x4d: {  	s17 =	simm.s32 $0x1;
	[tilespmem:s5+$0x20] =	vst v25  }
.LBB2_2:
0x4e: {  	v26 =	vmov s17;
	p0 =	sne.s32 s17, $0xF;
	[tilespmem:s0+$0x30] =	vst v23  }
0x4f: {  	v23 =	vperm.xlane v20, v26;
	[tilespmem:s1+$0x30] =	vst v24  }
0x50: {  	s0 =	sadd.s32 $0x80, s0;
	v24 =	vperm.xlane v21, v26;
	[tilespmem:s5+$0x30] =	vst v25  }
0x51: {  	s1 =	sadd.s32 $0x80, s1;
	v25 =	vperm.xlane v22, v26;
	[tilespmem:s0+$0xFFFFFFC0] =	vst v23  }
0x52: {  	s5 =	sadd.s32 $0x80, s5;
	[tilespmem:s1+$0xFFFFFFC0] =	vst v24  }
0x53: {  	[tilespmem:s5+$0xFFFFFFC0] =	vst v25  }
0x54: {  	[tilespmem:s0+$0xFFFFFFD0] =	vst v23  }
0x55: {  	[tilespmem:s1+$0xFFFFFFD0] =	vst v24  }
0x56: {  	[tilespmem:s5+$0xFFFFFFD0] =	vst v25  }
0x57: {  	[tilespmem:s0+$0xFFFFFFE0] =	vst v23  }
0x58: {  	[tilespmem:s1+$0xFFFFFFE0] =	vst v24  }
0x59: {  	[tilespmem:s5+$0xFFFFFFE0] =	vst v25  }
0x5a: {  	[tilespmem:s0+$0xFFFFFFF0] =	vst v23  }
0x5b: {  	[tilespmem:s1+$0xFFFFFFF0] =	vst v24  }
0x5c: {  	[tilespmem:s5+$0xFFFFFFF0] =	vst v25  }
0x5d: {  	[tilespmem:s0+$0x0] =	vst v23  }
0x5e: {  	[tilespmem:s1+$0x0] =	vst v24  }
0x5f: {  	[tilespmem:s5+$0x0] =	vst v25  }
0x60: {  	[tilespmem:s0+$0x10] =	vst v23  }
.Ltmp2:
0x61: {  	[tilespmem:s1+$0x10] =	vst v24;
	(pc) =	sbr.rel @p0 .LBB2_2-.Ltmp2, $4  }
0x62: {  	[tilespmem:s5+$0x10] =	vst v25  }
0x63: {  	[tilespmem:s0+$0x20] =	vst v23  }
0x64: {  	[tilespmem:s1+$0x20] =	vst v24  }
0x65: {  	s17 =	sadd.s32 $0x1, s17;
	[tilespmem:s5+$0x20] =	vst v25  }
0x66: {  	[tilespmem:s0+$0x30] =	vst v23  }
0x67: {  	[tilespmem:s1+$0x30] =	vst v24  }
0x68: {  	[tilespmem:s5+$0x30] =	vst v25  }
0x69: {  	v20 =	vld [tilespmem:$0xC810]  }
0x6a: {  	v21 =	vld [tilespmem:$0xC890]  }
0x6b: {  	v22 =	vld [tilespmem:$0xC910]  }
0x6c: {  	s25 =	simm.s32 $0x0  }
0x6d: {  	v25 =	vmov s25  }
0x6e: {  	v23 =	vperm.xlane v20, v25  }
0x6f: {  	s0 =	simm.s32 $0x192F0;
	v24 =	vperm.xlane v21, v25  }
0x70: {  	s1 =	simm.s32 $0x1B2F0;
	v25 =	vperm.xlane v22, v25;
	[tilespmem:s0+$0xFFFFFF90] =	vst v23  }
0x71: {  	s5 =	simm.s32 $0x152F0;
	[tilespmem:s1+$0xFFFFFF90] =	vst v24  }
0x72: {  	[tilespmem:s5+$0xFFFFFF90] =	vst v25  }
0x73: {  	[tilespmem:s0+$0xFFFFFFA0] =	vst v23  }
0x74: {  	[tilespmem:s1+$0xFFFFFFA0] =	vst v24  }
0x75: {  	[tilespmem:s5+$0xFFFFFFA0] =	vst v25  }
0x76: {  	[tilespmem:s0+$0xFFFFFFB0] =	vst v23  }
0x77: {  	[tilespmem:s1+$0xFFFFFFB0] =	vst v24  }
0x78: {  	[tilespmem:s5+$0xFFFFFFB0] =	vst v25  }
0x79: {  	[tilespmem:s0+$0xFFFFFFC0] =	vst v23  }
0x7a: {  	[tilespmem:s1+$0xFFFFFFC0] =	vst v24  }
0x7b: {  	[tilespmem:s5+$0xFFFFFFC0] =	vst v25  }
0x7c: {  	[tilespmem:s0+$0xFFFFFFD0] =	vst v23  }
0x7d: {  	[tilespmem:s1+$0xFFFFFFD0] =	vst v24  }
0x7e: {  	[tilespmem:s5+$0xFFFFFFD0] =	vst v25  }
0x7f: {  	[tilespmem:s0+$0xFFFFFFE0] =	vst v23  }
0x80: {  	[tilespmem:s1+$0xFFFFFFE0] =	vst v24  }
0x81: {  	[tilespmem:s5+$0xFFFFFFE0] =	vst v25  }
0x82: {  	[tilespmem:s0+$0xFFFFFFF0] =	vst v23  }
0x83: {  	[tilespmem:s1+$0xFFFFFFF0] =	vst v24  }
0x84: {  	s17 =	simm.s32 $0x1;
	[tilespmem:s5+$0xFFFFFFF0] =	vst v25  }
.LBB2_4:
0x85: {  	v26 =	vmov s17;
	p0 =	sne.s32 s17, $0xF;
	[tilespmem:s0+$0x0] =	vst v23  }
0x86: {  	v23 =	vperm.xlane v20, v26;
	[tilespmem:s1+$0x0] =	vst v24  }
0x87: {  	s0 =	sadd.s32 $0x80, s0;
	v24 =	vperm.xlane v21, v26;
	[tilespmem:s5+$0x0] =	vst v25  }
0x88: {  	s1 =	sadd.s32 $0x80, s1;
	v25 =	vperm.xlane v22, v26;
	[tilespmem:s0+$0xFFFFFF90] =	vst v23  }
0x89: {  	s5 =	sadd.s32 $0x80, s5;
	[tilespmem:s1+$0xFFFFFF90] =	vst v24  }
0x8a: {  	[tilespmem:s5+$0xFFFFFF90] =	vst v25  }
0x8b: {  	[tilespmem:s0+$0xFFFFFFA0] =	vst v23  }
0x8c: {  	[tilespmem:s1+$0xFFFFFFA0] =	vst v24  }
0x8d: {  	[tilespmem:s5+$0xFFFFFFA0] =	vst v25  }
0x8e: {  	[tilespmem:s0+$0xFFFFFFB0] =	vst v23  }
0x8f: {  	[tilespmem:s1+$0xFFFFFFB0] =	vst v24  }
0x90: {  	[tilespmem:s5+$0xFFFFFFB0] =	vst v25  }
0x91: {  	[tilespmem:s0+$0xFFFFFFC0] =	vst v23  }
0x92: {  	[tilespmem:s1+$0xFFFFFFC0] =	vst v24  }
0x93: {  	[tilespmem:s5+$0xFFFFFFC0] =	vst v25  }
0x94: {  	[tilespmem:s0+$0xFFFFFFD0] =	vst v23  }
0x95: {  	[tilespmem:s1+$0xFFFFFFD0] =	vst v24  }
0x96: {  	[tilespmem:s5+$0xFFFFFFD0] =	vst v25  }
0x97: {  	[tilespmem:s0+$0xFFFFFFE0] =	vst v23  }
.Ltmp3:
0x98: {  	[tilespmem:s1+$0xFFFFFFE0] =	vst v24;
	(pc) =	sbr.rel @p0 .LBB2_4-.Ltmp3, $4  }
0x99: {  	[tilespmem:s5+$0xFFFFFFE0] =	vst v25  }
0x9a: {  	[tilespmem:s0+$0xFFFFFFF0] =	vst v23  }
0x9b: {  	[tilespmem:s1+$0xFFFFFFF0] =	vst v24  }
0x9c: {  	s17 =	sadd.s32 $0x1, s17;
	[tilespmem:s5+$0xFFFFFFF0] =	vst v25  }
0x9d: {  	[tilespmem:s0+$0x0] =	vst v23  }
0x9e: {  	[tilespmem:s1+$0x0] =	vst v24  }
0x9f: {  	[tilespmem:s5+$0x0] =	vst v25  }
0xa0: {  	v20 =	vld [tilespmem:$0xC820]  }
0xa1: {  	v21 =	vld [tilespmem:$0xC8A0]  }
0xa2: {  	v22 =	vld [tilespmem:$0xC920]  }
0xa3: {  	s25 =	simm.s32 $0x0  }
0xa4: {  	v25 =	vmov s25  }
0xa5: {  	v23 =	vperm.xlane v20, v25  }
0xa6: {  	s0 =	simm.s32 $0x19AF0;
	v24 =	vperm.xlane v21, v25  }
0xa7: {  	s1 =	simm.s32 $0x1BAF0;
	v25 =	vperm.xlane v22, v25;
	[tilespmem:s0+$0xFFFFFF90] =	vst v23  }
0xa8: {  	s5 =	simm.s32 $0x15AF0;
	[tilespmem:s1+$0xFFFFFF90] =	vst v24  }
0xa9: {  	[tilespmem:s5+$0xFFFFFF90] =	vst v25  }
0xaa: {  	[tilespmem:s0+$0xFFFFFFA0] =	vst v23  }
0xab: {  	[tilespmem:s1+$0xFFFFFFA0] =	vst v24  }
0xac: {  	[tilespmem:s5+$0xFFFFFFA0] =	vst v25  }
0xad: {  	[tilespmem:s0+$0xFFFFFFB0] =	vst v23  }
0xae: {  	[tilespmem:s1+$0xFFFFFFB0] =	vst v24  }
0xaf: {  	[tilespmem:s5+$0xFFFFFFB0] =	vst v25  }
0xb0: {  	[tilespmem:s0+$0xFFFFFFC0] =	vst v23  }
0xb1: {  	[tilespmem:s1+$0xFFFFFFC0] =	vst v24  }
0xb2: {  	[tilespmem:s5+$0xFFFFFFC0] =	vst v25  }
0xb3: {  	[tilespmem:s0+$0xFFFFFFD0] =	vst v23  }
0xb4: {  	[tilespmem:s1+$0xFFFFFFD0] =	vst v24  }
0xb5: {  	[tilespmem:s5+$0xFFFFFFD0] =	vst v25  }
0xb6: {  	[tilespmem:s0+$0xFFFFFFE0] =	vst v23  }
0xb7: {  	[tilespmem:s1+$0xFFFFFFE0] =	vst v24  }
0xb8: {  	[tilespmem:s5+$0xFFFFFFE0] =	vst v25  }
0xb9: {  	[tilespmem:s0+$0xFFFFFFF0] =	vst v23  }
0xba: {  	[tilespmem:s1+$0xFFFFFFF0] =	vst v24  }
0xbb: {  	s17 =	simm.s32 $0x1;
	[tilespmem:s5+$0xFFFFFFF0] =	vst v25  }
.LBB2_6:
0xbc: {  	v26 =	vmov s17;
	p0 =	sne.s32 s17, $0xF;
	[tilespmem:s0+$0x0] =	vst v23  }
0xbd: {  	v23 =	vperm.xlane v20, v26;
	[tilespmem:s1+$0x0] =	vst v24  }
0xbe: {  	s0 =	sadd.s32 $0x80, s0;
	v24 =	vperm.xlane v21, v26;
	[tilespmem:s5+$0x0] =	vst v25  }
0xbf: {  	s1 =	sadd.s32 $0x80, s1;
	v25 =	vperm.xlane v22, v26;
	[tilespmem:s0+$0xFFFFFF90] =	vst v23  }
0xc0: {  	s5 =	sadd.s32 $0x80, s5;
	[tilespmem:s1+$0xFFFFFF90] =	vst v24  }
0xc1: {  	[tilespmem:s5+$0xFFFFFF90] =	vst v25  }
0xc2: {  	[tilespmem:s0+$0xFFFFFFA0] =	vst v23  }
0xc3: {  	[tilespmem:s1+$0xFFFFFFA0] =	vst v24  }
0xc4: {  	[tilespmem:s5+$0xFFFFFFA0] =	vst v25  }
0xc5: {  	[tilespmem:s0+$0xFFFFFFB0] =	vst v23  }
0xc6: {  	[tilespmem:s1+$0xFFFFFFB0] =	vst v24  }
0xc7: {  	[tilespmem:s5+$0xFFFFFFB0] =	vst v25  }
0xc8: {  	[tilespmem:s0+$0xFFFFFFC0] =	vst v23  }
0xc9: {  	[tilespmem:s1+$0xFFFFFFC0] =	vst v24  }
0xca: {  	[tilespmem:s5+$0xFFFFFFC0] =	vst v25  }
0xcb: {  	[tilespmem:s0+$0xFFFFFFD0] =	vst v23  }
0xcc: {  	[tilespmem:s1+$0xFFFFFFD0] =	vst v24  }
0xcd: {  	[tilespmem:s5+$0xFFFFFFD0] =	vst v25  }
0xce: {  	[tilespmem:s0+$0xFFFFFFE0] =	vst v23  }
.Ltmp4:
0xcf: {  	[tilespmem:s1+$0xFFFFFFE0] =	vst v24;
	(pc) =	sbr.rel @p0 .LBB2_6-.Ltmp4, $4  }
0xd0: {  	[tilespmem:s5+$0xFFFFFFE0] =	vst v25  }
0xd1: {  	[tilespmem:s0+$0xFFFFFFF0] =	vst v23  }
0xd2: {  	[tilespmem:s1+$0xFFFFFFF0] =	vst v24  }
0xd3: {  	s17 =	sadd.s32 $0x1, s17;
	[tilespmem:s5+$0xFFFFFFF0] =	vst v25  }
0xd4: {  	[tilespmem:s0+$0x0] =	vst v23  }
0xd5: {  	[tilespmem:s1+$0x0] =	vst v24  }
0xd6: {  	[tilespmem:s5+$0x0] =	vst v25  }
0xd7: {  	v20 =	vld [tilespmem:$0xC830]  }
0xd8: {  	v21 =	vld [tilespmem:$0xC8B0]  }
0xd9: {  	v22 =	vld [tilespmem:$0xC930]  }
0xda: {  	s25 =	simm.s32 $0x0  }
0xdb: {  	v25 =	vmov s25  }
0xdc: {  	v23 =	vperm.xlane v20, v25  }
0xdd: {  	s0 =	simm.s32 $0x1A2F0;
	v24 =	vperm.xlane v21, v25  }
0xde: {  	s1 =	simm.s32 $0x1C2F0;
	v25 =	vperm.xlane v22, v25;
	[tilespmem:s0+$0xFFFFFF90] =	vst v23  }
0xdf: {  	s5 =	simm.s32 $0x162F0;
	[tilespmem:s1+$0xFFFFFF90] =	vst v24  }
0xe0: {  	[tilespmem:s5+$0xFFFFFF90] =	vst v25  }
0xe1: {  	[tilespmem:s0+$0xFFFFFFA0] =	vst v23  }
0xe2: {  	[tilespmem:s1+$0xFFFFFFA0] =	vst v24  }
0xe3: {  	[tilespmem:s5+$0xFFFFFFA0] =	vst v25  }
0xe4: {  	[tilespmem:s0+$0xFFFFFFB0] =	vst v23  }
0xe5: {  	[tilespmem:s1+$0xFFFFFFB0] =	vst v24  }
0xe6: {  	[tilespmem:s5+$0xFFFFFFB0] =	vst v25  }
0xe7: {  	[tilespmem:s0+$0xFFFFFFC0] =	vst v23  }
0xe8: {  	[tilespmem:s1+$0xFFFFFFC0] =	vst v24  }
0xe9: {  	[tilespmem:s5+$0xFFFFFFC0] =	vst v25  }
0xea: {  	[tilespmem:s0+$0xFFFFFFD0] =	vst v23  }
0xeb: {  	[tilespmem:s1+$0xFFFFFFD0] =	vst v24  }
0xec: {  	[tilespmem:s5+$0xFFFFFFD0] =	vst v25  }
0xed: {  	[tilespmem:s0+$0xFFFFFFE0] =	vst v23  }
0xee: {  	[tilespmem:s1+$0xFFFFFFE0] =	vst v24  }
0xef: {  	[tilespmem:s5+$0xFFFFFFE0] =	vst v25  }
0xf0: {  	[tilespmem:s0+$0xFFFFFFF0] =	vst v23  }
0xf1: {  	[tilespmem:s1+$0xFFFFFFF0] =	vst v24  }
0xf2: {  	s17 =	simm.s32 $0x1;
	[tilespmem:s5+$0xFFFFFFF0] =	vst v25  }
.LBB2_8:
0xf3: {  	v26 =	vmov s17;
	p0 =	sne.s32 s17, $0xF;
	[tilespmem:s0+$0x0] =	vst v23  }
0xf4: {  	v23 =	vperm.xlane v20, v26;
	[tilespmem:s1+$0x0] =	vst v24  }
0xf5: {  	s0 =	sadd.s32 $0x80, s0;
	v24 =	vperm.xlane v21, v26;
	[tilespmem:s5+$0x0] =	vst v25  }
0xf6: {  	s1 =	sadd.s32 $0x80, s1;
	v25 =	vperm.xlane v22, v26;
	[tilespmem:s0+$0xFFFFFF90] =	vst v23  }
0xf7: {  	s5 =	sadd.s32 $0x80, s5;
	[tilespmem:s1+$0xFFFFFF90] =	vst v24  }
0xf8: {  	[tilespmem:s5+$0xFFFFFF90] =	vst v25  }
0xf9: {  	[tilespmem:s0+$0xFFFFFFA0] =	vst v23  }
0xfa: {  	[tilespmem:s1+$0xFFFFFFA0] =	vst v24  }
0xfb: {  	[tilespmem:s5+$0xFFFFFFA0] =	vst v25  }
0xfc: {  	[tilespmem:s0+$0xFFFFFFB0] =	vst v23  }
0xfd: {  	[tilespmem:s1+$0xFFFFFFB0] =	vst v24  }
0xfe: {  	[tilespmem:s5+$0xFFFFFFB0] =	vst v25  }
0xff: {  	[tilespmem:s0+$0xFFFFFFC0] =	vst v23  }
0x100: {  	[tilespmem:s1+$0xFFFFFFC0] =	vst v24  }
0x101: {  	[tilespmem:s5+$0xFFFFFFC0] =	vst v25  }
0x102: {  	[tilespmem:s0+$0xFFFFFFD0] =	vst v23  }
0x103: {  	[tilespmem:s1+$0xFFFFFFD0] =	vst v24  }
0x104: {  	[tilespmem:s5+$0xFFFFFFD0] =	vst v25  }
0x105: {  	[tilespmem:s0+$0xFFFFFFE0] =	vst v23  }
.Ltmp5:
0x106: {  	[tilespmem:s1+$0xFFFFFFE0] =	vst v24;
	(pc) =	sbr.rel @p0 .LBB2_8-.Ltmp5, $4  }
0x107: {  	[tilespmem:s5+$0xFFFFFFE0] =	vst v25  }
0x108: {  	[tilespmem:s0+$0xFFFFFFF0] =	vst v23  }
0x109: {  	[tilespmem:s1+$0xFFFFFFF0] =	vst v24  }
0x10a: {  	s17 =	sadd.s32 $0x1, s17;
	[tilespmem:s5+$0xFFFFFFF0] =	vst v25  }
0x10b: {  	[tilespmem:s0+$0x0] =	vst v23  }
0x10c: {  	[tilespmem:s1+$0x0] =	vst v24  }
0x10d: {  	[tilespmem:s5+$0x0] =	vst v25  }
0x10e: {  	[hbm4b:s10+s14] =	stream.strided.scatter [tilespmem:s20], [sflag:$0x5], $0x2000, s15, s14, $0x38;
	[tilespmem:$0x1CA80] =	vst v63  }
0x10f: {  	_ =	swait.ge [sflag:s16], $0x2000  }
0x110: {  	[sflag:s16] =	ssyncset.done $0x0  }
0x111: {  	[sflag:s16] =	ssyncadd.s32 $0xFFFFE000  }
0x112: {  	v20 =	vld [tilespmem:$0x0]  }
0x113: {  	v21 =	vld [tilespmem:$0x10]  }
0x114: {  	v22 =	vld [tilespmem:$0x20]  }
0x115: {  	v52 =	vld [tilespmem:$0x30]  }
0x116: {  	v53 =	vld [tilespmem:$0x40]  }
0x117: {  	v54 =	vld [tilespmem:$0x50];
	v20 =	vshrl.u32 v20, $0x1  }
0x118: {  	v55 =	vld [tilespmem:$0x60];
	[tilespmem:$0xC980] =	vst v20;
	v20 =	vshrl.u32 v21, $0x1  }
0x119: {  	v56 =	vld [tilespmem:$0x70];
	[tilespmem:$0xC990] =	vst v20;
	v20 =	vshrl.u32 v22, $0x1  }
0x11a: {  	[tilespmem:$0xC9A0] =	vst v20;
	v20 =	vshrl.u32 v52, $0x1  }
0x11b: {  	[tilespmem:$0xC9B0] =	vst v20;
	v20 =	vshrl.u32 v53, $0x1  }
0x11c: {  	[tilespmem:$0xC9C0] =	vst v20;
	v20 =	vshrl.u32 v54, $0x1  }
0x11d: {  	[tilespmem:$0xC9D0] =	vst v20;
	v20 =	vshrl.u32 v55, $0x1  }
0x11e: {  	[tilespmem:$0xC9E0] =	vst v20;
	v20 =	vshrl.u32 v56, $0x1  }
0x11f: {  	s22 =	simm.s32 $0xC980;
	s23 =	simm.s32 $0xCA80;
	[tilespmem:$0xC9F0] =	vst v20  }
0x120: {  	[tilespmem:s23], [sflag:$0x1] =	stream.indirect.gather [hbm4b:s7+s21], $0x80, s22, s21, $0xb8;
	[tilespmem:$0x1CA80] =	vst v63  }
0x121: {  	v20 =	vld [tilespmem:$0x80]  }
0x122: {  	v57 =	vld [tilespmem:$0x90]  }
0x123: {  	v58 =	vld [tilespmem:$0xA0]  }
0x124: {  	v59 =	vld [tilespmem:$0xB0]  }
0x125: {  	v60 =	vld [tilespmem:$0xC0]  }
0x126: {  	v61 =	vld [tilespmem:$0xD0];
	v20 =	vshrl.u32 v20, $0x1  }
0x127: {  	v62 =	vld [tilespmem:$0xE0];
	[tilespmem:$0xCA00] =	vst v20;
	v20 =	vshrl.u32 v57, $0x1  }
0x128: {  	v63 =	vld [tilespmem:$0xF0];
	[tilespmem:$0xCA10] =	vst v20;
	v20 =	vshrl.u32 v58, $0x1  }
0x129: {  	[tilespmem:$0xCA20] =	vst v20;
	v20 =	vshrl.u32 v59, $0x1  }
0x12a: {  	[tilespmem:$0xCA30] =	vst v20;
	v20 =	vshrl.u32 v60, $0x1  }
.Ltmp6:
0x12b: {  	[tilespmem:$0xCA40] =	vst v20;
	v20 =	vshrl.u32 v61, $0x1;
	(pc) =	sbr.rel .LBB2_10-.Ltmp6, $4  }
0x12c: {  	[tilespmem:$0xCA50] =	vst v20;
	v20 =	vshrl.u32 v62, $0x1  }
0x12d: {  	[tilespmem:$0xCA60] =	vst v20;
	v20 =	vshrl.u32 v63, $0x1  }
0x12e: {  	s24 =	simm.s32 $0xCA00;
	s25 =	simm.s32 $0x10A80;
	s5 =	simm.s32 $0x0;
	[tilespmem:$0xCA70] =	vst v20  }
0x12f: {  	[tilespmem:s25], [sflag:$0x2] =	stream.indirect.gather [hbm4b:s7+s21], $0x80, s24, s21, $0xb8;
	[tilespmem:$0x1CA80] =	vst v63  }
.LBB2_21:
0x130: {  	s5 =	sadd.s32 $0x1, s5  }
0x131: {  	p0 =	sne.s32 s5, $0xC8  }
.Ltmp7:
0x132: {  	_ = 	snop;
	(pc) =	sbr.rel @!p0 .LBB2_22-.Ltmp7, $1  }
0x133: {  	_ =	sdelay $0x3  }
.LBB2_10:
0x134: {  	s0 =	sand.u32 $0x1, s5  }
0x135: {  	p1 =	seq.s32 s0, $0x1  }
.Ltmp8:
0x136: {  	_ = 	snop;
	(pc) =	sbr.rel @p1 .LBB2_16-.Ltmp8, $2  }
0x137: {  	_ =	sdelay $0x2  }
0x138: {  	p0 =	slt.u32 s5, $0x2  }
0x139: {  	_ =	swait.ge [sflag:s26], $0x4000  }
0x13a: {  	[sflag:s26] =	ssyncset.done $0x0  }
0x13b: {  	s0 =	simm.s32 @!p0 $0x3;
	[sflag:s26] =	ssyncadd.s32 $0xFFFFC000  }
0x13c: {  	s1 =	sshll.u32 s5, $0x7;
	s24 =	simm.s32 $0xCE80;
	_ =	swait.ge @!p0 [sflag:s0], $0x2000  }
0x13d: {  	s17 =	simm.s32 $0x1AE80;
	s18 =	simm.s32 $0x18A80;
	[sflag:s0] =	ssyncset.done @!p0 $0x0  }
0x13e: {  	s19 =	simm.s32 $0x14E80;
	v20 =	vmov s1;
	[sflag:s0] =	ssyncadd.s32 @!p0 $0xFFFFE000;
	s0 =	simm.s32 $0x0  }
.LBB2_12:
0x13f: {  	_ =	sdelay $0x2  }
0x140: {  	s1 =	sshll.u32 s0, $0x4  }
0x141: {  	v21 =	vld.idx.msk [tilespmem:v20+s1+$0x0 ss:$0x1], $0xffff;
	_ =	sdelay $0x3  }
0x142: {  	v24 =	vld [tilespmem:s24+$0x300]  }
0x143: {  	v25 =	vld [tilespmem:s24+$0xFFFFFEC0];
	v21 =	vand.u32 $0x1, v21  }
0x144: {  	v26 =	vld [tilespmem:s24+$0xFFFFFE80];
	v22 =	vperm.xlane v21, v1;
	v23 =	vperm.xlane v21, v0  }
0x145: {  	v27 =	vld [tilespmem:s24+$0x1C0];
	v33 =	vperm.xlane v21, v2;
	v35 =	vperm.xlane v21, v3  }
0x146: {  	v28 =	vld [tilespmem:s24+$0xFFFFFF40];
	v36 =	vperm.xlane v21, v4;
	v38 =	vperm.xlane v21, v5  }
0x147: {  	v29 =	vld [tilespmem:s24+$0xFFFFFF00];
	v39 =	vperm.xlane v21, v6;
	v41 =	vperm.xlane v21, v7  }
0x148: {  	v30 =	vld [tilespmem:s24+$0x240];
	v62 =	vimm.s32 $0x0;
	v42 =	vperm.xlane v21, v8;
	v44 =	vperm.xlane v21, v9  }
0x149: {  	v31 =	vld [tilespmem:s24+$0x200];
	v53 =	vimm.s32 $0x0;
	v45 =	vperm.xlane v21, v11;
	v47 =	vperm.xlane v21, v14  }
0x14a: {  	v32 =	vld [tilespmem:s24+$0x40];
	v54 =	vimm.s32 $0x0;
	v48 =	vperm.xlane v21, v15;
	v51 =	vperm.xlane v21, v13  }
0x14b: {  	v34 =	vld [tilespmem:s24+$0x0];
	v56 =	vimm.s32 $0x0;
	v50 =	vperm.xlane v21, v12;
	v21 =	vperm.xlane v21, v10  }
0x14c: {  	v37 =	vld [tilespmem:s24+$0x180];
	vm13 =	veq.s32 v48, $0x0;
	vm15 =	veq.s32 v47, $0x0;
	vm10 =	veq.s32 v51, $0x0  }
0x14d: {  	v40 =	vld [tilespmem:s24+$0xFFFFFE40];
	vm11 =	veq.s32 v50, $0x0;
	vm8 =	veq.s32 v45, $0x0;
	vm9 =	veq.s32 v21, $0x0  }
0x14e: {  	v43 =	vld [tilespmem:s24+$0x340];
	vm4 =	veq.s32 v44, $0x0;
	v21 =	vimm.s32 $0x0;
	vm12 =	veq.s32 v42, $0x0  }
0x14f: {  	v46 =	vld [tilespmem:s24+$0x280];
	vm5 =	veq.s32 v39, $0x0;
	vm14 =	veq.s32 v38, $0x0;
	vm7 =	veq.s32 v36, $0x0  }
0x150: {  	v49 =	vld [tilespmem:s24+$0x2C0];
	vm6 =	veq.s32 v33, $0x0;
	v21 =	vsel vm4, $0xFFFFFFFF, v21;
	vm4 =	veq.s32 v41, $0x0  }
0x151: {  	v52 =	vld [tilespmem:s24+$0x140];
	v36 =	vsel vm12, $0xFFFFFFFF, v62;
	v32 =	vsel vm12, v34, v32;
	v30 =	vsel vm11, v31, v30  }
0x152: {  	v61 =	vld [tilespmem:s24+$0x380];
	v31 =	vimm.s32 $0x0;
	v28 =	vsel vm5, v29, v28;
	v29 =	vimm.s32 $0x0  }
0x153: {  	v55 =	vld [tilespmem:s24+$0xFFFFFD80];
	v27 =	vsel vm8, v37, v27;
	v25 =	vsel vm14, v26, v25;
	v37 =	vsel vm10, $0xFFFFFFFF, v56;
	[tilespmem:$0x1FFB0] =	vst v21  }
0x154: {  	v58 =	vld [tilespmem:s24+$0xFFFFFDC0];
	v24 =	vsel vm15, v24, v43;
	v21 =	vimm.s32 $0x0;
	[tilespmem:$0x1FF50] =	vst v36;
	v36 =	vsel vm11, $0xFFFFFFFF, v53  }
0x155: {  	v48 =	vld [tilespmem:s24+$0x100];
	v31 =	vsel vm5, $0xFFFFFFFF, v31;
	v29 =	vsel vm8, $0xFFFFFFFF, v29;
	v26 =	vperm.xlane v27, v16;
	[tilespmem:$0x1FFA0] =	vst v37  }
0x156: {  	v38 =	vld [tilespmem:s24+$0x3C0];
	v37 =	vsel vm10, v46, v49;
	vm10 =	vmmov vm15;
	v43 =	vperm.xlane v25, v16;
	[tilespmem:$0x1FF60] =	vst v36  }
0x157: {  	v47 =	vld [tilespmem:s24+$0xFFFFFE00];
	v45 =	vperm.xlane v30, v16;
	v21 =	vsel vm4, $0xFFFFFFFF, v21;
	vm4 =	veq.s32 v35, $0x0;
	[tilespmem:$0x1FF70] =	vst v31  }
0x158: {  	v60 =	vld [tilespmem:s24+$0x80];
	v31 =	vperm.xlane v32, v16;
	v36 =	vsel vm14, $0xFFFFFFFF, v54;
	vm14 =	vmmov vm9;
	[tilespmem:$0x1FFC0] =	vst v21  }
0x159: {  	v63 =	vld [tilespmem:s24+$0xFFFFFF80];
	v49 =	vperm.xlane v37, v16;
	v21 =	vimm.s32 $0x0;
	[tilespmem:$0x1FF90] =	vst v36;
	v36 =	vsel vm4, v55, v58  }
0x15a: {  	v51 =	vld [tilespmem:s24+$0xC0];
	v37 =	vsel vm0, v45, v37;
	v21 =	vsel vm6, $0xFFFFFFFF, v21;
	vm6 =	veq.s32 v23, $0x0  }
0x15b: {  	v59 =	vld [tilespmem:$0x1FFB0];
	v23 =	vmov s17;
	v57 =	vsel vm9, v48, v52;
	vm9 =	vmmov vm13  }
0x15c: {  	v33 =	vsel vm13, v61, v38;
	v62 =	vld [tilespmem:$0x1FFC0];
	v30 =	vsel vm0, v30, v49;
	v40 =	vsel vm7, v47, v40  }
0x15d: {  	v35 =	vld [tilespmem:s24+$0xFFFFFFC0];
	[tilespmem:$0x1FFD0] =	vst v21;
	v21 =	vimm.s32 $0x0;
	v26 =	vsel vm0, v57, v26;
	v39 =	vperm.xlane v57, v16  }
0x15e: {  	v44 =	vld [tilespmem:s24+$0xFFFFFD00];
	v61 =	vperm.xlane v33, v16;
	v57 =	vperm.xlane v36, v16;
	v43 =	vsel vm0, v40, v43  }
0x15f: {  	v50 =	vld [tilespmem:s24+$0xFFFFFC00];
	[tilespmem:$0x1FF80] =	vst v29;
	v21 =	vsel vm6, $0xFFFFFFFF, v21;
	vm6 =	veq.s32 v22, $0x0;
	v46 =	vperm.xlane v26, v17  }
0x160: {  	v29 =	vld [tilespmem:s24+$0xFFFFFD40];
	[tilespmem:$0x1FFE0] =	vst v21;
	v21 =	vimm.s32 $0x0;
	vm5 =	vnez.u8 v59;
	v27 =	vsel vm0, v39, v27  }
0x161: {  	v39 =	vsel vm0, v24, v61;
	v59 =	vld [tilespmem:$0x1FFD0];
	v21 =	vsel vm6, $0xFFFFFFFF, v21;
	vm6 =	vnez.u8 v62  }
0x162: {  	v38 =	vld [tilespmem:s24+$0xFFFFFCC0];
	v24 =	vperm.xlane v24, v16;
	v42 =	vsel vm5, v60, v51;
	v34 =	vsel vm6, v63, v35  }
0x163: {  	v22 =	vmov s18;
	v61 =	vld [tilespmem:$0x1FFE0];
	v60 =	vperm.xlane v42, v16;
	v56 =	vperm.xlane v34, v16  }
0x164: {  	vm15 =	vmmov vm5;
	v58 =	vperm.xlane v39, v17;
	[tilespmem:$0x1FFF0] =	vst v21;
	v21 =	vmov s19;
	v63 =	vld [tilespmem:s24+$0xFFFFFC80]  }
0x165: {  	vm5 =	vmmov vm6;
	v32 =	vsel vm0, v32, v60;
	v49 =	vsel vm0, v28, v56;
	v56 =	vld [tilespmem:$0x1FFF0]  }
0x166: {  	v41 =	vld [tilespmem:s24+$0xFFFFFC40];
	vm6 =	vmmov vm4;
	vm4 =	vnez.u8 v59;
	v46 =	vsel vm1, v32, v46  }
0x167: {  	s22 =	simm.s32 $0x0;
	vm13 =	vmmov vm4;
	v29 =	vsel vm4, v44, v29;
	vm4 =	vmmov vm7  }
0x168: {  	v62 =	vld.idx.msk [tilespmem:v23+s22+$0xFFFFFC00 ss:$0x1], $0xffff;
	vm8 =	vnez.u8 v61;
	v60 =	vperm.xlane v49, v17;
	v48 =	vsel vm0, v29, v57  }
0x169: {  	v44 =	vld.idx.msk [tilespmem:v20+s1+$0x6400 ss:$0x1], $0xffff;
	vm7 =	vmmov vm8;
	v35 =	vsel vm8, v63, v38;
	v38 =	vsel vm1, v30, v58  }
0x16a: {  	v53 =	vld.idx.msk [tilespmem:v22+s22+$0x0 ss:$0x1], $0xffff;
	v54 =	vperm.xlane v35, v16;
	v55 =	vperm.xlane v38, v18;
	vm8 =	vnez.u8 v56  }
0x16b: {  	v63 =	vperm.xlane v48, v17;
	v47 =	vsel vm1, v43, v60;
	v41 =	vsel vm8, v50, v41  }
0x16c: {  	v59 =	vperm.xlane v47, v18;
	v55 =	vsel vm2, v46, v55;
	v54 =	vsel vm0, v41, v54  }
0x16d: {  	v24 =	vsel vm0, v24, v33;
	v60 =	vperm.xlane v55, v19;
	v45 =	vsel vm1, v54, v63  }
0x16e: {  	vm11 =	vmmov vm8;
	vm8 =	veq.s32 v44, $0x0;
	v50 =	vsel vm2, v45, v59  }
0x16f: {  	v51 =	vperm.xlane v24, v17;
	v44 =	vsel vm8, v53, v62;
	v61 =	vsel vm3, v50, v60  }
0x170: {  	v28 =	vperm.xlane v28, v16;
	v63 =	vadd.f32 v44, v61  }
0x171: {  	v31 =	vsel vm0, v31, v42;
	v33 =	vsel vm1, v37, v51;
	v29 =	vperm.xlane v29, v16  }
0x172: {  	v28 =	vsel vm0, v28, v34;
	v53 =	vperm.xlane v40, v16;
	[tilespmem:v21+s22+$0xFFFFFC00 ss:$0x1] =	vst.idx.msk $0xffff, v63  }
0x173: {  	v29 =	vsel vm0, v29, v36;
	v56 =	vperm.xlane v28, v17;
	v62 =	vperm.xlane v27, v17;
	v57 =	vld.idx.msk [tilespmem:v23+s22+$0xFFFFFC80 ss:$0x1], $0xffff  }
0x174: {  	v58 =	vperm.xlane v41, v16;
	v25 =	vsel vm0, v53, v25;
	v59 =	vperm.xlane v33, v18;
	v60 =	vld.idx.msk [tilespmem:v22+s22+$0x80 ss:$0x1], $0xffff  }
0x175: {  	v36 =	vsel vm1, v25, v56;
	v44 =	vsel vm1, v31, v62;
	v61 =	vperm.xlane v29, v17  }
0x176: {  	v34 =	vsel vm0, v58, v35;
	v62 =	vperm.xlane v36, v18;
	v35 =	vsel vm2, v44, v59  }
0x177: {  	v51 =	vsel vm1, v34, v61;
	v63 =	vperm.xlane v35, v19  }
0x178: {  	v41 =	vsel vm2, v51, v62  }
0x179: {  	v52 =	vsel vm3, v41, v63;
	v40 =	vsel vm8, v60, v57  }
0x17a: {  	v40 =	vadd.f32 v40, v52  }
0x17b: {  	v30 =	vperm.xlane v30, v17  }
0x17c: {  	[tilespmem:v21+s22+$0xFFFFFC80 ss:$0x1] =	vst.idx.msk $0xffff, v40  }
0x17d: {  	v32 =	vperm.xlane v32, v17;
	v30 =	vsel vm1, v30, v39;
	v53 =	vperm.xlane v43, v17;
	v56 =	vld.idx.msk [tilespmem:v23+s22+$0xFFFFFD00 ss:$0x1], $0xffff  }
0x17e: {  	v57 =	vperm.xlane v30, v18;
	v58 =	vld.idx.msk [tilespmem:v22+s22+$0x100 ss:$0x1], $0xffff  }
0x17f: {  	v26 =	vsel vm1, v32, v26;
	v32 =	vsel vm1, v53, v49;
	v59 =	vperm.xlane v54, v17  }
0x180: {  	v49 =	vperm.xlane v32, v18;
	v42 =	vsel vm2, v26, v57  }
0x181: {  	v40 =	vsel vm1, v59, v48;
	v60 =	vperm.xlane v42, v19  }
0x182: {  	v49 =	vsel vm2, v40, v49  }
0x183: {  	v61 =	vsel vm3, v49, v60;
	v39 =	vsel vm8, v58, v56  }
0x184: {  	v39 =	vadd.f32 v39, v61  }
0x185: {  	v37 =	vperm.xlane v37, v17  }
0x186: {  	[tilespmem:v21+s22+$0xFFFFFD00 ss:$0x1] =	vst.idx.msk $0xffff, v39  }
0x187: {  	v24 =	vsel vm1, v37, v24;
	v25 =	vperm.xlane v25, v17;
	v31 =	vperm.xlane v31, v17;
	v62 =	vld.idx.msk [tilespmem:v22+s22+$0x180 ss:$0x1], $0xffff  }
0x188: {  	v63 =	vperm.xlane v24, v18;
	v48 =	vld.idx.msk [tilespmem:v23+s22+$0xFFFFFD80 ss:$0x1], $0xffff  }
0x189: {  	v25 =	vsel vm1, v25, v28;
	v28 =	vperm.xlane v34, v17;
	v27 =	vsel vm1, v31, v27  }
0x18a: {  	v31 =	vperm.xlane v25, v18;
	v52 =	vsel vm2, v27, v63  }
0x18b: {  	v28 =	vsel vm1, v28, v29;
	v29 =	vperm.xlane v52, v19  }
0x18c: {  	v31 =	vsel vm2, v28, v31  }
0x18d: {  	v29 =	vsel vm3, v31, v29;
	v37 =	vsel vm8, v62, v48  }
0x18e: {  	v29 =	vadd.f32 v37, v29;
	_ =	sdelay $0x1  }
0x18f: {  	[tilespmem:v21+s22+$0xFFFFFD80 ss:$0x1] =	vst.idx.msk $0xffff, v29  }
0x190: {  	v29 =	vld.idx.msk [tilespmem:v22+s22+$0x200 ss:$0x1], $0xffff  }
0x191: {  	v53 =	vperm.xlane v46, v18;
	v54 =	vld.idx.msk [tilespmem:v23+s22+$0xFFFFFE00 ss:$0x1], $0xffff;
	_ =	sdelay $0x1  }
0x192: {  	v56 =	vperm.xlane v45, v18;
	v37 =	vsel vm2, v53, v38  }
0x193: {  	v57 =	vperm.xlane v37, v19  }
0x194: {  	v38 =	vsel vm2, v56, v47  }
0x195: {  	v43 =	vsel vm3, v38, v57;
	v29 =	vsel vm8, v29, v54  }
0x196: {  	v29 =	vadd.f32 v29, v43;
	_ =	sdelay $0x1  }
0x197: {  	[tilespmem:v21+s22+$0xFFFFFE00 ss:$0x1] =	vst.idx.msk $0xffff, v29  }
0x198: {  	v29 =	vld.idx.msk [tilespmem:v22+s22+$0x280 ss:$0x1], $0xffff  }
0x199: {  	v58 =	vperm.xlane v44, v18;
	v59 =	vld.idx.msk [tilespmem:v23+s22+$0xFFFFFE80 ss:$0x1], $0xffff;
	_ =	sdelay $0x1  }
0x19a: {  	v60 =	vperm.xlane v51, v18;
	v33 =	vsel vm2, v58, v33  }
0x19b: {  	v39 =	vperm.xlane v33, v19  }
0x19c: {  	v36 =	vsel vm2, v60, v36  }
0x19d: {  	v39 =	vsel vm3, v36, v39;
	v29 =	vsel vm8, v29, v59  }
0x19e: {  	v29 =	vadd.f32 v29, v39;
	_ =	sdelay $0x1  }
0x19f: {  	[tilespmem:v21+s22+$0xFFFFFE80 ss:$0x1] =	vst.idx.msk $0xffff, v29  }
0x1a0: {  	v29 =	vld.idx.msk [tilespmem:v22+s22+$0x300 ss:$0x1], $0xffff  }
0x1a1: {  	v26 =	vperm.xlane v26, v18;
	v61 =	vld.idx.msk [tilespmem:v23+s22+$0xFFFFFF00 ss:$0x1], $0xffff;
	_ =	sdelay $0x1  }
0x1a2: {  	v30 =	vsel vm2, v26, v30;
	v26 =	vperm.xlane v40, v18  }
0x1a3: {  	v62 =	vperm.xlane v30, v19  }
0x1a4: {  	v26 =	vsel vm2, v26, v32  }
0x1a5: {  	v32 =	vsel vm3, v26, v62;
	v29 =	vsel vm8, v29, v61  }
0x1a6: {  	v29 =	vadd.f32 v29, v32;
	_ =	sdelay $0x1  }
0x1a7: {  	[tilespmem:v21+s22+$0xFFFFFF00 ss:$0x1] =	vst.idx.msk $0xffff, v29  }
0x1a8: {  	v29 =	vld.idx.msk [tilespmem:v22+s22+$0x380 ss:$0x1], $0xffff  }
0x1a9: {  	v27 =	vperm.xlane v27, v18;
	v63 =	vld.idx.msk [tilespmem:v23+s22+$0xFFFFFF80 ss:$0x1], $0xffff;
	_ =	sdelay $0x1  }
0x1aa: {  	v28 =	vperm.xlane v28, v18;
	v24 =	vsel vm2, v27, v24  }
0x1ab: {  	v27 =	vperm.xlane v24, v19  }
0x1ac: {  	v25 =	vsel vm2, v28, v25  }
0x1ad: {  	v27 =	vsel vm3, v25, v27;
	v28 =	vsel vm8, v29, v63  }
0x1ae: {  	v27 =	vadd.f32 v28, v27;
	_ =	sdelay $0x1  }
0x1af: {  	[tilespmem:v21+s22+$0xFFFFFF80 ss:$0x1] =	vst.idx.msk $0xffff, v27  }
0x1b0: {  	v27 =	vld.idx.msk [tilespmem:v22+s22+$0x400 ss:$0x1], $0xffff  }
0x1b1: {  	v28 =	vld.idx.msk [tilespmem:v23+s22+$0x0 ss:$0x1], $0xffff;
	_ =	sdelay $0x2  }
0x1b2: {  	v29 =	vperm.xlane v50, v19;
	_ =	sdelay $0x1  }
0x1b3: {  	v29 =	vsel vm3, v29, v55;
	v27 =	vsel vm8, v27, v28  }
0x1b4: {  	v27 =	vadd.f32 v27, v29;
	_ =	sdelay $0x1  }
0x1b5: {  	[tilespmem:v21+s22+$0x0 ss:$0x1] =	vst.idx.msk $0xffff, v27  }
0x1b6: {  	v27 =	vld.idx.msk [tilespmem:v22+s22+$0x480 ss:$0x1], $0xffff  }
0x1b7: {  	v28 =	vld.idx.msk [tilespmem:v23+s22+$0x80 ss:$0x1], $0xffff;
	_ =	sdelay $0x2  }
0x1b8: {  	v29 =	vperm.xlane v41, v19;
	_ =	sdelay $0x1  }
0x1b9: {  	v29 =	vsel vm3, v29, v35;
	v27 =	vsel vm8, v27, v28  }
0x1ba: {  	v27 =	vadd.f32 v27, v29;
	_ =	sdelay $0x1  }
0x1bb: {  	[tilespmem:v21+s22+$0x80 ss:$0x1] =	vst.idx.msk $0xffff, v27  }
0x1bc: {  	v27 =	vld.idx.msk [tilespmem:v22+s22+$0x500 ss:$0x1], $0xffff  }
0x1bd: {  	v28 =	vld.idx.msk [tilespmem:v23+s22+$0x100 ss:$0x1], $0xffff;
	_ =	sdelay $0x2  }
0x1be: {  	v29 =	vperm.xlane v49, v19;
	_ =	sdelay $0x1  }
0x1bf: {  	v29 =	vsel vm3, v29, v42;
	v27 =	vsel vm8, v27, v28  }
0x1c0: {  	v27 =	vadd.f32 v27, v29;
	_ =	sdelay $0x1  }
0x1c1: {  	[tilespmem:v21+s22+$0x100 ss:$0x1] =	vst.idx.msk $0xffff, v27  }
0x1c2: {  	v27 =	vld.idx.msk [tilespmem:v22+s22+$0x580 ss:$0x1], $0xffff  }
0x1c3: {  	v28 =	vld.idx.msk [tilespmem:v23+s22+$0x180 ss:$0x1], $0xffff;
	_ =	sdelay $0x2  }
0x1c4: {  	v29 =	vperm.xlane v31, v19;
	_ =	sdelay $0x1  }
0x1c5: {  	v29 =	vsel vm3, v29, v52;
	v27 =	vsel vm8, v27, v28  }
0x1c6: {  	v27 =	vadd.f32 v27, v29;
	_ =	sdelay $0x1  }
0x1c7: {  	[tilespmem:v21+s22+$0x180 ss:$0x1] =	vst.idx.msk $0xffff, v27  }
0x1c8: {  	v27 =	vld.idx.msk [tilespmem:v22+s22+$0x600 ss:$0x1], $0xffff  }
0x1c9: {  	v28 =	vld.idx.msk [tilespmem:v23+s22+$0x200 ss:$0x1], $0xffff;
	_ =	sdelay $0x2  }
0x1ca: {  	v29 =	vperm.xlane v38, v19;
	_ =	sdelay $0x1  }
0x1cb: {  	v29 =	vsel vm3, v29, v37;
	v27 =	vsel vm8, v27, v28  }
0x1cc: {  	v27 =	vadd.f32 v27, v29  }
0x1cd: {  	v31 =	vperm.xlane v25, v19  }
0x1ce: {  	v28 =	vperm.xlane v36, v19;
	v29 =	vperm.xlane v26, v19;
	[tilespmem:v21+s22+$0x200 ss:$0x1] =	vst.idx.msk $0xffff, v27  }
0x1cf: {  	v26 =	vld.idx.msk [tilespmem:v22+s22+$0x680 ss:$0x1], $0xffff  }
0x1d0: {  	s23 =	simm.s32 $0x2000;
	s1 =	smov.u32 s24;
	v24 =	vsel vm3, v31, v24;
	v27 =	vsel vm3, v28, v33;
	v25 =	vsel vm3, v29, v30;
	v28 =	vld.idx.msk [tilespmem:v23+s22+$0x280 ss:$0x1], $0xffff  }
.LBB2_13:
0x1d1: {  	_ =	sdelay $0x3  }
0x1d2: {  	v26 =	vsel vm8, v26, v28  }
0x1d3: {  	v26 =	vadd.f32 v26, v27;
	_ =	sdelay $0x1  }
0x1d4: {  	[tilespmem:v21+s22+$0x280 ss:$0x1] =	vst.idx.msk $0xffff, v26  }
0x1d5: {  	v26 =	vld.idx.msk [tilespmem:v22+s22+$0x700 ss:$0x1], $0xffff  }
0x1d6: {  	v27 =	vld.idx.msk [tilespmem:v23+s22+$0x300 ss:$0x1], $0xffff;
	_ =	sdelay $0x4  }
0x1d7: {  	v26 =	vsel vm8, v26, v27  }
0x1d8: {  	v25 =	vadd.f32 v26, v25;
	_ =	sdelay $0x1  }
0x1d9: {  	[tilespmem:v21+s22+$0x300 ss:$0x1] =	vst.idx.msk $0xffff, v25  }
0x1da: {  	v25 =	vld.idx.msk [tilespmem:v22+s22+$0x780 ss:$0x1], $0xffff  }
0x1db: {  	v26 =	vld.idx.msk [tilespmem:v23+s22+$0x380 ss:$0x1], $0xffff;
	_ =	sdelay $0x4  }
0x1dc: {  	v25 =	vsel vm8, v25, v26  }
0x1dd: {  	v42 =	vld [tilespmem:$0x1FF50];
	v24 =	vadd.f32 v25, v24  }
0x1de: {  	v52 =	vld [tilespmem:$0x1FF60]  }
0x1df: {  	s1 =	sadd.s32 $0x10, s1;
	v53 =	vld [tilespmem:$0x1FF90];
	[tilespmem:v21+s22+$0x380 ss:$0x1] =	vst.idx.msk $0xffff, v24  }
0x1e0: {  	v24 =	vld [tilespmem:s1+$0x300]  }
0x1e1: {  	v25 =	vld [tilespmem:s1+$0xFFFFFEC0]  }
0x1e2: {  	v26 =	vld [tilespmem:s1+$0xFFFFFE80]  }
0x1e3: {  	v27 =	vld [tilespmem:s1+$0x1C0]  }
0x1e4: {  	v28 =	vld [tilespmem:s1+$0xFFFFFF40]  }
0x1e5: {  	v29 =	vld [tilespmem:s1+$0xFFFFFF00]  }
0x1e6: {  	v30 =	vld [tilespmem:s1+$0x240]  }
0x1e7: {  	v32 =	vld [tilespmem:s1+$0x40]  }
0x1e8: {  	v33 =	vld [tilespmem:s1+$0x0]  }
0x1e9: {  	v31 =	vld [tilespmem:s1+$0x200]  }
0x1ea: {  	v34 =	vld [tilespmem:s1+$0x180]  }
0x1eb: {  	v35 =	vld [tilespmem:s1+$0xFFFFFE40]  }
0x1ec: {  	vm12 =	vnez.u8 v42;
	v36 =	vld [tilespmem:s1+$0x340]  }
0x1ed: {  	v37 =	vld [tilespmem:s1+$0x280];
	v32 =	vsel vm12, v33, v32;
	vm12 =	vnez.u8 v52  }
0x1ee: {  	v30 =	vsel vm12, v31, v30;
	v31 =	vld [tilespmem:$0x1FF70]  }
0x1ef: {  	v38 =	vld [tilespmem:s1+$0x2C0]  }
0x1f0: {  	v39 =	vld [tilespmem:s1+$0x140]  }
0x1f1: {  	v40 =	vld [tilespmem:s1+$0x100]  }
0x1f2: {  	v41 =	vld [tilespmem:s1+$0xC0]  }
0x1f3: {  	v51 =	vld [tilespmem:s1+$0x80];
	vm12 =	vnez.u8 v31  }
0x1f4: {  	v28 =	vsel vm12, v29, v28;
	v29 =	vld [tilespmem:$0x1FF80]  }
0x1f5: {  	v43 =	vld [tilespmem:s1+$0xFFFFFD40]  }
0x1f6: {  	v62 =	vld [tilespmem:s1+$0xFFFFFE00]  }
0x1f7: {  	v47 =	vld [tilespmem:s1+$0xFFFFFD00]  }
0x1f8: {  	v54 =	vld [tilespmem:s1+$0x380]  }
0x1f9: {  	v39 =	vsel vm14, v40, v39;
	v24 =	vsel vm10, v24, v36;
	vm12 =	vnez.u8 v29;
	v29 =	vld [tilespmem:s1+$0x3C0]  }
0x1fa: {  	v56 =	vld [tilespmem:s1+$0xFFFFFFC0];
	v33 =	vsel vm15, v51, v41;
	v27 =	vsel vm12, v34, v27;
	vm12 =	vnez.u8 v53  }
0x1fb: {  	v35 =	vsel vm4, v62, v35;
	v46 =	vperm.xlane v33, v16;
	v25 =	vsel vm12, v26, v25;
	v26 =	vld [tilespmem:$0x1FFA0]  }
0x1fc: {  	v57 =	vld [tilespmem:s1+$0xFFFFFF80];
	v43 =	vsel vm13, v47, v43;
	v59 =	vperm.xlane v30, v16;
	v36 =	vperm.xlane v25, v16  }
0x1fd: {  	v45 =	vld [tilespmem:s1+$0xFFFFFD80];
	v31 =	vperm.xlane v32, v16;
	v32 =	vsel vm0, v32, v46;
	v58 =	vperm.xlane v28, v16  }
0x1fe: {  	v52 =	vld [tilespmem:s1+$0xFFFFFDC0];
	v29 =	vsel vm9, v54, v29;
	v36 =	vsel vm0, v35, v36;
	v35 =	vperm.xlane v35, v16  }
0x1ff: {  	v31 =	vsel vm0, v31, v33;
	v55 =	vperm.xlane v27, v16;
	v63 =	vperm.xlane v29, v16  }
0x200: {  	v62 =	vperm.xlane v36, v17;
	vm12 =	vnez.u8 v26;
	v25 =	vsel vm0, v35, v25  }
0x201: {  	v49 =	vld [tilespmem:s1+$0xFFFFFC80];
	v26 =	vsel vm12, v37, v38;
	v37 =	vsel vm0, v39, v55;
	v39 =	vperm.xlane v39, v16  }
0x202: {  	v54 =	vld [tilespmem:s1+$0xFFFFFCC0];
	v38 =	vsel vm5, v57, v56;
	v33 =	vsel vm0, v24, v63;
	v24 =	vperm.xlane v24, v16  }
0x203: {  	v55 =	vperm.xlane v31, v17;
	v57 =	vsel vm6, v45, v52;
	v44 =	vperm.xlane v37, v17  }
0x204: {  	v60 =	vperm.xlane v26, v16;
	v26 =	vsel vm0, v59, v26;
	v48 =	vperm.xlane v38, v16  }
0x205: {  	v38 =	vsel vm0, v58, v38;
	v50 =	vperm.xlane v33, v17;
	v27 =	vsel vm0, v39, v27  }
0x206: {  	v53 =	vperm.xlane v26, v17;
	v24 =	vsel vm0, v24, v29;
	v61 =	vperm.xlane v27, v17  }
0x207: {  	v59 =	vld [tilespmem:s1+$0xFFFFFC40];
	v29 =	vperm.xlane v32, v17;
	v46 =	vsel vm7, v49, v54;
	v30 =	vsel vm0, v30, v60  }
0x208: {  	v28 =	vsel vm0, v28, v48;
	v58 =	vperm.xlane v24, v17;
	v31 =	vsel vm1, v31, v61;
	v61 =	vld [tilespmem:s1+$0xFFFFFC00]  }
0x209: {  	v60 =	vperm.xlane v57, v16;
	v27 =	vsel vm1, v55, v27;
	v51 =	vperm.xlane v46, v16  }
0x20a: {  	v56 =	vperm.xlane v28, v17;
	v24 =	vsel vm1, v53, v24;
	v49 =	vsel vm1, v30, v50  }
0x20b: {  	s25 =	smov.u32 s23;
	v29 =	vsel vm1, v29, v37;
	v39 =	vsel vm1, v62, v28;
	v28 =	vperm.xlane v30, v17  }
0x20c: {  	s22 =	sshra.s32 s25, $0x2;
	v48 =	vperm.xlane v24, v18;
	v47 =	vsel vm0, v43, v60;
	v43 =	vperm.xlane v43, v16  }
0x20d: {  	v63 =	vld.idx.msk [tilespmem:v22+s22+$0x0 ss:$0x1], $0xffff;
	v37 =	vsel vm1, v26, v58;
	v60 =	vperm.xlane v49, v18;
	v40 =	vsel vm11, v61, v59  }
0x20e: {  	v26 =	vld.idx.msk [tilespmem:v23+s22+$0xFFFFFC00 ss:$0x1], $0xffff;
	v36 =	vsel vm1, v36, v56;
	v34 =	vsel vm0, v43, v57;
	v57 =	vperm.xlane v40, v16  }
0x20f: {  	v32 =	vsel vm1, v32, v44;
	v54 =	vperm.xlane v47, v17;
	v56 =	vperm.xlane v36, v18  }
0x210: {  	v40 =	vsel vm0, v40, v51;
	v30 =	vsel vm0, v57, v46;
	v46 =	vsel vm2, v32, v60  }
0x211: {  	v42 =	vperm.xlane v29, v18;
	v35 =	vsel vm1, v40, v54;
	v50 =	vperm.xlane v46, v19  }
0x212: {  	v58 =	vperm.xlane v37, v18;
	v28 =	vsel vm1, v28, v33;
	v45 =	vsel vm2, v35, v56  }
0x213: {  	v55 =	vperm.xlane v34, v17;
	v43 =	vsel vm8, v63, v26;
	v51 =	vsel vm3, v45, v50  }
0x214: {  	v44 =	vsel vm2, v31, v58;
	v31 =	vperm.xlane v31, v18;
	v53 =	vadd.f32 v43, v51  }
0x215: {  	v42 =	vsel vm2, v42, v28;
	v59 =	vperm.xlane v25, v17;
	v61 =	vperm.xlane v38, v17  }
0x216: {  	v37 =	vsel vm2, v31, v37;
	v56 =	vperm.xlane v28, v18;
	[tilespmem:v21+s22+$0xFFFFFC00 ss:$0x1] =	vst.idx.msk $0xffff, v53  }
0x217: {  	v38 =	vsel vm1, v59, v38;
	v25 =	vsel vm1, v25, v61;
	v41 =	vsel vm1, v30, v55;
	v31 =	vld.idx.msk [tilespmem:v23+s22+$0xFFFFFC80 ss:$0x1], $0xffff  }
0x218: {  	v30 =	vperm.xlane v30, v17;
	v57 =	vperm.xlane v41, v18;
	v28 =	vsel vm2, v29, v56;
	v29 =	vld.idx.msk [tilespmem:v22+s22+$0x80 ss:$0x1], $0xffff  }
0x219: {  	v54 =	vsel vm2, v27, v48;
	v27 =	vperm.xlane v27, v18;
	v63 =	vperm.xlane v38, v18  }
0x21a: {  	v30 =	vsel vm1, v30, v34;
	v59 =	vsel vm2, v57, v25;
	v25 =	vperm.xlane v25, v18  }
0x21b: {  	v34 =	vsel vm2, v30, v63;
	v63 =	vsel vm2, v27, v24;
	v24 =	vperm.xlane v44, v19  }
0x21c: {  	v25 =	vsel vm2, v41, v25  }
0x21d: {  	v24 =	vsel vm3, v25, v24;
	v29 =	vsel vm8, v29, v31  }
0x21e: {  	v24 =	vadd.f32 v29, v24  }
0x21f: {  	v32 =	vperm.xlane v32, v18  }
0x220: {  	v26 =	vperm.xlane v40, v17;
	[tilespmem:v21+s22+$0xFFFFFC80 ss:$0x1] =	vst.idx.msk $0xffff, v24  }
0x221: {  	v62 =	vperm.xlane v39, v18;
	v35 =	vperm.xlane v35, v18;
	v52 =	vsel vm2, v32, v49;
	v49 =	vld.idx.msk [tilespmem:v23+s22+$0xFFFFFD00 ss:$0x1], $0xffff  }
0x222: {  	v47 =	vsel vm1, v26, v47;
	v30 =	vperm.xlane v30, v18;
	v27 =	vperm.xlane v34, v19;
	v50 =	vld.idx.msk [tilespmem:v22+s22+$0x100 ss:$0x1], $0xffff  }
0x223: {  	v26 =	vsel vm2, v47, v62;
	v35 =	vsel vm2, v35, v36;
	v25 =	vperm.xlane v25, v19  }
0x224: {  	v51 =	vperm.xlane v28, v19;
	v38 =	vsel vm2, v30, v38;
	v30 =	vsel vm3, v27, v54  }
0x225: {  	v27 =	vperm.xlane v35, v19;
	v31 =	vsel vm3, v25, v44;
	v25 =	vperm.xlane v59, v19  }
0x226: {  	v58 =	vperm.xlane v37, v19;
	v41 =	vsel vm3, v26, v51  }
0x227: {  	v29 =	vsel vm3, v27, v52;
	v27 =	vsel vm3, v25, v37;
	v37 =	vsel vm8, v50, v49  }
0x228: {  	v37 =	vadd.f32 v37, v41;
	_ =	sdelay $0x1  }
0x229: {  	[tilespmem:v21+s22+$0xFFFFFD00 ss:$0x1] =	vst.idx.msk $0xffff, v37  }
0x22a: {  	v37 =	vld.idx.msk [tilespmem:v22+s22+$0x180 ss:$0x1], $0xffff  }
0x22b: {  	v55 =	vperm.xlane v52, v19;
	v52 =	vld.idx.msk [tilespmem:v23+s22+$0xFFFFFD80 ss:$0x1], $0xffff;
	_ =	sdelay $0x2  }
0x22c: {  	v33 =	vperm.xlane v54, v19;
	_ =	sdelay $0x1  }
0x22d: {  	v33 =	vsel vm3, v34, v33;
	v53 =	vsel vm8, v37, v52  }
0x22e: {  	v33 =	vadd.f32 v53, v33;
	_ =	sdelay $0x1  }
0x22f: {  	[tilespmem:v21+s22+$0xFFFFFD80 ss:$0x1] =	vst.idx.msk $0xffff, v33  }
0x230: {  	v33 =	vld.idx.msk [tilespmem:v22+s22+$0x200 ss:$0x1], $0xffff  }
0x231: {  	v54 =	vld.idx.msk [tilespmem:v23+s22+$0xFFFFFE00 ss:$0x1], $0xffff;
	_ =	sdelay $0x4  }
0x232: {  	v35 =	vsel vm3, v35, v55;
	v33 =	vsel vm8, v33, v54  }
0x233: {  	v33 =	vadd.f32 v33, v35;
	_ =	sdelay $0x1  }
0x234: {  	[tilespmem:v21+s22+$0xFFFFFE00 ss:$0x1] =	vst.idx.msk $0xffff, v33  }
0x235: {  	v33 =	vld.idx.msk [tilespmem:v22+s22+$0x280 ss:$0x1], $0xffff  }
0x236: {  	v55 =	vld.idx.msk [tilespmem:v23+s22+$0xFFFFFE80 ss:$0x1], $0xffff;
	_ =	sdelay $0x4  }
0x237: {  	v56 =	vsel vm3, v59, v58;
	v33 =	vsel vm8, v33, v55  }
0x238: {  	v33 =	vadd.f32 v33, v56;
	_ =	sdelay $0x1  }
0x239: {  	[tilespmem:v21+s22+$0xFFFFFE80 ss:$0x1] =	vst.idx.msk $0xffff, v33  }
0x23a: {  	v33 =	vld.idx.msk [tilespmem:v22+s22+$0x300 ss:$0x1], $0xffff  }
0x23b: {  	v57 =	vld.idx.msk [tilespmem:v23+s22+$0xFFFFFF00 ss:$0x1], $0xffff;
	_ =	sdelay $0x1  }
0x23c: {  	v60 =	vperm.xlane v47, v18  }
0x23d: {  	v61 =	vperm.xlane v42, v19  }
0x23e: {  	v39 =	vsel vm2, v60, v39  }
0x23f: {  	v58 =	vsel vm3, v39, v61;
	v33 =	vsel vm8, v33, v57  }
0x240: {  	v33 =	vadd.f32 v33, v58;
	_ =	sdelay $0x1  }
0x241: {  	[tilespmem:v21+s22+$0xFFFFFF00 ss:$0x1] =	vst.idx.msk $0xffff, v33  }
0x242: {  	v33 =	vld.idx.msk [tilespmem:v22+s22+$0x380 ss:$0x1], $0xffff  }
0x243: {  	v59 =	vld.idx.msk [tilespmem:v23+s22+$0xFFFFFF80 ss:$0x1], $0xffff;
	_ =	sdelay $0x2  }
0x244: {  	v60 =	vperm.xlane v63, v19;
	_ =	sdelay $0x1  }
0x245: {  	v35 =	vsel vm3, v38, v60;
	v33 =	vsel vm8, v33, v59  }
0x246: {  	v33 =	vadd.f32 v33, v35;
	_ =	sdelay $0x1  }
0x247: {  	[tilespmem:v21+s22+$0xFFFFFF80 ss:$0x1] =	vst.idx.msk $0xffff, v33  }
0x248: {  	v33 =	vld.idx.msk [tilespmem:v22+s22+$0x400 ss:$0x1], $0xffff  }
0x249: {  	v61 =	vld.idx.msk [tilespmem:v23+s22+$0x0 ss:$0x1], $0xffff;
	_ =	sdelay $0x2  }
0x24a: {  	v62 =	vperm.xlane v45, v19;
	_ =	sdelay $0x1  }
0x24b: {  	v32 =	vsel vm3, v62, v46;
	v33 =	vsel vm8, v33, v61  }
0x24c: {  	v32 =	vadd.f32 v33, v32;
	_ =	sdelay $0x1  }
0x24d: {  	[tilespmem:v21+s22+$0x0 ss:$0x1] =	vst.idx.msk $0xffff, v32  }
0x24e: {  	v32 =	vld.idx.msk [tilespmem:v22+s22+$0x480 ss:$0x1], $0xffff  }
0x24f: {  	v62 =	vld.idx.msk [tilespmem:v23+s22+$0x80 ss:$0x1], $0xffff;
	_ =	sdelay $0x4  }
0x250: {  	v32 =	vsel vm8, v32, v62  }
0x251: {  	v31 =	vadd.f32 v32, v31;
	_ =	sdelay $0x1  }
0x252: {  	v46 =	vperm.xlane v38, v19;
	[tilespmem:v21+s22+$0x80 ss:$0x1] =	vst.idx.msk $0xffff, v31  }
0x253: {  	v31 =	vld.idx.msk [tilespmem:v22+s22+$0x500 ss:$0x1], $0xffff  }
0x254: {  	v24 =	vsel vm3, v46, v63;
	v63 =	vld.idx.msk [tilespmem:v23+s22+$0x100 ss:$0x1], $0xffff;
	_ =	sdelay $0x2  }
0x255: {  	v26 =	vperm.xlane v26, v19;
	_ =	sdelay $0x1  }
0x256: {  	v26 =	vsel vm3, v26, v28;
	v28 =	vsel vm8, v31, v63  }
0x257: {  	v26 =	vadd.f32 v28, v26;
	_ =	sdelay $0x1  }
0x258: {  	[tilespmem:v21+s22+$0x100 ss:$0x1] =	vst.idx.msk $0xffff, v26  }
0x259: {  	v26 =	vld.idx.msk [tilespmem:v22+s22+$0x580 ss:$0x1], $0xffff  }
0x25a: {  	v28 =	vld.idx.msk [tilespmem:v23+s22+$0x180 ss:$0x1], $0xffff;
	_ =	sdelay $0x4  }
0x25b: {  	v26 =	vsel vm8, v26, v28  }
0x25c: {  	v26 =	vadd.f32 v26, v30;
	_ =	sdelay $0x1  }
0x25d: {  	[tilespmem:v21+s22+$0x180 ss:$0x1] =	vst.idx.msk $0xffff, v26  }
0x25e: {  	v26 =	vld.idx.msk [tilespmem:v22+s22+$0x600 ss:$0x1], $0xffff  }
0x25f: {  	v28 =	vld.idx.msk [tilespmem:v23+s22+$0x200 ss:$0x1], $0xffff;
	_ =	sdelay $0x4  }
0x260: {  	p0 =	sne.s32 s23, $0x6000;
	v26 =	vsel vm8, v26, v28  }
.Ltmp9:
0x261: {  	v26 =	vadd.f32 v26, v29;
	(pc) =	sbr.rel @p0 .LBB2_13-.Ltmp9, $4  }
0x262: {  	_ = 	snop  }
0x263: {  	v44 =	vperm.xlane v39, v19;
	[tilespmem:v21+s22+$0x200 ss:$0x1] =	vst.idx.msk $0xffff, v26  }
0x264: {  	v26 =	vld.idx.msk [tilespmem:v22+s22+$0x680 ss:$0x1], $0xffff  }
0x265: {  	s23 =	sadd.s32 $0x2000, s23;
	v25 =	vsel vm3, v44, v42;
	v28 =	vld.idx.msk [tilespmem:v23+s22+$0x280 ss:$0x1], $0xffff  }
0x266: {  	_ =	sdelay $0x3  }
0x267: {  	v26 =	vsel vm8, v26, v28  }
0x268: {  	v26 =	vadd.f32 v26, v27;
	_ =	sdelay $0x1  }
0x269: {  	[tilespmem:v21+s22+$0x280 ss:$0x1] =	vst.idx.msk $0xffff, v26  }
0x26a: {  	v26 =	vld.idx.msk [tilespmem:v22+s22+$0x700 ss:$0x1], $0xffff  }
0x26b: {  	v63 =	vld.idx.msk [tilespmem:v23+s22+$0x300 ss:$0x1], $0xffff;
	_ =	sdelay $0x4  }
0x26c: {  	v26 =	vsel vm8, v26, v63  }
0x26d: {  	v25 =	vadd.f32 v26, v25;
	_ =	sdelay $0x1  }
0x26e: {  	[tilespmem:v21+s22+$0x300 ss:$0x1] =	vst.idx.msk $0xffff, v25  }
0x26f: {  	v22 =	vld.idx.msk [tilespmem:v22+s22+$0x780 ss:$0x1], $0xffff  }
0x270: {  	v23 =	vld.idx.msk [tilespmem:v23+s22+$0x380 ss:$0x1], $0xffff;
	_ =	sdelay $0x1  }
0x271: {  	s0 =	sadd.s32 $0x1, s0  }
0x272: {  	p0 =	sne.s32 s0, $0x8  }
.Ltmp10:
0x273: {  	_ = 	snop;
	(pc) =	sbr.rel @p0 .LBB2_12-.Ltmp10, $4  }
0x274: {  	v22 =	vsel vm8, v22, v23  }
0x275: {  	v22 =	vadd.f32 v22, v24  }
0x276: {  	s24 =	sadd.s32 $0x800, s24  }
0x277: {  	s17 =	sadd.s32 $0x10, s17;
	s18 =	sadd.s32 $0x10, s18;
	s19 =	sadd.s32 $0x10, s19;
	[tilespmem:v21+s22+$0x380 ss:$0x1] =	vst.idx.msk $0xffff, v22  }
0x278: {  	s0 =	sshll.u32 s5, $0x12  }
0x279: {  	s0 =	sor.u32 s6, s0  }
0x27a: {  	s0 =	sshrl.u32 s0, $0x3  }
0x27b: {  	p0 =	sgt.u32 s5, $0xC5;
	s0 =	sadd.s32 s0, s12  }
0x27c: {  	[hbm4b:s0+s14] =	stream.strided.scatter [tilespmem:s20], [sflag:$0x3], $0x2000, s15, s14, $0x38;
	[tilespmem:$0x1CA80] =	vst v63  }
0x27d: {  	s0 =	sshll.u32 @!p0 s5, $0x7  }
0x27e: {  	s0 =	sand.u32 @!p0 $0x3FFFFF80, s0  }
0x27f: {  	v20 =	vld @!p0 [tilespmem:s0+$0x100];
	_ =	sdelay $0x4  }
0x280: {  	v20 =	vshrl.u32 @!p0 v20, $0x1  }
0x281: {  	[tilespmem:$0xC980] =	vst @!p0 v20  }
0x282: {  	v20 =	vld @!p0 [tilespmem:s0+$0x110];
	_ =	sdelay $0x4  }
0x283: {  	v20 =	vshrl.u32 @!p0 v20, $0x1  }
0x284: {  	[tilespmem:$0xC990] =	vst @!p0 v20  }
0x285: {  	v20 =	vld @!p0 [tilespmem:s0+$0x120];
	_ =	sdelay $0x4  }
0x286: {  	v20 =	vshrl.u32 @!p0 v20, $0x1  }
0x287: {  	[tilespmem:$0xC9A0] =	vst @!p0 v20  }
0x288: {  	v20 =	vld @!p0 [tilespmem:s0+$0x130];
	_ =	sdelay $0x4  }
0x289: {  	v20 =	vshrl.u32 @!p0 v20, $0x1  }
0x28a: {  	[tilespmem:$0xC9B0] =	vst @!p0 v20  }
0x28b: {  	v20 =	vld @!p0 [tilespmem:s0+$0x140];
	_ =	sdelay $0x4  }
0x28c: {  	v20 =	vshrl.u32 @!p0 v20, $0x1  }
0x28d: {  	[tilespmem:$0xC9C0] =	vst @!p0 v20  }
0x28e: {  	v20 =	vld @!p0 [tilespmem:s0+$0x150];
	_ =	sdelay $0x4  }
0x28f: {  	v20 =	vshrl.u32 @!p0 v20, $0x1  }
0x290: {  	[tilespmem:$0xC9D0] =	vst @!p0 v20  }
0x291: {  	v20 =	vld @!p0 [tilespmem:s0+$0x160];
	_ =	sdelay $0x4  }
0x292: {  	v20 =	vshrl.u32 @!p0 v20, $0x1  }
0x293: {  	[tilespmem:$0xC9E0] =	vst @!p0 v20  }
0x294: {  	v20 =	vld @!p0 [tilespmem:s0+$0x170];
	_ =	sdelay $0x2  }
.Ltmp11:
0x295: {  	_ = 	snop;
	(pc) =	sbr.rel .LBB2_21-.Ltmp11, $4  }
0x296: {  	_ = 	snop  }
0x297: {  	v20 =	vshrl.u32 @!p0 v20, $0x1  }
0x298: {  	s1 =	simm.s32 @!p0 $0xC980;
	s17 =	simm.s32 @!p0 $0xCA80;
	s0 =	simm.s32 @!p0 $0x80;
	[tilespmem:$0xC9F0] =	vst @!p0 v20  }
0x299: {  	[tilespmem:s17], [sflag:$0x1] =	stream.indirect.gather @!p0 [hbm4b:s7+s0], $0x80, s1, s0, $0xb8;
	[tilespmem:$0x1CA80] =	vst v63  }
.LBB2_16:
0x29a: {  	_ =	swait.ge [sflag:s30], $0x4000  }
0x29b: {  	[sflag:s30] =	ssyncset.done $0x0  }
0x29c: {  	s0 =	simm.s32 @!p0 $0x4;
	[sflag:s30] =	ssyncadd.s32 $0xFFFFC000  }
0x29d: {  	s22 =	sshll.u32 s5, $0x7;
	s1 =	simm.s32 $0x10E80;
	_ =	swait.ge @!p0 [sflag:s0], $0x2000  }
0x29e: {  	s17 =	simm.s32 $0x1AE80;
	s18 =	simm.s32 $0x18A80;
	[sflag:s0] =	ssyncset.done @!p0 $0x0  }
0x29f: {  	s19 =	simm.s32 $0x16E80;
	v20 =	vmov s22;
	[sflag:s0] =	ssyncadd.s32 @!p0 $0xFFFFE000;
	s0 =	simm.s32 $0x0  }
.LBB2_17:
0x2a0: {  	_ =	sdelay $0x2  }
0x2a1: {  	s22 =	sshll.u32 s0, $0x4  }
0x2a2: {  	v21 =	vld.idx.msk [tilespmem:v20+s22+$0x0 ss:$0x1], $0xffff  }
0x2a3: {  	v24 =	vld [tilespmem:s1+$0xFFFFFF80]  }
0x2a4: {  	v25 =	vld [tilespmem:s1+$0xFFFFFF00]  }
0x2a5: {  	v26 =	vld [tilespmem:s1+$0x380]  }
0x2a6: {  	v27 =	vld [tilespmem:s1+$0x100]  }
0x2a7: {  	v28 =	vld [tilespmem:s1+$0x340];
	v21 =	vand.u32 $0x1, v21  }
0x2a8: {  	v29 =	vld [tilespmem:s1+$0x140];
	v32 =	vperm.xlane v21, v1;
	v34 =	vperm.xlane v21, v0  }
0x2a9: {  	v30 =	vld [tilespmem:s1+$0x3C0];
	v35 =	vperm.xlane v21, v2;
	v37 =	vperm.xlane v21, v3  }
0x2aa: {  	v31 =	vld [tilespmem:s1+$0x300];
	v61 =	vimm.s32 $0x0;
	v38 =	vperm.xlane v21, v4;
	v40 =	vperm.xlane v21, v5  }
0x2ab: {  	v33 =	vld [tilespmem:s1+$0x180];
	v62 =	vimm.s32 $0x0;
	v22 =	vperm.xlane v21, v6;
	v23 =	vperm.xlane v21, v7  }
0x2ac: {  	v36 =	vld [tilespmem:s1+$0x80];
	v63 =	vimm.s32 $0x0;
	v42 =	vperm.xlane v21, v8;
	v44 =	vperm.xlane v21, v9  }
0x2ad: {  	v39 =	vld [tilespmem:s1+$0xC0];
	v60 =	vimm.s32 $0x0;
	v45 =	vperm.xlane v21, v11;
	v47 =	vperm.xlane v21, v14  }
0x2ae: {  	v41 =	vld [tilespmem:s1+$0x0];
	v53 =	vimm.s32 $0x0;
	v48 =	vperm.xlane v21, v15;
	v51 =	vperm.xlane v21, v13  }
0x2af: {  	v43 =	vld [tilespmem:s1+$0x40];
	v54 =	vimm.s32 $0x0;
	v50 =	vperm.xlane v21, v12;
	v21 =	vperm.xlane v21, v10  }
0x2b0: {  	v46 =	vld [tilespmem:s1+$0x1C0];
	vm7 =	veq.s32 v48, $0x0;
	vm8 =	veq.s32 v47, $0x0;
	vm14 =	veq.s32 v51, $0x0  }
0x2b1: {  	v49 =	vld [tilespmem:s1+$0xFFFFFF40];
	vm13 =	veq.s32 v50, $0x0;
	vm11 =	veq.s32 v45, $0x0;
	vm12 =	veq.s32 v21, $0x0  }
0x2b2: {  	v52 =	vld [tilespmem:s1+$0xFFFFFFC0];
	vm4 =	veq.s32 v44, $0x0;
	vm6 =	veq.s32 v42, $0x0;
	vm5 =	veq.s32 v23, $0x0  }
0x2b3: {  	v58 =	vld [tilespmem:s1+$0x200];
	vm15 =	veq.s32 v22, $0x0;
	v22 =	vmov s18;
	v23 =	vmov s17  }
0x2b4: {  	v59 =	vld [tilespmem:s1+$0x240];
	v21 =	vmov s19;
	vm10 =	veq.s32 v34, $0x0;
	vm9 =	veq.s32 v38, $0x0  }
0x2b5: {  	v57 =	vld [tilespmem:s1+$0x2C0];
	v48 =	vsel vm4, $0xFFFFFFFF, v61;
	v36 =	vsel vm4, v36, v39;
	vm4 =	veq.s32 v32, $0x0  }
0x2b6: {  	v56 =	vld [tilespmem:s1+$0xFFFFFD80];
	v34 =	vsel vm6, $0xFFFFFFFF, v60;
	v61 =	vsel vm6, v41, v43;
	v28 =	vsel vm8, v31, v28  }
0x2b7: {  	v47 =	vld [tilespmem:s1+$0x280];
	v41 =	vsel vm7, $0xFFFFFFFF, v53;
	v26 =	vsel vm7, v26, v30;
	v27 =	vsel vm12, v27, v29  }
0x2b8: {  	v50 =	vld [tilespmem:s1+$0xFFFFFE80];
	v29 =	vimm.s32 $0x0;
	vm6 =	vmmov vm15;
	v25 =	vsel vm15, v25, v49  }
0x2b9: {  	v38 =	vld [tilespmem:s1+$0xFFFFFE40];
	vm15 =	vmmov vm5;
	v24 =	vsel vm5, v24, v52;
	v42 =	vsel vm13, v58, v59  }
0x2ba: {  	v39 =	vld [tilespmem:s1+$0xFFFFFEC0];
	vm7 =	veq.s32 v40, $0x0;
	[tilespmem:$0x1FED0] =	vst v48;
	v32 =	vsel vm4, $0xFFFFFFFF, v62;
	vm4 =	veq.s32 v35, $0x0  }
0x2bb: {  	v30 =	vld [tilespmem:s1+$0xFFFFFDC0];
	v48 =	vperm.xlane v36, v16;
	[tilespmem:$0x1FEE0] =	vst v34;
	v62 =	vimm.s32 $0x0;
	v34 =	vperm.xlane v61, v16  }
0x2bc: {  	v40 =	vld [tilespmem:s1+$0xFFFFFC80];
	v51 =	vperm.xlane v28, v16;
	[tilespmem:$0x1FF00] =	vst v41;
	v41 =	vsel vm12, $0xFFFFFFFF, v54;
	v29 =	vsel vm11, $0xFFFFFFFF, v29  }
0x2bd: {  	v55 =	vperm.xlane v26, v16;
	v43 =	vperm.xlane v27, v16;
	[tilespmem:$0x1FF40] =	vst v32;
	v32 =	vsel vm4, $0xFFFFFFFF, v63;
	v63 =	vld [tilespmem:s1+$0xFFFFFE00]  }
0x2be: {  	vm4 =	veq.s32 v37, $0x0;
	v37 =	vsel vm8, $0xFFFFFFFF, v62;
	[tilespmem:$0x1FF20] =	vst v29;
	v29 =	vsel vm11, v33, v46;
	v33 =	vld [tilespmem:s1+$0xFFFFFCC0]  }
0x2bf: {  	vm12 =	vmmov vm13;
	v60 =	vperm.xlane v24, v16;
	[tilespmem:$0x1FEF0] =	vst v37;
	v37 =	vld [tilespmem:s1+$0xFFFFFD40];
	v59 =	vperm.xlane v29, v16  }
0x2c0: {  	[tilespmem:$0x1FF30] =	vst v32;
	v31 =	vsel vm0, v61, v48;
	v26 =	vsel vm0, v51, v26;
	v28 =	vsel vm0, v28, v55;
	v55 =	vld [tilespmem:$0x1FF40]  }
0x2c1: {  	vm13 =	vmmov vm4;
	v45 =	vsel vm14, v47, v57;
	v27 =	vsel vm0, v27, v59;
	v59 =	vld [tilespmem:$0x1FF30]  }
0x2c2: {  	[tilespmem:$0x1FF10] =	vst v41;
	v41 =	vsel vm0, v25, v60;
	v57 =	vperm.xlane v45, v16;
	v35 =	vsel vm7, v50, v39;
	v39 =	vld [tilespmem:s1+$0xFFFFFD00]  }
0x2c3: {  	v62 =	vld [tilespmem:s1+$0xFFFFFC00];
	v58 =	vperm.xlane v28, v17;
	v54 =	vperm.xlane v41, v17;
	v30 =	vsel vm4, v56, v30  }
0x2c4: {  	v50 =	vld [tilespmem:s1+$0xFFFFFC40];
	v61 =	vperm.xlane v35, v16;
	v44 =	vsel vm0, v42, v57;
	v32 =	vsel vm9, v63, v38  }
0x2c5: {  	v63 =	vperm.xlane v27, v17;
	v33 =	vsel vm10, v40, v33;
	v46 =	vsel vm1, v44, v58  }
0x2c6: {  	v47 =	vld.idx.msk [tilespmem:v20+s22+$0x6400 ss:$0x1], $0xffff;
	s22 =	simm.s32 $0x0;
	v49 =	vsel vm0, v32, v61;
	v58 =	vperm.xlane v30, v16;
	vm4 =	vnez.u8 v59  }
0x2c7: {  	v53 =	vld.idx.msk [tilespmem:v23+s22+$0xFFFFFC00 ss:$0x1], $0xffff;
	v61 =	vperm.xlane v33, v16;
	vm5 =	vnez.u8 v55;
	v37 =	vsel vm4, v39, v37  }
0x2c8: {  	v60 =	vld.idx.msk [tilespmem:v22+s22+$0x0 ss:$0x1], $0xffff;
	v57 =	vperm.xlane v46, v18;
	v40 =	vsel vm1, v31, v63;
	v52 =	vsel vm0, v37, v58  }
0x2c9: {  	v54 =	vsel vm1, v49, v54;
	v38 =	vsel vm5, v62, v50;
	v62 =	vperm.xlane v52, v17  }
0x2ca: {  	v63 =	vperm.xlane v54, v18;
	v48 =	vsel vm2, v40, v57;
	v51 =	vsel vm0, v38, v61  }
0x2cb: {  	v25 =	vperm.xlane v25, v16;
	v56 =	vperm.xlane v48, v19;
	v50 =	vsel vm1, v51, v62  }
0x2cc: {  	v29 =	vsel vm0, v43, v29;
	vm8 =	veq.s32 v47, $0x0;
	v47 =	vsel vm2, v50, v63  }
0x2cd: {  	v34 =	vsel vm0, v34, v36;
	v39 =	vsel vm8, v60, v53;
	v55 =	vsel vm3, v47, v56  }
0x2ce: {  	v43 =	vperm.xlane v29, v17;
	v42 =	vperm.xlane v42, v16;
	v39 =	vadd.f32 v39, v55  }
0x2cf: {  	v24 =	vsel vm0, v25, v24;
	v32 =	vperm.xlane v32, v16;
	v58 =	vperm.xlane v26, v17  }
0x2d0: {  	v42 =	vsel vm0, v42, v45;
	v37 =	vperm.xlane v37, v16;
	[tilespmem:v21+s22+$0xFFFFFC00 ss:$0x1] =	vst.idx.msk $0xffff, v39  }
0x2d1: {  	v59 =	vperm.xlane v24, v17;
	v32 =	vsel vm0, v32, v35;
	v25 =	vsel vm1, v42, v58;
	v61 =	vld.idx.msk [tilespmem:v22+s22+$0x80 ss:$0x1], $0xffff  }
0x2d2: {  	v30 =	vsel vm0, v37, v30;
	v60 =	vperm.xlane v25, v18;
	v62 =	vperm.xlane v38, v16;
	v63 =	vld.idx.msk [tilespmem:v23+s22+$0xFFFFFC80 ss:$0x1], $0xffff  }
0x2d3: {  	v36 =	vsel vm1, v32, v59;
	v38 =	vsel vm1, v34, v43;
	v55 =	vperm.xlane v30, v17  }
0x2d4: {  	v33 =	vsel vm0, v62, v33;
	v56 =	vperm.xlane v36, v18;
	v39 =	vsel vm2, v38, v60  }
0x2d5: {  	v43 =	vsel vm1, v33, v55;
	v57 =	vperm.xlane v39, v19  }
0x2d6: {  	v35 =	vsel vm2, v43, v56  }
0x2d7: {  	v53 =	vsel vm3, v35, v57;
	v37 =	vsel vm8, v61, v63  }
0x2d8: {  	v37 =	vadd.f32 v37, v53  }
0x2d9: {  	v44 =	vperm.xlane v44, v17  }
0x2da: {  	[tilespmem:v21+s22+$0xFFFFFC80 ss:$0x1] =	vst.idx.msk $0xffff, v37  }
0x2db: {  	v31 =	vperm.xlane v31, v17;
	v28 =	vsel vm1, v44, v28;
	v58 =	vperm.xlane v49, v17;
	v59 =	vld.idx.msk [tilespmem:v22+s22+$0x100 ss:$0x1], $0xffff  }
0x2dc: {  	v60 =	vperm.xlane v28, v18;
	v61 =	vld.idx.msk [tilespmem:v23+s22+$0xFFFFFD00 ss:$0x1], $0xffff  }
0x2dd: {  	v27 =	vsel vm1, v31, v27;
	v51 =	vperm.xlane v51, v17;
	v31 =	vsel vm1, v58, v41  }
0x2de: {  	v41 =	vperm.xlane v31, v18;
	v37 =	vsel vm2, v27, v60  }
0x2df: {  	v62 =	vsel vm1, v51, v52;
	v63 =	vperm.xlane v37, v19  }
0x2e0: {  	v41 =	vsel vm2, v62, v41  }
0x2e1: {  	v51 =	vsel vm3, v41, v63;
	v44 =	vsel vm8, v59, v61  }
0x2e2: {  	v44 =	vadd.f32 v44, v51  }
0x2e3: {  	v42 =	vperm.xlane v42, v17  }
0x2e4: {  	[tilespmem:v21+s22+$0xFFFFFD00 ss:$0x1] =	vst.idx.msk $0xffff, v44  }
0x2e5: {  	v32 =	vperm.xlane v32, v17;
	v34 =	vperm.xlane v34, v17;
	v26 =	vsel vm1, v42, v26;
	v52 =	vld.idx.msk [tilespmem:v22+s22+$0x180 ss:$0x1], $0xffff  }
0x2e6: {  	v53 =	vperm.xlane v26, v18;
	v55 =	vld.idx.msk [tilespmem:v23+s22+$0xFFFFFD80 ss:$0x1], $0xffff  }
0x2e7: {  	v32 =	vsel vm1, v32, v24;
	v29 =	vsel vm1, v34, v29;
	v24 =	vperm.xlane v33, v17  }
0x2e8: {  	v56 =	vperm.xlane v32, v18;
	v34 =	vsel vm2, v29, v53  }
0x2e9: {  	v30 =	vsel vm1, v24, v30;
	v24 =	vperm.xlane v34, v19  }
0x2ea: {  	v33 =	vsel vm2, v30, v56  }
0x2eb: {  	v24 =	vsel vm3, v33, v24;
	v42 =	vsel vm8, v52, v55  }
0x2ec: {  	v24 =	vadd.f32 v42, v24;
	_ =	sdelay $0x1  }
0x2ed: {  	[tilespmem:v21+s22+$0xFFFFFD80 ss:$0x1] =	vst.idx.msk $0xffff, v24  }
0x2ee: {  	v24 =	vld.idx.msk [tilespmem:v22+s22+$0x200 ss:$0x1], $0xffff  }
0x2ef: {  	v40 =	vperm.xlane v40, v18;
	v57 =	vld.idx.msk [tilespmem:v23+s22+$0xFFFFFE00 ss:$0x1], $0xffff;
	_ =	sdelay $0x1  }
0x2f0: {  	v40 =	vsel vm2, v40, v46;
	v58 =	vperm.xlane v50, v18  }
0x2f1: {  	v46 =	vperm.xlane v40, v19  }
0x2f2: {  	v44 =	vsel vm2, v58, v54  }
0x2f3: {  	v46 =	vsel vm3, v44, v46;
	v24 =	vsel vm8, v24, v57  }
0x2f4: {  	v24 =	vadd.f32 v24, v46;
	_ =	sdelay $0x1  }
0x2f5: {  	[tilespmem:v21+s22+$0xFFFFFE00 ss:$0x1] =	vst.idx.msk $0xffff, v24  }
0x2f6: {  	v59 =	vld.idx.msk [tilespmem:v22+s22+$0x280 ss:$0x1], $0xffff  }
0x2f7: {  	v24 =	vperm.xlane v38, v18;
	v60 =	vld.idx.msk [tilespmem:v23+s22+$0xFFFFFE80 ss:$0x1], $0xffff;
	_ =	sdelay $0x1  }
0x2f8: {  	v43 =	vperm.xlane v43, v18;
	v24 =	vsel vm2, v24, v25  }
0x2f9: {  	v25 =	vperm.xlane v24, v19  }
0x2fa: {  	v36 =	vsel vm2, v43, v36  }
0x2fb: {  	v25 =	vsel vm3, v36, v25;
	v38 =	vsel vm8, v59, v60  }
0x2fc: {  	v25 =	vadd.f32 v38, v25;
	_ =	sdelay $0x1  }
0x2fd: {  	[tilespmem:v21+s22+$0xFFFFFE80 ss:$0x1] =	vst.idx.msk $0xffff, v25  }
0x2fe: {  	v25 =	vld.idx.msk [tilespmem:v22+s22+$0x300 ss:$0x1], $0xffff  }
0x2ff: {  	v27 =	vperm.xlane v27, v18;
	v61 =	vld.idx.msk [tilespmem:v23+s22+$0xFFFFFF00 ss:$0x1], $0xffff;
	_ =	sdelay $0x1  }
0x300: {  	v62 =	vperm.xlane v62, v18;
	v27 =	vsel vm2, v27, v28  }
0x301: {  	v28 =	vperm.xlane v27, v19  }
0x302: {  	v31 =	vsel vm2, v62, v31  }
0x303: {  	v28 =	vsel vm3, v31, v28;
	v25 =	vsel vm8, v25, v61  }
0x304: {  	v25 =	vadd.f32 v25, v28;
	_ =	sdelay $0x1  }
0x305: {  	[tilespmem:v21+s22+$0xFFFFFF00 ss:$0x1] =	vst.idx.msk $0xffff, v25  }
0x306: {  	v25 =	vld.idx.msk [tilespmem:v22+s22+$0x380 ss:$0x1], $0xffff  }
0x307: {  	v28 =	vperm.xlane v29, v18;
	v29 =	vld.idx.msk [tilespmem:v23+s22+$0xFFFFFF80 ss:$0x1], $0xffff;
	_ =	sdelay $0x1  }
0x308: {  	v30 =	vperm.xlane v30, v18;
	v63 =	vsel vm2, v28, v26  }
0x309: {  	v26 =	vperm.xlane v63, v19  }
0x30a: {  	v28 =	vsel vm2, v30, v32  }
0x30b: {  	v26 =	vsel vm3, v28, v26;
	v25 =	vsel vm8, v25, v29  }
0x30c: {  	v25 =	vadd.f32 v25, v26;
	_ =	sdelay $0x1  }
0x30d: {  	[tilespmem:v21+s22+$0xFFFFFF80 ss:$0x1] =	vst.idx.msk $0xffff, v25  }
0x30e: {  	v25 =	vld.idx.msk [tilespmem:v22+s22+$0x400 ss:$0x1], $0xffff  }
0x30f: {  	v26 =	vld.idx.msk [tilespmem:v23+s22+$0x0 ss:$0x1], $0xffff;
	_ =	sdelay $0x2  }
0x310: {  	v29 =	vperm.xlane v47, v19;
	_ =	sdelay $0x1  }
0x311: {  	v29 =	vsel vm3, v29, v48;
	v25 =	vsel vm8, v25, v26  }
0x312: {  	v25 =	vadd.f32 v25, v29;
	_ =	sdelay $0x1  }
0x313: {  	[tilespmem:v21+s22+$0x0 ss:$0x1] =	vst.idx.msk $0xffff, v25  }
0x314: {  	v25 =	vld.idx.msk [tilespmem:v22+s22+$0x480 ss:$0x1], $0xffff  }
0x315: {  	v26 =	vld.idx.msk [tilespmem:v23+s22+$0x80 ss:$0x1], $0xffff;
	_ =	sdelay $0x2  }
0x316: {  	v29 =	vperm.xlane v35, v19;
	_ =	sdelay $0x1  }
0x317: {  	v29 =	vsel vm3, v29, v39;
	v25 =	vsel vm8, v25, v26  }
0x318: {  	v25 =	vadd.f32 v25, v29;
	_ =	sdelay $0x1  }
0x319: {  	[tilespmem:v21+s22+$0x80 ss:$0x1] =	vst.idx.msk $0xffff, v25  }
0x31a: {  	v25 =	vld.idx.msk [tilespmem:v22+s22+$0x500 ss:$0x1], $0xffff  }
0x31b: {  	v26 =	vld.idx.msk [tilespmem:v23+s22+$0x100 ss:$0x1], $0xffff;
	_ =	sdelay $0x2  }
0x31c: {  	v29 =	vperm.xlane v41, v19;
	_ =	sdelay $0x1  }
0x31d: {  	v29 =	vsel vm3, v29, v37;
	v25 =	vsel vm8, v25, v26  }
0x31e: {  	v25 =	vadd.f32 v25, v29;
	_ =	sdelay $0x1  }
0x31f: {  	[tilespmem:v21+s22+$0x100 ss:$0x1] =	vst.idx.msk $0xffff, v25  }
0x320: {  	v25 =	vld.idx.msk [tilespmem:v22+s22+$0x580 ss:$0x1], $0xffff  }
0x321: {  	v26 =	vld.idx.msk [tilespmem:v23+s22+$0x180 ss:$0x1], $0xffff;
	_ =	sdelay $0x2  }
0x322: {  	v29 =	vperm.xlane v33, v19;
	_ =	sdelay $0x1  }
0x323: {  	v29 =	vsel vm3, v29, v34;
	v25 =	vsel vm8, v25, v26  }
0x324: {  	v25 =	vadd.f32 v25, v29;
	_ =	sdelay $0x1  }
0x325: {  	[tilespmem:v21+s22+$0x180 ss:$0x1] =	vst.idx.msk $0xffff, v25  }
0x326: {  	v25 =	vld.idx.msk [tilespmem:v22+s22+$0x600 ss:$0x1], $0xffff  }
0x327: {  	v26 =	vld.idx.msk [tilespmem:v23+s22+$0x200 ss:$0x1], $0xffff;
	_ =	sdelay $0x2  }
0x328: {  	v29 =	vperm.xlane v44, v19;
	_ =	sdelay $0x1  }
0x329: {  	v29 =	vsel vm3, v29, v40;
	v25 =	vsel vm8, v25, v26  }
0x32a: {  	v25 =	vadd.f32 v25, v29  }
0x32b: {  	vm11 =	vmmov vm14  }
0x32c: {  	vm14 =	vmmov vm9;
	v26 =	vperm.xlane v31, v19;
	v29 =	vperm.xlane v28, v19;
	[tilespmem:v21+s22+$0x200 ss:$0x1] =	vst.idx.msk $0xffff, v25  }
0x32d: {  	vm9 =	vmmov vm10;
	vm10 =	vmmov vm4;
	vm4 =	vmmov vm5;
	v28 =	vld.idx.msk [tilespmem:v22+s22+$0x680 ss:$0x1], $0xffff  }
0x32e: {  	s23 =	simm.s32 $0x2000;
	s24 =	smov.u32 s1;
	v26 =	vsel vm3, v26, v27;
	v27 =	vperm.xlane v36, v19;
	v25 =	vsel vm3, v29, v63;
	v29 =	vld.idx.msk [tilespmem:v23+s22+$0x280 ss:$0x1], $0xffff  }
.LBB2_18:
0x32f: {  	_ =	sdelay $0x3  }
0x330: {  	v24 =	vsel vm3, v27, v24;
	v27 =	vsel vm8, v28, v29  }
0x331: {  	v24 =	vadd.f32 v27, v24;
	_ =	sdelay $0x1  }
0x332: {  	[tilespmem:v21+s22+$0x280 ss:$0x1] =	vst.idx.msk $0xffff, v24  }
0x333: {  	v24 =	vld.idx.msk [tilespmem:v22+s22+$0x700 ss:$0x1], $0xffff  }
0x334: {  	v27 =	vld.idx.msk [tilespmem:v23+s22+$0x300 ss:$0x1], $0xffff;
	_ =	sdelay $0x4  }
0x335: {  	v24 =	vsel vm8, v24, v27  }
0x336: {  	v24 =	vadd.f32 v24, v26;
	_ =	sdelay $0x1  }
0x337: {  	[tilespmem:v21+s22+$0x300 ss:$0x1] =	vst.idx.msk $0xffff, v24  }
0x338: {  	v24 =	vld.idx.msk [tilespmem:v22+s22+$0x780 ss:$0x1], $0xffff  }
0x339: {  	v26 =	vld.idx.msk [tilespmem:v23+s22+$0x380 ss:$0x1], $0xffff;
	_ =	sdelay $0x3  }
0x33a: {  	v40 =	vld [tilespmem:$0x1FED0]  }
0x33b: {  	v41 =	vld [tilespmem:$0x1FEE0];
	v24 =	vsel vm8, v24, v26  }
0x33c: {  	v42 =	vld [tilespmem:$0x1FEF0];
	v24 =	vadd.f32 v24, v25  }
0x33d: {  	v53 =	vld [tilespmem:$0x1FF10]  }
0x33e: {  	s24 =	sadd.s32 $0x10, s24;
	v57 =	vld [tilespmem:$0x1FF00];
	[tilespmem:v21+s22+$0x380 ss:$0x1] =	vst.idx.msk $0xffff, v24  }
0x33f: {  	v24 =	vld [tilespmem:s24+$0xFFFFFF80]  }
0x340: {  	v25 =	vld [tilespmem:s24+$0xFFFFFF00]  }
0x341: {  	v26 =	vld [tilespmem:s24+$0x380]  }
0x342: {  	v27 =	vld [tilespmem:s24+$0x100]  }
0x343: {  	v28 =	vld [tilespmem:s24+$0x340]  }
0x344: {  	v29 =	vld [tilespmem:s24+$0x140]  }
0x345: {  	v31 =	vld [tilespmem:s24+$0x300]  }
0x346: {  	v32 =	vld [tilespmem:s24+$0x180]  }
0x347: {  	v33 =	vld [tilespmem:s24+$0x80]  }
0x348: {  	v34 =	vld [tilespmem:s24+$0xC0]  }
0x349: {  	v35 =	vld [tilespmem:s24+$0x0]  }
0x34a: {  	v36 =	vld [tilespmem:s24+$0x40]  }
0x34b: {  	v37 =	vld [tilespmem:s24+$0x1C0]  }
0x34c: {  	v38 =	vld [tilespmem:s24+$0xFFFFFF40]  }
0x34d: {  	v39 =	vld [tilespmem:s24+$0xFFFFFFC0]  }
0x34e: {  	v49 =	vld [tilespmem:s24+$0x280]  }
0x34f: {  	v51 =	vld [tilespmem:s24+$0x2C0]  }
0x350: {  	v56 =	vld [tilespmem:s24+$0xFFFFFEC0]  }
0x351: {  	v58 =	vld [tilespmem:s24+$0xFFFFFE80]  }
0x352: {  	v52 =	vld [tilespmem:s24+$0x200]  }
0x353: {  	v63 =	vld [tilespmem:s24+$0xFFFFFDC0]  }
0x354: {  	vm5 =	vnez.u8 v40;
	v44 =	vld [tilespmem:s24+$0xFFFFFD80]  }
0x355: {  	v54 =	vld [tilespmem:s24+$0x240];
	v33 =	vsel vm5, v33, v34;
	vm5 =	vnez.u8 v41;
	v25 =	vsel vm6, v25, v38  }
0x356: {  	v38 =	vsel vm7, v58, v56;
	v58 =	vld [tilespmem:s24+$0xFFFFFC40];
	v35 =	vsel vm5, v35, v36;
	vm5 =	vnez.u8 v42  }
0x357: {  	v34 =	vsel vm11, v49, v51;
	v51 =	vld [tilespmem:s24+$0xFFFFFC00];
	v28 =	vsel vm5, v31, v28;
	vm5 =	vnez.u8 v53  }
0x358: {  	v24 =	vsel vm15, v24, v39;
	v50 =	vperm.xlane v33, v16;
	v27 =	vsel vm5, v27, v29;
	v29 =	vld [tilespmem:$0x1FF20]  }
0x359: {  	v60 =	vld [tilespmem:s24+$0xFFFFFE40];
	v45 =	vperm.xlane v24, v16;
	v46 =	vperm.xlane v25, v16;
	v42 =	vsel vm13, v44, v63  }
0x35a: {  	v62 =	vld [tilespmem:s24+$0xFFFFFE00];
	v63 =	vperm.xlane v42, v16;
	v31 =	vsel vm0, v35, v50;
	v35 =	vperm.xlane v35, v16  }
0x35b: {  	v30 =	vld [tilespmem:s24+$0x3C0];
	v55 =	vperm.xlane v28, v16;
	v50 =	vperm.xlane v38, v16  }
0x35c: {  	v24 =	vsel vm0, v46, v24;
	v25 =	vsel vm0, v25, v45;
	v33 =	vsel vm0, v35, v33  }
0x35d: {  	v35 =	vperm.xlane v31, v17;
	v46 =	vsel vm4, v51, v58;
	vm5 =	vnez.u8 v29  }
0x35e: {  	v29 =	vsel vm5, v32, v37;
	vm5 =	vnez.u8 v57;
	v32 =	vsel vm12, v52, v54  }
0x35f: {  	v54 =	vperm.xlane v34, v16;
	v37 =	vsel vm14, v62, v60;
	v60 =	vperm.xlane v25, v17  }
0x360: {  	v47 =	vld [tilespmem:s24+$0xFFFFFD40];
	v52 =	vperm.xlane v46, v16;
	v26 =	vsel vm5, v26, v30;
	v30 =	vperm.xlane v27, v16  }
0x361: {  	v56 =	vld [tilespmem:s24+$0xFFFFFD00];
	v50 =	vsel vm0, v37, v50;
	v37 =	vperm.xlane v37, v16;
	v59 =	vperm.xlane v26, v16  }
0x362: {  	v26 =	vsel vm0, v55, v26;
	v41 =	vsel vm0, v32, v54;
	v39 =	vsel vm1, v50, v60  }
0x363: {  	v61 =	vperm.xlane v26, v17;
	v30 =	vsel vm0, v30, v29;
	v29 =	vperm.xlane v29, v16  }
0x364: {  	v49 =	vld [tilespmem:s24+$0xFFFFFCC0];
	v62 =	vperm.xlane v39, v18;
	v37 =	vsel vm0, v37, v38;
	v28 =	vsel vm0, v28, v59  }
0x365: {  	v55 =	vld [tilespmem:s24+$0xFFFFFC80];
	v48 =	vperm.xlane v30, v17;
	v43 =	vperm.xlane v28, v17;
	v27 =	vsel vm0, v27, v29  }
0x366: {  	v29 =	vperm.xlane v32, v16;
	v32 =	vsel vm10, v56, v47;
	v57 =	vperm.xlane v27, v17  }
0x367: {  	v45 =	vsel vm1, v33, v48;
	v51 =	vsel vm0, v32, v63;
	v32 =	vperm.xlane v32, v16  }
0x368: {  	s25 =	smov.u32 s23;
	v35 =	vsel vm1, v35, v27;
	v40 =	vsel vm1, v41, v43;
	v41 =	vperm.xlane v41, v17  }
0x369: {  	s22 =	sshra.s32 s25, $0x2;
	v29 =	vsel vm0, v29, v34;
	v34 =	vperm.xlane v24, v17;
	v58 =	vperm.xlane v51, v17  }
0x36a: {  	v53 =	vld.idx.msk [tilespmem:v22+s22+$0x0 ss:$0x1], $0xffff;
	v43 =	vsel vm9, v55, v49;
	v55 =	vperm.xlane v37, v17;
	v59 =	vperm.xlane v40, v18  }
0x36b: {  	v36 =	vsel vm1, v29, v61;
	v31 =	vsel vm1, v31, v57;
	v57 =	vld.idx.msk [tilespmem:v23+s22+$0xFFFFFC00 ss:$0x1], $0xffff;
	v54 =	vperm.xlane v43, v16  }
0x36c: {  	v43 =	vsel vm0, v52, v43;
	v32 =	vsel vm0, v32, v42;
	v61 =	vperm.xlane v36, v18  }
0x36d: {  	v41 =	vsel vm1, v41, v28;
	v44 =	vsel vm2, v31, v59;
	v46 =	vsel vm0, v46, v54  }
0x36e: {  	v28 =	vperm.xlane v32, v17;
	v49 =	vperm.xlane v44, v19;
	v59 =	vsel vm1, v46, v58  }
0x36f: {  	v60 =	vsel vm1, v55, v24;
	v48 =	vsel vm2, v45, v61;
	v61 =	vsel vm2, v59, v62  }
0x370: {  	v24 =	vperm.xlane v46, v17;
	v27 =	vsel vm3, v61, v49;
	v38 =	vsel vm8, v53, v57  }
0x371: {  	v63 =	vsel vm1, v43, v28;
	v28 =	vperm.xlane v43, v17;
	v27 =	vadd.f32 v38, v27  }
0x372: {  	v33 =	vperm.xlane v33, v17;
	v38 =	vsel vm1, v24, v51;
	v24 =	vperm.xlane v60, v18  }
0x373: {  	v29 =	vperm.xlane v29, v17;
	v32 =	vsel vm1, v28, v32;
	[tilespmem:v21+s22+$0xFFFFFC00 ss:$0x1] =	vst.idx.msk $0xffff, v27  }
0x374: {  	v31 =	vperm.xlane v31, v18;
	v54 =	vperm.xlane v59, v18;
	v28 =	vsel vm2, v32, v24;
	v24 =	vld.idx.msk [tilespmem:v22+s22+$0x80 ss:$0x1], $0xffff  }
0x375: {  	v26 =	vsel vm1, v29, v26;
	v29 =	vperm.xlane v63, v18;
	v27 =	vsel vm1, v37, v34;
	v55 =	vld.idx.msk [tilespmem:v23+s22+$0xFFFFFC80 ss:$0x1], $0xffff  }
0x376: {  	v34 =	vsel vm2, v54, v39;
	v39 =	vsel vm2, v31, v40;
	v31 =	vperm.xlane v26, v18  }
0x377: {  	v30 =	vsel vm1, v33, v30;
	v56 =	vperm.xlane v27, v18  }
0x378: {  	v27 =	vsel vm2, v29, v27;
	v29 =	vsel vm2, v30, v31;
	v31 =	vperm.xlane v48, v19  }
0x379: {  	v33 =	vsel vm2, v63, v56  }
0x37a: {  	v31 =	vsel vm3, v33, v31;
	v37 =	vsel vm8, v24, v55  }
0x37b: {  	v31 =	vadd.f32 v37, v31  }
0x37c: {  	v62 =	vperm.xlane v41, v18  }
0x37d: {  	v33 =	vperm.xlane v33, v19;
	[tilespmem:v21+s22+$0xFFFFFC80 ss:$0x1] =	vst.idx.msk $0xffff, v31  }
0x37e: {  	v50 =	vperm.xlane v50, v17;
	v53 =	vsel vm2, v35, v62;
	v62 =	vld.idx.msk [tilespmem:v22+s22+$0x100 ss:$0x1], $0xffff  }
0x37f: {  	v31 =	vsel vm3, v33, v48;
	v48 =	vld.idx.msk [tilespmem:v23+s22+$0xFFFFFD00 ss:$0x1], $0xffff  }
0x380: {  	v25 =	vsel vm1, v50, v25  }
0x381: {  	v50 =	vperm.xlane v25, v18;
	v35 =	vperm.xlane v35, v18  }
0x382: {  	v51 =	vperm.xlane v53, v19;
	v32 =	vperm.xlane v32, v18  }
0x383: {  	v57 =	vperm.xlane v38, v18;
	v38 =	vsel vm2, v38, v50;
	v35 =	vsel vm2, v35, v41  }
0x384: {  	v60 =	vsel vm2, v32, v60;
	v32 =	vsel vm3, v38, v51;
	v41 =	vsel vm8, v62, v48  }
0x385: {  	v41 =	vadd.f32 v41, v32  }
0x386: {  	v38 =	vperm.xlane v38, v19  }
0x387: {  	[tilespmem:v21+s22+$0xFFFFFD00 ss:$0x1] =	vst.idx.msk $0xffff, v41  }
0x388: {  	v52 =	vsel vm3, v38, v53;
	v53 =	vld.idx.msk [tilespmem:v22+s22+$0x180 ss:$0x1], $0xffff  }
0x389: {  	v41 =	vld.idx.msk [tilespmem:v23+s22+$0xFFFFFD80 ss:$0x1], $0xffff;
	_ =	sdelay $0x2  }
0x38a: {  	v54 =	vperm.xlane v29, v19;
	_ =	sdelay $0x1  }
0x38b: {  	v42 =	vsel vm3, v28, v54;
	v38 =	vsel vm8, v53, v41  }
0x38c: {  	v38 =	vadd.f32 v38, v42;
	_ =	sdelay $0x1  }
0x38d: {  	[tilespmem:v21+s22+$0xFFFFFD80 ss:$0x1] =	vst.idx.msk $0xffff, v38  }
0x38e: {  	v30 =	vperm.xlane v30, v18;
	v38 =	vld.idx.msk [tilespmem:v22+s22+$0x200 ss:$0x1], $0xffff  }
0x38f: {  	v55 =	vld.idx.msk [tilespmem:v23+s22+$0xFFFFFE00 ss:$0x1], $0xffff  }
0x390: {  	v59 =	vperm.xlane v61, v19;
	v61 =	vsel vm2, v30, v26;
	v26 =	vperm.xlane v34, v19;
	_ =	sdelay $0x1  }
0x391: {  	v30 =	vsel vm3, v26, v39;
	v39 =	vperm.xlane v39, v19;
	_ =	sdelay $0x1  }
0x392: {  	v34 =	vsel vm3, v34, v39;
	v38 =	vsel vm8, v38, v55  }
0x393: {  	v34 =	vadd.f32 v38, v34;
	_ =	sdelay $0x1  }
0x394: {  	[tilespmem:v21+s22+$0xFFFFFE00 ss:$0x1] =	vst.idx.msk $0xffff, v34  }
0x395: {  	v34 =	vld.idx.msk [tilespmem:v22+s22+$0x280 ss:$0x1], $0xffff  }
0x396: {  	v58 =	vperm.xlane v45, v18;
	v56 =	vld.idx.msk [tilespmem:v23+s22+$0xFFFFFE80 ss:$0x1], $0xffff;
	_ =	sdelay $0x1  }
0x397: {  	v24 =	vsel vm2, v58, v36  }
0x398: {  	v40 =	vsel vm2, v57, v25;
	v57 =	vperm.xlane v24, v19;
	_ =	sdelay $0x1  }
0x399: {  	v39 =	vsel vm3, v27, v57;
	v34 =	vsel vm8, v34, v56  }
0x39a: {  	v34 =	vadd.f32 v34, v39;
	_ =	sdelay $0x1  }
0x39b: {  	[tilespmem:v21+s22+$0xFFFFFE80 ss:$0x1] =	vst.idx.msk $0xffff, v34  }
0x39c: {  	v34 =	vld.idx.msk [tilespmem:v22+s22+$0x300 ss:$0x1], $0xffff  }
0x39d: {  	v58 =	vld.idx.msk [tilespmem:v23+s22+$0xFFFFFF00 ss:$0x1], $0xffff  }
0x39e: {  	v26 =	vperm.xlane v40, v19;
	_ =	sdelay $0x1  }
0x39f: {  	v26 =	vsel vm3, v26, v35;
	v35 =	vperm.xlane v35, v19;
	_ =	sdelay $0x1  }
0x3a0: {  	v35 =	vsel vm3, v40, v35;
	v34 =	vsel vm8, v34, v58  }
0x3a1: {  	v34 =	vadd.f32 v34, v35;
	_ =	sdelay $0x1  }
0x3a2: {  	[tilespmem:v21+s22+$0xFFFFFF00 ss:$0x1] =	vst.idx.msk $0xffff, v34  }
0x3a3: {  	v34 =	vld.idx.msk [tilespmem:v22+s22+$0x380 ss:$0x1], $0xffff  }
0x3a4: {  	v36 =	vsel vm3, v59, v44;
	v59 =	vld.idx.msk [tilespmem:v23+s22+$0xFFFFFF80 ss:$0x1], $0xffff;
	_ =	sdelay $0x2  }
0x3a5: {  	v63 =	vperm.xlane v61, v19;
	_ =	sdelay $0x1  }
0x3a6: {  	v33 =	vsel vm3, v60, v63;
	v34 =	vsel vm8, v34, v59  }
0x3a7: {  	v33 =	vadd.f32 v34, v33;
	_ =	sdelay $0x1  }
0x3a8: {  	[tilespmem:v21+s22+$0xFFFFFF80 ss:$0x1] =	vst.idx.msk $0xffff, v33  }
0x3a9: {  	v33 =	vld.idx.msk [tilespmem:v22+s22+$0x400 ss:$0x1], $0xffff  }
0x3aa: {  	v49 =	vperm.xlane v60, v19;
	v60 =	vld.idx.msk [tilespmem:v23+s22+$0x0 ss:$0x1], $0xffff;
	_ =	sdelay $0x4  }
0x3ab: {  	v33 =	vsel vm8, v33, v60  }
0x3ac: {  	v33 =	vadd.f32 v33, v36;
	_ =	sdelay $0x1  }
0x3ad: {  	[tilespmem:v21+s22+$0x0 ss:$0x1] =	vst.idx.msk $0xffff, v33  }
0x3ae: {  	v33 =	vld.idx.msk [tilespmem:v22+s22+$0x480 ss:$0x1], $0xffff  }
0x3af: {  	v25 =	vsel vm3, v49, v61;
	v61 =	vld.idx.msk [tilespmem:v23+s22+$0x80 ss:$0x1], $0xffff;
	_ =	sdelay $0x4  }
0x3b0: {  	v33 =	vsel vm8, v33, v61  }
0x3b1: {  	v31 =	vadd.f32 v33, v31;
	_ =	sdelay $0x1  }
0x3b2: {  	[tilespmem:v21+s22+$0x80 ss:$0x1] =	vst.idx.msk $0xffff, v31  }
0x3b3: {  	v31 =	vld.idx.msk [tilespmem:v22+s22+$0x500 ss:$0x1], $0xffff  }
0x3b4: {  	v62 =	vld.idx.msk [tilespmem:v23+s22+$0x100 ss:$0x1], $0xffff;
	_ =	sdelay $0x4  }
0x3b5: {  	v31 =	vsel vm8, v31, v62  }
0x3b6: {  	v31 =	vadd.f32 v31, v52;
	_ =	sdelay $0x1  }
0x3b7: {  	[tilespmem:v21+s22+$0x100 ss:$0x1] =	vst.idx.msk $0xffff, v31  }
0x3b8: {  	v31 =	vld.idx.msk [tilespmem:v22+s22+$0x580 ss:$0x1], $0xffff  }
0x3b9: {  	v63 =	vld.idx.msk [tilespmem:v23+s22+$0x180 ss:$0x1], $0xffff;
	_ =	sdelay $0x2  }
0x3ba: {  	v28 =	vperm.xlane v28, v19;
	_ =	sdelay $0x1  }
0x3bb: {  	v28 =	vsel vm3, v28, v29;
	v29 =	vsel vm8, v31, v63  }
0x3bc: {  	v28 =	vadd.f32 v29, v28;
	_ =	sdelay $0x1  }
0x3bd: {  	[tilespmem:v21+s22+$0x180 ss:$0x1] =	vst.idx.msk $0xffff, v28  }
0x3be: {  	v28 =	vld.idx.msk [tilespmem:v22+s22+$0x600 ss:$0x1], $0xffff  }
0x3bf: {  	v29 =	vld.idx.msk [tilespmem:v23+s22+$0x200 ss:$0x1], $0xffff;
	_ =	sdelay $0x4  }
0x3c0: {  	p0 =	sne.s32 s23, $0x6000;
	v28 =	vsel vm8, v28, v29  }
.Ltmp12:
0x3c1: {  	v28 =	vadd.f32 v28, v30;
	(pc) =	sbr.rel @p0 .LBB2_18-.Ltmp12, $4  }
0x3c2: {  	_ = 	snop  }
0x3c3: {  	[tilespmem:v21+s22+$0x200 ss:$0x1] =	vst.idx.msk $0xffff, v28  }
0x3c4: {  	v28 =	vld.idx.msk [tilespmem:v22+s22+$0x680 ss:$0x1], $0xffff  }
0x3c5: {  	s23 =	sadd.s32 $0x2000, s23;
	v27 =	vperm.xlane v27, v19;
	v29 =	vld.idx.msk [tilespmem:v23+s22+$0x280 ss:$0x1], $0xffff  }
0x3c6: {  	_ =	sdelay $0x3  }
0x3c7: {  	v24 =	vsel vm3, v27, v24;
	v62 =	vsel vm8, v28, v29  }
0x3c8: {  	v24 =	vadd.f32 v62, v24;
	_ =	sdelay $0x1  }
0x3c9: {  	[tilespmem:v21+s22+$0x280 ss:$0x1] =	vst.idx.msk $0xffff, v24  }
0x3ca: {  	v24 =	vld.idx.msk [tilespmem:v22+s22+$0x700 ss:$0x1], $0xffff  }
0x3cb: {  	v63 =	vld.idx.msk [tilespmem:v23+s22+$0x300 ss:$0x1], $0xffff;
	_ =	sdelay $0x4  }
0x3cc: {  	v24 =	vsel vm8, v24, v63  }
0x3cd: {  	v24 =	vadd.f32 v24, v26;
	_ =	sdelay $0x1  }
0x3ce: {  	[tilespmem:v21+s22+$0x300 ss:$0x1] =	vst.idx.msk $0xffff, v24  }
0x3cf: {  	v22 =	vld.idx.msk [tilespmem:v22+s22+$0x780 ss:$0x1], $0xffff  }
0x3d0: {  	v23 =	vld.idx.msk [tilespmem:v23+s22+$0x380 ss:$0x1], $0xffff;
	_ =	sdelay $0x1  }
0x3d1: {  	s0 =	sadd.s32 $0x1, s0  }
0x3d2: {  	p0 =	sne.s32 s0, $0x8  }
.Ltmp13:
0x3d3: {  	_ = 	snop;
	(pc) =	sbr.rel @p0 .LBB2_17-.Ltmp13, $4  }
0x3d4: {  	v22 =	vsel vm8, v22, v23  }
0x3d5: {  	v22 =	vadd.f32 v22, v25  }
0x3d6: {  	s1 =	sadd.s32 $0x800, s1  }
0x3d7: {  	s17 =	sadd.s32 $0x10, s17;
	s18 =	sadd.s32 $0x10, s18;
	s19 =	sadd.s32 $0x10, s19;
	[tilespmem:v21+s22+$0x380 ss:$0x1] =	vst.idx.msk $0xffff, v22  }
0x3d8: {  	s0 =	sshll.u32 s5, $0x12  }
0x3d9: {  	s0 =	sadd.s32 s11, s0  }
0x3da: {  	s0 =	sshrl.u32 s0, $0x3  }
0x3db: {  	p0 =	sgt.u32 s5, $0xC5;
	s0 =	sadd.s32 s3, s0  }
0x3dc: {  	[hbm4b:s0+s14] =	stream.strided.scatter [tilespmem:s31], [sflag:$0x4], $0x2000, s15, s14, $0x38;
	[tilespmem:$0x1CA80] =	vst v63  }
0x3dd: {  	s0 =	sshll.u32 @!p0 s5, $0x7  }
0x3de: {  	s0 =	sand.u32 @!p0 $0x3FFFFF80, s0  }
0x3df: {  	v20 =	vld @!p0 [tilespmem:s0+$0x100];
	_ =	sdelay $0x4  }
0x3e0: {  	v20 =	vshrl.u32 @!p0 v20, $0x1  }
0x3e1: {  	[tilespmem:$0xCA00] =	vst @!p0 v20  }
0x3e2: {  	v20 =	vld @!p0 [tilespmem:s0+$0x110];
	_ =	sdelay $0x4  }
0x3e3: {  	v20 =	vshrl.u32 @!p0 v20, $0x1  }
0x3e4: {  	[tilespmem:$0xCA10] =	vst @!p0 v20  }
0x3e5: {  	v20 =	vld @!p0 [tilespmem:s0+$0x120];
	_ =	sdelay $0x4  }
0x3e6: {  	v20 =	vshrl.u32 @!p0 v20, $0x1  }
0x3e7: {  	[tilespmem:$0xCA20] =	vst @!p0 v20  }
0x3e8: {  	v20 =	vld @!p0 [tilespmem:s0+$0x130];
	_ =	sdelay $0x4  }
0x3e9: {  	v20 =	vshrl.u32 @!p0 v20, $0x1  }
0x3ea: {  	[tilespmem:$0xCA30] =	vst @!p0 v20  }
0x3eb: {  	v20 =	vld @!p0 [tilespmem:s0+$0x140];
	_ =	sdelay $0x4  }
0x3ec: {  	v20 =	vshrl.u32 @!p0 v20, $0x1  }
0x3ed: {  	[tilespmem:$0xCA40] =	vst @!p0 v20  }
0x3ee: {  	v20 =	vld @!p0 [tilespmem:s0+$0x150];
	_ =	sdelay $0x4  }
0x3ef: {  	v20 =	vshrl.u32 @!p0 v20, $0x1  }
0x3f0: {  	[tilespmem:$0xCA50] =	vst @!p0 v20  }
0x3f1: {  	v20 =	vld @!p0 [tilespmem:s0+$0x160];
	_ =	sdelay $0x4  }
0x3f2: {  	v20 =	vshrl.u32 @!p0 v20, $0x1  }
0x3f3: {  	[tilespmem:$0xCA60] =	vst @!p0 v20  }
0x3f4: {  	v20 =	vld @!p0 [tilespmem:s0+$0x170];
	_ =	sdelay $0x2  }
.Ltmp14:
0x3f5: {  	_ = 	snop;
	(pc) =	sbr.rel .LBB2_21-.Ltmp14, $4  }
0x3f6: {  	_ = 	snop  }
0x3f7: {  	v20 =	vshrl.u32 @!p0 v20, $0x1  }
0x3f8: {  	s1 =	simm.s32 @!p0 $0xCA00;
	s17 =	simm.s32 @!p0 $0x10A80;
	s0 =	simm.s32 @!p0 $0x80;
	[tilespmem:$0xCA70] =	vst @!p0 v20  }
0x3f9: {  	[tilespmem:s17], [sflag:$0x2] =	stream.indirect.gather @!p0 [hbm4b:s7+s0], $0x80, s1, s0, $0xb8;
	[tilespmem:$0x1CA80] =	vst v63  }
.LBB2_23:
0x3fa: {  	_ =	sfence.sel $0x180000  }
0x3fb: {  	[bflag:$0x0] =	sbarrier.arrive $0xFFFF  }
0x3fc: {  	_ =	strace $0x90000047  }
0x3fd: {  	s0 =	stileid.u32;
	[bflag:$0x2] =	sbarrier.arrive $0xFFFF  }
0x3fe: {  	p0 =	sne.s32 s0, $0x0;
	s0 =	rddreg [dreg:$0x6]  }
0x3ff: {  	s0 =	sadd.s32 @!p0 $0x100000, s0  }
0x400: {  	[sflag:s0] =	ssyncadd.tile.s32 @!p0 $0x1;
	_ =	shalt  }
.Lfunc_end2:
_tile_overlayer_lowered:
.L_overlay_start_2:
0x401: {  	(tag) =	ssettag $0x2  }
0x402: {  	s0 =	rddreg [dreg:$0x0];
	s2 =	stileid.u32  }
0x403: {  	s1 =	rddreg [dreg:$0x1];
	p0 =	sne.s32 s2, $0x0  }
0x404: {  	s3 =	rddreg [dreg:$0x2];
	[bflag:$0x3] =	sbarrier.arrive $0xFFFF;
	s2 =	simm.s32 @!p0 $0x1C05  }
0x405: {  	[timem:s3], [sflag:s2] =	dma.local @!p0 [hbm:s0], s1  }
0x406: {  	s0 =	simm.s32 @!p0 $0x5  }
0x407: {  	_ =	swait.ge @!p0 [sflag:s0], s1  }
0x408: {  	s1 =	ssub.s32 @!p0 $0x0, s1;
	[sflag:s0] =	ssyncset.done @!p0 $0x0  }
0x409: {  	[sflag:s0] =	ssyncadd.s32 @!p0 s1  }
0x40a: {  	[bflag:$0x3] =	sbarrier.arrive $0xFFFF  }
0x40b: {  	_ =	shalt  }

</sc_bundles>
